<compile_context>
chip_gen: v7x
topology: tpu7x:2x2x1
jax: 0.10.2.dev20260603
libtpu: 0.0.44.dev20260713+nightly
codegen_flags: <defaults>
</compile_context>

<pallas_src>
import numpy as np
import jax
import jax.numpy as jnp
from jax import lax
from functools import partial
from jax.experimental import pallas as pl
from jax.experimental.pallas import tpu as pltpu
from jax.experimental.pallas import tpu_sc as plsc

HIGHEST = lax.Precision.HIGHEST
F32 = jnp.float32
I32 = jnp.int32

N_POINTS = 128
IMG = 512
NIMG = 24
NPTS = 3072
NPIX = NIMG * IMG * IMG
MAX_STEPS = 10
OOB = np.float32(1e-5)
NOISE_STD = 0.5
NW = 32
PPW = NPTS // NW

_MESH = plsc.VectorSubcoreMesh(core_axis_name="c", subcore_axis_name="s")

DOWN_SIZES = [512, 256, 128, 64, 32, 16, 8, 4, 2]


def _weight_mat(n, out=IMG):
    scale = out / n
    inv_scale = 1.0 / scale
    sample_f = (jnp.arange(out, dtype=F32) + 0.5) * inv_scale - 0.5
    x = jnp.abs(sample_f[np.newaxis, :] - jnp.arange(n, dtype=F32)[:, np.newaxis])
    weights = jnp.maximum(0, 1 - x)
    total = jnp.sum(weights, axis=0, keepdims=True)
    weights = jnp.where(
        jnp.abs(total) > 1000. * float(np.finfo(np.float32).eps),
        jnp.divide(weights, jnp.where(total != 0, total, 1)), 0)
    weights = jnp.where(
        jnp.logical_and(sample_f >= -0.5, sample_f <= n - 0.5)[np.newaxis, :],
        weights, 0)
    return weights


def _selmat(n):
    E = np.zeros((n, n // 2), np.float32)
    E[np.arange(0, n, 2), np.arange(n // 2)] = 1.0
    return jnp.asarray(E)


@partial(pl.kernel, mesh=_MESH,
         out_type=jax.ShapeDtypeStruct((NPTS,), I32),
         scratch_types=[pltpu.VMEM((PPW,), F32),
                        pltpu.VMEM((PPW,), F32),
                        pltpu.VMEM((PPW,), I32),
                        pltpu.VMEM((PPW,), I32),
                        pltpu.VMEM((PPW,), F32)])
def _sc_init_scatter(mo_ref, px_hbm, py_hbm, bc_hbm, ones_hbm, idx_hbm,
                     pxv, pyv, bcv, iv, onesv):
    wid = lax.axis_index("s") * 2 + lax.axis_index("c")
    base = wid * PPW
    pltpu.sync_copy(px_hbm.at[pl.ds(base, PPW)], pxv)
    pltpu.sync_copy(py_hbm.at[pl.ds(base, PPW)], pyv)
    pltpu.sync_copy(bc_hbm.at[pl.ds(base, PPW)], bcv)
    pltpu.sync_copy(ones_hbm.at[pl.ds(base, PPW)], onesv)
    for c in range(PPW // 16):
        sl = pl.ds(c * 16, 16)
        xr = (pxv[sl] + 8388608.0) - 8388608.0
        yr = (pyv[sl] + 8388608.0) - 8388608.0
        xi = jnp.clip(xr.astype(I32), 0, IMG - 1)
        yi = jnp.clip(yr.astype(I32), 0, IMG - 1)
        iv[sl] = yi * IMG + xi + bcv[sl]
    pltpu.sync_copy(onesv, mo_ref.at[iv])
    pltpu.sync_copy(iv, idx_hbm.at[pl.ds(base, PPW)])


@partial(pl.kernel, mesh=_MESH, out_type=(),
         scratch_types=[pltpu.VMEM((PPW,), I32),
                        pltpu.VMEM((PPW,), F32)])
def _sc_scatter(mo_ref, idx_hbm, ones_hbm, iv, onesv):
    wid = lax.axis_index("s") * 2 + lax.axis_index("c")
    base = wid * PPW
    pltpu.sync_copy(idx_hbm.at[pl.ds(base, PPW)], iv)
    pltpu.sync_copy(ones_hbm.at[pl.ds(base, PPW)], onesv)
    pltpu.sync_copy(onesv, mo_ref.at[iv])


@partial(pl.kernel, mesh=_MESH,
         out_type=jax.ShapeDtypeStruct((3 * NPTS,), F32),
         scratch_types=[pltpu.VMEM((PPW,), I32),
                        pltpu.VMEM((PPW,), F32),
                        pltpu.VMEM((PPW,), F32),
                        pltpu.VMEM((PPW,), F32),
                        pltpu.SemaphoreType.DMA])
def _sc_gather(j0_hbm, j1_hbm, mt_hbm, idx_hbm, o_hbm, iv, g0v, g1v, g2v, sem):
    wid = lax.axis_index("s") * 2 + lax.axis_index("c")
    base = wid * PPW
    pltpu.sync_copy(idx_hbm.at[pl.ds(base, PPW)], iv)
    c0 = pltpu.async_copy(j0_hbm.at[iv], g0v, sem)
    c1 = pltpu.async_copy(j1_hbm.at[iv], g1v, sem)
    c2 = pltpu.async_copy(mt_hbm.at[iv], g2v, sem)
    c0.wait()
    c1.wait()
    c2.wait()
    pltpu.sync_copy(g0v, o_hbm.at[pl.ds(base, PPW)])
    pltpu.sync_copy(g1v, o_hbm.at[pl.ds(NPTS + base, PPW)])
    pltpu.sync_copy(g2v, o_hbm.at[pl.ds(2 * NPTS + base, PPW)])


def _level_down(x, n, E):
    il = lax.broadcasted_iota(I32, (n, n), 1)
    isr = lax.broadcasted_iota(I32, (n, n), 0)
    left = jnp.where(il == 0, OOB, pltpu.roll(x, 1, 1))
    right = jnp.where(il == n - 1, OOB, pltpu.roll(x, n - 1, 1))
    s = (left + x) + right
    pc = np.float32(np.float32(OOB + OOB) + OOB)
    up = jnp.where(isr == 0, pc, pltpu.roll(s, 1, 0))
    down = jnp.where(isr == n - 1, pc, pltpu.roll(s, n - 1, 0))
    t = (up + s) + down
    dec = lax.dot_general(E, t, (((0,), (0,)), ((), ())),
                          precision=HIGHEST, preferred_element_type=F32)
    dec = lax.dot_general(dec, E, (((1,), (0,)), ((), ())),
                          precision=HIGHEST, preferred_element_type=F32)
    return dec / 9.0


IPB = 2


def _j_body(mt_ref, mo_ref, *refs):
    e_refs = refs[:9]
    w_refs = refs[9:17]
    j0_ref, j1_ref = refs[17], refs[18]
    il = lax.broadcasted_iota(I32, (IMG, IMG), 1)
    isr = lax.broadcasted_iota(I32, (IMG, IMG), 0)
    for k in range(IPB):
        g = 0.01 * mo_ref[k] - mt_ref[k]
        gsum = g
        cur = g
        for li, n in enumerate(DOWN_SIZES):
            cur = _level_down(cur, n, e_refs[li][...])
            m = n // 2
            if m > 1:
                w = w_refs[li][...]
                t1 = lax.dot_general(cur, w, (((0,), (0,)), ((), ())),
                                     precision=HIGHEST, preferred_element_type=F32)
                u = lax.dot_general(t1, w, (((0,), (0,)), ((), ())),
                                    precision=HIGHEST, preferred_element_type=F32)
                gsum = gsum + u
            else:
                gsum = gsum + cur[0, 0]
        ga = gsum / 10.0
        upe = jnp.where(isr == 0, ga, pltpu.roll(ga, 1, 0))
        dne = jnp.where(isr == IMG - 1, ga, pltpu.roll(ga, IMG - 1, 0))
        j0_ref[k] = (upe - dne) / 2.0
        lfe = jnp.where(il == 0, ga, pltpu.roll(ga, 1, 1))
        rte = jnp.where(il == IMG - 1, ga, pltpu.roll(ga, IMG - 1, 1))
        j1_ref[k] = (lfe - rte) / 2.0


def _run_j(mt24, mo24, e_mats, w_mats):
    def full(shp):
        nd = len(shp)
        return pl.BlockSpec(shp, lambda i, _nd=nd: (0,) * _nd)
    in_specs = [pl.BlockSpec((IPB, IMG, IMG), lambda i: (i, 0, 0)),
                pl.BlockSpec((IPB, IMG, IMG), lambda i: (i, 0, 0))]
    in_specs += [full(tuple(e.shape)) for e in e_mats]
    in_specs += [full(tuple(w.shape)) for w in w_mats]
    return pl.pallas_call(
        _j_body,
        grid=(NIMG // IPB,),
        in_specs=in_specs,
        out_specs=[pl.BlockSpec((IPB, IMG, IMG), lambda i: (i, 0, 0)),
                   pl.BlockSpec((IPB, IMG, IMG), lambda i: (i, 0, 0))],
        out_shape=[jax.ShapeDtypeStruct((NIMG, IMG, IMG), F32),
                   jax.ShapeDtypeStruct((NIMG, IMG, IMG), F32)],
    )(mt24, mo24, *e_mats, *w_mats)


def _step_body(first, g_ref, p_ref, sq_ref, act_ref, nx_ref, ny_ref,
               dec_ref, bc_ref, po_ref, sqo_ref, acto_ref, idxo_ref):
    mtg = g_ref[2]
    plv = (1.0 - mtg) * dec_ref[...]
    mx = jnp.max(plv)
    gate = mx > 0.1
    if first:
        act = jnp.broadcast_to(gate, (NPTS,))
    else:
        act = jnp.logical_and(act_ref[...] > 0.5, gate)
    actf = act.astype(F32)

    gdx = g_ref[1] + NOISE_STD * nx_ref[...]
    gdy = g_ref[0] + NOISE_STD * ny_ref[...]
    px, py = p_ref[0], p_ref[1]
    sqx, sqy = sq_ref[0], sq_ref[1]

    gradx = jnp.negative(gdx) * plv
    grady = jnp.negative(gdy) * plv
    nsqx = 0.99 * sqx + 0.01 * gradx * gradx
    nsqy = 0.99 * sqy + 0.01 * grady * grady
    npx = px - 0.2 * gradx / (jnp.sqrt(nsqx) + 1e-08)
    npy = py - 0.2 * grady / (jnp.sqrt(nsqy) + 1e-08)
    px2 = jnp.where(act, npx, px)
    py2 = jnp.where(act, npy, py)
    po_ref[0] = px2
    po_ref[1] = py2
    sqo_ref[0] = jnp.where(act, nsqx, sqx)
    sqo_ref[1] = jnp.where(act, nsqy, sqy)
    acto_ref[...] = actf

    xi = jnp.clip(jnp.round(px2).astype(I32), 0, IMG - 1)
    yi = jnp.clip(jnp.round(py2).astype(I32), 0, IMG - 1)
    idxo_ref[...] = yi * IMG + xi + bc_ref[...]


def _run_step(first, g3, p, sq, act, nx, ny, decay_t, bc_off):
    return pl.pallas_call(
        partial(_step_body, first),
        out_shape=[jax.ShapeDtypeStruct((2, NPTS), F32),
                   jax.ShapeDtypeStruct((2, NPTS), F32),
                   jax.ShapeDtypeStruct((NPTS,), F32),
                   jax.ShapeDtypeStruct((NPTS,), I32)],
    )(g3, p, sq, act, nx, ny, decay_t, bc_off)


def kernel(points_2d, masks_target):
    mt24 = masks_target.reshape(NIMG, IMG, IMG)
    mtf = masks_target.reshape(NPIX)
    px0 = points_2d[..., 0].reshape(NPTS)
    py0 = points_2d[..., 1].reshape(NPTS)
    bc_off = (jnp.arange(NPTS, dtype=I32) // N_POINTS) * (IMG * IMG)
    ones = jnp.ones((NPTS,), F32)

    decay = jnp.exp(-jnp.arange(N_POINTS, dtype=F32) / N_POINTS * 10.0)
    decay_t = jnp.tile(decay, NIMG)

    noise_key = jax.random.key(1234)
    nxs, nys = [], []
    for i in range(MAX_STEPS):
        n = jax.random.normal(jax.random.fold_in(noise_key, i),
                              (8, 3, N_POINTS, 2), dtype=F32)
        nxs.append(n[..., 0].reshape(NPTS))
        nys.append(n[..., 1].reshape(NPTS))

    e_mats = [_selmat(n) for n in DOWN_SIZES]
    w_mats = [_weight_mat(n // 2) for n in DOWN_SIZES if n // 2 > 1]

    mo_ref = jax.new_ref(jnp.zeros((NPIX,), F32))
    idx = _sc_init_scatter(mo_ref, px0, py0, bc_off, ones)
    masks_out_flat = mo_ref[...]

    j0, j1 = _run_j(mt24, masks_out_flat.reshape(NIMG, IMG, IMG),
                    e_mats, w_mats)
    j0f = j0.reshape(NPIX)
    j1f = j1.reshape(NPIX)

    p = jnp.stack([px0, py0])
    sq = jnp.zeros((2, NPTS), F32)
    act = ones
    for i in range(MAX_STEPS):
        g3 = _sc_gather(j0f, j1f, mtf, idx).reshape(3, NPTS)
        p, sq, act, idx = _run_step(i == 0, g3, p, sq, act,
                                    nxs[i], nys[i], decay_t, bc_off)

    mopt_ref = jax.new_ref(jnp.zeros((NPIX,), F32))
    _sc_scatter(mopt_ref, idx, ones)
    masks_opt_flat = mopt_ref[...]

    masks_out = masks_out_flat.reshape(8, 3, IMG, IMG)
    masks_opt = masks_opt_flat.reshape(8, 3, IMG, IMG)
    p_opt = jnp.stack([p[0], p[1]], axis=-1).reshape(8, 3, N_POINTS, 2)
    return (masks_out, masks_opt, p_opt)

# --- scband reference (transcript-rebuilt; emitter-appended) ---
"""Pipeline reference for scband-points-to-masks-21955872817177 (READ-ONLY COPY).

The authoritative reference and input builder live on the scoring server;
editing this copy changes nothing except your own understanding.
"""

import jax, jax.numpy as jnp
import numpy as np
from jax import lax

N_POINTS = 128
IMAGE_SIZE = (512, 512)
MAX_STEPS = 10
OOB_GRAD_VAL = 1e-05
NOISE_STD = 0.5
DECAY_FACTOR = 10.0
BATCH = 8


def _get_idxs(points_2d):
    bs = points_2d.shape[0]
    pi = jnp.clip(jnp.round(points_2d).astype(jnp.int32), 0, IMAGE_SIZE[0] - 1)
    b_idx = jnp.repeat(jnp.arange(bs, dtype=jnp.int32), 3 * N_POINTS)
    c_idx = jnp.tile(jnp.repeat(jnp.arange(3, dtype=jnp.int32), N_POINTS), bs)
    y_idx = pi[:, :, :, 1].reshape(-1)
    x_idx = pi[:, :, :, 0].reshape(-1)
    return jnp.stack([b_idx, c_idx, y_idx, x_idx])


def _points_to_masks(points_2d):
    bs = points_2d.shape[0]
    idxs = _get_idxs(points_2d)
    masks = jnp.zeros((bs, 3) + IMAGE_SIZE, dtype=jnp.float32)
    masks = masks.at[idxs[0], idxs[1], idxs[2], idxs[3]].set(1.0)
    # blur_sigma == 0 -> no gaussian blur branch
    return masks


def _avg_grad(g):
    p = jnp.pad(g, ((0, 0), (0, 0), (1, 1), (1, 1)), mode='constant', constant_values=OOB_GRAD_VAL)
    s = lax.reduce_window(p, 0.0, lax.add, (1, 1, 3, 3), (1, 1, 2, 2), 'VALID')
    return s / 9.0


def _calculate_gradient_surface(mask_target):
    grad0 = -mask_target
    grads = [grad0]
    g = grad0
    while g.shape[-1] > 1:
        g = _avg_grad(g)
        grads.append(g)
    grad_sum = jnp.zeros_like(grad0)
    for gi in grads:
        grad_sum = grad_sum + jax.image.resize(gi, grad0.shape, method='bilinear')
    grad_avg = grad_sum / float(len(grads))
    # F.pad(grad_avg, (0,0,1,1)) pads dim -2 (H)
    gapx = jnp.pad(grad_avg, ((0, 0), (0, 0), (1, 1), (0, 0)), mode='edge')
    gx = (gapx[:, :, :-2] - gapx[:, :, 2:]) / 2.0
    # F.pad(grad_avg, (1,1,0,0)) pads dim -1 (W)
    gapy = jnp.pad(grad_avg, ((0, 0), (0, 0), (0, 0), (1, 1)), mode='edge')
    gy = (gapy[:, :, :, :-2] - gapy[:, :, :, 2:]) / 2.0
    return jnp.stack([gx, gy])


def _get_directional_gradients(J, idxs, key):
    coord_shape = (J.shape[1], 3, N_POINTS)
    px = J[0][idxs[0], idxs[1], idxs[2], idxs[3]].reshape(coord_shape)
    py = J[1][idxs[0], idxs[1], idxs[2], idxs[3]].reshape(coord_shape)
    g = jnp.stack([py, px], axis=-1)
    if NOISE_STD > 0:
        g = g + NOISE_STD * jax.random.normal(key, g.shape, dtype=g.dtype)
    return g


def _optimise_points(points_2d, masks_target):
    decay = jnp.exp(-jnp.arange(N_POINTS, dtype=jnp.float32) / N_POINTS * DECAY_FACTOR)
    coord_shape = (points_2d.shape[0], 3, N_POINTS)

    def get_pixel_losses(idxs):
        gathered = masks_target[idxs[0], idxs[1], idxs[2], idxs[3]].reshape(coord_shape)
        return (1.0 - gathered) * decay

    masks_out = _points_to_masks(points_2d)
    masks_diff = masks_target - 0.01 * masks_out
    J = _calculate_gradient_surface(masks_diff)
    p0 = lax.stop_gradient(points_2d)  # torch: clone().detach()
    idxs = _get_idxs(p0)
    sq_avg = jnp.zeros_like(p0)  # RMSprop state (lr=0.2, alpha=0.99, eps=1e-8)
    pixel_losses = get_pixel_losses(idxs)
    active = pixel_losses.max() > 0.1
    noise_key = jax.random.key(1234)
    for i in range(MAX_STEPS):
        gdir = _get_directional_gradients(J, idxs, jax.random.fold_in(noise_key, i))
        grad = -gdir * pixel_losses[..., None]
        new_sq = 0.99 * sq_avg + 0.01 * grad * grad
        new_p = p0 - 0.2 * grad / (jnp.sqrt(new_sq) + 1e-08)
        p0 = jnp.where(active, new_p, p0)
        sq_avg = jnp.where(active, new_sq, sq_avg)
        idxs = _get_idxs(p0)
        pixel_losses = get_pixel_losses(idxs)
        active = jnp.logical_and(active, pixel_losses.max() > 0.1)
    return p0


def reference(points_2d, masks_target):
    p_opt = _optimise_points(points_2d, masks_target)
    masks_out = _points_to_masks(points_2d)
    masks_opt = _points_to_masks(p_opt)
    return (masks_out, masks_opt, p_opt)


def setup_inputs(seed: int = 0):
    key = jax.random.key(seed)
    k1, k2 = jax.random.split(key)
    points_2d = jax.random.uniform(k1, (BATCH, 3, N_POINTS, 2), dtype=jnp.float32) * (IMAGE_SIZE[0] - 1)
    masks_target = jax.random.uniform(k2, (BATCH, 3) + IMAGE_SIZE, dtype=jnp.float32)
    return {"points_2d": points_2d, "masks_target": masks_target}

if __name__ == "__main__":
    import jax
    _d = setup_inputs()
    print(jax.jit(kernel)(*tuple(_d.values())))

</pallas_src>

<mosaic_0001>
#map = affine_map<(d0, d1) -> (0)>
module attributes {stable_mosaic.version = 14 : i64} {
  func.func @_sc_gather(%arg0: i32, %arg1: i32, %arg2: memref<6291456xf32, #tpu.memory_space<hbm>>, %arg3: memref<6291456xf32, #tpu.memory_space<hbm>>, %arg4: memref<6291456xf32, #tpu.memory_space<hbm>>, %arg5: memref<3072xi32, #tpu.memory_space<hbm>>, %arg6: memref<9216xf32, #tpu.memory_space<hbm>>, %arg7: memref<96xi32, #tpu.memory_space<vmem>>, %arg8: memref<96xf32, #tpu.memory_space<vmem>>, %arg9: memref<96xf32, #tpu.memory_space<vmem>>, %arg10: memref<96xf32, #tpu.memory_space<vmem>>, %arg11: memref<!tpu.dma_semaphore, #tpu.memory_space<semaphore_mem>>) attributes {dimension_semantics = [#tpu.dimension_semantics<core_parallel>, #tpu.dimension_semantics<subcore_parallel>], iteration_bounds = array<i64: 2, 16>, scalar_prefetch = 0 : i64, scratch_operands = 5 : i64, tpu.core_type = #tpu.core_type<sc_vector_subcore>, window_params = [{transform_indices = #map}, {transform_indices = #map}, {transform_indices = #map}, {transform_indices = #map}, {transform_indices = #map}]} {
    %mul3A = arith.constant 2 : i32
    %mul3A_0 = arith.muli %arg1, %mul3A : i32
    %add3A = arith.addi %mul3A_0, %arg0 : i32
    %mul3A_1 = arith.constant 96 : i32
    %mul3A_2 = arith.muli %add3A, %mul3A_1 : i32
    "tpu.region"() ({
      %run_scoped3A = tpu.sem_alloc : memref<!tpu.dma_semaphore, #tpu.memory_space<semaphore_mem>>
      %dma_start3A_17 = tpu.memref_slice %arg5[%mul3A_2] : memref<3072xi32, #tpu.memory_space<hbm>> -> memref<96xi32, #tpu.memory_space<hbm>>
      %dma_start3A_18 = tpu.memref_slice %arg5[%mul3A_2] : memref<3072xi32, #tpu.memory_space<hbm>> -> memref<96xi32, #tpu.memory_space<hbm>>
      tpu.enqueue_dma source(%dma_start3A_18 : memref<96xi32, #tpu.memory_space<hbm>>) target(%arg7 : memref<96xi32, #tpu.memory_space<vmem>>) target_semaphore(%run_scoped3A : memref<!tpu.dma_semaphore, #tpu.memory_space<semaphore_mem>>)
      %dma_wait3A_19 = tpu.memref_slice %arg5[%mul3A_2] : memref<3072xi32, #tpu.memory_space<hbm>> -> memref<96xi32, #tpu.memory_space<hbm>>
      %dma_wait3A_20 = tpu.memref_slice %arg5[%mul3A_2] : memref<3072xi32, #tpu.memory_space<hbm>> -> memref<96xi32, #tpu.memory_space<hbm>>
      tpu.wait_dma2 semaphore(%run_scoped3A : memref<!tpu.dma_semaphore, #tpu.memory_space<semaphore_mem>>) src(%dma_wait3A_20 : memref<96xi32, #tpu.memory_space<hbm>>) dst(%arg7 : memref<96xi32, #tpu.memory_space<vmem>>)
      tpu.yield
    }) : () -> ()
    %dma_start3A = arith.constant 0 : i32
    %dma_start3A_3 = tpu.memref_slice %arg2[%dma_start3A] : memref<6291456xf32, #tpu.memory_space<hbm>> -> memref<6291456xf32, #tpu.memory_space<hbm>>
    tpu.enqueue_indirect_dma source(%dma_start3A_3 : memref<6291456xf32, #tpu.memory_space<hbm>>) target(%arg8 : memref<96xf32, #tpu.memory_space<vmem>>) offsets(%arg7 : memref<96xi32, #tpu.memory_space<vmem>>) semaphore(%arg11 : memref<!tpu.dma_semaphore, #tpu.memory_space<semaphore_mem>>)
    %dma_start3A_4 = arith.constant 0 : i32
    %dma_start3A_5 = tpu.memref_slice %arg3[%dma_start3A_4] : memref<6291456xf32, #tpu.memory_space<hbm>> -> memref<6291456xf32, #tpu.memory_space<hbm>>
    tpu.enqueue_indirect_dma source(%dma_start3A_5 : memref<6291456xf32, #tpu.memory_space<hbm>>) target(%arg9 : memref<96xf32, #tpu.memory_space<vmem>>) offsets(%arg7 : memref<96xi32, #tpu.memory_space<vmem>>) semaphore(%arg11 : memref<!tpu.dma_semaphore, #tpu.memory_space<semaphore_mem>>)
    %dma_start3A_6 = arith.constant 0 : i32
    %dma_start3A_7 = tpu.memref_slice %arg4[%dma_start3A_6] : memref<6291456xf32, #tpu.memory_space<hbm>> -> memref<6291456xf32, #tpu.memory_space<hbm>>
    tpu.enqueue_indirect_dma source(%dma_start3A_7 : memref<6291456xf32, #tpu.memory_space<hbm>>) target(%arg10 : memref<96xf32, #tpu.memory_space<vmem>>) offsets(%arg7 : memref<96xi32, #tpu.memory_space<vmem>>) semaphore(%arg11 : memref<!tpu.dma_semaphore, #tpu.memory_space<semaphore_mem>>)
    %dma_wait3A = arith.constant 0 : i32
    %dma_wait3A_8 = tpu.memref_slice %arg2[%dma_wait3A] : memref<6291456xf32, #tpu.memory_space<hbm>> -> memref<6291456xf32, #tpu.memory_space<hbm>>
    tpu.wait_indirect_dma semaphore(%arg11 : memref<!tpu.dma_semaphore, #tpu.memory_space<semaphore_mem>>) src(%dma_wait3A_8 : memref<6291456xf32, #tpu.memory_space<hbm>>) dst(%arg8 : memref<96xf32, #tpu.memory_space<vmem>>)
    %dma_wait3A_9 = arith.constant 0 : i32
    %dma_wait3A_10 = tpu.memref_slice %arg3[%dma_wait3A_9] : memref<6291456xf32, #tpu.memory_space<hbm>> -> memref<6291456xf32, #tpu.memory_space<hbm>>
    tpu.wait_indirect_dma semaphore(%arg11 : memref<!tpu.dma_semaphore, #tpu.memory_space<semaphore_mem>>) src(%dma_wait3A_10 : memref<6291456xf32, #tpu.memory_space<hbm>>) dst(%arg9 : memref<96xf32, #tpu.memory_space<vmem>>)
    %dma_wait3A_11 = arith.constant 0 : i32
    %dma_wait3A_12 = tpu.memref_slice %arg4[%dma_wait3A_11] : memref<6291456xf32, #tpu.memory_space<hbm>> -> memref<6291456xf32, #tpu.memory_space<hbm>>
    tpu.wait_indirect_dma semaphore(%arg11 : memref<!tpu.dma_semaphore, #tpu.memory_space<semaphore_mem>>) src(%dma_wait3A_12 : memref<6291456xf32, #tpu.memory_space<hbm>>) dst(%arg10 : memref<96xf32, #tpu.memory_space<vmem>>)
    "tpu.region"() ({
      %run_scoped3A = tpu.sem_alloc : memref<!tpu.dma_semaphore, #tpu.memory_space<semaphore_mem>>
      %dma_start3A_17 = tpu.memref_slice %arg6[%mul3A_2] : memref<9216xf32, #tpu.memory_space<hbm>> -> memref<96xf32, #tpu.memory_space<hbm>>
      %dma_start3A_18 = tpu.memref_slice %arg6[%mul3A_2] : memref<9216xf32, #tpu.memory_space<hbm>> -> memref<96xf32, #tpu.memory_space<hbm>>
      tpu.enqueue_dma source(%arg8 : memref<96xf32, #tpu.memory_space<vmem>>) target(%dma_start3A_18 : memref<96xf32, #tpu.memory_space<hbm>>) target_semaphore(%run_scoped3A : memref<!tpu.dma_semaphore, #tpu.memory_space<semaphore_mem>>)
      %dma_wait3A_19 = tpu.memref_slice %arg6[%mul3A_2] : memref<9216xf32, #tpu.memory_space<hbm>> -> memref<96xf32, #tpu.memory_space<hbm>>
      %dma_wait3A_20 = tpu.memref_slice %arg6[%mul3A_2] : memref<9216xf32, #tpu.memory_space<hbm>> -> memref<96xf32, #tpu.memory_space<hbm>>
      tpu.wait_dma2 semaphore(%run_scoped3A : memref<!tpu.dma_semaphore, #tpu.memory_space<semaphore_mem>>) src(%arg8 : memref<96xf32, #tpu.memory_space<vmem>>) dst(%dma_wait3A_20 : memref<96xf32, #tpu.memory_space<hbm>>)
      tpu.yield
    }) : () -> ()
    %add3A_13 = arith.constant 3072 : i32
    %add3A_14 = arith.addi %add3A_13, %mul3A_2 : i32
    "tpu.region"() ({
      %run_scoped3A = tpu.sem_alloc : memref<!tpu.dma_semaphore, #tpu.memory_space<semaphore_mem>>
      %dma_start3A_17 = tpu.memref_slice %arg6[%add3A_14] : memref<9216xf32, #tpu.memory_space<hbm>> -> memref<96xf32, #tpu.memory_space<hbm>>
      %dma_start3A_18 = tpu.memref_slice %arg6[%add3A_14] : memref<9216xf32, #tpu.memory_space<hbm>> -> memref<96xf32, #tpu.memory_space<hbm>>
      tpu.enqueue_dma source(%arg9 : memref<96xf32, #tpu.memory_space<vmem>>) target(%dma_start3A_18 : memref<96xf32, #tpu.memory_space<hbm>>) target_semaphore(%run_scoped3A : memref<!tpu.dma_semaphore, #tpu.memory_space<semaphore_mem>>)
      %dma_wait3A_19 = tpu.memref_slice %arg6[%add3A_14] : memref<9216xf32, #tpu.memory_space<hbm>> -> memref<96xf32, #tpu.memory_space<hbm>>
      %dma_wait3A_20 = tpu.memref_slice %arg6[%add3A_14] : memref<9216xf32, #tpu.memory_space<hbm>> -> memref<96xf32, #tpu.memory_space<hbm>>
      tpu.wait_dma2 semaphore(%run_scoped3A : memref<!tpu.dma_semaphore, #tpu.memory_space<semaphore_mem>>) src(%arg9 : memref<96xf32, #tpu.memory_space<vmem>>) dst(%dma_wait3A_20 : memref<96xf32, #tpu.memory_space<hbm>>)
      tpu.yield
    }) : () -> ()
    %add3A_15 = arith.constant 6144 : i32
    %add3A_16 = arith.addi %add3A_15, %mul3A_2 : i32
    "tpu.region"() ({
      %run_scoped3A = tpu.sem_alloc : memref<!tpu.dma_semaphore, #tpu.memory_space<semaphore_mem>>
      %dma_start3A_17 = tpu.memref_slice %arg6[%add3A_16] : memref<9216xf32, #tpu.memory_space<hbm>> -> memref<96xf32, #tpu.memory_space<hbm>>
      %dma_start3A_18 = tpu.memref_slice %arg6[%add3A_16] : memref<9216xf32, #tpu.memory_space<hbm>> -> memref<96xf32, #tpu.memory_space<hbm>>
      tpu.enqueue_dma source(%arg10 : memref<96xf32, #tpu.memory_space<vmem>>) target(%dma_start3A_18 : memref<96xf32, #tpu.memory_space<hbm>>) target_semaphore(%run_scoped3A : memref<!tpu.dma_semaphore, #tpu.memory_space<semaphore_mem>>)
      %dma_wait3A_19 = tpu.memref_slice %arg6[%add3A_16] : memref<9216xf32, #tpu.memory_space<hbm>> -> memref<96xf32, #tpu.memory_space<hbm>>
      %dma_wait3A_20 = tpu.memref_slice %arg6[%add3A_16] : memref<9216xf32, #tpu.memory_space<hbm>> -> memref<96xf32, #tpu.memory_space<hbm>>
      tpu.wait_dma2 semaphore(%run_scoped3A : memref<!tpu.dma_semaphore, #tpu.memory_space<semaphore_mem>>) src(%arg10 : memref<96xf32, #tpu.memory_space<vmem>>) dst(%dma_wait3A_20 : memref<96xf32, #tpu.memory_space<hbm>>)
      tpu.yield
    }) : () -> ()
    return
  }
}

#map = affine_map<(d0, d1) -> (0)>
module attributes {stable_mosaic.version = 14 : i64} {
  func.func @new_body(%arg0: i32, %arg1: i32, %arg2: memref<6291456xf32, #tpu.memory_space<hbm>>, %arg3: memref<3072xf32, #tpu.memory_space<hbm>>, %arg4: memref<3072xf32, #tpu.memory_space<hbm>>, %arg5: memref<3072xi32, #tpu.memory_space<hbm>>, %arg6: memref<3072xf32, #tpu.memory_space<hbm>>, %arg7: memref<3072xi32, #tpu.memory_space<hbm>>, %arg8: memref<6291456xf32, #tpu.memory_space<hbm>>, %arg9: memref<96xf32, #tpu.memory_space<vmem>>, %arg10: memref<96xf32, #tpu.memory_space<vmem>>, %arg11: memref<96xi32, #tpu.memory_space<vmem>>, %arg12: memref<96xi32, #tpu.memory_space<vmem>>, %arg13: memref<96xf32, #tpu.memory_space<vmem>>) attributes {dimension_semantics = [#tpu.dimension_semantics<core_parallel>, #tpu.dimension_semantics<subcore_parallel>], iteration_bounds = array<i64: 2, 16>, scalar_prefetch = 0 : i64, scratch_operands = 5 : i64, tpu.core_type = #tpu.core_type<sc_vector_subcore>, window_params = [{transform_indices = #map}, {transform_indices = #map}, {transform_indices = #map}, {transform_indices = #map}, {transform_indices = #map}, {transform_indices = #map}, {transform_indices = #map}]} {
    %mul3A = arith.constant 2 : i32
    %mul3A_0 = arith.muli %arg1, %mul3A : i32
    %add3A = arith.addi %mul3A_0, %arg0 : i32
    %mul3A_1 = arith.constant 96 : i32
    %mul3A_2 = arith.muli %add3A, %mul3A_1 : i32
    "tpu.region"() ({
      %run_scoped3A = tpu.sem_alloc : memref<!tpu.dma_semaphore, #tpu.memory_space<semaphore_mem>>
      %dma_start3A = tpu.memref_slice %arg3[%mul3A_2] : memref<3072xf32, #tpu.memory_space<hbm>> -> memref<96xf32, #tpu.memory_space<hbm>>
      %dma_start3A_260 = tpu.memref_slice %arg3[%mul3A_2] : memref<3072xf32, #tpu.memory_space<hbm>> -> memref<96xf32, #tpu.memory_space<hbm>>
      tpu.enqueue_dma source(%dma_start3A_260 : memref<96xf32, #tpu.memory_space<hbm>>) target(%arg9 : memref<96xf32, #tpu.memory_space<vmem>>) target_semaphore(%run_scoped3A : memref<!tpu.dma_semaphore, #tpu.memory_space<semaphore_mem>>)
      %dma_wait3A = tpu.memref_slice %arg3[%mul3A_2] : memref<3072xf32, #tpu.memory_space<hbm>> -> memref<96xf32, #tpu.memory_space<hbm>>
      %dma_wait3A_261 = tpu.memref_slice %arg3[%mul3A_2] : memref<3072xf32, #tpu.memory_space<hbm>> -> memref<96xf32, #tpu.memory_space<hbm>>
      tpu.wait_dma2 semaphore(%run_scoped3A : memref<!tpu.dma_semaphore, #tpu.memory_space<semaphore_mem>>) src(%dma_wait3A_261 : memref<96xf32, #tpu.memory_space<hbm>>) dst(%arg9 : memref<96xf32, #tpu.memory_space<vmem>>)
      tpu.yield
    }) : () -> ()
    "tpu.region"() ({
      %run_scoped3A = tpu.sem_alloc : memref<!tpu.dma_semaphore, #tpu.memory_space<semaphore_mem>>
      %dma_start3A = tpu.memref_slice %arg4[%mul3A_2] : memref<3072xf32, #tpu.memory_space<hbm>> -> memref<96xf32, #tpu.memory_space<hbm>>
      %dma_start3A_260 = tpu.memref_slice %arg4[%mul3A_2] : memref<3072xf32, #tpu.memory_space<hbm>> -> memref<96xf32, #tpu.memory_space<hbm>>
      tpu.enqueue_dma source(%dma_start3A_260 : memref<96xf32, #tpu.memory_space<hbm>>) target(%arg10 : memref<96xf32, #tpu.memory_space<vmem>>) target_semaphore(%run_scoped3A : memref<!tpu.dma_semaphore, #tpu.memory_space<semaphore_mem>>)
      %dma_wait3A = tpu.memref_slice %arg4[%mul3A_2] : memref<3072xf32, #tpu.memory_space<hbm>> -> memref<96xf32, #tpu.memory_space<hbm>>
      %dma_wait3A_261 = tpu.memref_slice %arg4[%mul3A_2] : memref<3072xf32, #tpu.memory_space<hbm>> -> memref<96xf32, #tpu.memory_space<hbm>>
      tpu.wait_dma2 semaphore(%run_scoped3A : memref<!tpu.dma_semaphore, #tpu.memory_space<semaphore_mem>>) src(%dma_wait3A_261 : memref<96xf32, #tpu.memory_space<hbm>>) dst(%arg10 : memref<96xf32, #tpu.memory_space<vmem>>)
      tpu.yield
    }) : () -> ()
    "tpu.region"() ({
      %run_scoped3A = tpu.sem_alloc : memref<!tpu.dma_semaphore, #tpu.memory_space<semaphore_mem>>
      %dma_start3A = tpu.memref_slice %arg5[%mul3A_2] : memref<3072xi32, #tpu.memory_space<hbm>> -> memref<96xi32, #tpu.memory_space<hbm>>
      %dma_start3A_260 = tpu.memref_slice %arg5[%mul3A_2] : memref<3072xi32, #tpu.memory_space<hbm>> -> memref<96xi32, #tpu.memory_space<hbm>>
      tpu.enqueue_dma source(%dma_start3A_260 : memref<96xi32, #tpu.memory_space<hbm>>) target(%arg11 : memref<96xi32, #tpu.memory_space<vmem>>) target_semaphore(%run_scoped3A : memref<!tpu.dma_semaphore, #tpu.memory_space<semaphore_mem>>)
      %dma_wait3A = tpu.memref_slice %arg5[%mul3A_2] : memref<3072xi32, #tpu.memory_space<hbm>> -> memref<96xi32, #tpu.memory_space<hbm>>
      %dma_wait3A_261 = tpu.memref_slice %arg5[%mul3A_2] : memref<3072xi32, #tpu.memory_space<hbm>> -> memref<96xi32, #tpu.memory_space<hbm>>
      tpu.wait_dma2 semaphore(%run_scoped3A : memref<!tpu.dma_semaphore, #tpu.memory_space<semaphore_mem>>) src(%dma_wait3A_261 : memref<96xi32, #tpu.memory_space<hbm>>) dst(%arg11 : memref<96xi32, #tpu.memory_space<vmem>>)
      tpu.yield
    }) : () -> ()
    "tpu.region"() ({
      %run_scoped3A = tpu.sem_alloc : memref<!tpu.dma_semaphore, #tpu.memory_space<semaphore_mem>>
      %dma_start3A = tpu.memref_slice %arg6[%mul3A_2] : memref<3072xf32, #tpu.memory_space<hbm>> -> memref<96xf32, #tpu.memory_space<hbm>>
      %dma_start3A_260 = tpu.memref_slice %arg6[%mul3A_2] : memref<3072xf32, #tpu.memory_space<hbm>> -> memref<96xf32, #tpu.memory_space<hbm>>
      tpu.enqueue_dma source(%dma_start3A_260 : memref<96xf32, #tpu.memory_space<hbm>>) target(%arg13 : memref<96xf32, #tpu.memory_space<vmem>>) target_semaphore(%run_scoped3A : memref<!tpu.dma_semaphore, #tpu.memory_space<semaphore_mem>>)
      %dma_wait3A = tpu.memref_slice %arg6[%mul3A_2] : memref<3072xf32, #tpu.memory_space<hbm>> -> memref<96xf32, #tpu.memory_space<hbm>>
      %dma_wait3A_261 = tpu.memref_slice %arg6[%mul3A_2] : memref<3072xf32, #tpu.memory_space<hbm>> -> memref<96xf32, #tpu.memory_space<hbm>>
      tpu.wait_dma2 semaphore(%run_scoped3A : memref<!tpu.dma_semaphore, #tpu.memory_space<semaphore_mem>>) src(%dma_wait3A_261 : memref<96xf32, #tpu.memory_space<hbm>>) dst(%arg13 : memref<96xf32, #tpu.memory_space<vmem>>)
      tpu.yield
    }) : () -> ()
    %get3A = arith.constant 0 : index
    %get3A_3 = tpu.vector_load %arg9[%get3A] {strides = array<i32>} : memref<96xf32, #tpu.memory_space<vmem>>, vector<16xf32>,
    %get3A_4 = vector.shape_cast %get3A_3 : vector<16xf32> to vector<16xf32>
    %add3A_5 = arith.constant 0x4B000000 : f32
    %add3A_6 = vector.broadcast %add3A_5 : f32 to vector<16xf32>
    %add3A_7 = arith.addf %get3A_4, %add3A_6 : vector<16xf32>
    %sub3A = arith.constant 0x4B000000 : f32
    %sub3A_8 = vector.broadcast %sub3A : f32 to vector<16xf32>
    %sub3A_9 = arith.subf %add3A_7, %sub3A_8 : vector<16xf32>
    %get3A_10 = arith.constant 0 : index
    %get3A_11 = tpu.vector_load %arg10[%get3A_10] {strides = array<i32>} : memref<96xf32, #tpu.memory_space<vmem>>, vector<16xf32>,
    %get3A_12 = vector.shape_cast %get3A_11 : vector<16xf32> to vector<16xf32>
    %add3A_13 = arith.constant 0x4B000000 : f32
    %add3A_14 = vector.broadcast %add3A_13 : f32 to vector<16xf32>
    %add3A_15 = arith.addf %get3A_12, %add3A_14 : vector<16xf32>
    %sub3A_16 = arith.constant 0x4B000000 : f32
    %sub3A_17 = vector.broadcast %sub3A_16 : f32 to vector<16xf32>
    %sub3A_18 = arith.subf %add3A_15, %sub3A_17 : vector<16xf32>
    %convert_element_type3A = arith.fptosi %sub3A_9 : vector<16xf32> to vector<16xi32>
    %jit3A = arith.constant 0 : i32
    %jit3A_19 = arith.constant 511 : i32
    %max3A = vector.broadcast %jit3A : i32 to vector<16xi32>
    %max3A_20 = arith.maxsi %max3A, %convert_element_type3A : vector<16xi32>
    %min3A = vector.broadcast %jit3A_19 : i32 to vector<16xi32>
    %min3A_21 = arith.minsi %min3A, %max3A_20 : vector<16xi32>
    %convert_element_type3A_22 = arith.fptosi %sub3A_18 : vector<16xf32> to vector<16xi32>
    %jit3A_23 = arith.constant 0 : i32
    %jit3A_24 = arith.constant 511 : i32
    %max3A_25 = vector.broadcast %jit3A_23 : i32 to vector<16xi32>
    %max3A_26 = arith.maxsi %max3A_25, %convert_element_type3A_22 : vector<16xi32>
    %min3A_27 = vector.broadcast %jit3A_24 : i32 to vector<16xi32>
    %min3A_28 = arith.minsi %min3A_27, %max3A_26 : vector<16xi32>
    %mul3A_29 = arith.constant 512 : i32
    %mul3A_30 = vector.broadcast %mul3A_29 : i32 to vector<16xi32>
    %mul3A_31 = arith.muli %min3A_28, %mul3A_30 : vector<16xi32>
    %add3A_32 = arith.addi %mul3A_31, %min3A_21 : vector<16xi32>
    %get3A_33 = arith.constant 0 : index
    %get3A_34 = tpu.vector_load %arg11[%get3A_33] {strides = array<i32>} : memref<96xi32, #tpu.memory_space<vmem>>, vector<16xi32>,
    %get3A_35 = vector.shape_cast %get3A_34 : vector<16xi32> to vector<16xi32>
    %add3A_36 = arith.addi %add3A_32, %get3A_35 : vector<16xi32>
    %swap3A = arith.constant 0 : index
    %swap3A_37 = tpu.vector_load %arg12[%swap3A] {strides = array<i32>} : memref<96xi32, #tpu.memory_space<vmem>>, vector<16xi32>,
    %swap3A_38 = vector.shape_cast %swap3A_37 : vector<16xi32> to vector<16xi32>
    %swap3A_39 = vector.shape_cast %add3A_36 : vector<16xi32> to vector<16xi32>
    tpu.vector_store %arg12[%swap3A], %swap3A_39 {strides = array<i32>} : memref<96xi32, #tpu.memory_space<vmem>>, vector<16xi32>,
    %get3A_40 = arith.constant 16 : index
    %get3A_41 = tpu.vector_load %arg9[%get3A_40] {strides = array<i32>} : memref<96xf32, #tpu.memory_space<vmem>>, vector<16xf32>,
    %get3A_42 = vector.shape_cast %get3A_41 : vector<16xf32> to vector<16xf32>
    %add3A_43 = arith.constant 0x4B000000 : f32
    %add3A_44 = vector.broadcast %add3A_43 : f32 to vector<16xf32>
    %add3A_45 = arith.addf %get3A_42, %add3A_44 : vector<16xf32>
    %sub3A_46 = arith.constant 0x4B000000 : f32
    %sub3A_47 = vector.broadcast %sub3A_46 : f32 to vector<16xf32>
    %sub3A_48 = arith.subf %add3A_45, %sub3A_47 : vector<16xf32>
    %get3A_49 = arith.constant 16 : index
    %get3A_50 = tpu.vector_load %arg10[%get3A_49] {strides = array<i32>} : memref<96xf32, #tpu.memory_space<vmem>>, vector<16xf32>,
    %get3A_51 = vector.shape_cast %get3A_50 : vector<16xf32> to vector<16xf32>
    %add3A_52 = arith.constant 0x4B000000 : f32
    %add3A_53 = vector.broadcast %add3A_52 : f32 to vector<16xf32>
    %add3A_54 = arith.addf %get3A_51, %add3A_53 : vector<16xf32>
    %sub3A_55 = arith.constant 0x4B000000 : f32
    %sub3A_56 = vector.broadcast %sub3A_55 : f32 to vector<16xf32>
    %sub3A_57 = arith.subf %add3A_54, %sub3A_56 : vector<16xf32>
    %convert_element_type3A_58 = arith.fptosi %sub3A_48 : vector<16xf32> to vector<16xi32>
    %jit3A_59 = arith.constant 0 : i32
    %jit3A_60 = arith.constant 511 : i32
    %max3A_61 = vector.broadcast %jit3A_59 : i32 to vector<16xi32>
    %max3A_62 = arith.maxsi %max3A_61, %convert_element_type3A_58 : vector<16xi32>
    %min3A_63 = vector.broadcast %jit3A_60 : i32 to vector<16xi32>
    %min3A_64 = arith.minsi %min3A_63, %max3A_62 : vector<16xi32>
    %convert_element_type3A_65 = arith.fptosi %sub3A_57 : vector<16xf32> to vector<16xi32>
    %jit3A_66 = arith.constant 0 : i32
    %jit3A_67 = arith.constant 511 : i32
    %max3A_68 = vector.broadcast %jit3A_66 : i32 to vector<16xi32>
    %max3A_69 = arith.maxsi %max3A_68, %convert_element_type3A_65 : vector<16xi32>
    %min3A_70 = vector.broadcast %jit3A_67 : i32 to vector<16xi32>
    %min3A_71 = arith.minsi %min3A_70, %max3A_69 : vector<16xi32>
    %mul3A_72 = arith.constant 512 : i32
    %mul3A_73 = vector.broadcast %mul3A_72 : i32 to vector<16xi32>
    %mul3A_74 = arith.muli %min3A_71, %mul3A_73 : vector<16xi32>
    %add3A_75 = arith.addi %mul3A_74, %min3A_64 : vector<16xi32>
    %get3A_76 = arith.constant 16 : index
    %get3A_77 = tpu.vector_load %arg11[%get3A_76] {strides = array<i32>} : memref<96xi32, #tpu.memory_space<vmem>>, vector<16xi32>,
    %get3A_78 = vector.shape_cast %get3A_77 : vector<16xi32> to vector<16xi32>
    %add3A_79 = arith.addi %add3A_75, %get3A_78 : vector<16xi32>
    %swap3A_80 = arith.constant 16 : index
    %swap3A_81 = tpu.vector_load %arg12[%swap3A_80] {strides = array<i32>} : memref<96xi32, #tpu.memory_space<vmem>>, vector<16xi32>,
    %swap3A_82 = vector.shape_cast %swap3A_81 : vector<16xi32> to vector<16xi32>
    %swap3A_83 = vector.shape_cast %add3A_79 : vector<16xi32> to vector<16xi32>
    tpu.vector_store %arg12[%swap3A_80], %swap3A_83 {strides = array<i32>} : memref<96xi32, #tpu.memory_space<vmem>>, vector<16xi32>,
    %get3A_84 = arith.constant 32 : index
    %get3A_85 = tpu.vector_load %arg9[%get3A_84] {strides = array<i32>} : memref<96xf32, #tpu.memory_space<vmem>>, vector<16xf32>,
    %get3A_86 = vector.shape_cast %get3A_85 : vector<16xf32> to vector<16xf32>
    %add3A_87 = arith.constant 0x4B000000 : f32
    %add3A_88 = vector.broadcast %add3A_87 : f32 to vector<16xf32>
    %add3A_89 = arith.addf %get3A_86, %add3A_88 : vector<16xf32>
    %sub3A_90 = arith.constant 0x4B000000 : f32
    %sub3A_91 = vector.broadcast %sub3A_90 : f32 to vector<16xf32>
    %sub3A_92 = arith.subf %add3A_89, %sub3A_91 : vector<16xf32>
    %get3A_93 = arith.constant 32 : index
    %get3A_94 = tpu.vector_load %arg10[%get3A_93] {strides = array<i32>} : memref<96xf32, #tpu.memory_space<vmem>>, vector<16xf32>,
    %get3A_95 = vector.shape_cast %get3A_94 : vector<16xf32> to vector<16xf32>
    %add3A_96 = arith.constant 0x4B000000 : f32
    %add3A_97 = vector.broadcast %add3A_96 : f32 to vector<16xf32>
    %add3A_98 = arith.addf %get3A_95, %add3A_97 : vector<16xf32>
    %sub3A_99 = arith.constant 0x4B000000 : f32
    %sub3A_100 = vector.broadcast %sub3A_99 : f32 to vector<16xf32>
    %sub3A_101 = arith.subf %add3A_98, %sub3A_100 : vector<16xf32>
    %convert_element_type3A_102 = arith.fptosi %sub3A_92 : vector<16xf32> to vector<16xi32>
    %jit3A_103 = arith.constant 0 : i32
    %jit3A_104 = arith.constant 511 : i32
    %max3A_105 = vector.broadcast %jit3A_103 : i32 to vector<16xi32>
    %max3A_106 = arith.maxsi %max3A_105, %convert_element_type3A_102 : vector<16xi32>
    %min3A_107 = vector.broadcast %jit3A_104 : i32 to vector<16xi32>
    %min3A_108 = arith.minsi %min3A_107, %max3A_106 : vector<16xi32>
    %convert_element_type3A_109 = arith.fptosi %sub3A_101 : vector<16xf32> to vector<16xi32>
    %jit3A_110 = arith.constant 0 : i32
    %jit3A_111 = arith.constant 511 : i32
    %max3A_112 = vector.broadcast %jit3A_110 : i32 to vector<16xi32>
    %max3A_113 = arith.maxsi %max3A_112, %convert_element_type3A_109 : vector<16xi32>
    %min3A_114 = vector.broadcast %jit3A_111 : i32 to vector<16xi32>
    %min3A_115 = arith.minsi %min3A_114, %max3A_113 : vector<16xi32>
    %mul3A_116 = arith.constant 512 : i32
    %mul3A_117 = vector.broadcast %mul3A_116 : i32 to vector<16xi32>
    %mul3A_118 = arith.muli %min3A_115, %mul3A_117 : vector<16xi32>
    %add3A_119 = arith.addi %mul3A_118, %min3A_108 : vector<16xi32>
    %get3A_120 = arith.constant 32 : index
    %get3A_121 = tpu.vector_load %arg11[%get3A_120] {strides = array<i32>} : memref<96xi32, #tpu.memory_space<vmem>>, vector<16xi32>,
    %get3A_122 = vector.shape_cast %get3A_121 : vector<16xi32> to vector<16xi32>
    %add3A_123 = arith.addi %add3A_119, %get3A_122 : vector<16xi32>
    %swap3A_124 = arith.constant 32 : index
    %swap3A_125 = tpu.vector_load %arg12[%swap3A_124] {strides = array<i32>} : memref<96xi32, #tpu.memory_space<vmem>>, vector<16xi32>,
    %swap3A_126 = vector.shape_cast %swap3A_125 : vector<16xi32> to vector<16xi32>
    %swap3A_127 = vector.shape_cast %add3A_123 : vector<16xi32> to vector<16xi32>
    tpu.vector_store %arg12[%swap3A_124], %swap3A_127 {strides = array<i32>} : memref<96xi32, #tpu.memory_space<vmem>>, vector<16xi32>,
    %get3A_128 = arith.constant 48 : index
    %get3A_129 = tpu.vector_load %arg9[%get3A_128] {strides = array<i32>} : memref<96xf32, #tpu.memory_space<vmem>>, vector<16xf32>,
    %get3A_130 = vector.shape_cast %get3A_129 : vector<16xf32> to vector<16xf32>
    %add3A_131 = arith.constant 0x4B000000 : f32
    %add3A_132 = vector.broadcast %add3A_131 : f32 to vector<16xf32>
    %add3A_133 = arith.addf %get3A_130, %add3A_132 : vector<16xf32>
    %sub3A_134 = arith.constant 0x4B000000 : f32
    %sub3A_135 = vector.broadcast %sub3A_134 : f32 to vector<16xf32>
    %sub3A_136 = arith.subf %add3A_133, %sub3A_135 : vector<16xf32>
    %get3A_137 = arith.constant 48 : index
    %get3A_138 = tpu.vector_load %arg10[%get3A_137] {strides = array<i32>} : memref<96xf32, #tpu.memory_space<vmem>>, vector<16xf32>,
    %get3A_139 = vector.shape_cast %get3A_138 : vector<16xf32> to vector<16xf32>
    %add3A_140 = arith.constant 0x4B000000 : f32
    %add3A_141 = vector.broadcast %add3A_140 : f32 to vector<16xf32>
    %add3A_142 = arith.addf %get3A_139, %add3A_141 : vector<16xf32>
    %sub3A_143 = arith.constant 0x4B000000 : f32
    %sub3A_144 = vector.broadcast %sub3A_143 : f32 to vector<16xf32>
    %sub3A_145 = arith.subf %add3A_142, %sub3A_144 : vector<16xf32>
    %convert_element_type3A_146 = arith.fptosi %sub3A_136 : vector<16xf32> to vector<16xi32>
    %jit3A_147 = arith.constant 0 : i32
    %jit3A_148 = arith.constant 511 : i32
    %max3A_149 = vector.broadcast %jit3A_147 : i32 to vector<16xi32>
    %max3A_150 = arith.maxsi %max3A_149, %convert_element_type3A_146 : vector<16xi32>
    %min3A_151 = vector.broadcast %jit3A_148 : i32 to vector<16xi32>
    %min3A_152 = arith.minsi %min3A_151, %max3A_150 : vector<16xi32>
    %convert_element_type3A_153 = arith.fptosi %sub3A_145 : vector<16xf32> to vector<16xi32>
    %jit3A_154 = arith.constant 0 : i32
    %jit3A_155 = arith.constant 511 : i32
    %max3A_156 = vector.broadcast %jit3A_154 : i32 to vector<16xi32>
    %max3A_157 = arith.maxsi %max3A_156, %convert_element_type3A_153 : vector<16xi32>
    %min3A_158 = vector.broadcast %jit3A_155 : i32 to vector<16xi32>
    %min3A_159 = arith.minsi %min3A_158, %max3A_157 : vector<16xi32>
    %mul3A_160 = arith.constant 512 : i32
    %mul3A_161 = vector.broadcast %mul3A_160 : i32 to vector<16xi32>
    %mul3A_162 = arith.muli %min3A_159, %mul3A_161 : vector<16xi32>
    %add3A_163 = arith.addi %mul3A_162, %min3A_152 : vector<16xi32>
    %get3A_164 = arith.constant 48 : index
    %get3A_165 = tpu.vector_load %arg11[%get3A_164] {strides = array<i32>} : memref<96xi32, #tpu.memory_space<vmem>>, vector<16xi32>,
    %get3A_166 = vector.shape_cast %get3A_165 : vector<16xi32> to vector<16xi32>
    %add3A_167 = arith.addi %add3A_163, %get3A_166 : vector<16xi32>
    %swap3A_168 = arith.constant 48 : index
    %swap3A_169 = tpu.vector_load %arg12[%swap3A_168] {strides = array<i32>} : memref<96xi32, #tpu.memory_space<vmem>>, vector<16xi32>,
    %swap3A_170 = vector.shape_cast %swap3A_169 : vector<16xi32> to vector<16xi32>
    %swap3A_171 = vector.shape_cast %add3A_167 : vector<16xi32> to vector<16xi32>
    tpu.vector_store %arg12[%swap3A_168], %swap3A_171 {strides = array<i32>} : memref<96xi32, #tpu.memory_space<vmem>>, vector<16xi32>,
    %get3A_172 = arith.constant 64 : index
    %get3A_173 = tpu.vector_load %arg9[%get3A_172] {strides = array<i32>} : memref<96xf32, #tpu.memory_space<vmem>>, vector<16xf32>,
    %get3A_174 = vector.shape_cast %get3A_173 : vector<16xf32> to vector<16xf32>
    %add3A_175 = arith.constant 0x4B000000 : f32
    %add3A_176 = vector.broadcast %add3A_175 : f32 to vector<16xf32>
    %add3A_177 = arith.addf %get3A_174, %add3A_176 : vector<16xf32>
    %sub3A_178 = arith.constant 0x4B000000 : f32
    %sub3A_179 = vector.broadcast %sub3A_178 : f32 to vector<16xf32>
    %sub3A_180 = arith.subf %add3A_177, %sub3A_179 : vector<16xf32>
    %get3A_181 = arith.constant 64 : index
    %get3A_182 = tpu.vector_load %arg10[%get3A_181] {strides = array<i32>} : memref<96xf32, #tpu.memory_space<vmem>>, vector<16xf32>,
    %get3A_183 = vector.shape_cast %get3A_182 : vector<16xf32> to vector<16xf32>
    %add3A_184 = arith.constant 0x4B000000 : f32
    %add3A_185 = vector.broadcast %add3A_184 : f32 to vector<16xf32>
    %add3A_186 = arith.addf %get3A_183, %add3A_185 : vector<16xf32>
    %sub3A_187 = arith.constant 0x4B000000 : f32
    %sub3A_188 = vector.broadcast %sub3A_187 : f32 to vector<16xf32>
    %sub3A_189 = arith.subf %add3A_186, %sub3A_188 : vector<16xf32>
    %convert_element_type3A_190 = arith.fptosi %sub3A_180 : vector<16xf32> to vector<16xi32>
    %jit3A_191 = arith.constant 0 : i32
    %jit3A_192 = arith.constant 511 : i32
    %max3A_193 = vector.broadcast %jit3A_191 : i32 to vector<16xi32>
    %max3A_194 = arith.maxsi %max3A_193, %convert_element_type3A_190 : vector<16xi32>
    %min3A_195 = vector.broadcast %jit3A_192 : i32 to vector<16xi32>
    %min3A_196 = arith.minsi %min3A_195, %max3A_194 : vector<16xi32>
    %convert_element_type3A_197 = arith.fptosi %sub3A_189 : vector<16xf32> to vector<16xi32>
    %jit3A_198 = arith.constant 0 : i32
    %jit3A_199 = arith.constant 511 : i32
    %max3A_200 = vector.broadcast %jit3A_198 : i32 to vector<16xi32>
    %max3A_201 = arith.maxsi %max3A_200, %convert_element_type3A_197 : vector<16xi32>
    %min3A_202 = vector.broadcast %jit3A_199 : i32 to vector<16xi32>
    %min3A_203 = arith.minsi %min3A_202, %max3A_201 : vector<16xi32>
    %mul3A_204 = arith.constant 512 : i32
    %mul3A_205 = vector.broadcast %mul3A_204 : i32 to vector<16xi32>
    %mul3A_206 = arith.muli %min3A_203, %mul3A_205 : vector<16xi32>
    %add3A_207 = arith.addi %mul3A_206, %min3A_196 : vector<16xi32>
    %get3A_208 = arith.constant 64 : index
    %get3A_209 = tpu.vector_load %arg11[%get3A_208] {strides = array<i32>} : memref<96xi32, #tpu.memory_space<vmem>>, vector<16xi32>,
    %get3A_210 = vector.shape_cast %get3A_209 : vector<16xi32> to vector<16xi32>
    %add3A_211 = arith.addi %add3A_207, %get3A_210 : vector<16xi32>
    %swap3A_212 = arith.constant 64 : index
    %swap3A_213 = tpu.vector_load %arg12[%swap3A_212] {strides = array<i32>} : memref<96xi32, #tpu.memory_space<vmem>>, vector<16xi32>,
    %swap3A_214 = vector.shape_cast %swap3A_213 : vector<16xi32> to vector<16xi32>
    %swap3A_215 = vector.shape_cast %add3A_211 : vector<16xi32> to vector<16xi32>
    tpu.vector_store %arg12[%swap3A_212], %swap3A_215 {strides = array<i32>} : memref<96xi32, #tpu.memory_space<vmem>>, vector<16xi32>,
    %get3A_216 = arith.constant 80 : index
    %get3A_217 = tpu.vector_load %arg9[%get3A_216] {strides = array<i32>} : memref<96xf32, #tpu.memory_space<vmem>>, vector<16xf32>,
    %get3A_218 = vector.shape_cast %get3A_217 : vector<16xf32> to vector<16xf32>
    %add3A_219 = arith.constant 0x4B000000 : f32
    %add3A_220 = vector.broadcast %add3A_219 : f32 to vector<16xf32>
    %add3A_221 = arith.addf %get3A_218, %add3A_220 : vector<16xf32>
    %sub3A_222 = arith.constant 0x4B000000 : f32
    %sub3A_223 = vector.broadcast %sub3A_222 : f32 to vector<16xf32>
    %sub3A_224 = arith.subf %add3A_221, %sub3A_223 : vector<16xf32>
    %get3A_225 = arith.constant 80 : index
    %get3A_226 = tpu.vector_load %arg10[%get3A_225] {strides = array<i32>} : memref<96xf32, #tpu.memory_space<vmem>>, vector<16xf32>,
    %get3A_227 = vector.shape_cast %get3A_226 : vector<16xf32> to vector<16xf32>
    %add3A_228 = arith.constant 0x4B000000 : f32
    %add3A_229 = vector.broadcast %add3A_228 : f32 to vector<16xf32>
    %add3A_230 = arith.addf %get3A_227, %add3A_229 : vector<16xf32>
    %sub3A_231 = arith.constant 0x4B000000 : f32
    %sub3A_232 = vector.broadcast %sub3A_231 : f32 to vector<16xf32>
    %sub3A_233 = arith.subf %add3A_230, %sub3A_232 : vector<16xf32>
    %convert_element_type3A_234 = arith.fptosi %sub3A_224 : vector<16xf32> to vector<16xi32>
    %jit3A_235 = arith.constant 0 : i32
    %jit3A_236 = arith.constant 511 : i32
    %max3A_237 = vector.broadcast %jit3A_235 : i32 to vector<16xi32>
    %max3A_238 = arith.maxsi %max3A_237, %convert_element_type3A_234 : vector<16xi32>
    %min3A_239 = vector.broadcast %jit3A_236 : i32 to vector<16xi32>
    %min3A_240 = arith.minsi %min3A_239, %max3A_238 : vector<16xi32>
    %convert_element_type3A_241 = arith.fptosi %sub3A_233 : vector<16xf32> to vector<16xi32>
    %jit3A_242 = arith.constant 0 : i32
    %jit3A_243 = arith.constant 511 : i32
    %max3A_244 = vector.broadcast %jit3A_242 : i32 to vector<16xi32>
    %max3A_245 = arith.maxsi %max3A_244, %convert_element_type3A_241 : vector<16xi32>
    %min3A_246 = vector.broadcast %jit3A_243 : i32 to vector<16xi32>
    %min3A_247 = arith.minsi %min3A_246, %max3A_245 : vector<16xi32>
    %mul3A_248 = arith.constant 512 : i32
    %mul3A_249 = vector.broadcast %mul3A_248 : i32 to vector<16xi32>
    %mul3A_250 = arith.muli %min3A_247, %mul3A_249 : vector<16xi32>
    %add3A_251 = arith.addi %mul3A_250, %min3A_240 : vector<16xi32>
    %get3A_252 = arith.constant 80 : index
    %get3A_253 = tpu.vector_load %arg11[%get3A_252] {strides = array<i32>} : memref<96xi32, #tpu.memory_space<vmem>>, vector<16xi32>,
    %get3A_254 = vector.shape_cast %get3A_253 : vector<16xi32> to vector<16xi32>
    %add3A_255 = arith.addi %add3A_251, %get3A_254 : vector<16xi32>
    %swap3A_256 = arith.constant 80 : index
    %swap3A_257 = tpu.vector_load %arg12[%swap3A_256] {strides = array<i32>} : memref<96xi32, #tpu.memory_space<vmem>>, vector<16xi32>,
    %swap3A_258 = vector.shape_cast %swap3A_257 : vector<16xi32> to vector<16xi32>
    %swap3A_259 = vector.shape_cast %add3A_255 : vector<16xi32> to vector<16xi32>
    tpu.vector_store %arg12[%swap3A_256], %swap3A_259 {strides = array<i32>} : memref<96xi32, #tpu.memory_space<vmem>>, vector<16xi32>,
    "tpu.region"() ({
      %run_scoped3A = tpu.sem_alloc : memref<!tpu.dma_semaphore, #tpu.memory_space<semaphore_mem>>
      %dma_start3A = arith.constant 0 : i32
      %dma_start3A_260 = tpu.memref_slice %arg2[%dma_start3A] : memref<6291456xf32, #tpu.memory_space<hbm>> -> memref<6291456xf32, #tpu.memory_space<hbm>>
      tpu.enqueue_indirect_dma source(%arg13 : memref<96xf32, #tpu.memory_space<vmem>>) target(%dma_start3A_260 : memref<6291456xf32, #tpu.memory_space<hbm>>) offsets(%arg12 : memref<96xi32, #tpu.memory_space<vmem>>) semaphore(%run_scoped3A : memref<!tpu.dma_semaphore, #tpu.memory_space<semaphore_mem>>)
      %dma_wait3A = arith.constant 0 : i32
      %dma_wait3A_261 = tpu.memref_slice %arg2[%dma_wait3A] : memref<6291456xf32, #tpu.memory_space<hbm>> -> memref<6291456xf32, #tpu.memory_space<hbm>>
      tpu.wait_indirect_dma semaphore(%run_scoped3A : memref<!tpu.dma_semaphore, #tpu.memory_space<semaphore_mem>>) src(%arg13 : memref<96xf32, #tpu.memory_space<vmem>>) dst(%dma_wait3A_261 : memref<6291456xf32, #tpu.memory_space<hbm>>)
      tpu.yield
    }) : () -> ()
    "tpu.region"() ({
      %run_scoped3A = tpu.sem_alloc : memref<!tpu.dma_semaphore, #tpu.memory_space<semaphore_mem>>
      %dma_start3A = tpu.memref_slice %arg7[%mul3A_2] : memref<3072xi32, #tpu.memory_space<hbm>> -> memref<96xi32, #tpu.memory_space<hbm>>
      %dma_start3A_260 = tpu.memref_slice %arg7[%mul3A_2] : memref<3072xi32, #tpu.memory_space<hbm>> -> memref<96xi32, #tpu.memory_space<hbm>>
      tpu.enqueue_dma source(%arg12 : memref<96xi32, #tpu.memory_space<vmem>>) target(%dma_start3A_260 : memref<96xi32, #tpu.memory_space<hbm>>) target_semaphore(%run_scoped3A : memref<!tpu.dma_semaphore, #tpu.memory_space<semaphore_mem>>)
      %dma_wait3A = tpu.memref_slice %arg7[%mul3A_2] : memref<3072xi32, #tpu.memory_space<hbm>> -> memref<96xi32, #tpu.memory_space<hbm>>
      %dma_wait3A_261 = tpu.memref_slice %arg7[%mul3A_2] : memref<3072xi32, #tpu.memory_space<hbm>> -> memref<96xi32, #tpu.memory_space<hbm>>
      tpu.wait_dma2 semaphore(%run_scoped3A : memref<!tpu.dma_semaphore, #tpu.memory_space<semaphore_mem>>) src(%arg12 : memref<96xi32, #tpu.memory_space<vmem>>) dst(%dma_wait3A_261 : memref<96xi32, #tpu.memory_space<hbm>>)
      tpu.yield
    }) : () -> ()
    return
  }
}

#map = affine_map<(d0, d1) -> (0)>
module attributes {stable_mosaic.version = 14 : i64} {
  func.func @_sc_gather(%arg0: i32, %arg1: i32, %arg2: memref<6291456xf32, #tpu.memory_space<hbm>>, %arg3: memref<6291456xf32, #tpu.memory_space<hbm>>, %arg4: memref<6291456xf32, #tpu.memory_space<hbm>>, %arg5: memref<3072xi32, #tpu.memory_space<hbm>>, %arg6: memref<9216xf32, #tpu.memory_space<hbm>>, %arg7: memref<96xi32, #tpu.memory_space<vmem>>, %arg8: memref<96xf32, #tpu.memory_space<vmem>>, %arg9: memref<96xf32, #tpu.memory_space<vmem>>, %arg10: memref<96xf32, #tpu.memory_space<vmem>>, %arg11: memref<!tpu.dma_semaphore, #tpu.memory_space<semaphore_mem>>) attributes {dimension_semantics = [#tpu.dimension_semantics<core_parallel>, #tpu.dimension_semantics<subcore_parallel>], iteration_bounds = array<i64: 2, 16>, scalar_prefetch = 0 : i64, scratch_operands = 5 : i64, tpu.core_type = #tpu.core_type<sc_vector_subcore>, window_params = [{transform_indices = #map}, {transform_indices = #map}, {transform_indices = #map}, {transform_indices = #map}, {transform_indices = #map}]} {
    %mul3A = arith.constant 2 : i32
    %mul3A_0 = arith.muli %arg1, %mul3A : i32
    %add3A = arith.addi %mul3A_0, %arg0 : i32
    %mul3A_1 = arith.constant 96 : i32
    %mul3A_2 = arith.muli %add3A, %mul3A_1 : i32
    "tpu.region"() ({
      %run_scoped3A = tpu.sem_alloc : memref<!tpu.dma_semaphore, #tpu.memory_space<semaphore_mem>>
      %dma_start3A_17 = tpu.memref_slice %arg5[%mul3A_2] : memref<3072xi32, #tpu.memory_space<hbm>> -> memref<96xi32, #tpu.memory_space<hbm>>
      %dma_start3A_18 = tpu.memref_slice %arg5[%mul3A_2] : memref<3072xi32, #tpu.memory_space<hbm>> -> memref<96xi32, #tpu.memory_space<hbm>>
      tpu.enqueue_dma source(%dma_start3A_18 : memref<96xi32, #tpu.memory_space<hbm>>) target(%arg7 : memref<96xi32, #tpu.memory_space<vmem>>) target_semaphore(%run_scoped3A : memref<!tpu.dma_semaphore, #tpu.memory_space<semaphore_mem>>)
      %dma_wait3A_19 = tpu.memref_slice %arg5[%mul3A_2] : memref<3072xi32, #tpu.memory_space<hbm>> -> memref<96xi32, #tpu.memory_space<hbm>>
      %dma_wait3A_20 = tpu.memref_slice %arg5[%mul3A_2] : memref<3072xi32, #tpu.memory_space<hbm>> -> memref<96xi32, #tpu.memory_space<hbm>>
      tpu.wait_dma2 semaphore(%run_scoped3A : memref<!tpu.dma_semaphore, #tpu.memory_space<semaphore_mem>>) src(%dma_wait3A_20 : memref<96xi32, #tpu.memory_space<hbm>>) dst(%arg7 : memref<96xi32, #tpu.memory_space<vmem>>)
      tpu.yield
    }) : () -> ()
    %dma_start3A = arith.constant 0 : i32
    %dma_start3A_3 = tpu.memref_slice %arg2[%dma_start3A] : memref<6291456xf32, #tpu.memory_space<hbm>> -> memref<6291456xf32, #tpu.memory_space<hbm>>
    tpu.enqueue_indirect_dma source(%dma_start3A_3 : memref<6291456xf32, #tpu.memory_space<hbm>>) target(%arg8 : memref<96xf32, #tpu.memory_space<vmem>>) offsets(%arg7 : memref<96xi32, #tpu.memory_space<vmem>>) semaphore(%arg11 : memref<!tpu.dma_semaphore, #tpu.memory_space<semaphore_mem>>)
    %dma_start3A_4 = arith.constant 0 : i32
    %dma_start3A_5 = tpu.memref_slice %arg3[%dma_start3A_4] : memref<6291456xf32, #tpu.memory_space<hbm>> -> memref<6291456xf32, #tpu.memory_space<hbm>>
    tpu.enqueue_indirect_dma source(%dma_start3A_5 : memref<6291456xf32, #tpu.memory_space<hbm>>) target(%arg9 : memref<96xf32, #tpu.memory_space<vmem>>) offsets(%arg7 : memref<96xi32, #tpu.memory_space<vmem>>) semaphore(%arg11 : memref<!tpu.dma_semaphore, #tpu.memory_space<semaphore_mem>>)
    %dma_start3A_6 = arith.constant 0 : i32
    %dma_start3A_7 = tpu.memref_slice %arg4[%dma_start3A_6] : memref<6291456xf32, #tpu.memory_space<hbm>> -> memref<6291456xf32, #tpu.memory_space<hbm>>
    tpu.enqueue_indirect_dma source(%dma_start3A_7 : memref<6291456xf32, #tpu.memory_space<hbm>>) target(%arg10 : memref<96xf32, #tpu.memory_space<vmem>>) offsets(%arg7 : memref<96xi32, #tpu.memory_space<vmem>>) semaphore(%arg11 : memref<!tpu.dma_semaphore, #tpu.memory_space<semaphore_mem>>)
    %dma_wait3A = arith.constant 0 : i32
    %dma_wait3A_8 = tpu.memref_slice %arg2[%dma_wait3A] : memref<6291456xf32, #tpu.memory_space<hbm>> -> memref<6291456xf32, #tpu.memory_space<hbm>>
    tpu.wait_indirect_dma semaphore(%arg11 : memref<!tpu.dma_semaphore, #tpu.memory_space<semaphore_mem>>) src(%dma_wait3A_8 : memref<6291456xf32, #tpu.memory_space<hbm>>) dst(%arg8 : memref<96xf32, #tpu.memory_space<vmem>>)
    %dma_wait3A_9 = arith.constant 0 : i32
    %dma_wait3A_10 = tpu.memref_slice %arg3[%dma_wait3A_9] : memref<6291456xf32, #tpu.memory_space<hbm>> -> memref<6291456xf32, #tpu.memory_space<hbm>>
    tpu.wait_indirect_dma semaphore(%arg11 : memref<!tpu.dma_semaphore, #tpu.memory_space<semaphore_mem>>) src(%dma_wait3A_10 : memref<6291456xf32, #tpu.memory_space<hbm>>) dst(%arg9 : memref<96xf32, #tpu.memory_space<vmem>>)
    %dma_wait3A_11 = arith.constant 0 : i32
    %dma_wait3A_12 = tpu.memref_slice %arg4[%dma_wait3A_11] : memref<6291456xf32, #tpu.memory_space<hbm>> -> memref<6291456xf32, #tpu.memory_space<hbm>>
    tpu.wait_indirect_dma semaphore(%arg11 : memref<!tpu.dma_semaphore, #tpu.memory_space<semaphore_mem>>) src(%dma_wait3A_12 : memref<6291456xf32, #tpu.memory_space<hbm>>) dst(%arg10 : memref<96xf32, #tpu.memory_space<vmem>>)
    "tpu.region"() ({
      %run_scoped3A = tpu.sem_alloc : memref<!tpu.dma_semaphore, #tpu.memory_space<semaphore_mem>>
      %dma_start3A_17 = tpu.memref_slice %arg6[%mul3A_2] : memref<9216xf32, #tpu.memory_space<hbm>> -> memref<96xf32, #tpu.memory_space<hbm>>
      %dma_start3A_18 = tpu.memref_slice %arg6[%mul3A_2] : memref<9216xf32, #tpu.memory_space<hbm>> -> memref<96xf32, #tpu.memory_space<hbm>>
      tpu.enqueue_dma source(%arg8 : memref<96xf32, #tpu.memory_space<vmem>>) target(%dma_start3A_18 : memref<96xf32, #tpu.memory_space<hbm>>) target_semaphore(%run_scoped3A : memref<!tpu.dma_semaphore, #tpu.memory_space<semaphore_mem>>)
      %dma_wait3A_19 = tpu.memref_slice %arg6[%mul3A_2] : memref<9216xf32, #tpu.memory_space<hbm>> -> memref<96xf32, #tpu.memory_space<hbm>>
      %dma_wait3A_20 = tpu.memref_slice %arg6[%mul3A_2] : memref<9216xf32, #tpu.memory_space<hbm>> -> memref<96xf32, #tpu.memory_space<hbm>>
      tpu.wait_dma2 semaphore(%run_scoped3A : memref<!tpu.dma_semaphore, #tpu.memory_space<semaphore_mem>>) src(%arg8 : memref<96xf32, #tpu.memory_space<vmem>>) dst(%dma_wait3A_20 : memref<96xf32, #tpu.memory_space<hbm>>)
      tpu.yield
    }) : () -> ()
    %add3A_13 = arith.constant 3072 : i32
    %add3A_14 = arith.addi %add3A_13, %mul3A_2 : i32
    "tpu.region"() ({
      %run_scoped3A = tpu.sem_alloc : memref<!tpu.dma_semaphore, #tpu.memory_space<semaphore_mem>>
      %dma_start3A_17 = tpu.memref_slice %arg6[%add3A_14] : memref<9216xf32, #tpu.memory_space<hbm>> -> memref<96xf32, #tpu.memory_space<hbm>>
      %dma_start3A_18 = tpu.memref_slice %arg6[%add3A_14] : memref<9216xf32, #tpu.memory_space<hbm>> -> memref<96xf32, #tpu.memory_space<hbm>>
      tpu.enqueue_dma source(%arg9 : memref<96xf32, #tpu.memory_space<vmem>>) target(%dma_start3A_18 : memref<96xf32, #tpu.memory_space<hbm>>) target_semaphore(%run_scoped3A : memref<!tpu.dma_semaphore, #tpu.memory_space<semaphore_mem>>)
      %dma_wait3A_19 = tpu.memref_slice %arg6[%add3A_14] : memref<9216xf32, #tpu.memory_space<hbm>> -> memref<96xf32, #tpu.memory_space<hbm>>
      %dma_wait3A_20 = tpu.memref_slice %arg6[%add3A_14] : memref<9216xf32, #tpu.memory_space<hbm>> -> memref<96xf32, #tpu.memory_space<hbm>>
      tpu.wait_dma2 semaphore(%run_scoped3A : memref<!tpu.dma_semaphore, #tpu.memory_space<semaphore_mem>>) src(%arg9 : memref<96xf32, #tpu.memory_space<vmem>>) dst(%dma_wait3A_20 : memref<96xf32, #tpu.memory_space<hbm>>)
      tpu.yield
    }) : () -> ()
    %add3A_15 = arith.constant 6144 : i32
    %add3A_16 = arith.addi %add3A_15, %mul3A_2 : i32
    "tpu.region"() ({
      %run_scoped3A = tpu.sem_alloc : memref<!tpu.dma_semaphore, #tpu.memory_space<semaphore_mem>>
      %dma_start3A_17 = tpu.memref_slice %arg6[%add3A_16] : memref<9216xf32, #tpu.memory_space<hbm>> -> memref<96xf32, #tpu.memory_space<hbm>>
      %dma_start3A_18 = tpu.memref_slice %arg6[%add3A_16] : memref<9216xf32, #tpu.memory_space<hbm>> -> memref<96xf32, #tpu.memory_space<hbm>>
      tpu.enqueue_dma source(%arg10 : memref<96xf32, #tpu.memory_space<vmem>>) target(%dma_start3A_18 : memref<96xf32, #tpu.memory_space<hbm>>) target_semaphore(%run_scoped3A : memref<!tpu.dma_semaphore, #tpu.memory_space<semaphore_mem>>)
      %dma_wait3A_19 = tpu.memref_slice %arg6[%add3A_16] : memref<9216xf32, #tpu.memory_space<hbm>> -> memref<96xf32, #tpu.memory_space<hbm>>
      %dma_wait3A_20 = tpu.memref_slice %arg6[%add3A_16] : memref<9216xf32, #tpu.memory_space<hbm>> -> memref<96xf32, #tpu.memory_space<hbm>>
      tpu.wait_dma2 semaphore(%run_scoped3A : memref<!tpu.dma_semaphore, #tpu.memory_space<semaphore_mem>>) src(%arg10 : memref<96xf32, #tpu.memory_space<vmem>>) dst(%dma_wait3A_20 : memref<96xf32, #tpu.memory_space<hbm>>)
      tpu.yield
    }) : () -> ()
    return
  }
}

#map = affine_map<(d0, d1) -> (0)>
module attributes {stable_mosaic.version = 14 : i64} {
  func.func @_sc_gather(%arg0: i32, %arg1: i32, %arg2: memref<6291456xf32, #tpu.memory_space<hbm>>, %arg3: memref<6291456xf32, #tpu.memory_space<hbm>>, %arg4: memref<6291456xf32, #tpu.memory_space<hbm>>, %arg5: memref<3072xi32, #tpu.memory_space<hbm>>, %arg6: memref<9216xf32, #tpu.memory_space<hbm>>, %arg7: memref<96xi32, #tpu.memory_space<vmem>>, %arg8: memref<96xf32, #tpu.memory_space<vmem>>, %arg9: memref<96xf32, #tpu.memory_space<vmem>>, %arg10: memref<96xf32, #tpu.memory_space<vmem>>, %arg11: memref<!tpu.dma_semaphore, #tpu.memory_space<semaphore_mem>>) attributes {dimension_semantics = [#tpu.dimension_semantics<core_parallel>, #tpu.dimension_semantics<subcore_parallel>], iteration_bounds = array<i64: 2, 16>, scalar_prefetch = 0 : i64, scratch_operands = 5 : i64, tpu.core_type = #tpu.core_type<sc_vector_subcore>, window_params = [{transform_indices = #map}, {transform_indices = #map}, {transform_indices = #map}, {transform_indices = #map}, {transform_indices = #map}]} {
    %mul3A = arith.constant 2 : i32
    %mul3A_0 = arith.muli %arg1, %mul3A : i32
    %add3A = arith.addi %mul3A_0, %arg0 : i32
    %mul3A_1 = arith.constant 96 : i32
    %mul3A_2 = arith.muli %add3A, %mul3A_1 : i32
    "tpu.region"() ({
      %run_scoped3A = tpu.sem_alloc : memref<!tpu.dma_semaphore, #tpu.memory_space<semaphore_mem>>
      %dma_start3A_17 = tpu.memref_slice %arg5[%mul3A_2] : memref<3072xi32, #tpu.memory_space<hbm>> -> memref<96xi32, #tpu.memory_space<hbm>>
      %dma_start3A_18 = tpu.memref_slice %arg5[%mul3A_2] : memref<3072xi32, #tpu.memory_space<hbm>> -> memref<96xi32, #tpu.memory_space<hbm>>
      tpu.enqueue_dma source(%dma_start3A_18 : memref<96xi32, #tpu.memory_space<hbm>>) target(%arg7 : memref<96xi32, #tpu.memory_space<vmem>>) target_semaphore(%run_scoped3A : memref<!tpu.dma_semaphore, #tpu.memory_space<semaphore_mem>>)
      %dma_wait3A_19 = tpu.memref_slice %arg5[%mul3A_2] : memref<3072xi32, #tpu.memory_space<hbm>> -> memref<96xi32, #tpu.memory_space<hbm>>
      %dma_wait3A_20 = tpu.memref_slice %arg5[%mul3A_2] : memref<3072xi32, #tpu.memory_space<hbm>> -> memref<96xi32, #tpu.memory_space<hbm>>
      tpu.wait_dma2 semaphore(%run_scoped3A : memref<!tpu.dma_semaphore, #tpu.memory_space<semaphore_mem>>) src(%dma_wait3A_20 : memref<96xi32, #tpu.memory_space<hbm>>) dst(%arg7 : memref<96xi32, #tpu.memory_space<vmem>>)
      tpu.yield
    }) : () -> ()
    %dma_start3A = arith.constant 0 : i32
    %dma_start3A_3 = tpu.memref_slice %arg2[%dma_start3A] : memref<6291456xf32, #tpu.memory_space<hbm>> -> memref<6291456xf32, #tpu.memory_space<hbm>>
    tpu.enqueue_indirect_dma source(%dma_start3A_3 : memref<6291456xf32, #tpu.memory_space<hbm>>) target(%arg8 : memref<96xf32, #tpu.memory_space<vmem>>) offsets(%arg7 : memref<96xi32, #tpu.memory_space<vmem>>) semaphore(%arg11 : memref<!tpu.dma_semaphore, #tpu.memory_space<semaphore_mem>>)
    %dma_start3A_4 = arith.constant 0 : i32
    %dma_start3A_5 = tpu.memref_slice %arg3[%dma_start3A_4] : memref<6291456xf32, #tpu.memory_space<hbm>> -> memref<6291456xf32, #tpu.memory_space<hbm>>
    tpu.enqueue_indirect_dma source(%dma_start3A_5 : memref<6291456xf32, #tpu.memory_space<hbm>>) target(%arg9 : memref<96xf32, #tpu.memory_space<vmem>>) offsets(%arg7 : memref<96xi32, #tpu.memory_space<vmem>>) semaphore(%arg11 : memref<!tpu.dma_semaphore, #tpu.memory_space<semaphore_mem>>)
    %dma_start3A_6 = arith.constant 0 : i32
    %dma_start3A_7 = tpu.memref_slice %arg4[%dma_start3A_6] : memref<6291456xf32, #tpu.memory_space<hbm>> -> memref<6291456xf32, #tpu.memory_space<hbm>>
    tpu.enqueue_indirect_dma source(%dma_start3A_7 : memref<6291456xf32, #tpu.memory_space<hbm>>) target(%arg10 : memref<96xf32, #tpu.memory_space<vmem>>) offsets(%arg7 : memref<96xi32, #tpu.memory_space<vmem>>) semaphore(%arg11 : memref<!tpu.dma_semaphore, #tpu.memory_space<semaphore_mem>>)
    %dma_wait3A = arith.constant 0 : i32
    %dma_wait3A_8 = tpu.memref_slice %arg2[%dma_wait3A] : memref<6291456xf32, #tpu.memory_space<hbm>> -> memref<6291456xf32, #tpu.memory_space<hbm>>
    tpu.wait_indirect_dma semaphore(%arg11 : memref<!tpu.dma_semaphore, #tpu.memory_space<semaphore_mem>>) src(%dma_wait3A_8 : memref<6291456xf32, #tpu.memory_space<hbm>>) dst(%arg8 : memref<96xf32, #tpu.memory_space<vmem>>)
    %dma_wait3A_9 = arith.constant 0 : i32
    %dma_wait3A_10 = tpu.memref_slice %arg3[%dma_wait3A_9] : memref<6291456xf32, #tpu.memory_space<hbm>> -> memref<6291456xf32, #tpu.memory_space<hbm>>
    tpu.wait_indirect_dma semaphore(%arg11 : memref<!tpu.dma_semaphore, #tpu.memory_space<semaphore_mem>>) src(%dma_wait3A_10 : memref<6291456xf32, #tpu.memory_space<hbm>>) dst(%arg9 : memref<96xf32, #tpu.memory_space<vmem>>)
    %dma_wait3A_11 = arith.constant 0 : i32
    %dma_wait3A_12 = tpu.memref_slice %arg4[%dma_wait3A_11] : memref<6291456xf32, #tpu.memory_space<hbm>> -> memref<6291456xf32, #tpu.memory_space<hbm>>
    tpu.wait_indirect_dma semaphore(%arg11 : memref<!tpu.dma_semaphore, #tpu.memory_space<semaphore_mem>>) src(%dma_wait3A_12 : memref<6291456xf32, #tpu.memory_space<hbm>>) dst(%arg10 : memref<96xf32, #tpu.memory_space<vmem>>)
    "tpu.region"() ({
      %run_scoped3A = tpu.sem_alloc : memref<!tpu.dma_semaphore, #tpu.memory_space<semaphore_mem>>
      %dma_start3A_17 = tpu.memref_slice %arg6[%mul3A_2] : memref<9216xf32, #tpu.memory_space<hbm>> -> memref<96xf32, #tpu.memory_space<hbm>>
      %dma_start3A_18 = tpu.memref_slice %arg6[%mul3A_2] : memref<9216xf32, #tpu.memory_space<hbm>> -> memref<96xf32, #tpu.memory_space<hbm>>
      tpu.enqueue_dma source(%arg8 : memref<96xf32, #tpu.memory_space<vmem>>) target(%dma_start3A_18 : memref<96xf32, #tpu.memory_space<hbm>>) target_semaphore(%run_scoped3A : memref<!tpu.dma_semaphore, #tpu.memory_space<semaphore_mem>>)
      %dma_wait3A_19 = tpu.memref_slice %arg6[%mul3A_2] : memref<9216xf32, #tpu.memory_space<hbm>> -> memref<96xf32, #tpu.memory_space<hbm>>
      %dma_wait3A_20 = tpu.memref_slice %arg6[%mul3A_2] : memref<9216xf32, #tpu.memory_space<hbm>> -> memref<96xf32, #tpu.memory_space<hbm>>
      tpu.wait_dma2 semaphore(%run_scoped3A : memref<!tpu.dma_semaphore, #tpu.memory_space<semaphore_mem>>) src(%arg8 : memref<96xf32, #tpu.memory_space<vmem>>) dst(%dma_wait3A_20 : memref<96xf32, #tpu.memory_space<hbm>>)
      tpu.yield
    }) : () -> ()
    %add3A_13 = arith.constant 3072 : i32
    %add3A_14 = arith.addi %add3A_13, %mul3A_2 : i32
    "tpu.region"() ({
      %run_scoped3A = tpu.sem_alloc : memref<!tpu.dma_semaphore, #tpu.memory_space<semaphore_mem>>
      %dma_start3A_17 = tpu.memref_slice %arg6[%add3A_14] : memref<9216xf32, #tpu.memory_space<hbm>> -> memref<96xf32, #tpu.memory_space<hbm>>
      %dma_start3A_18 = tpu.memref_slice %arg6[%add3A_14] : memref<9216xf32, #tpu.memory_space<hbm>> -> memref<96xf32, #tpu.memory_space<hbm>>
      tpu.enqueue_dma source(%arg9 : memref<96xf32, #tpu.memory_space<vmem>>) target(%dma_start3A_18 : memref<96xf32, #tpu.memory_space<hbm>>) target_semaphore(%run_scoped3A : memref<!tpu.dma_semaphore, #tpu.memory_space<semaphore_mem>>)
      %dma_wait3A_19 = tpu.memref_slice %arg6[%add3A_14] : memref<9216xf32, #tpu.memory_space<hbm>> -> memref<96xf32, #tpu.memory_space<hbm>>
      %dma_wait3A_20 = tpu.memref_slice %arg6[%add3A_14] : memref<9216xf32, #tpu.memory_space<hbm>> -> memref<96xf32, #tpu.memory_space<hbm>>
      tpu.wait_dma2 semaphore(%run_scoped3A : memref<!tpu.dma_semaphore, #tpu.memory_space<semaphore_mem>>) src(%arg9 : memref<96xf32, #tpu.memory_space<vmem>>) dst(%dma_wait3A_20 : memref<96xf32, #tpu.memory_space<hbm>>)
      tpu.yield
    }) : () -> ()
    %add3A_15 = arith.constant 6144 : i32
    %add3A_16 = arith.addi %add3A_15, %mul3A_2 : i32
    "tpu.region"() ({
      %run_scoped3A = tpu.sem_alloc : memref<!tpu.dma_semaphore, #tpu.memory_space<semaphore_mem>>
      %dma_start3A_17 = tpu.memref_slice %arg6[%add3A_16] : memref<9216xf32, #tpu.memory_space<hbm>> -> memref<96xf32, #tpu.memory_space<hbm>>
      %dma_start3A_18 = tpu.memref_slice %arg6[%add3A_16] : memref<9216xf32, #tpu.memory_space<hbm>> -> memref<96xf32, #tpu.memory_space<hbm>>
      tpu.enqueue_dma source(%arg10 : memref<96xf32, #tpu.memory_space<vmem>>) target(%dma_start3A_18 : memref<96xf32, #tpu.memory_space<hbm>>) target_semaphore(%run_scoped3A : memref<!tpu.dma_semaphore, #tpu.memory_space<semaphore_mem>>)
      %dma_wait3A_19 = tpu.memref_slice %arg6[%add3A_16] : memref<9216xf32, #tpu.memory_space<hbm>> -> memref<96xf32, #tpu.memory_space<hbm>>
      %dma_wait3A_20 = tpu.memref_slice %arg6[%add3A_16] : memref<9216xf32, #tpu.memory_space<hbm>> -> memref<96xf32, #tpu.memory_space<hbm>>
      tpu.wait_dma2 semaphore(%run_scoped3A : memref<!tpu.dma_semaphore, #tpu.memory_space<semaphore_mem>>) src(%arg10 : memref<96xf32, #tpu.memory_space<vmem>>) dst(%dma_wait3A_20 : memref<96xf32, #tpu.memory_space<hbm>>)
      tpu.yield
    }) : () -> ()
    return
  }
}

#map = affine_map<(d0, d1) -> (0)>
module attributes {stable_mosaic.version = 14 : i64} {
  func.func @_sc_gather(%arg0: i32, %arg1: i32, %arg2: memref<6291456xf32, #tpu.memory_space<hbm>>, %arg3: memref<6291456xf32, #tpu.memory_space<hbm>>, %arg4: memref<6291456xf32, #tpu.memory_space<hbm>>, %arg5: memref<3072xi32, #tpu.memory_space<hbm>>, %arg6: memref<9216xf32, #tpu.memory_space<hbm>>, %arg7: memref<96xi32, #tpu.memory_space<vmem>>, %arg8: memref<96xf32, #tpu.memory_space<vmem>>, %arg9: memref<96xf32, #tpu.memory_space<vmem>>, %arg10: memref<96xf32, #tpu.memory_space<vmem>>, %arg11: memref<!tpu.dma_semaphore, #tpu.memory_space<semaphore_mem>>) attributes {dimension_semantics = [#tpu.dimension_semantics<core_parallel>, #tpu.dimension_semantics<subcore_parallel>], iteration_bounds = array<i64: 2, 16>, scalar_prefetch = 0 : i64, scratch_operands = 5 : i64, tpu.core_type = #tpu.core_type<sc_vector_subcore>, window_params = [{transform_indices = #map}, {transform_indices = #map}, {transform_indices = #map}, {transform_indices = #map}, {transform_indices = #map}]} {
    %mul3A = arith.constant 2 : i32
    %mul3A_0 = arith.muli %arg1, %mul3A : i32
    %add3A = arith.addi %mul3A_0, %arg0 : i32
    %mul3A_1 = arith.constant 96 : i32
    %mul3A_2 = arith.muli %add3A, %mul3A_1 : i32
    "tpu.region"() ({
      %run_scoped3A = tpu.sem_alloc : memref<!tpu.dma_semaphore, #tpu.memory_space<semaphore_mem>>
      %dma_start3A_17 = tpu.memref_slice %arg5[%mul3A_2] : memref<3072xi32, #tpu.memory_space<hbm>> -> memref<96xi32, #tpu.memory_space<hbm>>
      %dma_start3A_18 = tpu.memref_slice %arg5[%mul3A_2] : memref<3072xi32, #tpu.memory_space<hbm>> -> memref<96xi32, #tpu.memory_space<hbm>>
      tpu.enqueue_dma source(%dma_start3A_18 : memref<96xi32, #tpu.memory_space<hbm>>) target(%arg7 : memref<96xi32, #tpu.memory_space<vmem>>) target_semaphore(%run_scoped3A : memref<!tpu.dma_semaphore, #tpu.memory_space<semaphore_mem>>)
      %dma_wait3A_19 = tpu.memref_slice %arg5[%mul3A_2] : memref<3072xi32, #tpu.memory_space<hbm>> -> memref<96xi32, #tpu.memory_space<hbm>>
      %dma_wait3A_20 = tpu.memref_slice %arg5[%mul3A_2] : memref<3072xi32, #tpu.memory_space<hbm>> -> memref<96xi32, #tpu.memory_space<hbm>>
      tpu.wait_dma2 semaphore(%run_scoped3A : memref<!tpu.dma_semaphore, #tpu.memory_space<semaphore_mem>>) src(%dma_wait3A_20 : memref<96xi32, #tpu.memory_space<hbm>>) dst(%arg7 : memref<96xi32, #tpu.memory_space<vmem>>)
      tpu.yield
    }) : () -> ()
    %dma_start3A = arith.constant 0 : i32
    %dma_start3A_3 = tpu.memref_slice %arg2[%dma_start3A] : memref<6291456xf32, #tpu.memory_space<hbm>> -> memref<6291456xf32, #tpu.memory_space<hbm>>
    tpu.enqueue_indirect_dma source(%dma_start3A_3 : memref<6291456xf32, #tpu.memory_space<hbm>>) target(%arg8 : memref<96xf32, #tpu.memory_space<vmem>>) offsets(%arg7 : memref<96xi32, #tpu.memory_space<vmem>>) semaphore(%arg11 : memref<!tpu.dma_semaphore, #tpu.memory_space<semaphore_mem>>)
    %dma_start3A_4 = arith.constant 0 : i32
    %dma_start3A_5 = tpu.memref_slice %arg3[%dma_start3A_4] : memref<6291456xf32, #tpu.memory_space<hbm>> -> memref<6291456xf32, #tpu.memory_space<hbm>>
    tpu.enqueue_indirect_dma source(%dma_start3A_5 : memref<6291456xf32, #tpu.memory_space<hbm>>) target(%arg9 : memref<96xf32, #tpu.memory_space<vmem>>) offsets(%arg7 : memref<96xi32, #tpu.memory_space<vmem>>) semaphore(%arg11 : memref<!tpu.dma_semaphore, #tpu.memory_space<semaphore_mem>>)
    %dma_start3A_6 = arith.constant 0 : i32
    %dma_start3A_7 = tpu.memref_slice %arg4[%dma_start3A_6] : memref<6291456xf32, #tpu.memory_space<hbm>> -> memref<6291456xf32, #tpu.memory_space<hbm>>
    tpu.enqueue_indirect_dma source(%dma_start3A_7 : memref<6291456xf32, #tpu.memory_space<hbm>>) target(%arg10 : memref<96xf32, #tpu.memory_space<vmem>>) offsets(%arg7 : memref<96xi32, #tpu.memory_space<vmem>>) semaphore(%arg11 : memref<!tpu.dma_semaphore, #tpu.memory_space<semaphore_mem>>)
    %dma_wait3A = arith.constant 0 : i32
    %dma_wait3A_8 = tpu.memref_slice %arg2[%dma_wait3A] : memref<6291456xf32, #tpu.memory_space<hbm>> -> memref<6291456xf32, #tpu.memory_space<hbm>>
    tpu.wait_indirect_dma semaphore(%arg11 : memref<!tpu.dma_semaphore, #tpu.memory_space<semaphore_mem>>) src(%dma_wait3A_8 : memref<6291456xf32, #tpu.memory_space<hbm>>) dst(%arg8 : memref<96xf32, #tpu.memory_space<vmem>>)
    %dma_wait3A_9 = arith.constant 0 : i32
    %dma_wait3A_10 = tpu.memref_slice %arg3[%dma_wait3A_9] : memref<6291456xf32, #tpu.memory_space<hbm>> -> memref<6291456xf32, #tpu.memory_space<hbm>>
    tpu.wait_indirect_dma semaphore(%arg11 : memref<!tpu.dma_semaphore, #tpu.memory_space<semaphore_mem>>) src(%dma_wait3A_10 : memref<6291456xf32, #tpu.memory_space<hbm>>) dst(%arg9 : memref<96xf32, #tpu.memory_space<vmem>>)
    %dma_wait3A_11 = arith.constant 0 : i32
    %dma_wait3A_12 = tpu.memref_slice %arg4[%dma_wait3A_11] : memref<6291456xf32, #tpu.memory_space<hbm>> -> memref<6291456xf32, #tpu.memory_space<hbm>>
    tpu.wait_indirect_dma semaphore(%arg11 : memref<!tpu.dma_semaphore, #tpu.memory_space<semaphore_mem>>) src(%dma_wait3A_12 : memref<6291456xf32, #tpu.memory_space<hbm>>) dst(%arg10 : memref<96xf32, #tpu.memory_space<vmem>>)
    "tpu.region"() ({
      %run_scoped3A = tpu.sem_alloc : memref<!tpu.dma_semaphore, #tpu.memory_space<semaphore_mem>>
      %dma_start3A_17 = tpu.memref_slice %arg6[%mul3A_2] : memref<9216xf32, #tpu.memory_space<hbm>> -> memref<96xf32, #tpu.memory_space<hbm>>
      %dma_start3A_18 = tpu.memref_slice %arg6[%mul3A_2] : memref<9216xf32, #tpu.memory_space<hbm>> -> memref<96xf32, #tpu.memory_space<hbm>>
      tpu.enqueue_dma source(%arg8 : memref<96xf32, #tpu.memory_space<vmem>>) target(%dma_start3A_18 : memref<96xf32, #tpu.memory_space<hbm>>) target_semaphore(%run_scoped3A : memref<!tpu.dma_semaphore, #tpu.memory_space<semaphore_mem>>)
      %dma_wait3A_19 = tpu.memref_slice %arg6[%mul3A_2] : memref<9216xf32, #tpu.memory_space<hbm>> -> memref<96xf32, #tpu.memory_space<hbm>>
      %dma_wait3A_20 = tpu.memref_slice %arg6[%mul3A_2] : memref<9216xf32, #tpu.memory_space<hbm>> -> memref<96xf32, #tpu.memory_space<hbm>>
      tpu.wait_dma2 semaphore(%run_scoped3A : memref<!tpu.dma_semaphore, #tpu.memory_space<semaphore_mem>>) src(%arg8 : memref<96xf32, #tpu.memory_space<vmem>>) dst(%dma_wait3A_20 : memref<96xf32, #tpu.memory_space<hbm>>)
      tpu.yield
    }) : () -> ()
    %add3A_13 = arith.constant 3072 : i32
    %add3A_14 = arith.addi %add3A_13, %mul3A_2 : i32
    "tpu.region"() ({
      %run_scoped3A = tpu.sem_alloc : memref<!tpu.dma_semaphore, #tpu.memory_space<semaphore_mem>>
      %dma_start3A_17 = tpu.memref_slice %arg6[%add3A_14] : memref<9216xf32, #tpu.memory_space<hbm>> -> memref<96xf32, #tpu.memory_space<hbm>>
      %dma_start3A_18 = tpu.memref_slice %arg6[%add3A_14] : memref<9216xf32, #tpu.memory_space<hbm>> -> memref<96xf32, #tpu.memory_space<hbm>>
      tpu.enqueue_dma source(%arg9 : memref<96xf32, #tpu.memory_space<vmem>>) target(%dma_start3A_18 : memref<96xf32, #tpu.memory_space<hbm>>) target_semaphore(%run_scoped3A : memref<!tpu.dma_semaphore, #tpu.memory_space<semaphore_mem>>)
      %dma_wait3A_19 = tpu.memref_slice %arg6[%add3A_14] : memref<9216xf32, #tpu.memory_space<hbm>> -> memref<96xf32, #tpu.memory_space<hbm>>
      %dma_wait3A_20 = tpu.memref_slice %arg6[%add3A_14] : memref<9216xf32, #tpu.memory_space<hbm>> -> memref<96xf32, #tpu.memory_space<hbm>>
      tpu.wait_dma2 semaphore(%run_scoped3A : memref<!tpu.dma_semaphore, #tpu.memory_space<semaphore_mem>>) src(%arg9 : memref<96xf32, #tpu.memory_space<vmem>>) dst(%dma_wait3A_20 : memref<96xf32, #tpu.memory_space<hbm>>)
      tpu.yield
    }) : () -> ()
    %add3A_15 = arith.constant 6144 : i32
    %add3A_16 = arith.addi %add3A_15, %mul3A_2 : i32
    "tpu.region"() ({
      %run_scoped3A = tpu.sem_alloc : memref<!tpu.dma_semaphore, #tpu.memory_space<semaphore_mem>>
      %dma_start3A_17 = tpu.memref_slice %arg6[%add3A_16] : memref<9216xf32, #tpu.memory_space<hbm>> -> memref<96xf32, #tpu.memory_space<hbm>>
      %dma_start3A_18 = tpu.memref_slice %arg6[%add3A_16] : memref<9216xf32, #tpu.memory_space<hbm>> -> memref<96xf32, #tpu.memory_space<hbm>>
      tpu.enqueue_dma source(%arg10 : memref<96xf32, #tpu.memory_space<vmem>>) target(%dma_start3A_18 : memref<96xf32, #tpu.memory_space<hbm>>) target_semaphore(%run_scoped3A : memref<!tpu.dma_semaphore, #tpu.memory_space<semaphore_mem>>)
      %dma_wait3A_19 = tpu.memref_slice %arg6[%add3A_16] : memref<9216xf32, #tpu.memory_space<hbm>> -> memref<96xf32, #tpu.memory_space<hbm>>
      %dma_wait3A_20 = tpu.memref_slice %arg6[%add3A_16] : memref<9216xf32, #tpu.memory_space<hbm>> -> memref<96xf32, #tpu.memory_space<hbm>>
      tpu.wait_dma2 semaphore(%run_scoped3A : memref<!tpu.dma_semaphore, #tpu.memory_space<semaphore_mem>>) src(%arg10 : memref<96xf32, #tpu.memory_space<vmem>>) dst(%dma_wait3A_20 : memref<96xf32, #tpu.memory_space<hbm>>)
      tpu.yield
    }) : () -> ()
    return
  }
}

#map = affine_map<(d0, d1) -> (0)>
module attributes {stable_mosaic.version = 14 : i64} {
  func.func @_sc_gather(%arg0: i32, %arg1: i32, %arg2: memref<6291456xf32, #tpu.memory_space<hbm>>, %arg3: memref<6291456xf32, #tpu.memory_space<hbm>>, %arg4: memref<6291456xf32, #tpu.memory_space<hbm>>, %arg5: memref<3072xi32, #tpu.memory_space<hbm>>, %arg6: memref<9216xf32, #tpu.memory_space<hbm>>, %arg7: memref<96xi32, #tpu.memory_space<vmem>>, %arg8: memref<96xf32, #tpu.memory_space<vmem>>, %arg9: memref<96xf32, #tpu.memory_space<vmem>>, %arg10: memref<96xf32, #tpu.memory_space<vmem>>, %arg11: memref<!tpu.dma_semaphore, #tpu.memory_space<semaphore_mem>>) attributes {dimension_semantics = [#tpu.dimension_semantics<core_parallel>, #tpu.dimension_semantics<subcore_parallel>], iteration_bounds = array<i64: 2, 16>, scalar_prefetch = 0 : i64, scratch_operands = 5 : i64, tpu.core_type = #tpu.core_type<sc_vector_subcore>, window_params = [{transform_indices = #map}, {transform_indices = #map}, {transform_indices = #map}, {transform_indices = #map}, {transform_indices = #map}]} {
    %mul3A = arith.constant 2 : i32
    %mul3A_0 = arith.muli %arg1, %mul3A : i32
    %add3A = arith.addi %mul3A_0, %arg0 : i32
    %mul3A_1 = arith.constant 96 : i32
    %mul3A_2 = arith.muli %add3A, %mul3A_1 : i32
    "tpu.region"() ({
      %run_scoped3A = tpu.sem_alloc : memref<!tpu.dma_semaphore, #tpu.memory_space<semaphore_mem>>
      %dma_start3A_17 = tpu.memref_slice %arg5[%mul3A_2] : memref<3072xi32, #tpu.memory_space<hbm>> -> memref<96xi32, #tpu.memory_space<hbm>>
      %dma_start3A_18 = tpu.memref_slice %arg5[%mul3A_2] : memref<3072xi32, #tpu.memory_space<hbm>> -> memref<96xi32, #tpu.memory_space<hbm>>
      tpu.enqueue_dma source(%dma_start3A_18 : memref<96xi32, #tpu.memory_space<hbm>>) target(%arg7 : memref<96xi32, #tpu.memory_space<vmem>>) target_semaphore(%run_scoped3A : memref<!tpu.dma_semaphore, #tpu.memory_space<semaphore_mem>>)
      %dma_wait3A_19 = tpu.memref_slice %arg5[%mul3A_2] : memref<3072xi32, #tpu.memory_space<hbm>> -> memref<96xi32, #tpu.memory_space<hbm>>
      %dma_wait3A_20 = tpu.memref_slice %arg5[%mul3A_2] : memref<3072xi32, #tpu.memory_space<hbm>> -> memref<96xi32, #tpu.memory_space<hbm>>
      tpu.wait_dma2 semaphore(%run_scoped3A : memref<!tpu.dma_semaphore, #tpu.memory_space<semaphore_mem>>) src(%dma_wait3A_20 : memref<96xi32, #tpu.memory_space<hbm>>) dst(%arg7 : memref<96xi32, #tpu.memory_space<vmem>>)
      tpu.yield
    }) : () -> ()
    %dma_start3A = arith.constant 0 : i32
    %dma_start3A_3 = tpu.memref_slice %arg2[%dma_start3A] : memref<6291456xf32, #tpu.memory_space<hbm>> -> memref<6291456xf32, #tpu.memory_space<hbm>>
    tpu.enqueue_indirect_dma source(%dma_start3A_3 : memref<6291456xf32, #tpu.memory_space<hbm>>) target(%arg8 : memref<96xf32, #tpu.memory_space<vmem>>) offsets(%arg7 : memref<96xi32, #tpu.memory_space<vmem>>) semaphore(%arg11 : memref<!tpu.dma_semaphore, #tpu.memory_space<semaphore_mem>>)
    %dma_start3A_4 = arith.constant 0 : i32
    %dma_start3A_5 = tpu.memref_slice %arg3[%dma_start3A_4] : memref<6291456xf32, #tpu.memory_space<hbm>> -> memref<6291456xf32, #tpu.memory_space<hbm>>
    tpu.enqueue_indirect_dma source(%dma_start3A_5 : memref<6291456xf32, #tpu.memory_space<hbm>>) target(%arg9 : memref<96xf32, #tpu.memory_space<vmem>>) offsets(%arg7 : memref<96xi32, #tpu.memory_space<vmem>>) semaphore(%arg11 : memref<!tpu.dma_semaphore, #tpu.memory_space<semaphore_mem>>)
    %dma_start3A_6 = arith.constant 0 : i32
    %dma_start3A_7 = tpu.memref_slice %arg4[%dma_start3A_6] : memref<6291456xf32, #tpu.memory_space<hbm>> -> memref<6291456xf32, #tpu.memory_space<hbm>>
    tpu.enqueue_indirect_dma source(%dma_start3A_7 : memref<6291456xf32, #tpu.memory_space<hbm>>) target(%arg10 : memref<96xf32, #tpu.memory_space<vmem>>) offsets(%arg7 : memref<96xi32, #tpu.memory_space<vmem>>) semaphore(%arg11 : memref<!tpu.dma_semaphore, #tpu.memory_space<semaphore_mem>>)
    %dma_wait3A = arith.constant 0 : i32
    %dma_wait3A_8 = tpu.memref_slice %arg2[%dma_wait3A] : memref<6291456xf32, #tpu.memory_space<hbm>> -> memref<6291456xf32, #tpu.memory_space<hbm>>
    tpu.wait_indirect_dma semaphore(%arg11 : memref<!tpu.dma_semaphore, #tpu.memory_space<semaphore_mem>>) src(%dma_wait3A_8 : memref<6291456xf32, #tpu.memory_space<hbm>>) dst(%arg8 : memref<96xf32, #tpu.memory_space<vmem>>)
    %dma_wait3A_9 = arith.constant 0 : i32
    %dma_wait3A_10 = tpu.memref_slice %arg3[%dma_wait3A_9] : memref<6291456xf32, #tpu.memory_space<hbm>> -> memref<6291456xf32, #tpu.memory_space<hbm>>
    tpu.wait_indirect_dma semaphore(%arg11 : memref<!tpu.dma_semaphore, #tpu.memory_space<semaphore_mem>>) src(%dma_wait3A_10 : memref<6291456xf32, #tpu.memory_space<hbm>>) dst(%arg9 : memref<96xf32, #tpu.memory_space<vmem>>)
    %dma_wait3A_11 = arith.constant 0 : i32
    %dma_wait3A_12 = tpu.memref_slice %arg4[%dma_wait3A_11] : memref<6291456xf32, #tpu.memory_space<hbm>> -> memref<6291456xf32, #tpu.memory_space<hbm>>
    tpu.wait_indirect_dma semaphore(%arg11 : memref<!tpu.dma_semaphore, #tpu.memory_space<semaphore_mem>>) src(%dma_wait3A_12 : memref<6291456xf32, #tpu.memory_space<hbm>>) dst(%arg10 : memref<96xf32, #tpu.memory_space<vmem>>)
    "tpu.region"() ({
      %run_scoped3A = tpu.sem_alloc : memref<!tpu.dma_semaphore, #tpu.memory_space<semaphore_mem>>
      %dma_start3A_17 = tpu.memref_slice %arg6[%mul3A_2] : memref<9216xf32, #tpu.memory_space<hbm>> -> memref<96xf32, #tpu.memory_space<hbm>>
      %dma_start3A_18 = tpu.memref_slice %arg6[%mul3A_2] : memref<9216xf32, #tpu.memory_space<hbm>> -> memref<96xf32, #tpu.memory_space<hbm>>
      tpu.enqueue_dma source(%arg8 : memref<96xf32, #tpu.memory_space<vmem>>) target(%dma_start3A_18 : memref<96xf32, #tpu.memory_space<hbm>>) target_semaphore(%run_scoped3A : memref<!tpu.dma_semaphore, #tpu.memory_space<semaphore_mem>>)
      %dma_wait3A_19 = tpu.memref_slice %arg6[%mul3A_2] : memref<9216xf32, #tpu.memory_space<hbm>> -> memref<96xf32, #tpu.memory_space<hbm>>
      %dma_wait3A_20 = tpu.memref_slice %arg6[%mul3A_2] : memref<9216xf32, #tpu.memory_space<hbm>> -> memref<96xf32, #tpu.memory_space<hbm>>
      tpu.wait_dma2 semaphore(%run_scoped3A : memref<!tpu.dma_semaphore, #tpu.memory_space<semaphore_mem>>) src(%arg8 : memref<96xf32, #tpu.memory_space<vmem>>) dst(%dma_wait3A_20 : memref<96xf32, #tpu.memory_space<hbm>>)
      tpu.yield
    }) : () -> ()
    %add3A_13 = arith.constant 3072 : i32
    %add3A_14 = arith.addi %add3A_13, %mul3A_2 : i32
    "tpu.region"() ({
      %run_scoped3A = tpu.sem_alloc : memref<!tpu.dma_semaphore, #tpu.memory_space<semaphore_mem>>
      %dma_start3A_17 = tpu.memref_slice %arg6[%add3A_14] : memref<9216xf32, #tpu.memory_space<hbm>> -> memref<96xf32, #tpu.memory_space<hbm>>
      %dma_start3A_18 = tpu.memref_slice %arg6[%add3A_14] : memref<9216xf32, #tpu.memory_space<hbm>> -> memref<96xf32, #tpu.memory_space<hbm>>
      tpu.enqueue_dma source(%arg9 : memref<96xf32, #tpu.memory_space<vmem>>) target(%dma_start3A_18 : memref<96xf32, #tpu.memory_space<hbm>>) target_semaphore(%run_scoped3A : memref<!tpu.dma_semaphore, #tpu.memory_space<semaphore_mem>>)
      %dma_wait3A_19 = tpu.memref_slice %arg6[%add3A_14] : memref<9216xf32, #tpu.memory_space<hbm>> -> memref<96xf32, #tpu.memory_space<hbm>>
      %dma_wait3A_20 = tpu.memref_slice %arg6[%add3A_14] : memref<9216xf32, #tpu.memory_space<hbm>> -> memref<96xf32, #tpu.memory_space<hbm>>
      tpu.wait_dma2 semaphore(%run_scoped3A : memref<!tpu.dma_semaphore, #tpu.memory_space<semaphore_mem>>) src(%arg9 : memref<96xf32, #tpu.memory_space<vmem>>) dst(%dma_wait3A_20 : memref<96xf32, #tpu.memory_space<hbm>>)
      tpu.yield
    }) : () -> ()
    %add3A_15 = arith.constant 6144 : i32
    %add3A_16 = arith.addi %add3A_15, %mul3A_2 : i32
    "tpu.region"() ({
      %run_scoped3A = tpu.sem_alloc : memref<!tpu.dma_semaphore, #tpu.memory_space<semaphore_mem>>
      %dma_start3A_17 = tpu.memref_slice %arg6[%add3A_16] : memref<9216xf32, #tpu.memory_space<hbm>> -> memref<96xf32, #tpu.memory_space<hbm>>
      %dma_start3A_18 = tpu.memref_slice %arg6[%add3A_16] : memref<9216xf32, #tpu.memory_space<hbm>> -> memref<96xf32, #tpu.memory_space<hbm>>
      tpu.enqueue_dma source(%arg10 : memref<96xf32, #tpu.memory_space<vmem>>) target(%dma_start3A_18 : memref<96xf32, #tpu.memory_space<hbm>>) target_semaphore(%run_scoped3A : memref<!tpu.dma_semaphore, #tpu.memory_space<semaphore_mem>>)
      %dma_wait3A_19 = tpu.memref_slice %arg6[%add3A_16] : memref<9216xf32, #tpu.memory_space<hbm>> -> memref<96xf32, #tpu.memory_space<hbm>>
      %dma_wait3A_20 = tpu.memref_slice %arg6[%add3A_16] : memref<9216xf32, #tpu.memory_space<hbm>> -> memref<96xf32, #tpu.memory_space<hbm>>
      tpu.wait_dma2 semaphore(%run_scoped3A : memref<!tpu.dma_semaphore, #tpu.memory_space<semaphore_mem>>) src(%arg10 : memref<96xf32, #tpu.memory_space<vmem>>) dst(%dma_wait3A_20 : memref<96xf32, #tpu.memory_space<hbm>>)
      tpu.yield
    }) : () -> ()
    return
  }
}

#map = affine_map<(d0, d1) -> (0)>
module attributes {stable_mosaic.version = 14 : i64} {
  func.func @_sc_gather(%arg0: i32, %arg1: i32, %arg2: memref<6291456xf32, #tpu.memory_space<hbm>>, %arg3: memref<6291456xf32, #tpu.memory_space<hbm>>, %arg4: memref<6291456xf32, #tpu.memory_space<hbm>>, %arg5: memref<3072xi32, #tpu.memory_space<hbm>>, %arg6: memref<9216xf32, #tpu.memory_space<hbm>>, %arg7: memref<96xi32, #tpu.memory_space<vmem>>, %arg8: memref<96xf32, #tpu.memory_space<vmem>>, %arg9: memref<96xf32, #tpu.memory_space<vmem>>, %arg10: memref<96xf32, #tpu.memory_space<vmem>>, %arg11: memref<!tpu.dma_semaphore, #tpu.memory_space<semaphore_mem>>) attributes {dimension_semantics = [#tpu.dimension_semantics<core_parallel>, #tpu.dimension_semantics<subcore_parallel>], iteration_bounds = array<i64: 2, 16>, scalar_prefetch = 0 : i64, scratch_operands = 5 : i64, tpu.core_type = #tpu.core_type<sc_vector_subcore>, window_params = [{transform_indices = #map}, {transform_indices = #map}, {transform_indices = #map}, {transform_indices = #map}, {transform_indices = #map}]} {
    %mul3A = arith.constant 2 : i32
    %mul3A_0 = arith.muli %arg1, %mul3A : i32
    %add3A = arith.addi %mul3A_0, %arg0 : i32
    %mul3A_1 = arith.constant 96 : i32
    %mul3A_2 = arith.muli %add3A, %mul3A_1 : i32
    "tpu.region"() ({
      %run_scoped3A = tpu.sem_alloc : memref<!tpu.dma_semaphore, #tpu.memory_space<semaphore_mem>>
      %dma_start3A_17 = tpu.memref_slice %arg5[%mul3A_2] : memref<3072xi32, #tpu.memory_space<hbm>> -> memref<96xi32, #tpu.memory_space<hbm>>
      %dma_start3A_18 = tpu.memref_slice %arg5[%mul3A_2] : memref<3072xi32, #tpu.memory_space<hbm>> -> memref<96xi32, #tpu.memory_space<hbm>>
      tpu.enqueue_dma source(%dma_start3A_18 : memref<96xi32, #tpu.memory_space<hbm>>) target(%arg7 : memref<96xi32, #tpu.memory_space<vmem>>) target_semaphore(%run_scoped3A : memref<!tpu.dma_semaphore, #tpu.memory_space<semaphore_mem>>)
      %dma_wait3A_19 = tpu.memref_slice %arg5[%mul3A_2] : memref<3072xi32, #tpu.memory_space<hbm>> -> memref<96xi32, #tpu.memory_space<hbm>>
      %dma_wait3A_20 = tpu.memref_slice %arg5[%mul3A_2] : memref<3072xi32, #tpu.memory_space<hbm>> -> memref<96xi32, #tpu.memory_space<hbm>>
      tpu.wait_dma2 semaphore(%run_scoped3A : memref<!tpu.dma_semaphore, #tpu.memory_space<semaphore_mem>>) src(%dma_wait3A_20 : memref<96xi32, #tpu.memory_space<hbm>>) dst(%arg7 : memref<96xi32, #tpu.memory_space<vmem>>)
      tpu.yield
    }) : () -> ()
    %dma_start3A = arith.constant 0 : i32
    %dma_start3A_3 = tpu.memref_slice %arg2[%dma_start3A] : memref<6291456xf32, #tpu.memory_space<hbm>> -> memref<6291456xf32, #tpu.memory_space<hbm>>
    tpu.enqueue_indirect_dma source(%dma_start3A_3 : memref<6291456xf32, #tpu.memory_space<hbm>>) target(%arg8 : memref<96xf32, #tpu.memory_space<vmem>>) offsets(%arg7 : memref<96xi32, #tpu.memory_space<vmem>>) semaphore(%arg11 : memref<!tpu.dma_semaphore, #tpu.memory_space<semaphore_mem>>)
    %dma_start3A_4 = arith.constant 0 : i32
    %dma_start3A_5 = tpu.memref_slice %arg3[%dma_start3A_4] : memref<6291456xf32, #tpu.memory_space<hbm>> -> memref<6291456xf32, #tpu.memory_space<hbm>>
    tpu.enqueue_indirect_dma source(%dma_start3A_5 : memref<6291456xf32, #tpu.memory_space<hbm>>) target(%arg9 : memref<96xf32, #tpu.memory_space<vmem>>) offsets(%arg7 : memref<96xi32, #tpu.memory_space<vmem>>) semaphore(%arg11 : memref<!tpu.dma_semaphore, #tpu.memory_space<semaphore_mem>>)
    %dma_start3A_6 = arith.constant 0 : i32
    %dma_start3A_7 = tpu.memref_slice %arg4[%dma_start3A_6] : memref<6291456xf32, #tpu.memory_space<hbm>> -> memref<6291456xf32, #tpu.memory_space<hbm>>
    tpu.enqueue_indirect_dma source(%dma_start3A_7 : memref<6291456xf32, #tpu.memory_space<hbm>>) target(%arg10 : memref<96xf32, #tpu.memory_space<vmem>>) offsets(%arg7 : memref<96xi32, #tpu.memory_space<vmem>>) semaphore(%arg11 : memref<!tpu.dma_semaphore, #tpu.memory_space<semaphore_mem>>)
    %dma_wait3A = arith.constant 0 : i32
    %dma_wait3A_8 = tpu.memref_slice %arg2[%dma_wait3A] : memref<6291456xf32, #tpu.memory_space<hbm>> -> memref<6291456xf32, #tpu.memory_space<hbm>>
    tpu.wait_indirect_dma semaphore(%arg11 : memref<!tpu.dma_semaphore, #tpu.memory_space<semaphore_mem>>) src(%dma_wait3A_8 : memref<6291456xf32, #tpu.memory_space<hbm>>) dst(%arg8 : memref<96xf32, #tpu.memory_space<vmem>>)
    %dma_wait3A_9 = arith.constant 0 : i32
    %dma_wait3A_10 = tpu.memref_slice %arg3[%dma_wait3A_9] : memref<6291456xf32, #tpu.memory_space<hbm>> -> memref<6291456xf32, #tpu.memory_space<hbm>>
    tpu.wait_indirect_dma semaphore(%arg11 : memref<!tpu.dma_semaphore, #tpu.memory_space<semaphore_mem>>) src(%dma_wait3A_10 : memref<6291456xf32, #tpu.memory_space<hbm>>) dst(%arg9 : memref<96xf32, #tpu.memory_space<vmem>>)
    %dma_wait3A_11 = arith.constant 0 : i32
    %dma_wait3A_12 = tpu.memref_slice %arg4[%dma_wait3A_11] : memref<6291456xf32, #tpu.memory_space<hbm>> -> memref<6291456xf32, #tpu.memory_space<hbm>>
    tpu.wait_indirect_dma semaphore(%arg11 : memref<!tpu.dma_semaphore, #tpu.memory_space<semaphore_mem>>) src(%dma_wait3A_12 : memref<6291456xf32, #tpu.memory_space<hbm>>) dst(%arg10 : memref<96xf32, #tpu.memory_space<vmem>>)
    "tpu.region"() ({
      %run_scoped3A = tpu.sem_alloc : memref<!tpu.dma_semaphore, #tpu.memory_space<semaphore_mem>>
      %dma_start3A_17 = tpu.memref_slice %arg6[%mul3A_2] : memref<9216xf32, #tpu.memory_space<hbm>> -> memref<96xf32, #tpu.memory_space<hbm>>
      %dma_start3A_18 = tpu.memref_slice %arg6[%mul3A_2] : memref<9216xf32, #tpu.memory_space<hbm>> -> memref<96xf32, #tpu.memory_space<hbm>>
      tpu.enqueue_dma source(%arg8 : memref<96xf32, #tpu.memory_space<vmem>>) target(%dma_start3A_18 : memref<96xf32, #tpu.memory_space<hbm>>) target_semaphore(%run_scoped3A : memref<!tpu.dma_semaphore, #tpu.memory_space<semaphore_mem>>)
      %dma_wait3A_19 = tpu.memref_slice %arg6[%mul3A_2] : memref<9216xf32, #tpu.memory_space<hbm>> -> memref<96xf32, #tpu.memory_space<hbm>>
      %dma_wait3A_20 = tpu.memref_slice %arg6[%mul3A_2] : memref<9216xf32, #tpu.memory_space<hbm>> -> memref<96xf32, #tpu.memory_space<hbm>>
      tpu.wait_dma2 semaphore(%run_scoped3A : memref<!tpu.dma_semaphore, #tpu.memory_space<semaphore_mem>>) src(%arg8 : memref<96xf32, #tpu.memory_space<vmem>>) dst(%dma_wait3A_20 : memref<96xf32, #tpu.memory_space<hbm>>)
      tpu.yield
    }) : () -> ()
    %add3A_13 = arith.constant 3072 : i32
    %add3A_14 = arith.addi %add3A_13, %mul3A_2 : i32
    "tpu.region"() ({
      %run_scoped3A = tpu.sem_alloc : memref<!tpu.dma_semaphore, #tpu.memory_space<semaphore_mem>>
      %dma_start3A_17 = tpu.memref_slice %arg6[%add3A_14] : memref<9216xf32, #tpu.memory_space<hbm>> -> memref<96xf32, #tpu.memory_space<hbm>>
      %dma_start3A_18 = tpu.memref_slice %arg6[%add3A_14] : memref<9216xf32, #tpu.memory_space<hbm>> -> memref<96xf32, #tpu.memory_space<hbm>>
      tpu.enqueue_dma source(%arg9 : memref<96xf32, #tpu.memory_space<vmem>>) target(%dma_start3A_18 : memref<96xf32, #tpu.memory_space<hbm>>) target_semaphore(%run_scoped3A : memref<!tpu.dma_semaphore, #tpu.memory_space<semaphore_mem>>)
      %dma_wait3A_19 = tpu.memref_slice %arg6[%add3A_14] : memref<9216xf32, #tpu.memory_space<hbm>> -> memref<96xf32, #tpu.memory_space<hbm>>
      %dma_wait3A_20 = tpu.memref_slice %arg6[%add3A_14] : memref<9216xf32, #tpu.memory_space<hbm>> -> memref<96xf32, #tpu.memory_space<hbm>>
      tpu.wait_dma2 semaphore(%run_scoped3A : memref<!tpu.dma_semaphore, #tpu.memory_space<semaphore_mem>>) src(%arg9 : memref<96xf32, #tpu.memory_space<vmem>>) dst(%dma_wait3A_20 : memref<96xf32, #tpu.memory_space<hbm>>)
      tpu.yield
    }) : () -> ()
    %add3A_15 = arith.constant 6144 : i32
    %add3A_16 = arith.addi %add3A_15, %mul3A_2 : i32
    "tpu.region"() ({
      %run_scoped3A = tpu.sem_alloc : memref<!tpu.dma_semaphore, #tpu.memory_space<semaphore_mem>>
      %dma_start3A_17 = tpu.memref_slice %arg6[%add3A_16] : memref<9216xf32, #tpu.memory_space<hbm>> -> memref<96xf32, #tpu.memory_space<hbm>>
      %dma_start3A_18 = tpu.memref_slice %arg6[%add3A_16] : memref<9216xf32, #tpu.memory_space<hbm>> -> memref<96xf32, #tpu.memory_space<hbm>>
      tpu.enqueue_dma source(%arg10 : memref<96xf32, #tpu.memory_space<vmem>>) target(%dma_start3A_18 : memref<96xf32, #tpu.memory_space<hbm>>) target_semaphore(%run_scoped3A : memref<!tpu.dma_semaphore, #tpu.memory_space<semaphore_mem>>)
      %dma_wait3A_19 = tpu.memref_slice %arg6[%add3A_16] : memref<9216xf32, #tpu.memory_space<hbm>> -> memref<96xf32, #tpu.memory_space<hbm>>
      %dma_wait3A_20 = tpu.memref_slice %arg6[%add3A_16] : memref<9216xf32, #tpu.memory_space<hbm>> -> memref<96xf32, #tpu.memory_space<hbm>>
      tpu.wait_dma2 semaphore(%run_scoped3A : memref<!tpu.dma_semaphore, #tpu.memory_space<semaphore_mem>>) src(%arg10 : memref<96xf32, #tpu.memory_space<vmem>>) dst(%dma_wait3A_20 : memref<96xf32, #tpu.memory_space<hbm>>)
      tpu.yield
    }) : () -> ()
    return
  }
}

#map = affine_map<(d0, d1) -> (0)>
module attributes {stable_mosaic.version = 14 : i64} {
  func.func @_sc_gather(%arg0: i32, %arg1: i32, %arg2: memref<6291456xf32, #tpu.memory_space<hbm>>, %arg3: memref<6291456xf32, #tpu.memory_space<hbm>>, %arg4: memref<6291456xf32, #tpu.memory_space<hbm>>, %arg5: memref<3072xi32, #tpu.memory_space<hbm>>, %arg6: memref<9216xf32, #tpu.memory_space<hbm>>, %arg7: memref<96xi32, #tpu.memory_space<vmem>>, %arg8: memref<96xf32, #tpu.memory_space<vmem>>, %arg9: memref<96xf32, #tpu.memory_space<vmem>>, %arg10: memref<96xf32, #tpu.memory_space<vmem>>, %arg11: memref<!tpu.dma_semaphore, #tpu.memory_space<semaphore_mem>>) attributes {dimension_semantics = [#tpu.dimension_semantics<core_parallel>, #tpu.dimension_semantics<subcore_parallel>], iteration_bounds = array<i64: 2, 16>, scalar_prefetch = 0 : i64, scratch_operands = 5 : i64, tpu.core_type = #tpu.core_type<sc_vector_subcore>, window_params = [{transform_indices = #map}, {transform_indices = #map}, {transform_indices = #map}, {transform_indices = #map}, {transform_indices = #map}]} {
    %mul3A = arith.constant 2 : i32
    %mul3A_0 = arith.muli %arg1, %mul3A : i32
    %add3A = arith.addi %mul3A_0, %arg0 : i32
    %mul3A_1 = arith.constant 96 : i32
    %mul3A_2 = arith.muli %add3A, %mul3A_1 : i32
    "tpu.region"() ({
      %run_scoped3A = tpu.sem_alloc : memref<!tpu.dma_semaphore, #tpu.memory_space<semaphore_mem>>
      %dma_start3A_17 = tpu.memref_slice %arg5[%mul3A_2] : memref<3072xi32, #tpu.memory_space<hbm>> -> memref<96xi32, #tpu.memory_space<hbm>>
      %dma_start3A_18 = tpu.memref_slice %arg5[%mul3A_2] : memref<3072xi32, #tpu.memory_space<hbm>> -> memref<96xi32, #tpu.memory_space<hbm>>
      tpu.enqueue_dma source(%dma_start3A_18 : memref<96xi32, #tpu.memory_space<hbm>>) target(%arg7 : memref<96xi32, #tpu.memory_space<vmem>>) target_semaphore(%run_scoped3A : memref<!tpu.dma_semaphore, #tpu.memory_space<semaphore_mem>>)
      %dma_wait3A_19 = tpu.memref_slice %arg5[%mul3A_2] : memref<3072xi32, #tpu.memory_space<hbm>> -> memref<96xi32, #tpu.memory_space<hbm>>
      %dma_wait3A_20 = tpu.memref_slice %arg5[%mul3A_2] : memref<3072xi32, #tpu.memory_space<hbm>> -> memref<96xi32, #tpu.memory_space<hbm>>
      tpu.wait_dma2 semaphore(%run_scoped3A : memref<!tpu.dma_semaphore, #tpu.memory_space<semaphore_mem>>) src(%dma_wait3A_20 : memref<96xi32, #tpu.memory_space<hbm>>) dst(%arg7 : memref<96xi32, #tpu.memory_space<vmem>>)
      tpu.yield
    }) : () -> ()
    %dma_start3A = arith.constant 0 : i32
    %dma_start3A_3 = tpu.memref_slice %arg2[%dma_start3A] : memref<6291456xf32, #tpu.memory_space<hbm>> -> memref<6291456xf32, #tpu.memory_space<hbm>>
    tpu.enqueue_indirect_dma source(%dma_start3A_3 : memref<6291456xf32, #tpu.memory_space<hbm>>) target(%arg8 : memref<96xf32, #tpu.memory_space<vmem>>) offsets(%arg7 : memref<96xi32, #tpu.memory_space<vmem>>) semaphore(%arg11 : memref<!tpu.dma_semaphore, #tpu.memory_space<semaphore_mem>>)
    %dma_start3A_4 = arith.constant 0 : i32
    %dma_start3A_5 = tpu.memref_slice %arg3[%dma_start3A_4] : memref<6291456xf32, #tpu.memory_space<hbm>> -> memref<6291456xf32, #tpu.memory_space<hbm>>
    tpu.enqueue_indirect_dma source(%dma_start3A_5 : memref<6291456xf32, #tpu.memory_space<hbm>>) target(%arg9 : memref<96xf32, #tpu.memory_space<vmem>>) offsets(%arg7 : memref<96xi32, #tpu.memory_space<vmem>>) semaphore(%arg11 : memref<!tpu.dma_semaphore, #tpu.memory_space<semaphore_mem>>)
    %dma_start3A_6 = arith.constant 0 : i32
    %dma_start3A_7 = tpu.memref_slice %arg4[%dma_start3A_6] : memref<6291456xf32, #tpu.memory_space<hbm>> -> memref<6291456xf32, #tpu.memory_space<hbm>>
    tpu.enqueue_indirect_dma source(%dma_start3A_7 : memref<6291456xf32, #tpu.memory_space<hbm>>) target(%arg10 : memref<96xf32, #tpu.memory_space<vmem>>) offsets(%arg7 : memref<96xi32, #tpu.memory_space<vmem>>) semaphore(%arg11 : memref<!tpu.dma_semaphore, #tpu.memory_space<semaphore_mem>>)
    %dma_wait3A = arith.constant 0 : i32
    %dma_wait3A_8 = tpu.memref_slice %arg2[%dma_wait3A] : memref<6291456xf32, #tpu.memory_space<hbm>> -> memref<6291456xf32, #tpu.memory_space<hbm>>
    tpu.wait_indirect_dma semaphore(%arg11 : memref<!tpu.dma_semaphore, #tpu.memory_space<semaphore_mem>>) src(%dma_wait3A_8 : memref<6291456xf32, #tpu.memory_space<hbm>>) dst(%arg8 : memref<96xf32, #tpu.memory_space<vmem>>)
    %dma_wait3A_9 = arith.constant 0 : i32
    %dma_wait3A_10 = tpu.memref_slice %arg3[%dma_wait3A_9] : memref<6291456xf32, #tpu.memory_space<hbm>> -> memref<6291456xf32, #tpu.memory_space<hbm>>
    tpu.wait_indirect_dma semaphore(%arg11 : memref<!tpu.dma_semaphore, #tpu.memory_space<semaphore_mem>>) src(%dma_wait3A_10 : memref<6291456xf32, #tpu.memory_space<hbm>>) dst(%arg9 : memref<96xf32, #tpu.memory_space<vmem>>)
    %dma_wait3A_11 = arith.constant 0 : i32
    %dma_wait3A_12 = tpu.memref_slice %arg4[%dma_wait3A_11] : memref<6291456xf32, #tpu.memory_space<hbm>> -> memref<6291456xf32, #tpu.memory_space<hbm>>
    tpu.wait_indirect_dma semaphore(%arg11 : memref<!tpu.dma_semaphore, #tpu.memory_space<semaphore_mem>>) src(%dma_wait3A_12 : memref<6291456xf32, #tpu.memory_space<hbm>>) dst(%arg10 : memref<96xf32, #tpu.memory_space<vmem>>)
    "tpu.region"() ({
      %run_scoped3A = tpu.sem_alloc : memref<!tpu.dma_semaphore, #tpu.memory_space<semaphore_mem>>
      %dma_start3A_17 = tpu.memref_slice %arg6[%mul3A_2] : memref<9216xf32, #tpu.memory_space<hbm>> -> memref<96xf32, #tpu.memory_space<hbm>>
      %dma_start3A_18 = tpu.memref_slice %arg6[%mul3A_2] : memref<9216xf32, #tpu.memory_space<hbm>> -> memref<96xf32, #tpu.memory_space<hbm>>
      tpu.enqueue_dma source(%arg8 : memref<96xf32, #tpu.memory_space<vmem>>) target(%dma_start3A_18 : memref<96xf32, #tpu.memory_space<hbm>>) target_semaphore(%run_scoped3A : memref<!tpu.dma_semaphore, #tpu.memory_space<semaphore_mem>>)
      %dma_wait3A_19 = tpu.memref_slice %arg6[%mul3A_2] : memref<9216xf32, #tpu.memory_space<hbm>> -> memref<96xf32, #tpu.memory_space<hbm>>
      %dma_wait3A_20 = tpu.memref_slice %arg6[%mul3A_2] : memref<9216xf32, #tpu.memory_space<hbm>> -> memref<96xf32, #tpu.memory_space<hbm>>
      tpu.wait_dma2 semaphore(%run_scoped3A : memref<!tpu.dma_semaphore, #tpu.memory_space<semaphore_mem>>) src(%arg8 : memref<96xf32, #tpu.memory_space<vmem>>) dst(%dma_wait3A_20 : memref<96xf32, #tpu.memory_space<hbm>>)
      tpu.yield
    }) : () -> ()
    %add3A_13 = arith.constant 3072 : i32
    %add3A_14 = arith.addi %add3A_13, %mul3A_2 : i32
    "tpu.region"() ({
      %run_scoped3A = tpu.sem_alloc : memref<!tpu.dma_semaphore, #tpu.memory_space<semaphore_mem>>
      %dma_start3A_17 = tpu.memref_slice %arg6[%add3A_14] : memref<9216xf32, #tpu.memory_space<hbm>> -> memref<96xf32, #tpu.memory_space<hbm>>
      %dma_start3A_18 = tpu.memref_slice %arg6[%add3A_14] : memref<9216xf32, #tpu.memory_space<hbm>> -> memref<96xf32, #tpu.memory_space<hbm>>
      tpu.enqueue_dma source(%arg9 : memref<96xf32, #tpu.memory_space<vmem>>) target(%dma_start3A_18 : memref<96xf32, #tpu.memory_space<hbm>>) target_semaphore(%run_scoped3A : memref<!tpu.dma_semaphore, #tpu.memory_space<semaphore_mem>>)
      %dma_wait3A_19 = tpu.memref_slice %arg6[%add3A_14] : memref<9216xf32, #tpu.memory_space<hbm>> -> memref<96xf32, #tpu.memory_space<hbm>>
      %dma_wait3A_20 = tpu.memref_slice %arg6[%add3A_14] : memref<9216xf32, #tpu.memory_space<hbm>> -> memref<96xf32, #tpu.memory_space<hbm>>
      tpu.wait_dma2 semaphore(%run_scoped3A : memref<!tpu.dma_semaphore, #tpu.memory_space<semaphore_mem>>) src(%arg9 : memref<96xf32, #tpu.memory_space<vmem>>) dst(%dma_wait3A_20 : memref<96xf32, #tpu.memory_space<hbm>>)
      tpu.yield
    }) : () -> ()
    %add3A_15 = arith.constant 6144 : i32
    %add3A_16 = arith.addi %add3A_15, %mul3A_2 : i32
    "tpu.region"() ({
      %run_scoped3A = tpu.sem_alloc : memref<!tpu.dma_semaphore, #tpu.memory_space<semaphore_mem>>
      %dma_start3A_17 = tpu.memref_slice %arg6[%add3A_16] : memref<9216xf32, #tpu.memory_space<hbm>> -> memref<96xf32, #tpu.memory_space<hbm>>
      %dma_start3A_18 = tpu.memref_slice %arg6[%add3A_16] : memref<9216xf32, #tpu.memory_space<hbm>> -> memref<96xf32, #tpu.memory_space<hbm>>
      tpu.enqueue_dma source(%arg10 : memref<96xf32, #tpu.memory_space<vmem>>) target(%dma_start3A_18 : memref<96xf32, #tpu.memory_space<hbm>>) target_semaphore(%run_scoped3A : memref<!tpu.dma_semaphore, #tpu.memory_space<semaphore_mem>>)
      %dma_wait3A_19 = tpu.memref_slice %arg6[%add3A_16] : memref<9216xf32, #tpu.memory_space<hbm>> -> memref<96xf32, #tpu.memory_space<hbm>>
      %dma_wait3A_20 = tpu.memref_slice %arg6[%add3A_16] : memref<9216xf32, #tpu.memory_space<hbm>> -> memref<96xf32, #tpu.memory_space<hbm>>
      tpu.wait_dma2 semaphore(%run_scoped3A : memref<!tpu.dma_semaphore, #tpu.memory_space<semaphore_mem>>) src(%arg10 : memref<96xf32, #tpu.memory_space<vmem>>) dst(%dma_wait3A_20 : memref<96xf32, #tpu.memory_space<hbm>>)
      tpu.yield
    }) : () -> ()
    return
  }
}

#map = affine_map<(d0, d1) -> (0)>
module attributes {stable_mosaic.version = 14 : i64} {
  func.func @_sc_gather(%arg0: i32, %arg1: i32, %arg2: memref<6291456xf32, #tpu.memory_space<hbm>>, %arg3: memref<6291456xf32, #tpu.memory_space<hbm>>, %arg4: memref<6291456xf32, #tpu.memory_space<hbm>>, %arg5: memref<3072xi32, #tpu.memory_space<hbm>>, %arg6: memref<9216xf32, #tpu.memory_space<hbm>>, %arg7: memref<96xi32, #tpu.memory_space<vmem>>, %arg8: memref<96xf32, #tpu.memory_space<vmem>>, %arg9: memref<96xf32, #tpu.memory_space<vmem>>, %arg10: memref<96xf32, #tpu.memory_space<vmem>>, %arg11: memref<!tpu.dma_semaphore, #tpu.memory_space<semaphore_mem>>) attributes {dimension_semantics = [#tpu.dimension_semantics<core_parallel>, #tpu.dimension_semantics<subcore_parallel>], iteration_bounds = array<i64: 2, 16>, scalar_prefetch = 0 : i64, scratch_operands = 5 : i64, tpu.core_type = #tpu.core_type<sc_vector_subcore>, window_params = [{transform_indices = #map}, {transform_indices = #map}, {transform_indices = #map}, {transform_indices = #map}, {transform_indices = #map}]} {
    %mul3A = arith.constant 2 : i32
    %mul3A_0 = arith.muli %arg1, %mul3A : i32
    %add3A = arith.addi %mul3A_0, %arg0 : i32
    %mul3A_1 = arith.constant 96 : i32
    %mul3A_2 = arith.muli %add3A, %mul3A_1 : i32
    "tpu.region"() ({
      %run_scoped3A = tpu.sem_alloc : memref<!tpu.dma_semaphore, #tpu.memory_space<semaphore_mem>>
      %dma_start3A_17 = tpu.memref_slice %arg5[%mul3A_2] : memref<3072xi32, #tpu.memory_space<hbm>> -> memref<96xi32, #tpu.memory_space<hbm>>
      %dma_start3A_18 = tpu.memref_slice %arg5[%mul3A_2] : memref<3072xi32, #tpu.memory_space<hbm>> -> memref<96xi32, #tpu.memory_space<hbm>>
      tpu.enqueue_dma source(%dma_start3A_18 : memref<96xi32, #tpu.memory_space<hbm>>) target(%arg7 : memref<96xi32, #tpu.memory_space<vmem>>) target_semaphore(%run_scoped3A : memref<!tpu.dma_semaphore, #tpu.memory_space<semaphore_mem>>)
      %dma_wait3A_19 = tpu.memref_slice %arg5[%mul3A_2] : memref<3072xi32, #tpu.memory_space<hbm>> -> memref<96xi32, #tpu.memory_space<hbm>>
      %dma_wait3A_20 = tpu.memref_slice %arg5[%mul3A_2] : memref<3072xi32, #tpu.memory_space<hbm>> -> memref<96xi32, #tpu.memory_space<hbm>>
      tpu.wait_dma2 semaphore(%run_scoped3A : memref<!tpu.dma_semaphore, #tpu.memory_space<semaphore_mem>>) src(%dma_wait3A_20 : memref<96xi32, #tpu.memory_space<hbm>>) dst(%arg7 : memref<96xi32, #tpu.memory_space<vmem>>)
      tpu.yield
    }) : () -> ()
    %dma_start3A = arith.constant 0 : i32
    %dma_start3A_3 = tpu.memref_slice %arg2[%dma_start3A] : memref<6291456xf32, #tpu.memory_space<hbm>> -> memref<6291456xf32, #tpu.memory_space<hbm>>
    tpu.enqueue_indirect_dma source(%dma_start3A_3 : memref<6291456xf32, #tpu.memory_space<hbm>>) target(%arg8 : memref<96xf32, #tpu.memory_space<vmem>>) offsets(%arg7 : memref<96xi32, #tpu.memory_space<vmem>>) semaphore(%arg11 : memref<!tpu.dma_semaphore, #tpu.memory_space<semaphore_mem>>)
    %dma_start3A_4 = arith.constant 0 : i32
    %dma_start3A_5 = tpu.memref_slice %arg3[%dma_start3A_4] : memref<6291456xf32, #tpu.memory_space<hbm>> -> memref<6291456xf32, #tpu.memory_space<hbm>>
    tpu.enqueue_indirect_dma source(%dma_start3A_5 : memref<6291456xf32, #tpu.memory_space<hbm>>) target(%arg9 : memref<96xf32, #tpu.memory_space<vmem>>) offsets(%arg7 : memref<96xi32, #tpu.memory_space<vmem>>) semaphore(%arg11 : memref<!tpu.dma_semaphore, #tpu.memory_space<semaphore_mem>>)
    %dma_start3A_6 = arith.constant 0 : i32
    %dma_start3A_7 = tpu.memref_slice %arg4[%dma_start3A_6] : memref<6291456xf32, #tpu.memory_space<hbm>> -> memref<6291456xf32, #tpu.memory_space<hbm>>
    tpu.enqueue_indirect_dma source(%dma_start3A_7 : memref<6291456xf32, #tpu.memory_space<hbm>>) target(%arg10 : memref<96xf32, #tpu.memory_space<vmem>>) offsets(%arg7 : memref<96xi32, #tpu.memory_space<vmem>>) semaphore(%arg11 : memref<!tpu.dma_semaphore, #tpu.memory_space<semaphore_mem>>)
    %dma_wait3A = arith.constant 0 : i32
    %dma_wait3A_8 = tpu.memref_slice %arg2[%dma_wait3A] : memref<6291456xf32, #tpu.memory_space<hbm>> -> memref<6291456xf32, #tpu.memory_space<hbm>>
    tpu.wait_indirect_dma semaphore(%arg11 : memref<!tpu.dma_semaphore, #tpu.memory_space<semaphore_mem>>) src(%dma_wait3A_8 : memref<6291456xf32, #tpu.memory_space<hbm>>) dst(%arg8 : memref<96xf32, #tpu.memory_space<vmem>>)
    %dma_wait3A_9 = arith.constant 0 : i32
    %dma_wait3A_10 = tpu.memref_slice %arg3[%dma_wait3A_9] : memref<6291456xf32, #tpu.memory_space<hbm>> -> memref<6291456xf32, #tpu.memory_space<hbm>>
    tpu.wait_indirect_dma semaphore(%arg11 : memref<!tpu.dma_semaphore, #tpu.memory_space<semaphore_mem>>) src(%dma_wait3A_10 : memref<6291456xf32, #tpu.memory_space<hbm>>) dst(%arg9 : memref<96xf32, #tpu.memory_space<vmem>>)
    %dma_wait3A_11 = arith.constant 0 : i32
    %dma_wait3A_12 = tpu.memref_slice %arg4[%dma_wait3A_11] : memref<6291456xf32, #tpu.memory_space<hbm>> -> memref<6291456xf32, #tpu.memory_space<hbm>>
    tpu.wait_indirect_dma semaphore(%arg11 : memref<!tpu.dma_semaphore, #tpu.memory_space<semaphore_mem>>) src(%dma_wait3A_12 : memref<6291456xf32, #tpu.memory_space<hbm>>) dst(%arg10 : memref<96xf32, #tpu.memory_space<vmem>>)
    "tpu.region"() ({
      %run_scoped3A = tpu.sem_alloc : memref<!tpu.dma_semaphore, #tpu.memory_space<semaphore_mem>>
      %dma_start3A_17 = tpu.memref_slice %arg6[%mul3A_2] : memref<9216xf32, #tpu.memory_space<hbm>> -> memref<96xf32, #tpu.memory_space<hbm>>
      %dma_start3A_18 = tpu.memref_slice %arg6[%mul3A_2] : memref<9216xf32, #tpu.memory_space<hbm>> -> memref<96xf32, #tpu.memory_space<hbm>>
      tpu.enqueue_dma source(%arg8 : memref<96xf32, #tpu.memory_space<vmem>>) target(%dma_start3A_18 : memref<96xf32, #tpu.memory_space<hbm>>) target_semaphore(%run_scoped3A : memref<!tpu.dma_semaphore, #tpu.memory_space<semaphore_mem>>)
      %dma_wait3A_19 = tpu.memref_slice %arg6[%mul3A_2] : memref<9216xf32, #tpu.memory_space<hbm>> -> memref<96xf32, #tpu.memory_space<hbm>>
      %dma_wait3A_20 = tpu.memref_slice %arg6[%mul3A_2] : memref<9216xf32, #tpu.memory_space<hbm>> -> memref<96xf32, #tpu.memory_space<hbm>>
      tpu.wait_dma2 semaphore(%run_scoped3A : memref<!tpu.dma_semaphore, #tpu.memory_space<semaphore_mem>>) src(%arg8 : memref<96xf32, #tpu.memory_space<vmem>>) dst(%dma_wait3A_20 : memref<96xf32, #tpu.memory_space<hbm>>)
      tpu.yield
    }) : () -> ()
    %add3A_13 = arith.constant 3072 : i32
    %add3A_14 = arith.addi %add3A_13, %mul3A_2 : i32
    "tpu.region"() ({
      %run_scoped3A = tpu.sem_alloc : memref<!tpu.dma_semaphore, #tpu.memory_space<semaphore_mem>>
      %dma_start3A_17 = tpu.memref_slice %arg6[%add3A_14] : memref<9216xf32, #tpu.memory_space<hbm>> -> memref<96xf32, #tpu.memory_space<hbm>>
      %dma_start3A_18 = tpu.memref_slice %arg6[%add3A_14] : memref<9216xf32, #tpu.memory_space<hbm>> -> memref<96xf32, #tpu.memory_space<hbm>>
      tpu.enqueue_dma source(%arg9 : memref<96xf32, #tpu.memory_space<vmem>>) target(%dma_start3A_18 : memref<96xf32, #tpu.memory_space<hbm>>) target_semaphore(%run_scoped3A : memref<!tpu.dma_semaphore, #tpu.memory_space<semaphore_mem>>)
      %dma_wait3A_19 = tpu.memref_slice %arg6[%add3A_14] : memref<9216xf32, #tpu.memory_space<hbm>> -> memref<96xf32, #tpu.memory_space<hbm>>
      %dma_wait3A_20 = tpu.memref_slice %arg6[%add3A_14] : memref<9216xf32, #tpu.memory_space<hbm>> -> memref<96xf32, #tpu.memory_space<hbm>>
      tpu.wait_dma2 semaphore(%run_scoped3A : memref<!tpu.dma_semaphore, #tpu.memory_space<semaphore_mem>>) src(%arg9 : memref<96xf32, #tpu.memory_space<vmem>>) dst(%dma_wait3A_20 : memref<96xf32, #tpu.memory_space<hbm>>)
      tpu.yield
    }) : () -> ()
    %add3A_15 = arith.constant 6144 : i32
    %add3A_16 = arith.addi %add3A_15, %mul3A_2 : i32
    "tpu.region"() ({
      %run_scoped3A = tpu.sem_alloc : memref<!tpu.dma_semaphore, #tpu.memory_space<semaphore_mem>>
      %dma_start3A_17 = tpu.memref_slice %arg6[%add3A_16] : memref<9216xf32, #tpu.memory_space<hbm>> -> memref<96xf32, #tpu.memory_space<hbm>>
      %dma_start3A_18 = tpu.memref_slice %arg6[%add3A_16] : memref<9216xf32, #tpu.memory_space<hbm>> -> memref<96xf32, #tpu.memory_space<hbm>>
      tpu.enqueue_dma source(%arg10 : memref<96xf32, #tpu.memory_space<vmem>>) target(%dma_start3A_18 : memref<96xf32, #tpu.memory_space<hbm>>) target_semaphore(%run_scoped3A : memref<!tpu.dma_semaphore, #tpu.memory_space<semaphore_mem>>)
      %dma_wait3A_19 = tpu.memref_slice %arg6[%add3A_16] : memref<9216xf32, #tpu.memory_space<hbm>> -> memref<96xf32, #tpu.memory_space<hbm>>
      %dma_wait3A_20 = tpu.memref_slice %arg6[%add3A_16] : memref<9216xf32, #tpu.memory_space<hbm>> -> memref<96xf32, #tpu.memory_space<hbm>>
      tpu.wait_dma2 semaphore(%run_scoped3A : memref<!tpu.dma_semaphore, #tpu.memory_space<semaphore_mem>>) src(%arg10 : memref<96xf32, #tpu.memory_space<vmem>>) dst(%dma_wait3A_20 : memref<96xf32, #tpu.memory_space<hbm>>)
      tpu.yield
    }) : () -> ()
    return
  }
}

#map = affine_map<(d0, d1) -> (0)>
module attributes {stable_mosaic.version = 14 : i64} {
  func.func @_sc_gather(%arg0: i32, %arg1: i32, %arg2: memref<6291456xf32, #tpu.memory_space<hbm>>, %arg3: memref<6291456xf32, #tpu.memory_space<hbm>>, %arg4: memref<6291456xf32, #tpu.memory_space<hbm>>, %arg5: memref<3072xi32, #tpu.memory_space<hbm>>, %arg6: memref<9216xf32, #tpu.memory_space<hbm>>, %arg7: memref<96xi32, #tpu.memory_space<vmem>>, %arg8: memref<96xf32, #tpu.memory_space<vmem>>, %arg9: memref<96xf32, #tpu.memory_space<vmem>>, %arg10: memref<96xf32, #tpu.memory_space<vmem>>, %arg11: memref<!tpu.dma_semaphore, #tpu.memory_space<semaphore_mem>>) attributes {dimension_semantics = [#tpu.dimension_semantics<core_parallel>, #tpu.dimension_semantics<subcore_parallel>], iteration_bounds = array<i64: 2, 16>, scalar_prefetch = 0 : i64, scratch_operands = 5 : i64, tpu.core_type = #tpu.core_type<sc_vector_subcore>, window_params = [{transform_indices = #map}, {transform_indices = #map}, {transform_indices = #map}, {transform_indices = #map}, {transform_indices = #map}]} {
    %mul3A = arith.constant 2 : i32
    %mul3A_0 = arith.muli %arg1, %mul3A : i32
    %add3A = arith.addi %mul3A_0, %arg0 : i32
    %mul3A_1 = arith.constant 96 : i32
    %mul3A_2 = arith.muli %add3A, %mul3A_1 : i32
    "tpu.region"() ({
      %run_scoped3A = tpu.sem_alloc : memref<!tpu.dma_semaphore, #tpu.memory_space<semaphore_mem>>
      %dma_start3A_17 = tpu.memref_slice %arg5[%mul3A_2] : memref<3072xi32, #tpu.memory_space<hbm>> -> memref<96xi32, #tpu.memory_space<hbm>>
      %dma_start3A_18 = tpu.memref_slice %arg5[%mul3A_2] : memref<3072xi32, #tpu.memory_space<hbm>> -> memref<96xi32, #tpu.memory_space<hbm>>
      tpu.enqueue_dma source(%dma_start3A_18 : memref<96xi32, #tpu.memory_space<hbm>>) target(%arg7 : memref<96xi32, #tpu.memory_space<vmem>>) target_semaphore(%run_scoped3A : memref<!tpu.dma_semaphore, #tpu.memory_space<semaphore_mem>>)
      %dma_wait3A_19 = tpu.memref_slice %arg5[%mul3A_2] : memref<3072xi32, #tpu.memory_space<hbm>> -> memref<96xi32, #tpu.memory_space<hbm>>
      %dma_wait3A_20 = tpu.memref_slice %arg5[%mul3A_2] : memref<3072xi32, #tpu.memory_space<hbm>> -> memref<96xi32, #tpu.memory_space<hbm>>
      tpu.wait_dma2 semaphore(%run_scoped3A : memref<!tpu.dma_semaphore, #tpu.memory_space<semaphore_mem>>) src(%dma_wait3A_20 : memref<96xi32, #tpu.memory_space<hbm>>) dst(%arg7 : memref<96xi32, #tpu.memory_space<vmem>>)
      tpu.yield
    }) : () -> ()
    %dma_start3A = arith.constant 0 : i32
    %dma_start3A_3 = tpu.memref_slice %arg2[%dma_start3A] : memref<6291456xf32, #tpu.memory_space<hbm>> -> memref<6291456xf32, #tpu.memory_space<hbm>>
    tpu.enqueue_indirect_dma source(%dma_start3A_3 : memref<6291456xf32, #tpu.memory_space<hbm>>) target(%arg8 : memref<96xf32, #tpu.memory_space<vmem>>) offsets(%arg7 : memref<96xi32, #tpu.memory_space<vmem>>) semaphore(%arg11 : memref<!tpu.dma_semaphore, #tpu.memory_space<semaphore_mem>>)
    %dma_start3A_4 = arith.constant 0 : i32
    %dma_start3A_5 = tpu.memref_slice %arg3[%dma_start3A_4] : memref<6291456xf32, #tpu.memory_space<hbm>> -> memref<6291456xf32, #tpu.memory_space<hbm>>
    tpu.enqueue_indirect_dma source(%dma_start3A_5 : memref<6291456xf32, #tpu.memory_space<hbm>>) target(%arg9 : memref<96xf32, #tpu.memory_space<vmem>>) offsets(%arg7 : memref<96xi32, #tpu.memory_space<vmem>>) semaphore(%arg11 : memref<!tpu.dma_semaphore, #tpu.memory_space<semaphore_mem>>)
    %dma_start3A_6 = arith.constant 0 : i32
    %dma_start3A_7 = tpu.memref_slice %arg4[%dma_start3A_6] : memref<6291456xf32, #tpu.memory_space<hbm>> -> memref<6291456xf32, #tpu.memory_space<hbm>>
    tpu.enqueue_indirect_dma source(%dma_start3A_7 : memref<6291456xf32, #tpu.memory_space<hbm>>) target(%arg10 : memref<96xf32, #tpu.memory_space<vmem>>) offsets(%arg7 : memref<96xi32, #tpu.memory_space<vmem>>) semaphore(%arg11 : memref<!tpu.dma_semaphore, #tpu.memory_space<semaphore_mem>>)
    %dma_wait3A = arith.constant 0 : i32
    %dma_wait3A_8 = tpu.memref_slice %arg2[%dma_wait3A] : memref<6291456xf32, #tpu.memory_space<hbm>> -> memref<6291456xf32, #tpu.memory_space<hbm>>
    tpu.wait_indirect_dma semaphore(%arg11 : memref<!tpu.dma_semaphore, #tpu.memory_space<semaphore_mem>>) src(%dma_wait3A_8 : memref<6291456xf32, #tpu.memory_space<hbm>>) dst(%arg8 : memref<96xf32, #tpu.memory_space<vmem>>)
    %dma_wait3A_9 = arith.constant 0 : i32
    %dma_wait3A_10 = tpu.memref_slice %arg3[%dma_wait3A_9] : memref<6291456xf32, #tpu.memory_space<hbm>> -> memref<6291456xf32, #tpu.memory_space<hbm>>
    tpu.wait_indirect_dma semaphore(%arg11 : memref<!tpu.dma_semaphore, #tpu.memory_space<semaphore_mem>>) src(%dma_wait3A_10 : memref<6291456xf32, #tpu.memory_space<hbm>>) dst(%arg9 : memref<96xf32, #tpu.memory_space<vmem>>)
    %dma_wait3A_11 = arith.constant 0 : i32
    %dma_wait3A_12 = tpu.memref_slice %arg4[%dma_wait3A_11] : memref<6291456xf32, #tpu.memory_space<hbm>> -> memref<6291456xf32, #tpu.memory_space<hbm>>
    tpu.wait_indirect_dma semaphore(%arg11 : memref<!tpu.dma_semaphore, #tpu.memory_space<semaphore_mem>>) src(%dma_wait3A_12 : memref<6291456xf32, #tpu.memory_space<hbm>>) dst(%arg10 : memref<96xf32, #tpu.memory_space<vmem>>)
    "tpu.region"() ({
      %run_scoped3A = tpu.sem_alloc : memref<!tpu.dma_semaphore, #tpu.memory_space<semaphore_mem>>
      %dma_start3A_17 = tpu.memref_slice %arg6[%mul3A_2] : memref<9216xf32, #tpu.memory_space<hbm>> -> memref<96xf32, #tpu.memory_space<hbm>>
      %dma_start3A_18 = tpu.memref_slice %arg6[%mul3A_2] : memref<9216xf32, #tpu.memory_space<hbm>> -> memref<96xf32, #tpu.memory_space<hbm>>
      tpu.enqueue_dma source(%arg8 : memref<96xf32, #tpu.memory_space<vmem>>) target(%dma_start3A_18 : memref<96xf32, #tpu.memory_space<hbm>>) target_semaphore(%run_scoped3A : memref<!tpu.dma_semaphore, #tpu.memory_space<semaphore_mem>>)
      %dma_wait3A_19 = tpu.memref_slice %arg6[%mul3A_2] : memref<9216xf32, #tpu.memory_space<hbm>> -> memref<96xf32, #tpu.memory_space<hbm>>
      %dma_wait3A_20 = tpu.memref_slice %arg6[%mul3A_2] : memref<9216xf32, #tpu.memory_space<hbm>> -> memref<96xf32, #tpu.memory_space<hbm>>
      tpu.wait_dma2 semaphore(%run_scoped3A : memref<!tpu.dma_semaphore, #tpu.memory_space<semaphore_mem>>) src(%arg8 : memref<96xf32, #tpu.memory_space<vmem>>) dst(%dma_wait3A_20 : memref<96xf32, #tpu.memory_space<hbm>>)
      tpu.yield
    }) : () -> ()
    %add3A_13 = arith.constant 3072 : i32
    %add3A_14 = arith.addi %add3A_13, %mul3A_2 : i32
    "tpu.region"() ({
      %run_scoped3A = tpu.sem_alloc : memref<!tpu.dma_semaphore, #tpu.memory_space<semaphore_mem>>
      %dma_start3A_17 = tpu.memref_slice %arg6[%add3A_14] : memref<9216xf32, #tpu.memory_space<hbm>> -> memref<96xf32, #tpu.memory_space<hbm>>
      %dma_start3A_18 = tpu.memref_slice %arg6[%add3A_14] : memref<9216xf32, #tpu.memory_space<hbm>> -> memref<96xf32, #tpu.memory_space<hbm>>
      tpu.enqueue_dma source(%arg9 : memref<96xf32, #tpu.memory_space<vmem>>) target(%dma_start3A_18 : memref<96xf32, #tpu.memory_space<hbm>>) target_semaphore(%run_scoped3A : memref<!tpu.dma_semaphore, #tpu.memory_space<semaphore_mem>>)
      %dma_wait3A_19 = tpu.memref_slice %arg6[%add3A_14] : memref<9216xf32, #tpu.memory_space<hbm>> -> memref<96xf32, #tpu.memory_space<hbm>>
      %dma_wait3A_20 = tpu.memref_slice %arg6[%add3A_14] : memref<9216xf32, #tpu.memory_space<hbm>> -> memref<96xf32, #tpu.memory_space<hbm>>
      tpu.wait_dma2 semaphore(%run_scoped3A : memref<!tpu.dma_semaphore, #tpu.memory_space<semaphore_mem>>) src(%arg9 : memref<96xf32, #tpu.memory_space<vmem>>) dst(%dma_wait3A_20 : memref<96xf32, #tpu.memory_space<hbm>>)
      tpu.yield
    }) : () -> ()
    %add3A_15 = arith.constant 6144 : i32
    %add3A_16 = arith.addi %add3A_15, %mul3A_2 : i32
    "tpu.region"() ({
      %run_scoped3A = tpu.sem_alloc : memref<!tpu.dma_semaphore, #tpu.memory_space<semaphore_mem>>
      %dma_start3A_17 = tpu.memref_slice %arg6[%add3A_16] : memref<9216xf32, #tpu.memory_space<hbm>> -> memref<96xf32, #tpu.memory_space<hbm>>
      %dma_start3A_18 = tpu.memref_slice %arg6[%add3A_16] : memref<9216xf32, #tpu.memory_space<hbm>> -> memref<96xf32, #tpu.memory_space<hbm>>
      tpu.enqueue_dma source(%arg10 : memref<96xf32, #tpu.memory_space<vmem>>) target(%dma_start3A_18 : memref<96xf32, #tpu.memory_space<hbm>>) target_semaphore(%run_scoped3A : memref<!tpu.dma_semaphore, #tpu.memory_space<semaphore_mem>>)
      %dma_wait3A_19 = tpu.memref_slice %arg6[%add3A_16] : memref<9216xf32, #tpu.memory_space<hbm>> -> memref<96xf32, #tpu.memory_space<hbm>>
      %dma_wait3A_20 = tpu.memref_slice %arg6[%add3A_16] : memref<9216xf32, #tpu.memory_space<hbm>> -> memref<96xf32, #tpu.memory_space<hbm>>
      tpu.wait_dma2 semaphore(%run_scoped3A : memref<!tpu.dma_semaphore, #tpu.memory_space<semaphore_mem>>) src(%arg10 : memref<96xf32, #tpu.memory_space<vmem>>) dst(%dma_wait3A_20 : memref<96xf32, #tpu.memory_space<hbm>>)
      tpu.yield
    }) : () -> ()
    return
  }
}

#map = affine_map<(d0, d1) -> (0)>
module attributes {stable_mosaic.version = 14 : i64} {
  func.func @_sc_gather(%arg0: i32, %arg1: i32, %arg2: memref<6291456xf32, #tpu.memory_space<hbm>>, %arg3: memref<6291456xf32, #tpu.memory_space<hbm>>, %arg4: memref<6291456xf32, #tpu.memory_space<hbm>>, %arg5: memref<3072xi32, #tpu.memory_space<hbm>>, %arg6: memref<9216xf32, #tpu.memory_space<hbm>>, %arg7: memref<96xi32, #tpu.memory_space<vmem>>, %arg8: memref<96xf32, #tpu.memory_space<vmem>>, %arg9: memref<96xf32, #tpu.memory_space<vmem>>, %arg10: memref<96xf32, #tpu.memory_space<vmem>>, %arg11: memref<!tpu.dma_semaphore, #tpu.memory_space<semaphore_mem>>) attributes {dimension_semantics = [#tpu.dimension_semantics<core_parallel>, #tpu.dimension_semantics<subcore_parallel>], iteration_bounds = array<i64: 2, 16>, scalar_prefetch = 0 : i64, scratch_operands = 5 : i64, tpu.core_type = #tpu.core_type<sc_vector_subcore>, window_params = [{transform_indices = #map}, {transform_indices = #map}, {transform_indices = #map}, {transform_indices = #map}, {transform_indices = #map}]} {
    %mul3A = arith.constant 2 : i32
    %mul3A_0 = arith.muli %arg1, %mul3A : i32
    %add3A = arith.addi %mul3A_0, %arg0 : i32
    %mul3A_1 = arith.constant 96 : i32
    %mul3A_2 = arith.muli %add3A, %mul3A_1 : i32
    "tpu.region"() ({
      %run_scoped3A = tpu.sem_alloc : memref<!tpu.dma_semaphore, #tpu.memory_space<semaphore_mem>>
      %dma_start3A_17 = tpu.memref_slice %arg5[%mul3A_2] : memref<3072xi32, #tpu.memory_space<hbm>> -> memref<96xi32, #tpu.memory_space<hbm>>
      %dma_start3A_18 = tpu.memref_slice %arg5[%mul3A_2] : memref<3072xi32, #tpu.memory_space<hbm>> -> memref<96xi32, #tpu.memory_space<hbm>>
      tpu.enqueue_dma source(%dma_start3A_18 : memref<96xi32, #tpu.memory_space<hbm>>) target(%arg7 : memref<96xi32, #tpu.memory_space<vmem>>) target_semaphore(%run_scoped3A : memref<!tpu.dma_semaphore, #tpu.memory_space<semaphore_mem>>)
      %dma_wait3A_19 = tpu.memref_slice %arg5[%mul3A_2] : memref<3072xi32, #tpu.memory_space<hbm>> -> memref<96xi32, #tpu.memory_space<hbm>>
      %dma_wait3A_20 = tpu.memref_slice %arg5[%mul3A_2] : memref<3072xi32, #tpu.memory_space<hbm>> -> memref<96xi32, #tpu.memory_space<hbm>>
      tpu.wait_dma2 semaphore(%run_scoped3A : memref<!tpu.dma_semaphore, #tpu.memory_space<semaphore_mem>>) src(%dma_wait3A_20 : memref<96xi32, #tpu.memory_space<hbm>>) dst(%arg7 : memref<96xi32, #tpu.memory_space<vmem>>)
      tpu.yield
    }) : () -> ()
    %dma_start3A = arith.constant 0 : i32
    %dma_start3A_3 = tpu.memref_slice %arg2[%dma_start3A] : memref<6291456xf32, #tpu.memory_space<hbm>> -> memref<6291456xf32, #tpu.memory_space<hbm>>
    tpu.enqueue_indirect_dma source(%dma_start3A_3 : memref<6291456xf32, #tpu.memory_space<hbm>>) target(%arg8 : memref<96xf32, #tpu.memory_space<vmem>>) offsets(%arg7 : memref<96xi32, #tpu.memory_space<vmem>>) semaphore(%arg11 : memref<!tpu.dma_semaphore, #tpu.memory_space<semaphore_mem>>)
    %dma_start3A_4 = arith.constant 0 : i32
    %dma_start3A_5 = tpu.memref_slice %arg3[%dma_start3A_4] : memref<6291456xf32, #tpu.memory_space<hbm>> -> memref<6291456xf32, #tpu.memory_space<hbm>>
    tpu.enqueue_indirect_dma source(%dma_start3A_5 : memref<6291456xf32, #tpu.memory_space<hbm>>) target(%arg9 : memref<96xf32, #tpu.memory_space<vmem>>) offsets(%arg7 : memref<96xi32, #tpu.memory_space<vmem>>) semaphore(%arg11 : memref<!tpu.dma_semaphore, #tpu.memory_space<semaphore_mem>>)
    %dma_start3A_6 = arith.constant 0 : i32
    %dma_start3A_7 = tpu.memref_slice %arg4[%dma_start3A_6] : memref<6291456xf32, #tpu.memory_space<hbm>> -> memref<6291456xf32, #tpu.memory_space<hbm>>
    tpu.enqueue_indirect_dma source(%dma_start3A_7 : memref<6291456xf32, #tpu.memory_space<hbm>>) target(%arg10 : memref<96xf32, #tpu.memory_space<vmem>>) offsets(%arg7 : memref<96xi32, #tpu.memory_space<vmem>>) semaphore(%arg11 : memref<!tpu.dma_semaphore, #tpu.memory_space<semaphore_mem>>)
    %dma_wait3A = arith.constant 0 : i32
    %dma_wait3A_8 = tpu.memref_slice %arg2[%dma_wait3A] : memref<6291456xf32, #tpu.memory_space<hbm>> -> memref<6291456xf32, #tpu.memory_space<hbm>>
    tpu.wait_indirect_dma semaphore(%arg11 : memref<!tpu.dma_semaphore, #tpu.memory_space<semaphore_mem>>) src(%dma_wait3A_8 : memref<6291456xf32, #tpu.memory_space<hbm>>) dst(%arg8 : memref<96xf32, #tpu.memory_space<vmem>>)
    %dma_wait3A_9 = arith.constant 0 : i32
    %dma_wait3A_10 = tpu.memref_slice %arg3[%dma_wait3A_9] : memref<6291456xf32, #tpu.memory_space<hbm>> -> memref<6291456xf32, #tpu.memory_space<hbm>>
    tpu.wait_indirect_dma semaphore(%arg11 : memref<!tpu.dma_semaphore, #tpu.memory_space<semaphore_mem>>) src(%dma_wait3A_10 : memref<6291456xf32, #tpu.memory_space<hbm>>) dst(%arg9 : memref<96xf32, #tpu.memory_space<vmem>>)
    %dma_wait3A_11 = arith.constant 0 : i32
    %dma_wait3A_12 = tpu.memref_slice %arg4[%dma_wait3A_11] : memref<6291456xf32, #tpu.memory_space<hbm>> -> memref<6291456xf32, #tpu.memory_space<hbm>>
    tpu.wait_indirect_dma semaphore(%arg11 : memref<!tpu.dma_semaphore, #tpu.memory_space<semaphore_mem>>) src(%dma_wait3A_12 : memref<6291456xf32, #tpu.memory_space<hbm>>) dst(%arg10 : memref<96xf32, #tpu.memory_space<vmem>>)
    "tpu.region"() ({
      %run_scoped3A = tpu.sem_alloc : memref<!tpu.dma_semaphore, #tpu.memory_space<semaphore_mem>>
      %dma_start3A_17 = tpu.memref_slice %arg6[%mul3A_2] : memref<9216xf32, #tpu.memory_space<hbm>> -> memref<96xf32, #tpu.memory_space<hbm>>
      %dma_start3A_18 = tpu.memref_slice %arg6[%mul3A_2] : memref<9216xf32, #tpu.memory_space<hbm>> -> memref<96xf32, #tpu.memory_space<hbm>>
      tpu.enqueue_dma source(%arg8 : memref<96xf32, #tpu.memory_space<vmem>>) target(%dma_start3A_18 : memref<96xf32, #tpu.memory_space<hbm>>) target_semaphore(%run_scoped3A : memref<!tpu.dma_semaphore, #tpu.memory_space<semaphore_mem>>)
      %dma_wait3A_19 = tpu.memref_slice %arg6[%mul3A_2] : memref<9216xf32, #tpu.memory_space<hbm>> -> memref<96xf32, #tpu.memory_space<hbm>>
      %dma_wait3A_20 = tpu.memref_slice %arg6[%mul3A_2] : memref<9216xf32, #tpu.memory_space<hbm>> -> memref<96xf32, #tpu.memory_space<hbm>>
      tpu.wait_dma2 semaphore(%run_scoped3A : memref<!tpu.dma_semaphore, #tpu.memory_space<semaphore_mem>>) src(%arg8 : memref<96xf32, #tpu.memory_space<vmem>>) dst(%dma_wait3A_20 : memref<96xf32, #tpu.memory_space<hbm>>)
      tpu.yield
    }) : () -> ()
    %add3A_13 = arith.constant 3072 : i32
    %add3A_14 = arith.addi %add3A_13, %mul3A_2 : i32
    "tpu.region"() ({
      %run_scoped3A = tpu.sem_alloc : memref<!tpu.dma_semaphore, #tpu.memory_space<semaphore_mem>>
      %dma_start3A_17 = tpu.memref_slice %arg6[%add3A_14] : memref<9216xf32, #tpu.memory_space<hbm>> -> memref<96xf32, #tpu.memory_space<hbm>>
      %dma_start3A_18 = tpu.memref_slice %arg6[%add3A_14] : memref<9216xf32, #tpu.memory_space<hbm>> -> memref<96xf32, #tpu.memory_space<hbm>>
      tpu.enqueue_dma source(%arg9 : memref<96xf32, #tpu.memory_space<vmem>>) target(%dma_start3A_18 : memref<96xf32, #tpu.memory_space<hbm>>) target_semaphore(%run_scoped3A : memref<!tpu.dma_semaphore, #tpu.memory_space<semaphore_mem>>)
      %dma_wait3A_19 = tpu.memref_slice %arg6[%add3A_14] : memref<9216xf32, #tpu.memory_space<hbm>> -> memref<96xf32, #tpu.memory_space<hbm>>
      %dma_wait3A_20 = tpu.memref_slice %arg6[%add3A_14] : memref<9216xf32, #tpu.memory_space<hbm>> -> memref<96xf32, #tpu.memory_space<hbm>>
      tpu.wait_dma2 semaphore(%run_scoped3A : memref<!tpu.dma_semaphore, #tpu.memory_space<semaphore_mem>>) src(%arg9 : memref<96xf32, #tpu.memory_space<vmem>>) dst(%dma_wait3A_20 : memref<96xf32, #tpu.memory_space<hbm>>)
      tpu.yield
    }) : () -> ()
    %add3A_15 = arith.constant 6144 : i32
    %add3A_16 = arith.addi %add3A_15, %mul3A_2 : i32
    "tpu.region"() ({
      %run_scoped3A = tpu.sem_alloc : memref<!tpu.dma_semaphore, #tpu.memory_space<semaphore_mem>>
      %dma_start3A_17 = tpu.memref_slice %arg6[%add3A_16] : memref<9216xf32, #tpu.memory_space<hbm>> -> memref<96xf32, #tpu.memory_space<hbm>>
      %dma_start3A_18 = tpu.memref_slice %arg6[%add3A_16] : memref<9216xf32, #tpu.memory_space<hbm>> -> memref<96xf32, #tpu.memory_space<hbm>>
      tpu.enqueue_dma source(%arg10 : memref<96xf32, #tpu.memory_space<vmem>>) target(%dma_start3A_18 : memref<96xf32, #tpu.memory_space<hbm>>) target_semaphore(%run_scoped3A : memref<!tpu.dma_semaphore, #tpu.memory_space<semaphore_mem>>)
      %dma_wait3A_19 = tpu.memref_slice %arg6[%add3A_16] : memref<9216xf32, #tpu.memory_space<hbm>> -> memref<96xf32, #tpu.memory_space<hbm>>
      %dma_wait3A_20 = tpu.memref_slice %arg6[%add3A_16] : memref<9216xf32, #tpu.memory_space<hbm>> -> memref<96xf32, #tpu.memory_space<hbm>>
      tpu.wait_dma2 semaphore(%run_scoped3A : memref<!tpu.dma_semaphore, #tpu.memory_space<semaphore_mem>>) src(%arg10 : memref<96xf32, #tpu.memory_space<vmem>>) dst(%dma_wait3A_20 : memref<96xf32, #tpu.memory_space<hbm>>)
      tpu.yield
    }) : () -> ()
    return
  }
}

#map = affine_map<(d0, d1) -> (0)>
module attributes {stable_mosaic.version = 14 : i64} {
  func.func @new_body(%arg0: i32, %arg1: i32, %arg2: memref<6291456xf32, #tpu.memory_space<hbm>>, %arg3: memref<3072xi32, #tpu.memory_space<hbm>>, %arg4: memref<3072xf32, #tpu.memory_space<hbm>>, %arg5: memref<6291456xf32, #tpu.memory_space<hbm>>, %arg6: memref<96xi32, #tpu.memory_space<vmem>>, %arg7: memref<96xf32, #tpu.memory_space<vmem>>) attributes {dimension_semantics = [#tpu.dimension_semantics<core_parallel>, #tpu.dimension_semantics<subcore_parallel>], iteration_bounds = array<i64: 2, 16>, scalar_prefetch = 0 : i64, scratch_operands = 2 : i64, tpu.core_type = #tpu.core_type<sc_vector_subcore>, window_params = [{transform_indices = #map}, {transform_indices = #map}, {transform_indices = #map}, {transform_indices = #map}]} {
    %mul3A = arith.constant 2 : i32
    %mul3A_0 = arith.muli %arg1, %mul3A : i32
    %add3A = arith.addi %mul3A_0, %arg0 : i32
    %mul3A_1 = arith.constant 96 : i32
    %mul3A_2 = arith.muli %add3A, %mul3A_1 : i32
    "tpu.region"() ({
      %run_scoped3A = tpu.sem_alloc : memref<!tpu.dma_semaphore, #tpu.memory_space<semaphore_mem>>
      %dma_start3A = tpu.memref_slice %arg3[%mul3A_2] : memref<3072xi32, #tpu.memory_space<hbm>> -> memref<96xi32, #tpu.memory_space<hbm>>
      %dma_start3A_3 = tpu.memref_slice %arg3[%mul3A_2] : memref<3072xi32, #tpu.memory_space<hbm>> -> memref<96xi32, #tpu.memory_space<hbm>>
      tpu.enqueue_dma source(%dma_start3A_3 : memref<96xi32, #tpu.memory_space<hbm>>) target(%arg6 : memref<96xi32, #tpu.memory_space<vmem>>) target_semaphore(%run_scoped3A : memref<!tpu.dma_semaphore, #tpu.memory_space<semaphore_mem>>)
      %dma_wait3A = tpu.memref_slice %arg3[%mul3A_2] : memref<3072xi32, #tpu.memory_space<hbm>> -> memref<96xi32, #tpu.memory_space<hbm>>
      %dma_wait3A_4 = tpu.memref_slice %arg3[%mul3A_2] : memref<3072xi32, #tpu.memory_space<hbm>> -> memref<96xi32, #tpu.memory_space<hbm>>
      tpu.wait_dma2 semaphore(%run_scoped3A : memref<!tpu.dma_semaphore, #tpu.memory_space<semaphore_mem>>) src(%dma_wait3A_4 : memref<96xi32, #tpu.memory_space<hbm>>) dst(%arg6 : memref<96xi32, #tpu.memory_space<vmem>>)
      tpu.yield
    }) : () -> ()
    "tpu.region"() ({
      %run_scoped3A = tpu.sem_alloc : memref<!tpu.dma_semaphore, #tpu.memory_space<semaphore_mem>>
      %dma_start3A = tpu.memref_slice %arg4[%mul3A_2] : memref<3072xf32, #tpu.memory_space<hbm>> -> memref<96xf32, #tpu.memory_space<hbm>>
      %dma_start3A_3 = tpu.memref_slice %arg4[%mul3A_2] : memref<3072xf32, #tpu.memory_space<hbm>> -> memref<96xf32, #tpu.memory_space<hbm>>
      tpu.enqueue_dma source(%dma_start3A_3 : memref<96xf32, #tpu.memory_space<hbm>>) target(%arg7 : memref<96xf32, #tpu.memory_space<vmem>>) target_semaphore(%run_scoped3A : memref<!tpu.dma_semaphore, #tpu.memory_space<semaphore_mem>>)
      %dma_wait3A = tpu.memref_slice %arg4[%mul3A_2] : memref<3072xf32, #tpu.memory_space<hbm>> -> memref<96xf32, #tpu.memory_space<hbm>>
      %dma_wait3A_4 = tpu.memref_slice %arg4[%mul3A_2] : memref<3072xf32, #tpu.memory_space<hbm>> -> memref<96xf32, #tpu.memory_space<hbm>>
      tpu.wait_dma2 semaphore(%run_scoped3A : memref<!tpu.dma_semaphore, #tpu.memory_space<semaphore_mem>>) src(%dma_wait3A_4 : memref<96xf32, #tpu.memory_space<hbm>>) dst(%arg7 : memref<96xf32, #tpu.memory_space<vmem>>)
      tpu.yield
    }) : () -> ()
    "tpu.region"() ({
      %run_scoped3A = tpu.sem_alloc : memref<!tpu.dma_semaphore, #tpu.memory_space<semaphore_mem>>
      %dma_start3A = arith.constant 0 : i32
      %dma_start3A_3 = tpu.memref_slice %arg2[%dma_start3A] : memref<6291456xf32, #tpu.memory_space<hbm>> -> memref<6291456xf32, #tpu.memory_space<hbm>>
      tpu.enqueue_indirect_dma source(%arg7 : memref<96xf32, #tpu.memory_space<vmem>>) target(%dma_start3A_3 : memref<6291456xf32, #tpu.memory_space<hbm>>) offsets(%arg6 : memref<96xi32, #tpu.memory_space<vmem>>) semaphore(%run_scoped3A : memref<!tpu.dma_semaphore, #tpu.memory_space<semaphore_mem>>)
      %dma_wait3A = arith.constant 0 : i32
      %dma_wait3A_4 = tpu.memref_slice %arg2[%dma_wait3A] : memref<6291456xf32, #tpu.memory_space<hbm>> -> memref<6291456xf32, #tpu.memory_space<hbm>>
      tpu.wait_indirect_dma semaphore(%run_scoped3A : memref<!tpu.dma_semaphore, #tpu.memory_space<semaphore_mem>>) src(%arg7 : memref<96xf32, #tpu.memory_space<vmem>>) dst(%dma_wait3A_4 : memref<6291456xf32, #tpu.memory_space<hbm>>)
      tpu.yield
    }) : () -> ()
    return
  }
}

module attributes {stable_mosaic.version = 14 : i64} {
  func.func @_j_body(%arg0: i32, %arg1: memref<2x512x512xf32, #tpu.memory_space<vmem>>, %arg2: memref<2x512x512xf32, #tpu.memory_space<vmem>>, %arg3: memref<512x256xf32, #tpu.memory_space<vmem>>, %arg4: memref<256x128xf32, #tpu.memory_space<vmem>>, %arg5: memref<128x64xf32, #tpu.memory_space<vmem>>, %arg6: memref<64x32xf32, #tpu.memory_space<vmem>>, %arg7: memref<32x16xf32, #tpu.memory_space<vmem>>, %arg8: memref<16x8xf32, #tpu.memory_space<vmem>>, %arg9: memref<8x4xf32, #tpu.memory_space<vmem>>, %arg10: memref<4x2xf32, #tpu.memory_space<vmem>>, %arg11: memref<2x1xf32, #tpu.memory_space<vmem>>, %arg12: memref<256x512xf32, #tpu.memory_space<vmem>>, %arg13: memref<128x512xf32, #tpu.memory_space<vmem>>, %arg14: memref<64x512xf32, #tpu.memory_space<vmem>>, %arg15: memref<32x512xf32, #tpu.memory_space<vmem>>, %arg16: memref<16x512xf32, #tpu.memory_space<vmem>>, %arg17: memref<8x512xf32, #tpu.memory_space<vmem>>, %arg18: memref<4x512xf32, #tpu.memory_space<vmem>>, %arg19: memref<2x512xf32, #tpu.memory_space<vmem>>, %arg20: memref<2x512x512xf32, #tpu.memory_space<vmem>>, %arg21: memref<2x512x512xf32, #tpu.memory_space<vmem>>) attributes {dimension_semantics = [#tpu.dimension_semantics<arbitrary>], iteration_bounds = array<i64: 12>, scalar_prefetch = 0 : i64, scratch_operands = 0 : i64, tpu.core_type = #tpu.core_type<tc>, window_params = [{transform_indices = @transform_0, window_bounds = array<i64: 2, 512, 512>}, {transform_indices = @transform_1, window_bounds = array<i64: 2, 512, 512>}, {pipeline_mode = #tpu.pipeline_mode<synchronous>, transform_indices = @transform_2, window_bounds = array<i64: 512, 256>}, {pipeline_mode = #tpu.pipeline_mode<synchronous>, transform_indices = @transform_3, window_bounds = array<i64: 256, 128>}, {pipeline_mode = #tpu.pipeline_mode<synchronous>, transform_indices = @transform_4, window_bounds = array<i64: 128, 64>}, {pipeline_mode = #tpu.pipeline_mode<synchronous>, transform_indices = @transform_5, window_bounds = array<i64: 64, 32>}, {pipeline_mode = #tpu.pipeline_mode<synchronous>, transform_indices = @transform_6, window_bounds = array<i64: 32, 16>}, {pipeline_mode = #tpu.pipeline_mode<synchronous>, transform_indices = @transform_7, window_bounds = array<i64: 16, 8>}, {pipeline_mode = #tpu.pipeline_mode<synchronous>, transform_indices = @transform_8, window_bounds = array<i64: 8, 4>}, {pipeline_mode = #tpu.pipeline_mode<synchronous>, transform_indices = @transform_9, window_bounds = array<i64: 4, 2>}, {pipeline_mode = #tpu.pipeline_mode<synchronous>, transform_indices = @transform_10, window_bounds = array<i64: 2, 1>}, {pipeline_mode = #tpu.pipeline_mode<synchronous>, transform_indices = @transform_11, window_bounds = array<i64: 256, 512>}, {pipeline_mode = #tpu.pipeline_mode<synchronous>, transform_indices = @transform_12, window_bounds = array<i64: 128, 512>}, {pipeline_mode = #tpu.pipeline_mode<synchronous>, transform_indices = @transform_13, window_bounds = array<i64: 64, 512>}, {pipeline_mode = #tpu.pipeline_mode<synchronous>, transform_indices = @transform_14, window_bounds = array<i64: 32, 512>}, {pipeline_mode = #tpu.pipeline_mode<synchronous>, transform_indices = @transform_15, window_bounds = array<i64: 16, 512>}, {pipeline_mode = #tpu.pipeline_mode<synchronous>, transform_indices = @transform_16, window_bounds = array<i64: 8, 512>}, {pipeline_mode = #tpu.pipeline_mode<synchronous>, transform_indices = @transform_17, window_bounds = array<i64: 4, 512>}, {pipeline_mode = #tpu.pipeline_mode<synchronous>, transform_indices = @transform_18, window_bounds = array<i64: 2, 512>}, {transform_indices = @transform_19, window_bounds = array<i64: 2, 512, 512>}, {transform_indices = @transform_20, window_bounds = array<i64: 2, 512, 512>}]} {
    %iota3A = tpu.iota {dimensions = array<i32: 1>} : vector<512x512xi32>
    %iota3A_0 = tpu.iota {dimensions = array<i32: 0>} : vector<512x512xi32>
    %get3A = arith.constant 0 : index
    %get3A_1 = arith.constant 0 : index
    %get3A_2 = arith.constant 0 : index
    %get3A_3 = vector.load %arg2[%get3A, %get3A_1, %get3A_2] : memref<2x512x512xf32, #tpu.memory_space<vmem>>, vector<1x512x512xf32>
    %get3A_4 = vector.shape_cast %get3A_3 : vector<1x512x512xf32> to vector<512x512xf32>
    %mul3A = arith.constant 0.00999999977 : f32
    %mul3A_5 = vector.broadcast %mul3A : f32 to vector<512x512xf32>
    %mul3A_6 = arith.mulf %mul3A_5, %get3A_4 : vector<512x512xf32>
    %get3A_7 = arith.constant 0 : index
    %get3A_8 = arith.constant 0 : index
    %get3A_9 = arith.constant 0 : index
    %get3A_10 = vector.load %arg1[%get3A_7, %get3A_8, %get3A_9] : memref<2x512x512xf32, #tpu.memory_space<vmem>>, vector<1x512x512xf32>
    %get3A_11 = vector.shape_cast %get3A_10 : vector<1x512x512xf32> to vector<512x512xf32>
    %sub3A = arith.subf %mul3A_6, %get3A_11 : vector<512x512xf32>
    %get3A_12 = arith.constant 0 : index
    %get3A_13 = arith.constant 0 : index
    %get3A_14 = vector.load %arg3[%get3A_12, %get3A_13] : memref<512x256xf32, #tpu.memory_space<vmem>>, vector<512x256xf32>
    %iota3A_15 = tpu.iota {dimensions = array<i32: 1>} : vector<512x512xi32>
    %iota3A_16 = tpu.iota {dimensions = array<i32: 0>} : vector<512x512xi32>
    %eq3A = arith.constant 0 : i32
    %eq3A_17 = vector.broadcast %eq3A : i32 to vector<512x512xi32>
    %eq3A_18 = arith.cmpi eq, %iota3A_15, %eq3A_17 : vector<512x512xi32>
    %roll3A = arith.constant 1 : i32
    %roll3A_19 = tpu.dynamic_rotate %sub3A by %roll3A dim 1 : vector<512x512xf32>, i32 -> vector<512x512xf32>
    %jit3A = arith.constant 9.99999974E-6 : f32
    %broadcast_in_dim3A = vector.broadcast %jit3A : f32 to vector<512x512xf32>
    %select_n3A = arith.select %eq3A_18, %broadcast_in_dim3A, %roll3A_19 : vector<512x512xi1>, vector<512x512xf32>
    %eq3A_20 = arith.constant 511 : i32
    %eq3A_21 = vector.broadcast %eq3A_20 : i32 to vector<512x512xi32>
    %eq3A_22 = arith.cmpi eq, %iota3A_15, %eq3A_21 : vector<512x512xi32>
    %roll3A_23 = arith.constant 511 : i32
    %roll3A_24 = tpu.dynamic_rotate %sub3A by %roll3A_23 dim 1 : vector<512x512xf32>, i32 -> vector<512x512xf32>
    %jit3A_25 = arith.constant 9.99999974E-6 : f32
    %broadcast_in_dim3A_26 = vector.broadcast %jit3A_25 : f32 to vector<512x512xf32>
    %select_n3A_27 = arith.select %eq3A_22, %broadcast_in_dim3A_26, %roll3A_24 : vector<512x512xi1>, vector<512x512xf32>
    %add3A = arith.addf %select_n3A, %sub3A : vector<512x512xf32>
    %add3A_28 = arith.addf %add3A, %select_n3A_27 : vector<512x512xf32>
    %eq3A_29 = arith.constant 0 : i32
    %eq3A_30 = vector.broadcast %eq3A_29 : i32 to vector<512x512xi32>
    %eq3A_31 = arith.cmpi eq, %iota3A_16, %eq3A_30 : vector<512x512xi32>
    %roll3A_32 = arith.constant 1 : i32
    %roll3A_33 = tpu.dynamic_rotate %add3A_28 by %roll3A_32 dim 0 : vector<512x512xf32>, i32 -> vector<512x512xf32>
    %jit3A_34 = arith.constant 3.000000e-05 : f32
    %broadcast_in_dim3A_35 = vector.broadcast %jit3A_34 : f32 to vector<512x512xf32>
    %select_n3A_36 = arith.select %eq3A_31, %broadcast_in_dim3A_35, %roll3A_33 : vector<512x512xi1>, vector<512x512xf32>
    %eq3A_37 = arith.constant 511 : i32
    %eq3A_38 = vector.broadcast %eq3A_37 : i32 to vector<512x512xi32>
    %eq3A_39 = arith.cmpi eq, %iota3A_16, %eq3A_38 : vector<512x512xi32>
    %roll3A_40 = arith.constant 511 : i32
    %roll3A_41 = tpu.dynamic_rotate %add3A_28 by %roll3A_40 dim 0 : vector<512x512xf32>, i32 -> vector<512x512xf32>
    %jit3A_42 = arith.constant 3.000000e-05 : f32
    %broadcast_in_dim3A_43 = vector.broadcast %jit3A_42 : f32 to vector<512x512xf32>
    %select_n3A_44 = arith.select %eq3A_39, %broadcast_in_dim3A_43, %roll3A_41 : vector<512x512xi1>, vector<512x512xf32>
    %add3A_45 = arith.addf %select_n3A_36, %add3A_28 : vector<512x512xf32>
    %add3A_46 = arith.addf %add3A_45, %select_n3A_44 : vector<512x512xf32>
    %dot_general3A = arith.constant dense<0.000000e+00> : vector<256x512xf32>
    %dot_general3A_47 = tpu.matmul %get3A_14, %add3A_46, %dot_general3A {dimension_numbers = #tpu.dot_dimension_numbers<[0], [0], [1], [1], [0, 1, 1, 1], [], []>, precision = #tpu.contract_precision<fp32>, transpose_lhs_hint = false} : vector<512x256xf32>, vector<512x512xf32>, vector<256x512xf32> -> vector<256x512xf32>
    %dot_general3A_48 = arith.constant dense<0.000000e+00> : vector<256x256xf32>
    %dot_general3A_49 = tpu.matmul %dot_general3A_47, %get3A_14, %dot_general3A_48 {dimension_numbers = #tpu.dot_dimension_numbers<[1], [0], [0], [1], [0, 0, 1, 1], [], []>, precision = #tpu.contract_precision<fp32>, transpose_lhs_hint = false} : vector<256x512xf32>, vector<512x256xf32>, vector<256x256xf32> -> vector<256x256xf32>
    %div3A = arith.constant 9.000000e+00 : f32
    %div3A_50 = vector.broadcast %div3A : f32 to vector<256x256xf32>
    %div3A_51 = arith.divf %dot_general3A_49, %div3A_50 : vector<256x256xf32>
    %get3A_52 = arith.constant 0 : index
    %get3A_53 = arith.constant 0 : index
    %get3A_54 = vector.load %arg12[%get3A_52, %get3A_53] : memref<256x512xf32, #tpu.memory_space<vmem>>, vector<256x512xf32>
    %dot_general3A_55 = arith.constant dense<0.000000e+00> : vector<256x512xf32>
    %dot_general3A_56 = tpu.matmul %div3A_51, %get3A_54, %dot_general3A_55 {dimension_numbers = #tpu.dot_dimension_numbers<[0], [0], [1], [1], [0, 1, 1, 1], [], []>, precision = #tpu.contract_precision<fp32>, transpose_lhs_hint = false} : vector<256x256xf32>, vector<256x512xf32>, vector<256x512xf32> -> vector<256x512xf32>
    %dot_general3A_57 = arith.constant dense<0.000000e+00> : vector<512x512xf32>
    %dot_general3A_58 = tpu.matmul %dot_general3A_56, %get3A_54, %dot_general3A_57 {dimension_numbers = #tpu.dot_dimension_numbers<[0], [0], [1], [1], [0, 1, 1, 1], [], []>, precision = #tpu.contract_precision<fp32>, transpose_lhs_hint = false} : vector<256x512xf32>, vector<256x512xf32>, vector<512x512xf32> -> vector<512x512xf32>
    %add3A_59 = arith.addf %sub3A, %dot_general3A_58 : vector<512x512xf32>
    %get3A_60 = arith.constant 0 : index
    %get3A_61 = arith.constant 0 : index
    %get3A_62 = vector.load %arg4[%get3A_60, %get3A_61] : memref<256x128xf32, #tpu.memory_space<vmem>>, vector<256x128xf32>
    %iota3A_63 = tpu.iota {dimensions = array<i32: 1>} : vector<256x256xi32>
    %iota3A_64 = tpu.iota {dimensions = array<i32: 0>} : vector<256x256xi32>
    %eq3A_65 = arith.constant 0 : i32
    %eq3A_66 = vector.broadcast %eq3A_65 : i32 to vector<256x256xi32>
    %eq3A_67 = arith.cmpi eq, %iota3A_63, %eq3A_66 : vector<256x256xi32>
    %roll3A_68 = arith.constant 1 : i32
    %roll3A_69 = tpu.dynamic_rotate %div3A_51 by %roll3A_68 dim 1 : vector<256x256xf32>, i32 -> vector<256x256xf32>
    %jit3A_70 = arith.constant 9.99999974E-6 : f32
    %broadcast_in_dim3A_71 = vector.broadcast %jit3A_70 : f32 to vector<256x256xf32>
    %select_n3A_72 = arith.select %eq3A_67, %broadcast_in_dim3A_71, %roll3A_69 : vector<256x256xi1>, vector<256x256xf32>
    %eq3A_73 = arith.constant 255 : i32
    %eq3A_74 = vector.broadcast %eq3A_73 : i32 to vector<256x256xi32>
    %eq3A_75 = arith.cmpi eq, %iota3A_63, %eq3A_74 : vector<256x256xi32>
    %roll3A_76 = arith.constant 255 : i32
    %roll3A_77 = tpu.dynamic_rotate %div3A_51 by %roll3A_76 dim 1 : vector<256x256xf32>, i32 -> vector<256x256xf32>
    %jit3A_78 = arith.constant 9.99999974E-6 : f32
    %broadcast_in_dim3A_79 = vector.broadcast %jit3A_78 : f32 to vector<256x256xf32>
    %select_n3A_80 = arith.select %eq3A_75, %broadcast_in_dim3A_79, %roll3A_77 : vector<256x256xi1>, vector<256x256xf32>
    %add3A_81 = arith.addf %select_n3A_72, %div3A_51 : vector<256x256xf32>
    %add3A_82 = arith.addf %add3A_81, %select_n3A_80 : vector<256x256xf32>
    %eq3A_83 = arith.constant 0 : i32
    %eq3A_84 = vector.broadcast %eq3A_83 : i32 to vector<256x256xi32>
    %eq3A_85 = arith.cmpi eq, %iota3A_64, %eq3A_84 : vector<256x256xi32>
    %roll3A_86 = arith.constant 1 : i32
    %roll3A_87 = tpu.dynamic_rotate %add3A_82 by %roll3A_86 dim 0 : vector<256x256xf32>, i32 -> vector<256x256xf32>
    %jit3A_88 = arith.constant 3.000000e-05 : f32
    %broadcast_in_dim3A_89 = vector.broadcast %jit3A_88 : f32 to vector<256x256xf32>
    %select_n3A_90 = arith.select %eq3A_85, %broadcast_in_dim3A_89, %roll3A_87 : vector<256x256xi1>, vector<256x256xf32>
    %eq3A_91 = arith.constant 255 : i32
    %eq3A_92 = vector.broadcast %eq3A_91 : i32 to vector<256x256xi32>
    %eq3A_93 = arith.cmpi eq, %iota3A_64, %eq3A_92 : vector<256x256xi32>
    %roll3A_94 = arith.constant 255 : i32
    %roll3A_95 = tpu.dynamic_rotate %add3A_82 by %roll3A_94 dim 0 : vector<256x256xf32>, i32 -> vector<256x256xf32>
    %jit3A_96 = arith.constant 3.000000e-05 : f32
    %broadcast_in_dim3A_97 = vector.broadcast %jit3A_96 : f32 to vector<256x256xf32>
    %select_n3A_98 = arith.select %eq3A_93, %broadcast_in_dim3A_97, %roll3A_95 : vector<256x256xi1>, vector<256x256xf32>
    %add3A_99 = arith.addf %select_n3A_90, %add3A_82 : vector<256x256xf32>
    %add3A_100 = arith.addf %add3A_99, %select_n3A_98 : vector<256x256xf32>
    %dot_general3A_101 = arith.constant dense<0.000000e+00> : vector<128x256xf32>
    %dot_general3A_102 = tpu.matmul %get3A_62, %add3A_100, %dot_general3A_101 {dimension_numbers = #tpu.dot_dimension_numbers<[0], [0], [1], [1], [0, 1, 1, 1], [], []>, precision = #tpu.contract_precision<fp32>, transpose_lhs_hint = false} : vector<256x128xf32>, vector<256x256xf32>, vector<128x256xf32> -> vector<128x256xf32>
    %dot_general3A_103 = arith.constant dense<0.000000e+00> : vector<128x128xf32>
    %dot_general3A_104 = tpu.matmul %dot_general3A_102, %get3A_62, %dot_general3A_103 {dimension_numbers = #tpu.dot_dimension_numbers<[1], [0], [0], [1], [0, 0, 1, 1], [], []>, precision = #tpu.contract_precision<fp32>, transpose_lhs_hint = false} : vector<128x256xf32>, vector<256x128xf32>, vector<128x128xf32> -> vector<128x128xf32>
    %div3A_105 = arith.constant 9.000000e+00 : f32
    %div3A_106 = vector.broadcast %div3A_105 : f32 to vector<128x128xf32>
    %div3A_107 = arith.divf %dot_general3A_104, %div3A_106 : vector<128x128xf32>
    %get3A_108 = arith.constant 0 : index
    %get3A_109 = arith.constant 0 : index
    %get3A_110 = vector.load %arg13[%get3A_108, %get3A_109] : memref<128x512xf32, #tpu.memory_space<vmem>>, vector<128x512xf32>
    %dot_general3A_111 = arith.constant dense<0.000000e+00> : vector<128x512xf32>
    %dot_general3A_112 = tpu.matmul %div3A_107, %get3A_110, %dot_general3A_111 {dimension_numbers = #tpu.dot_dimension_numbers<[0], [0], [1], [1], [0, 1, 1, 1], [], []>, precision = #tpu.contract_precision<fp32>, transpose_lhs_hint = false} : vector<128x128xf32>, vector<128x512xf32>, vector<128x512xf32> -> vector<128x512xf32>
    %dot_general3A_113 = arith.constant dense<0.000000e+00> : vector<512x512xf32>
    %dot_general3A_114 = tpu.matmul %dot_general3A_112, %get3A_110, %dot_general3A_113 {dimension_numbers = #tpu.dot_dimension_numbers<[0], [0], [1], [1], [0, 1, 1, 1], [], []>, precision = #tpu.contract_precision<fp32>, transpose_lhs_hint = false} : vector<128x512xf32>, vector<128x512xf32>, vector<512x512xf32> -> vector<512x512xf32>
    %add3A_115 = arith.addf %add3A_59, %dot_general3A_114 : vector<512x512xf32>
    %get3A_116 = arith.constant 0 : index
    %get3A_117 = arith.constant 0 : index
    %get3A_118 = vector.load %arg5[%get3A_116, %get3A_117] : memref<128x64xf32, #tpu.memory_space<vmem>>, vector<128x64xf32>
    %iota3A_119 = tpu.iota {dimensions = array<i32: 1>} : vector<128x128xi32>
    %iota3A_120 = tpu.iota {dimensions = array<i32: 0>} : vector<128x128xi32>
    %eq3A_121 = arith.constant 0 : i32
    %eq3A_122 = vector.broadcast %eq3A_121 : i32 to vector<128x128xi32>
    %eq3A_123 = arith.cmpi eq, %iota3A_119, %eq3A_122 : vector<128x128xi32>
    %roll3A_124 = arith.constant 1 : i32
    %roll3A_125 = tpu.dynamic_rotate %div3A_107 by %roll3A_124 dim 1 : vector<128x128xf32>, i32 -> vector<128x128xf32>
    %jit3A_126 = arith.constant 9.99999974E-6 : f32
    %broadcast_in_dim3A_127 = vector.broadcast %jit3A_126 : f32 to vector<128x128xf32>
    %select_n3A_128 = arith.select %eq3A_123, %broadcast_in_dim3A_127, %roll3A_125 : vector<128x128xi1>, vector<128x128xf32>
    %eq3A_129 = arith.constant 127 : i32
    %eq3A_130 = vector.broadcast %eq3A_129 : i32 to vector<128x128xi32>
    %eq3A_131 = arith.cmpi eq, %iota3A_119, %eq3A_130 : vector<128x128xi32>
    %roll3A_132 = arith.constant 127 : i32
    %roll3A_133 = tpu.dynamic_rotate %div3A_107 by %roll3A_132 dim 1 : vector<128x128xf32>, i32 -> vector<128x128xf32>
    %jit3A_134 = arith.constant 9.99999974E-6 : f32
    %broadcast_in_dim3A_135 = vector.broadcast %jit3A_134 : f32 to vector<128x128xf32>
    %select_n3A_136 = arith.select %eq3A_131, %broadcast_in_dim3A_135, %roll3A_133 : vector<128x128xi1>, vector<128x128xf32>
    %add3A_137 = arith.addf %select_n3A_128, %div3A_107 : vector<128x128xf32>
    %add3A_138 = arith.addf %add3A_137, %select_n3A_136 : vector<128x128xf32>
    %eq3A_139 = arith.constant 0 : i32
    %eq3A_140 = vector.broadcast %eq3A_139 : i32 to vector<128x128xi32>
    %eq3A_141 = arith.cmpi eq, %iota3A_120, %eq3A_140 : vector<128x128xi32>
    %roll3A_142 = arith.constant 1 : i32
    %roll3A_143 = tpu.dynamic_rotate %add3A_138 by %roll3A_142 dim 0 : vector<128x128xf32>, i32 -> vector<128x128xf32>
    %jit3A_144 = arith.constant 3.000000e-05 : f32
    %broadcast_in_dim3A_145 = vector.broadcast %jit3A_144 : f32 to vector<128x128xf32>
    %select_n3A_146 = arith.select %eq3A_141, %broadcast_in_dim3A_145, %roll3A_143 : vector<128x128xi1>, vector<128x128xf32>
    %eq3A_147 = arith.constant 127 : i32
    %eq3A_148 = vector.broadcast %eq3A_147 : i32 to vector<128x128xi32>
    %eq3A_149 = arith.cmpi eq, %iota3A_120, %eq3A_148 : vector<128x128xi32>
    %roll3A_150 = arith.constant 127 : i32
    %roll3A_151 = tpu.dynamic_rotate %add3A_138 by %roll3A_150 dim 0 : vector<128x128xf32>, i32 -> vector<128x128xf32>
    %jit3A_152 = arith.constant 3.000000e-05 : f32
    %broadcast_in_dim3A_153 = vector.broadcast %jit3A_152 : f32 to vector<128x128xf32>
    %select_n3A_154 = arith.select %eq3A_149, %broadcast_in_dim3A_153, %roll3A_151 : vector<128x128xi1>, vector<128x128xf32>
    %add3A_155 = arith.addf %select_n3A_146, %add3A_138 : vector<128x128xf32>
    %add3A_156 = arith.addf %add3A_155, %select_n3A_154 : vector<128x128xf32>
    %dot_general3A_157 = arith.constant dense<0.000000e+00> : vector<64x128xf32>
    %dot_general3A_158 = tpu.matmul %get3A_118, %add3A_156, %dot_general3A_157 {dimension_numbers = #tpu.dot_dimension_numbers<[0], [0], [1], [1], [0, 1, 1, 1], [], []>, precision = #tpu.contract_precision<fp32>, transpose_lhs_hint = false} : vector<128x64xf32>, vector<128x128xf32>, vector<64x128xf32> -> vector<64x128xf32>
    %dot_general3A_159 = arith.constant dense<0.000000e+00> : vector<64x64xf32>
    %dot_general3A_160 = tpu.matmul %dot_general3A_158, %get3A_118, %dot_general3A_159 {dimension_numbers = #tpu.dot_dimension_numbers<[1], [0], [0], [1], [0, 0, 1, 1], [], []>, precision = #tpu.contract_precision<fp32>, transpose_lhs_hint = false} : vector<64x128xf32>, vector<128x64xf32>, vector<64x64xf32> -> vector<64x64xf32>
    %div3A_161 = arith.constant 9.000000e+00 : f32
    %div3A_162 = vector.broadcast %div3A_161 : f32 to vector<64x64xf32>
    %div3A_163 = arith.divf %dot_general3A_160, %div3A_162 : vector<64x64xf32>
    %get3A_164 = arith.constant 0 : index
    %get3A_165 = arith.constant 0 : index
    %get3A_166 = vector.load %arg14[%get3A_164, %get3A_165] : memref<64x512xf32, #tpu.memory_space<vmem>>, vector<64x512xf32>
    %dot_general3A_167 = arith.constant dense<0.000000e+00> : vector<64x512xf32>
    %dot_general3A_168 = tpu.matmul %div3A_163, %get3A_166, %dot_general3A_167 {dimension_numbers = #tpu.dot_dimension_numbers<[0], [0], [1], [1], [0, 1, 1, 1], [], []>, precision = #tpu.contract_precision<fp32>, transpose_lhs_hint = false} : vector<64x64xf32>, vector<64x512xf32>, vector<64x512xf32> -> vector<64x512xf32>
    %dot_general3A_169 = arith.constant dense<0.000000e+00> : vector<512x512xf32>
    %dot_general3A_170 = tpu.matmul %dot_general3A_168, %get3A_166, %dot_general3A_169 {dimension_numbers = #tpu.dot_dimension_numbers<[0], [0], [1], [1], [0, 1, 1, 1], [], []>, precision = #tpu.contract_precision<fp32>, transpose_lhs_hint = false} : vector<64x512xf32>, vector<64x512xf32>, vector<512x512xf32> -> vector<512x512xf32>
    %add3A_171 = arith.addf %add3A_115, %dot_general3A_170 : vector<512x512xf32>
    %get3A_172 = arith.constant 0 : index
    %get3A_173 = arith.constant 0 : index
    %get3A_174 = vector.load %arg6[%get3A_172, %get3A_173] : memref<64x32xf32, #tpu.memory_space<vmem>>, vector<64x32xf32>
    %iota3A_175 = tpu.iota {dimensions = array<i32: 1>} : vector<64x64xi32>
    %iota3A_176 = tpu.iota {dimensions = array<i32: 0>} : vector<64x64xi32>
    %eq3A_177 = arith.constant 0 : i32
    %eq3A_178 = vector.broadcast %eq3A_177 : i32 to vector<64x64xi32>
    %eq3A_179 = arith.cmpi eq, %iota3A_175, %eq3A_178 : vector<64x64xi32>
    %roll3A_180 = arith.constant 1 : i32
    %roll3A_181 = tpu.dynamic_rotate %div3A_163 by %roll3A_180 dim 1 : vector<64x64xf32>, i32 -> vector<64x64xf32>
    %jit3A_182 = arith.constant 9.99999974E-6 : f32
    %broadcast_in_dim3A_183 = vector.broadcast %jit3A_182 : f32 to vector<64x64xf32>
    %select_n3A_184 = arith.select %eq3A_179, %broadcast_in_dim3A_183, %roll3A_181 : vector<64x64xi1>, vector<64x64xf32>
    %eq3A_185 = arith.constant 63 : i32
    %eq3A_186 = vector.broadcast %eq3A_185 : i32 to vector<64x64xi32>
    %eq3A_187 = arith.cmpi eq, %iota3A_175, %eq3A_186 : vector<64x64xi32>
    %roll3A_188 = arith.constant 63 : i32
    %roll3A_189 = tpu.dynamic_rotate %div3A_163 by %roll3A_188 dim 1 : vector<64x64xf32>, i32 -> vector<64x64xf32>
    %jit3A_190 = arith.constant 9.99999974E-6 : f32
    %broadcast_in_dim3A_191 = vector.broadcast %jit3A_190 : f32 to vector<64x64xf32>
    %select_n3A_192 = arith.select %eq3A_187, %broadcast_in_dim3A_191, %roll3A_189 : vector<64x64xi1>, vector<64x64xf32>
    %add3A_193 = arith.addf %select_n3A_184, %div3A_163 : vector<64x64xf32>
    %add3A_194 = arith.addf %add3A_193, %select_n3A_192 : vector<64x64xf32>
    %eq3A_195 = arith.constant 0 : i32
    %eq3A_196 = vector.broadcast %eq3A_195 : i32 to vector<64x64xi32>
    %eq3A_197 = arith.cmpi eq, %iota3A_176, %eq3A_196 : vector<64x64xi32>
    %roll3A_198 = arith.constant 1 : i32
    %roll3A_199 = tpu.dynamic_rotate %add3A_194 by %roll3A_198 dim 0 : vector<64x64xf32>, i32 -> vector<64x64xf32>
    %jit3A_200 = arith.constant 3.000000e-05 : f32
    %broadcast_in_dim3A_201 = vector.broadcast %jit3A_200 : f32 to vector<64x64xf32>
    %select_n3A_202 = arith.select %eq3A_197, %broadcast_in_dim3A_201, %roll3A_199 : vector<64x64xi1>, vector<64x64xf32>
    %eq3A_203 = arith.constant 63 : i32
    %eq3A_204 = vector.broadcast %eq3A_203 : i32 to vector<64x64xi32>
    %eq3A_205 = arith.cmpi eq, %iota3A_176, %eq3A_204 : vector<64x64xi32>
    %roll3A_206 = arith.constant 63 : i32
    %roll3A_207 = tpu.dynamic_rotate %add3A_194 by %roll3A_206 dim 0 : vector<64x64xf32>, i32 -> vector<64x64xf32>
    %jit3A_208 = arith.constant 3.000000e-05 : f32
    %broadcast_in_dim3A_209 = vector.broadcast %jit3A_208 : f32 to vector<64x64xf32>
    %select_n3A_210 = arith.select %eq3A_205, %broadcast_in_dim3A_209, %roll3A_207 : vector<64x64xi1>, vector<64x64xf32>
    %add3A_211 = arith.addf %select_n3A_202, %add3A_194 : vector<64x64xf32>
    %add3A_212 = arith.addf %add3A_211, %select_n3A_210 : vector<64x64xf32>
    %dot_general3A_213 = arith.constant dense<0.000000e+00> : vector<32x64xf32>
    %dot_general3A_214 = tpu.matmul %get3A_174, %add3A_212, %dot_general3A_213 {dimension_numbers = #tpu.dot_dimension_numbers<[0], [0], [1], [1], [0, 1, 1, 1], [], []>, precision = #tpu.contract_precision<fp32>, transpose_lhs_hint = false} : vector<64x32xf32>, vector<64x64xf32>, vector<32x64xf32> -> vector<32x64xf32>
    %dot_general3A_215 = arith.constant dense<0.000000e+00> : vector<32x32xf32>
    %dot_general3A_216 = tpu.matmul %dot_general3A_214, %get3A_174, %dot_general3A_215 {dimension_numbers = #tpu.dot_dimension_numbers<[1], [0], [0], [1], [0, 0, 1, 1], [], []>, precision = #tpu.contract_precision<fp32>, transpose_lhs_hint = false} : vector<32x64xf32>, vector<64x32xf32>, vector<32x32xf32> -> vector<32x32xf32>
    %div3A_217 = arith.constant 9.000000e+00 : f32
    %div3A_218 = vector.broadcast %div3A_217 : f32 to vector<32x32xf32>
    %div3A_219 = arith.divf %dot_general3A_216, %div3A_218 : vector<32x32xf32>
    %get3A_220 = arith.constant 0 : index
    %get3A_221 = arith.constant 0 : index
    %get3A_222 = vector.load %arg15[%get3A_220, %get3A_221] : memref<32x512xf32, #tpu.memory_space<vmem>>, vector<32x512xf32>
    %dot_general3A_223 = arith.constant dense<0.000000e+00> : vector<32x512xf32>
    %dot_general3A_224 = tpu.matmul %div3A_219, %get3A_222, %dot_general3A_223 {dimension_numbers = #tpu.dot_dimension_numbers<[0], [0], [1], [1], [0, 1, 1, 1], [], []>, precision = #tpu.contract_precision<fp32>, transpose_lhs_hint = false} : vector<32x32xf32>, vector<32x512xf32>, vector<32x512xf32> -> vector<32x512xf32>
    %dot_general3A_225 = arith.constant dense<0.000000e+00> : vector<512x512xf32>
    %dot_general3A_226 = tpu.matmul %dot_general3A_224, %get3A_222, %dot_general3A_225 {dimension_numbers = #tpu.dot_dimension_numbers<[0], [0], [1], [1], [0, 1, 1, 1], [], []>, precision = #tpu.contract_precision<fp32>, transpose_lhs_hint = false} : vector<32x512xf32>, vector<32x512xf32>, vector<512x512xf32> -> vector<512x512xf32>
    %add3A_227 = arith.addf %add3A_171, %dot_general3A_226 : vector<512x512xf32>
    %get3A_228 = arith.constant 0 : index
    %get3A_229 = arith.constant 0 : index
    %get3A_230 = vector.load %arg7[%get3A_228, %get3A_229] : memref<32x16xf32, #tpu.memory_space<vmem>>, vector<32x16xf32>
    %iota3A_231 = tpu.iota {dimensions = array<i32: 1>} : vector<32x32xi32>
    %iota3A_232 = tpu.iota {dimensions = array<i32: 0>} : vector<32x32xi32>
    %eq3A_233 = arith.constant 0 : i32
    %eq3A_234 = vector.broadcast %eq3A_233 : i32 to vector<32x32xi32>
    %eq3A_235 = arith.cmpi eq, %iota3A_231, %eq3A_234 : vector<32x32xi32>
    %roll3A_236 = arith.constant 1 : i32
    %roll3A_237 = tpu.dynamic_rotate %div3A_219 by %roll3A_236 dim 1 : vector<32x32xf32>, i32 -> vector<32x32xf32>
    %jit3A_238 = arith.constant 9.99999974E-6 : f32
    %broadcast_in_dim3A_239 = vector.broadcast %jit3A_238 : f32 to vector<32x32xf32>
    %select_n3A_240 = arith.select %eq3A_235, %broadcast_in_dim3A_239, %roll3A_237 : vector<32x32xi1>, vector<32x32xf32>
    %eq3A_241 = arith.constant 31 : i32
    %eq3A_242 = vector.broadcast %eq3A_241 : i32 to vector<32x32xi32>
    %eq3A_243 = arith.cmpi eq, %iota3A_231, %eq3A_242 : vector<32x32xi32>
    %roll3A_244 = arith.constant 31 : i32
    %roll3A_245 = tpu.dynamic_rotate %div3A_219 by %roll3A_244 dim 1 : vector<32x32xf32>, i32 -> vector<32x32xf32>
    %jit3A_246 = arith.constant 9.99999974E-6 : f32
    %broadcast_in_dim3A_247 = vector.broadcast %jit3A_246 : f32 to vector<32x32xf32>
    %select_n3A_248 = arith.select %eq3A_243, %broadcast_in_dim3A_247, %roll3A_245 : vector<32x32xi1>, vector<32x32xf32>
    %add3A_249 = arith.addf %select_n3A_240, %div3A_219 : vector<32x32xf32>
    %add3A_250 = arith.addf %add3A_249, %select_n3A_248 : vector<32x32xf32>
    %eq3A_251 = arith.constant 0 : i32
    %eq3A_252 = vector.broadcast %eq3A_251 : i32 to vector<32x32xi32>
    %eq3A_253 = arith.cmpi eq, %iota3A_232, %eq3A_252 : vector<32x32xi32>
    %roll3A_254 = arith.constant 1 : i32
    %roll3A_255 = tpu.dynamic_rotate %add3A_250 by %roll3A_254 dim 0 : vector<32x32xf32>, i32 -> vector<32x32xf32>
    %jit3A_256 = arith.constant 3.000000e-05 : f32
    %broadcast_in_dim3A_257 = vector.broadcast %jit3A_256 : f32 to vector<32x32xf32>
    %select_n3A_258 = arith.select %eq3A_253, %broadcast_in_dim3A_257, %roll3A_255 : vector<32x32xi1>, vector<32x32xf32>
    %eq3A_259 = arith.constant 31 : i32
    %eq3A_260 = vector.broadcast %eq3A_259 : i32 to vector<32x32xi32>
    %eq3A_261 = arith.cmpi eq, %iota3A_232, %eq3A_260 : vector<32x32xi32>
    %roll3A_262 = arith.constant 31 : i32
    %roll3A_263 = tpu.dynamic_rotate %add3A_250 by %roll3A_262 dim 0 : vector<32x32xf32>, i32 -> vector<32x32xf32>
    %jit3A_264 = arith.constant 3.000000e-05 : f32
    %broadcast_in_dim3A_265 = vector.broadcast %jit3A_264 : f32 to vector<32x32xf32>
    %select_n3A_266 = arith.select %eq3A_261, %broadcast_in_dim3A_265, %roll3A_263 : vector<32x32xi1>, vector<32x32xf32>
    %add3A_267 = arith.addf %select_n3A_258, %add3A_250 : vector<32x32xf32>
    %add3A_268 = arith.addf %add3A_267, %select_n3A_266 : vector<32x32xf32>
    %dot_general3A_269 = arith.constant dense<0.000000e+00> : vector<16x32xf32>
    %dot_general3A_270 = tpu.matmul %get3A_230, %add3A_268, %dot_general3A_269 {dimension_numbers = #tpu.dot_dimension_numbers<[0], [0], [1], [1], [0, 1, 1, 1], [], []>, precision = #tpu.contract_precision<fp32>, transpose_lhs_hint = false} : vector<32x16xf32>, vector<32x32xf32>, vector<16x32xf32> -> vector<16x32xf32>
    %dot_general3A_271 = arith.constant dense<0.000000e+00> : vector<16x16xf32>
    %dot_general3A_272 = tpu.matmul %dot_general3A_270, %get3A_230, %dot_general3A_271 {dimension_numbers = #tpu.dot_dimension_numbers<[1], [0], [0], [1], [0, 0, 1, 1], [], []>, precision = #tpu.contract_precision<fp32>, transpose_lhs_hint = false} : vector<16x32xf32>, vector<32x16xf32>, vector<16x16xf32> -> vector<16x16xf32>
    %div3A_273 = arith.constant 9.000000e+00 : f32
    %div3A_274 = vector.broadcast %div3A_273 : f32 to vector<16x16xf32>
    %div3A_275 = arith.divf %dot_general3A_272, %div3A_274 : vector<16x16xf32>
    %get3A_276 = arith.constant 0 : index
    %get3A_277 = arith.constant 0 : index
    %get3A_278 = vector.load %arg16[%get3A_276, %get3A_277] : memref<16x512xf32, #tpu.memory_space<vmem>>, vector<16x512xf32>
    %dot_general3A_279 = arith.constant dense<0.000000e+00> : vector<16x512xf32>
    %dot_general3A_280 = tpu.matmul %div3A_275, %get3A_278, %dot_general3A_279 {dimension_numbers = #tpu.dot_dimension_numbers<[0], [0], [1], [1], [0, 1, 1, 1], [], []>, precision = #tpu.contract_precision<fp32>, transpose_lhs_hint = false} : vector<16x16xf32>, vector<16x512xf32>, vector<16x512xf32> -> vector<16x512xf32>
    %dot_general3A_281 = arith.constant dense<0.000000e+00> : vector<512x512xf32>
    %dot_general3A_282 = tpu.matmul %dot_general3A_280, %get3A_278, %dot_general3A_281 {dimension_numbers = #tpu.dot_dimension_numbers<[0], [0], [1], [1], [0, 1, 1, 1], [], []>, precision = #tpu.contract_precision<fp32>, transpose_lhs_hint = false} : vector<16x512xf32>, vector<16x512xf32>, vector<512x512xf32> -> vector<512x512xf32>
    %add3A_283 = arith.addf %add3A_227, %dot_general3A_282 : vector<512x512xf32>
    %get3A_284 = arith.constant 0 : index
    %get3A_285 = arith.constant 0 : index
    %get3A_286 = vector.load %arg8[%get3A_284, %get3A_285] : memref<16x8xf32, #tpu.memory_space<vmem>>, vector<16x8xf32>
    %iota3A_287 = tpu.iota {dimensions = array<i32: 1>} : vector<16x16xi32>
    %iota3A_288 = tpu.iota {dimensions = array<i32: 0>} : vector<16x16xi32>
    %eq3A_289 = arith.constant 0 : i32
    %eq3A_290 = vector.broadcast %eq3A_289 : i32 to vector<16x16xi32>
    %eq3A_291 = arith.cmpi eq, %iota3A_287, %eq3A_290 : vector<16x16xi32>
    %roll3A_292 = arith.constant 1 : i32
    %roll3A_293 = tpu.dynamic_rotate %div3A_275 by %roll3A_292 dim 1 : vector<16x16xf32>, i32 -> vector<16x16xf32>
    %jit3A_294 = arith.constant 9.99999974E-6 : f32
    %broadcast_in_dim3A_295 = vector.broadcast %jit3A_294 : f32 to vector<16x16xf32>
    %select_n3A_296 = arith.select %eq3A_291, %broadcast_in_dim3A_295, %roll3A_293 : vector<16x16xi1>, vector<16x16xf32>
    %eq3A_297 = arith.constant 15 : i32
    %eq3A_298 = vector.broadcast %eq3A_297 : i32 to vector<16x16xi32>
    %eq3A_299 = arith.cmpi eq, %iota3A_287, %eq3A_298 : vector<16x16xi32>
    %roll3A_300 = arith.constant 15 : i32
    %roll3A_301 = tpu.dynamic_rotate %div3A_275 by %roll3A_300 dim 1 : vector<16x16xf32>, i32 -> vector<16x16xf32>
    %jit3A_302 = arith.constant 9.99999974E-6 : f32
    %broadcast_in_dim3A_303 = vector.broadcast %jit3A_302 : f32 to vector<16x16xf32>
    %select_n3A_304 = arith.select %eq3A_299, %broadcast_in_dim3A_303, %roll3A_301 : vector<16x16xi1>, vector<16x16xf32>
    %add3A_305 = arith.addf %select_n3A_296, %div3A_275 : vector<16x16xf32>
    %add3A_306 = arith.addf %add3A_305, %select_n3A_304 : vector<16x16xf32>
    %eq3A_307 = arith.constant 0 : i32
    %eq3A_308 = vector.broadcast %eq3A_307 : i32 to vector<16x16xi32>
    %eq3A_309 = arith.cmpi eq, %iota3A_288, %eq3A_308 : vector<16x16xi32>
    %roll3A_310 = arith.constant 1 : i32
    %roll3A_311 = tpu.dynamic_rotate %add3A_306 by %roll3A_310 dim 0 : vector<16x16xf32>, i32 -> vector<16x16xf32>
    %jit3A_312 = arith.constant 3.000000e-05 : f32
    %broadcast_in_dim3A_313 = vector.broadcast %jit3A_312 : f32 to vector<16x16xf32>
    %select_n3A_314 = arith.select %eq3A_309, %broadcast_in_dim3A_313, %roll3A_311 : vector<16x16xi1>, vector<16x16xf32>
    %eq3A_315 = arith.constant 15 : i32
    %eq3A_316 = vector.broadcast %eq3A_315 : i32 to vector<16x16xi32>
    %eq3A_317 = arith.cmpi eq, %iota3A_288, %eq3A_316 : vector<16x16xi32>
    %roll3A_318 = arith.constant 15 : i32
    %roll3A_319 = tpu.dynamic_rotate %add3A_306 by %roll3A_318 dim 0 : vector<16x16xf32>, i32 -> vector<16x16xf32>
    %jit3A_320 = arith.constant 3.000000e-05 : f32
    %broadcast_in_dim3A_321 = vector.broadcast %jit3A_320 : f32 to vector<16x16xf32>
    %select_n3A_322 = arith.select %eq3A_317, %broadcast_in_dim3A_321, %roll3A_319 : vector<16x16xi1>, vector<16x16xf32>
    %add3A_323 = arith.addf %select_n3A_314, %add3A_306 : vector<16x16xf32>
    %add3A_324 = arith.addf %add3A_323, %select_n3A_322 : vector<16x16xf32>
    %dot_general3A_325 = arith.constant dense<0.000000e+00> : vector<8x16xf32>
    %dot_general3A_326 = tpu.matmul %get3A_286, %add3A_324, %dot_general3A_325 {dimension_numbers = #tpu.dot_dimension_numbers<[0], [0], [1], [1], [0, 1, 1, 1], [], []>, precision = #tpu.contract_precision<fp32>, transpose_lhs_hint = false} : vector<16x8xf32>, vector<16x16xf32>, vector<8x16xf32> -> vector<8x16xf32>
    %dot_general3A_327 = arith.constant dense<0.000000e+00> : vector<8x8xf32>
    %dot_general3A_328 = tpu.matmul %dot_general3A_326, %get3A_286, %dot_general3A_327 {dimension_numbers = #tpu.dot_dimension_numbers<[1], [0], [0], [1], [0, 0, 1, 1], [], []>, precision = #tpu.contract_precision<fp32>, transpose_lhs_hint = false} : vector<8x16xf32>, vector<16x8xf32>, vector<8x8xf32> -> vector<8x8xf32>
    %div3A_329 = arith.constant 9.000000e+00 : f32
    %div3A_330 = vector.broadcast %div3A_329 : f32 to vector<8x8xf32>
    %div3A_331 = arith.divf %dot_general3A_328, %div3A_330 : vector<8x8xf32>
    %get3A_332 = arith.constant 0 : index
    %get3A_333 = arith.constant 0 : index
    %get3A_334 = vector.load %arg17[%get3A_332, %get3A_333] : memref<8x512xf32, #tpu.memory_space<vmem>>, vector<8x512xf32>
    %dot_general3A_335 = arith.constant dense<0.000000e+00> : vector<8x512xf32>
    %dot_general3A_336 = tpu.matmul %div3A_331, %get3A_334, %dot_general3A_335 {dimension_numbers = #tpu.dot_dimension_numbers<[0], [0], [1], [1], [0, 1, 1, 1], [], []>, precision = #tpu.contract_precision<fp32>, transpose_lhs_hint = false} : vector<8x8xf32>, vector<8x512xf32>, vector<8x512xf32> -> vector<8x512xf32>
    %dot_general3A_337 = arith.constant dense<0.000000e+00> : vector<512x512xf32>
    %dot_general3A_338 = tpu.matmul %dot_general3A_336, %get3A_334, %dot_general3A_337 {dimension_numbers = #tpu.dot_dimension_numbers<[0], [0], [1], [1], [0, 1, 1, 1], [], []>, precision = #tpu.contract_precision<fp32>, transpose_lhs_hint = false} : vector<8x512xf32>, vector<8x512xf32>, vector<512x512xf32> -> vector<512x512xf32>
    %add3A_339 = arith.addf %add3A_283, %dot_general3A_338 : vector<512x512xf32>
    %get3A_340 = arith.constant 0 : index
    %get3A_341 = arith.constant 0 : index
    %get3A_342 = vector.load %arg9[%get3A_340, %get3A_341] : memref<8x4xf32, #tpu.memory_space<vmem>>, vector<8x4xf32>
    %iota3A_343 = tpu.iota {dimensions = array<i32: 1>} : vector<8x8xi32>
    %iota3A_344 = tpu.iota {dimensions = array<i32: 0>} : vector<8x8xi32>
    %eq3A_345 = arith.constant 0 : i32
    %eq3A_346 = vector.broadcast %eq3A_345 : i32 to vector<8x8xi32>
    %eq3A_347 = arith.cmpi eq, %iota3A_343, %eq3A_346 : vector<8x8xi32>
    %roll3A_348 = arith.constant 1 : i32
    %roll3A_349 = tpu.dynamic_rotate %div3A_331 by %roll3A_348 dim 1 : vector<8x8xf32>, i32 -> vector<8x8xf32>
    %jit3A_350 = arith.constant 9.99999974E-6 : f32
    %broadcast_in_dim3A_351 = vector.broadcast %jit3A_350 : f32 to vector<8x8xf32>
    %select_n3A_352 = arith.select %eq3A_347, %broadcast_in_dim3A_351, %roll3A_349 : vector<8x8xi1>, vector<8x8xf32>
    %eq3A_353 = arith.constant 7 : i32
    %eq3A_354 = vector.broadcast %eq3A_353 : i32 to vector<8x8xi32>
    %eq3A_355 = arith.cmpi eq, %iota3A_343, %eq3A_354 : vector<8x8xi32>
    %roll3A_356 = arith.constant 7 : i32
    %roll3A_357 = tpu.dynamic_rotate %div3A_331 by %roll3A_356 dim 1 : vector<8x8xf32>, i32 -> vector<8x8xf32>
    %jit3A_358 = arith.constant 9.99999974E-6 : f32
    %broadcast_in_dim3A_359 = vector.broadcast %jit3A_358 : f32 to vector<8x8xf32>
    %select_n3A_360 = arith.select %eq3A_355, %broadcast_in_dim3A_359, %roll3A_357 : vector<8x8xi1>, vector<8x8xf32>
    %add3A_361 = arith.addf %select_n3A_352, %div3A_331 : vector<8x8xf32>
    %add3A_362 = arith.addf %add3A_361, %select_n3A_360 : vector<8x8xf32>
    %eq3A_363 = arith.constant 0 : i32
    %eq3A_364 = vector.broadcast %eq3A_363 : i32 to vector<8x8xi32>
    %eq3A_365 = arith.cmpi eq, %iota3A_344, %eq3A_364 : vector<8x8xi32>
    %roll3A_366 = arith.constant 1 : i32
    %roll3A_367 = tpu.dynamic_rotate %add3A_362 by %roll3A_366 dim 0 : vector<8x8xf32>, i32 -> vector<8x8xf32>
    %jit3A_368 = arith.constant 3.000000e-05 : f32
    %broadcast_in_dim3A_369 = vector.broadcast %jit3A_368 : f32 to vector<8x8xf32>
    %select_n3A_370 = arith.select %eq3A_365, %broadcast_in_dim3A_369, %roll3A_367 : vector<8x8xi1>, vector<8x8xf32>
    %eq3A_371 = arith.constant 7 : i32
    %eq3A_372 = vector.broadcast %eq3A_371 : i32 to vector<8x8xi32>
    %eq3A_373 = arith.cmpi eq, %iota3A_344, %eq3A_372 : vector<8x8xi32>
    %roll3A_374 = arith.constant 7 : i32
    %roll3A_375 = tpu.dynamic_rotate %add3A_362 by %roll3A_374 dim 0 : vector<8x8xf32>, i32 -> vector<8x8xf32>
    %jit3A_376 = arith.constant 3.000000e-05 : f32
    %broadcast_in_dim3A_377 = vector.broadcast %jit3A_376 : f32 to vector<8x8xf32>
    %select_n3A_378 = arith.select %eq3A_373, %broadcast_in_dim3A_377, %roll3A_375 : vector<8x8xi1>, vector<8x8xf32>
    %add3A_379 = arith.addf %select_n3A_370, %add3A_362 : vector<8x8xf32>
    %add3A_380 = arith.addf %add3A_379, %select_n3A_378 : vector<8x8xf32>
    %dot_general3A_381 = arith.constant dense<0.000000e+00> : vector<4x8xf32>
    %dot_general3A_382 = tpu.matmul %get3A_342, %add3A_380, %dot_general3A_381 {dimension_numbers = #tpu.dot_dimension_numbers<[0], [0], [1], [1], [0, 1, 1, 1], [], []>, precision = #tpu.contract_precision<fp32>, transpose_lhs_hint = false} : vector<8x4xf32>, vector<8x8xf32>, vector<4x8xf32> -> vector<4x8xf32>
    %dot_general3A_383 = arith.constant dense<0.000000e+00> : vector<4x4xf32>
    %dot_general3A_384 = tpu.matmul %dot_general3A_382, %get3A_342, %dot_general3A_383 {dimension_numbers = #tpu.dot_dimension_numbers<[1], [0], [0], [1], [0, 0, 1, 1], [], []>, precision = #tpu.contract_precision<fp32>, transpose_lhs_hint = false} : vector<4x8xf32>, vector<8x4xf32>, vector<4x4xf32> -> vector<4x4xf32>
    %div3A_385 = arith.constant 9.000000e+00 : f32
    %div3A_386 = vector.broadcast %div3A_385 : f32 to vector<4x4xf32>
    %div3A_387 = arith.divf %dot_general3A_384, %div3A_386 : vector<4x4xf32>
    %get3A_388 = arith.constant 0 : index
    %get3A_389 = arith.constant 0 : index
    %get3A_390 = vector.load %arg18[%get3A_388, %get3A_389] : memref<4x512xf32, #tpu.memory_space<vmem>>, vector<4x512xf32>
    %dot_general3A_391 = arith.constant dense<0.000000e+00> : vector<4x512xf32>
    %dot_general3A_392 = tpu.matmul %div3A_387, %get3A_390, %dot_general3A_391 {dimension_numbers = #tpu.dot_dimension_numbers<[0], [0], [1], [1], [0, 1, 1, 1], [], []>, precision = #tpu.contract_precision<fp32>, transpose_lhs_hint = false} : vector<4x4xf32>, vector<4x512xf32>, vector<4x512xf32> -> vector<4x512xf32>
    %dot_general3A_393 = arith.constant dense<0.000000e+00> : vector<512x512xf32>
    %dot_general3A_394 = tpu.matmul %dot_general3A_392, %get3A_390, %dot_general3A_393 {dimension_numbers = #tpu.dot_dimension_numbers<[0], [0], [1], [1], [0, 1, 1, 1], [], []>, precision = #tpu.contract_precision<fp32>, transpose_lhs_hint = false} : vector<4x512xf32>, vector<4x512xf32>, vector<512x512xf32> -> vector<512x512xf32>
    %add3A_395 = arith.addf %add3A_339, %dot_general3A_394 : vector<512x512xf32>
    %get3A_396 = arith.constant 0 : index
    %get3A_397 = arith.constant 0 : index
    %get3A_398 = vector.load %arg10[%get3A_396, %get3A_397] : memref<4x2xf32, #tpu.memory_space<vmem>>, vector<4x2xf32>
    %iota3A_399 = tpu.iota {dimensions = array<i32: 1>} : vector<4x4xi32>
    %iota3A_400 = tpu.iota {dimensions = array<i32: 0>} : vector<4x4xi32>
    %eq3A_401 = arith.constant 0 : i32
    %eq3A_402 = vector.broadcast %eq3A_401 : i32 to vector<4x4xi32>
    %eq3A_403 = arith.cmpi eq, %iota3A_399, %eq3A_402 : vector<4x4xi32>
    %roll3A_404 = arith.constant 1 : i32
    %roll3A_405 = tpu.dynamic_rotate %div3A_387 by %roll3A_404 dim 1 : vector<4x4xf32>, i32 -> vector<4x4xf32>
    %jit3A_406 = arith.constant 9.99999974E-6 : f32
    %broadcast_in_dim3A_407 = vector.broadcast %jit3A_406 : f32 to vector<4x4xf32>
    %select_n3A_408 = arith.select %eq3A_403, %broadcast_in_dim3A_407, %roll3A_405 : vector<4x4xi1>, vector<4x4xf32>
    %eq3A_409 = arith.constant 3 : i32
    %eq3A_410 = vector.broadcast %eq3A_409 : i32 to vector<4x4xi32>
    %eq3A_411 = arith.cmpi eq, %iota3A_399, %eq3A_410 : vector<4x4xi32>
    %roll3A_412 = arith.constant 3 : i32
    %roll3A_413 = tpu.dynamic_rotate %div3A_387 by %roll3A_412 dim 1 : vector<4x4xf32>, i32 -> vector<4x4xf32>
    %jit3A_414 = arith.constant 9.99999974E-6 : f32
    %broadcast_in_dim3A_415 = vector.broadcast %jit3A_414 : f32 to vector<4x4xf32>
    %select_n3A_416 = arith.select %eq3A_411, %broadcast_in_dim3A_415, %roll3A_413 : vector<4x4xi1>, vector<4x4xf32>
    %add3A_417 = arith.addf %select_n3A_408, %div3A_387 : vector<4x4xf32>
    %add3A_418 = arith.addf %add3A_417, %select_n3A_416 : vector<4x4xf32>
    %eq3A_419 = arith.constant 0 : i32
    %eq3A_420 = vector.broadcast %eq3A_419 : i32 to vector<4x4xi32>
    %eq3A_421 = arith.cmpi eq, %iota3A_400, %eq3A_420 : vector<4x4xi32>
    %roll3A_422 = arith.constant 1 : i32
    %roll3A_423 = tpu.dynamic_rotate %add3A_418 by %roll3A_422 dim 0 : vector<4x4xf32>, i32 -> vector<4x4xf32>
    %jit3A_424 = arith.constant 3.000000e-05 : f32
    %broadcast_in_dim3A_425 = vector.broadcast %jit3A_424 : f32 to vector<4x4xf32>
    %select_n3A_426 = arith.select %eq3A_421, %broadcast_in_dim3A_425, %roll3A_423 : vector<4x4xi1>, vector<4x4xf32>
    %eq3A_427 = arith.constant 3 : i32
    %eq3A_428 = vector.broadcast %eq3A_427 : i32 to vector<4x4xi32>
    %eq3A_429 = arith.cmpi eq, %iota3A_400, %eq3A_428 : vector<4x4xi32>
    %roll3A_430 = arith.constant 3 : i32
    %roll3A_431 = tpu.dynamic_rotate %add3A_418 by %roll3A_430 dim 0 : vector<4x4xf32>, i32 -> vector<4x4xf32>
    %jit3A_432 = arith.constant 3.000000e-05 : f32
    %broadcast_in_dim3A_433 = vector.broadcast %jit3A_432 : f32 to vector<4x4xf32>
    %select_n3A_434 = arith.select %eq3A_429, %broadcast_in_dim3A_433, %roll3A_431 : vector<4x4xi1>, vector<4x4xf32>
    %add3A_435 = arith.addf %select_n3A_426, %add3A_418 : vector<4x4xf32>
    %add3A_436 = arith.addf %add3A_435, %select_n3A_434 : vector<4x4xf32>
    %dot_general3A_437 = arith.constant dense<0.000000e+00> : vector<2x4xf32>
    %dot_general3A_438 = tpu.matmul %get3A_398, %add3A_436, %dot_general3A_437 {dimension_numbers = #tpu.dot_dimension_numbers<[0], [0], [1], [1], [0, 1, 1, 1], [], []>, precision = #tpu.contract_precision<fp32>, transpose_lhs_hint = false} : vector<4x2xf32>, vector<4x4xf32>, vector<2x4xf32> -> vector<2x4xf32>
    %dot_general3A_439 = arith.constant dense<0.000000e+00> : vector<2x2xf32>
    %dot_general3A_440 = tpu.matmul %dot_general3A_438, %get3A_398, %dot_general3A_439 {dimension_numbers = #tpu.dot_dimension_numbers<[1], [0], [0], [1], [0, 0, 1, 1], [], []>, precision = #tpu.contract_precision<fp32>, transpose_lhs_hint = false} : vector<2x4xf32>, vector<4x2xf32>, vector<2x2xf32> -> vector<2x2xf32>
    %div3A_441 = arith.constant 9.000000e+00 : f32
    %div3A_442 = vector.broadcast %div3A_441 : f32 to vector<2x2xf32>
    %div3A_443 = arith.divf %dot_general3A_440, %div3A_442 : vector<2x2xf32>
    %get3A_444 = arith.constant 0 : index
    %get3A_445 = arith.constant 0 : index
    %get3A_446 = vector.load %arg19[%get3A_444, %get3A_445] : memref<2x512xf32, #tpu.memory_space<vmem>>, vector<2x512xf32>
    %dot_general3A_447 = arith.constant dense<0.000000e+00> : vector<2x512xf32>
    %dot_general3A_448 = tpu.matmul %div3A_443, %get3A_446, %dot_general3A_447 {dimension_numbers = #tpu.dot_dimension_numbers<[0], [0], [1], [1], [0, 1, 1, 1], [], []>, precision = #tpu.contract_precision<fp32>, transpose_lhs_hint = false} : vector<2x2xf32>, vector<2x512xf32>, vector<2x512xf32> -> vector<2x512xf32>
    %dot_general3A_449 = arith.constant dense<0.000000e+00> : vector<512x512xf32>
    %dot_general3A_450 = tpu.matmul %dot_general3A_448, %get3A_446, %dot_general3A_449 {dimension_numbers = #tpu.dot_dimension_numbers<[0], [0], [1], [1], [0, 1, 1, 1], [], []>, precision = #tpu.contract_precision<fp32>, transpose_lhs_hint = false} : vector<2x512xf32>, vector<2x512xf32>, vector<512x512xf32> -> vector<512x512xf32>
    %add3A_451 = arith.addf %add3A_395, %dot_general3A_450 : vector<512x512xf32>
    %get3A_452 = arith.constant 0 : index
    %get3A_453 = arith.constant 0 : index
    %get3A_454 = vector.load %arg11[%get3A_452, %get3A_453] : memref<2x1xf32, #tpu.memory_space<vmem>>, vector<2x1xf32>
    %iota3A_455 = tpu.iota {dimensions = array<i32: 1>} : vector<2x2xi32>
    %iota3A_456 = tpu.iota {dimensions = array<i32: 0>} : vector<2x2xi32>
    %eq3A_457 = arith.constant 0 : i32
    %eq3A_458 = vector.broadcast %eq3A_457 : i32 to vector<2x2xi32>
    %eq3A_459 = arith.cmpi eq, %iota3A_455, %eq3A_458 : vector<2x2xi32>
    %roll3A_460 = arith.constant 1 : i32
    %roll3A_461 = tpu.dynamic_rotate %div3A_443 by %roll3A_460 dim 1 : vector<2x2xf32>, i32 -> vector<2x2xf32>
    %jit3A_462 = arith.constant 9.99999974E-6 : f32
    %broadcast_in_dim3A_463 = vector.broadcast %jit3A_462 : f32 to vector<2x2xf32>
    %select_n3A_464 = arith.select %eq3A_459, %broadcast_in_dim3A_463, %roll3A_461 : vector<2x2xi1>, vector<2x2xf32>
    %eq3A_465 = arith.constant 1 : i32
    %eq3A_466 = vector.broadcast %eq3A_465 : i32 to vector<2x2xi32>
    %eq3A_467 = arith.cmpi eq, %iota3A_455, %eq3A_466 : vector<2x2xi32>
    %roll3A_468 = arith.constant 1 : i32
    %roll3A_469 = tpu.dynamic_rotate %div3A_443 by %roll3A_468 dim 1 : vector<2x2xf32>, i32 -> vector<2x2xf32>
    %jit3A_470 = arith.constant 9.99999974E-6 : f32
    %broadcast_in_dim3A_471 = vector.broadcast %jit3A_470 : f32 to vector<2x2xf32>
    %select_n3A_472 = arith.select %eq3A_467, %broadcast_in_dim3A_471, %roll3A_469 : vector<2x2xi1>, vector<2x2xf32>
    %add3A_473 = arith.addf %select_n3A_464, %div3A_443 : vector<2x2xf32>
    %add3A_474 = arith.addf %add3A_473, %select_n3A_472 : vector<2x2xf32>
    %eq3A_475 = arith.constant 0 : i32
    %eq3A_476 = vector.broadcast %eq3A_475 : i32 to vector<2x2xi32>
    %eq3A_477 = arith.cmpi eq, %iota3A_456, %eq3A_476 : vector<2x2xi32>
    %roll3A_478 = arith.constant 1 : i32
    %roll3A_479 = tpu.dynamic_rotate %add3A_474 by %roll3A_478 dim 0 : vector<2x2xf32>, i32 -> vector<2x2xf32>
    %jit3A_480 = arith.constant 3.000000e-05 : f32
    %broadcast_in_dim3A_481 = vector.broadcast %jit3A_480 : f32 to vector<2x2xf32>
    %select_n3A_482 = arith.select %eq3A_477, %broadcast_in_dim3A_481, %roll3A_479 : vector<2x2xi1>, vector<2x2xf32>
    %eq3A_483 = arith.constant 1 : i32
    %eq3A_484 = vector.broadcast %eq3A_483 : i32 to vector<2x2xi32>
    %eq3A_485 = arith.cmpi eq, %iota3A_456, %eq3A_484 : vector<2x2xi32>
    %roll3A_486 = arith.constant 1 : i32
    %roll3A_487 = tpu.dynamic_rotate %add3A_474 by %roll3A_486 dim 0 : vector<2x2xf32>, i32 -> vector<2x2xf32>
    %jit3A_488 = arith.constant 3.000000e-05 : f32
    %broadcast_in_dim3A_489 = vector.broadcast %jit3A_488 : f32 to vector<2x2xf32>
    %select_n3A_490 = arith.select %eq3A_485, %broadcast_in_dim3A_489, %roll3A_487 : vector<2x2xi1>, vector<2x2xf32>
    %add3A_491 = arith.addf %select_n3A_482, %add3A_474 : vector<2x2xf32>
    %add3A_492 = arith.addf %add3A_491, %select_n3A_490 : vector<2x2xf32>
    %dot_general3A_493 = arith.constant dense<0.000000e+00> : vector<1x2xf32>
    %dot_general3A_494 = tpu.matmul %get3A_454, %add3A_492, %dot_general3A_493 {dimension_numbers = #tpu.dot_dimension_numbers<[0], [0], [1], [1], [0, 1, 1, 1], [], []>, precision = #tpu.contract_precision<fp32>, transpose_lhs_hint = false} : vector<2x1xf32>, vector<2x2xf32>, vector<1x2xf32> -> vector<1x2xf32>
    %dot_general3A_495 = arith.constant dense<0.000000e+00> : vector<1x1xf32>
    %dot_general3A_496 = tpu.matmul %dot_general3A_494, %get3A_454, %dot_general3A_495 {dimension_numbers = #tpu.dot_dimension_numbers<[1], [0], [0], [1], [0, 0, 1, 1], [], []>, precision = #tpu.contract_precision<fp32>, transpose_lhs_hint = false} : vector<1x2xf32>, vector<2x1xf32>, vector<1x1xf32> -> vector<1x1xf32>
    %div3A_497 = arith.constant 9.000000e+00 : f32
    %div3A_498 = vector.broadcast %div3A_497 : f32 to vector<1x1xf32>
    %div3A_499 = arith.divf %dot_general3A_496, %div3A_498 : vector<1x1xf32>
    %squeeze3A = vector.extract %div3A_499[0, 0] : f32 from vector<1x1xf32>
    %add3A_500 = vector.broadcast %squeeze3A : f32 to vector<512x512xf32>
    %add3A_501 = arith.addf %add3A_451, %add3A_500 : vector<512x512xf32>
    %div3A_502 = arith.constant 1.000000e+01 : f32
    %div3A_503 = vector.broadcast %div3A_502 : f32 to vector<512x512xf32>
    %div3A_504 = arith.divf %add3A_501, %div3A_503 : vector<512x512xf32>
    %eq3A_505 = arith.constant 0 : i32
    %eq3A_506 = vector.broadcast %eq3A_505 : i32 to vector<512x512xi32>
    %eq3A_507 = arith.cmpi eq, %iota3A_0, %eq3A_506 : vector<512x512xi32>
    %roll3A_508 = arith.constant 1 : i32
    %roll3A_509 = tpu.dynamic_rotate %div3A_504 by %roll3A_508 dim 0 : vector<512x512xf32>, i32 -> vector<512x512xf32>
    %select_n3A_510 = arith.select %eq3A_507, %div3A_504, %roll3A_509 : vector<512x512xi1>, vector<512x512xf32>
    %eq3A_511 = arith.constant 511 : i32
    %eq3A_512 = vector.broadcast %eq3A_511 : i32 to vector<512x512xi32>
    %eq3A_513 = arith.cmpi eq, %iota3A_0, %eq3A_512 : vector<512x512xi32>
    %roll3A_514 = arith.constant 511 : i32
    %roll3A_515 = tpu.dynamic_rotate %div3A_504 by %roll3A_514 dim 0 : vector<512x512xf32>, i32 -> vector<512x512xf32>
    %select_n3A_516 = arith.select %eq3A_513, %div3A_504, %roll3A_515 : vector<512x512xi1>, vector<512x512xf32>
    %sub3A_517 = arith.subf %select_n3A_510, %select_n3A_516 : vector<512x512xf32>
    %div3A_518 = arith.constant 2.000000e+00 : f32
    %div3A_519 = vector.broadcast %div3A_518 : f32 to vector<512x512xf32>
    %div3A_520 = arith.divf %sub3A_517, %div3A_519 : vector<512x512xf32>
    %swap3A = arith.constant 0 : index
    %swap3A_521 = arith.constant 0 : index
    %swap3A_522 = arith.constant 0 : index
    %swap3A_523 = vector.load %arg20[%swap3A, %swap3A_521, %swap3A_522] : memref<2x512x512xf32, #tpu.memory_space<vmem>>, vector<1x512x512xf32>
    %swap3A_524 = vector.shape_cast %swap3A_523 : vector<1x512x512xf32> to vector<512x512xf32>
    %swap3A_525 = vector.shape_cast %div3A_520 : vector<512x512xf32> to vector<1x512x512xf32>
    tpu.vector_store %arg20[%swap3A, %swap3A_521, %swap3A_522], %swap3A_525 {strides = array<i32>} : memref<2x512x512xf32, #tpu.memory_space<vmem>>, vector<1x512x512xf32>,
    %eq3A_526 = arith.constant 0 : i32
    %eq3A_527 = vector.broadcast %eq3A_526 : i32 to vector<512x512xi32>
    %eq3A_528 = arith.cmpi eq, %iota3A, %eq3A_527 : vector<512x512xi32>
    %roll3A_529 = arith.constant 1 : i32
    %roll3A_530 = tpu.dynamic_rotate %div3A_504 by %roll3A_529 dim 1 : vector<512x512xf32>, i32 -> vector<512x512xf32>
    %select_n3A_531 = arith.select %eq3A_528, %div3A_504, %roll3A_530 : vector<512x512xi1>, vector<512x512xf32>
    %eq3A_532 = arith.constant 511 : i32
    %eq3A_533 = vector.broadcast %eq3A_532 : i32 to vector<512x512xi32>
    %eq3A_534 = arith.cmpi eq, %iota3A, %eq3A_533 : vector<512x512xi32>
    %roll3A_535 = arith.constant 511 : i32
    %roll3A_536 = tpu.dynamic_rotate %div3A_504 by %roll3A_535 dim 1 : vector<512x512xf32>, i32 -> vector<512x512xf32>
    %select_n3A_537 = arith.select %eq3A_534, %div3A_504, %roll3A_536 : vector<512x512xi1>, vector<512x512xf32>
    %sub3A_538 = arith.subf %select_n3A_531, %select_n3A_537 : vector<512x512xf32>
    %div3A_539 = arith.constant 2.000000e+00 : f32
    %div3A_540 = vector.broadcast %div3A_539 : f32 to vector<512x512xf32>
    %div3A_541 = arith.divf %sub3A_538, %div3A_540 : vector<512x512xf32>
    %swap3A_542 = arith.constant 0 : index
    %swap3A_543 = arith.constant 0 : index
    %swap3A_544 = arith.constant 0 : index
    %swap3A_545 = vector.load %arg21[%swap3A_542, %swap3A_543, %swap3A_544] : memref<2x512x512xf32, #tpu.memory_space<vmem>>, vector<1x512x512xf32>
    %swap3A_546 = vector.shape_cast %swap3A_545 : vector<1x512x512xf32> to vector<512x512xf32>
    %swap3A_547 = vector.shape_cast %div3A_541 : vector<512x512xf32> to vector<1x512x512xf32>
    tpu.vector_store %arg21[%swap3A_542, %swap3A_543, %swap3A_544], %swap3A_547 {strides = array<i32>} : memref<2x512x512xf32, #tpu.memory_space<vmem>>, vector<1x512x512xf32>,
    %get3A_548 = arith.constant 1 : index
    %get3A_549 = arith.constant 0 : index
    %get3A_550 = arith.constant 0 : index
    %get3A_551 = vector.load %arg2[%get3A_548, %get3A_549, %get3A_550] : memref<2x512x512xf32, #tpu.memory_space<vmem>>, vector<1x512x512xf32>
    %get3A_552 = vector.shape_cast %get3A_551 : vector<1x512x512xf32> to vector<512x512xf32>
    %mul3A_553 = arith.constant 0.00999999977 : f32
    %mul3A_554 = vector.broadcast %mul3A_553 : f32 to vector<512x512xf32>
    %mul3A_555 = arith.mulf %mul3A_554, %get3A_552 : vector<512x512xf32>
    %get3A_556 = arith.constant 1 : index
    %get3A_557 = arith.constant 0 : index
    %get3A_558 = arith.constant 0 : index
    %get3A_559 = vector.load %arg1[%get3A_556, %get3A_557, %get3A_558] : memref<2x512x512xf32, #tpu.memory_space<vmem>>, vector<1x512x512xf32>
    %get3A_560 = vector.shape_cast %get3A_559 : vector<1x512x512xf32> to vector<512x512xf32>
    %sub3A_561 = arith.subf %mul3A_555, %get3A_560 : vector<512x512xf32>
    %get3A_562 = arith.constant 0 : index
    %get3A_563 = arith.constant 0 : index
    %get3A_564 = vector.load %arg3[%get3A_562, %get3A_563] : memref<512x256xf32, #tpu.memory_space<vmem>>, vector<512x256xf32>
    %iota3A_565 = tpu.iota {dimensions = array<i32: 1>} : vector<512x512xi32>
    %iota3A_566 = tpu.iota {dimensions = array<i32: 0>} : vector<512x512xi32>
    %eq3A_567 = arith.constant 0 : i32
    %eq3A_568 = vector.broadcast %eq3A_567 : i32 to vector<512x512xi32>
    %eq3A_569 = arith.cmpi eq, %iota3A_565, %eq3A_568 : vector<512x512xi32>
    %roll3A_570 = arith.constant 1 : i32
    %roll3A_571 = tpu.dynamic_rotate %sub3A_561 by %roll3A_570 dim 1 : vector<512x512xf32>, i32 -> vector<512x512xf32>
    %jit3A_572 = arith.constant 9.99999974E-6 : f32
    %broadcast_in_dim3A_573 = vector.broadcast %jit3A_572 : f32 to vector<512x512xf32>
    %select_n3A_574 = arith.select %eq3A_569, %broadcast_in_dim3A_573, %roll3A_571 : vector<512x512xi1>, vector<512x512xf32>
    %eq3A_575 = arith.constant 511 : i32
    %eq3A_576 = vector.broadcast %eq3A_575 : i32 to vector<512x512xi32>
    %eq3A_577 = arith.cmpi eq, %iota3A_565, %eq3A_576 : vector<512x512xi32>
    %roll3A_578 = arith.constant 511 : i32
    %roll3A_579 = tpu.dynamic_rotate %sub3A_561 by %roll3A_578 dim 1 : vector<512x512xf32>, i32 -> vector<512x512xf32>
    %jit3A_580 = arith.constant 9.99999974E-6 : f32
    %broadcast_in_dim3A_581 = vector.broadcast %jit3A_580 : f32 to vector<512x512xf32>
    %select_n3A_582 = arith.select %eq3A_577, %broadcast_in_dim3A_581, %roll3A_579 : vector<512x512xi1>, vector<512x512xf32>
    %add3A_583 = arith.addf %select_n3A_574, %sub3A_561 : vector<512x512xf32>
    %add3A_584 = arith.addf %add3A_583, %select_n3A_582 : vector<512x512xf32>
    %eq3A_585 = arith.constant 0 : i32
    %eq3A_586 = vector.broadcast %eq3A_585 : i32 to vector<512x512xi32>
    %eq3A_587 = arith.cmpi eq, %iota3A_566, %eq3A_586 : vector<512x512xi32>
    %roll3A_588 = arith.constant 1 : i32
    %roll3A_589 = tpu.dynamic_rotate %add3A_584 by %roll3A_588 dim 0 : vector<512x512xf32>, i32 -> vector<512x512xf32>
    %jit3A_590 = arith.constant 3.000000e-05 : f32
    %broadcast_in_dim3A_591 = vector.broadcast %jit3A_590 : f32 to vector<512x512xf32>
    %select_n3A_592 = arith.select %eq3A_587, %broadcast_in_dim3A_591, %roll3A_589 : vector<512x512xi1>, vector<512x512xf32>
    %eq3A_593 = arith.constant 511 : i32
    %eq3A_594 = vector.broadcast %eq3A_593 : i32 to vector<512x512xi32>
    %eq3A_595 = arith.cmpi eq, %iota3A_566, %eq3A_594 : vector<512x512xi32>
    %roll3A_596 = arith.constant 511 : i32
    %roll3A_597 = tpu.dynamic_rotate %add3A_584 by %roll3A_596 dim 0 : vector<512x512xf32>, i32 -> vector<512x512xf32>
    %jit3A_598 = arith.constant 3.000000e-05 : f32
    %broadcast_in_dim3A_599 = vector.broadcast %jit3A_598 : f32 to vector<512x512xf32>
    %select_n3A_600 = arith.select %eq3A_595, %broadcast_in_dim3A_599, %roll3A_597 : vector<512x512xi1>, vector<512x512xf32>
    %add3A_601 = arith.addf %select_n3A_592, %add3A_584 : vector<512x512xf32>
    %add3A_602 = arith.addf %add3A_601, %select_n3A_600 : vector<512x512xf32>
    %dot_general3A_603 = arith.constant dense<0.000000e+00> : vector<256x512xf32>
    %dot_general3A_604 = tpu.matmul %get3A_564, %add3A_602, %dot_general3A_603 {dimension_numbers = #tpu.dot_dimension_numbers<[0], [0], [1], [1], [0, 1, 1, 1], [], []>, precision = #tpu.contract_precision<fp32>, transpose_lhs_hint = false} : vector<512x256xf32>, vector<512x512xf32>, vector<256x512xf32> -> vector<256x512xf32>
    %dot_general3A_605 = arith.constant dense<0.000000e+00> : vector<256x256xf32>
    %dot_general3A_606 = tpu.matmul %dot_general3A_604, %get3A_564, %dot_general3A_605 {dimension_numbers = #tpu.dot_dimension_numbers<[1], [0], [0], [1], [0, 0, 1, 1], [], []>, precision = #tpu.contract_precision<fp32>, transpose_lhs_hint = false} : vector<256x512xf32>, vector<512x256xf32>, vector<256x256xf32> -> vector<256x256xf32>
    %div3A_607 = arith.constant 9.000000e+00 : f32
    %div3A_608 = vector.broadcast %div3A_607 : f32 to vector<256x256xf32>
    %div3A_609 = arith.divf %dot_general3A_606, %div3A_608 : vector<256x256xf32>
    %get3A_610 = arith.constant 0 : index
    %get3A_611 = arith.constant 0 : index
    %get3A_612 = vector.load %arg12[%get3A_610, %get3A_611] : memref<256x512xf32, #tpu.memory_space<vmem>>, vector<256x512xf32>
    %dot_general3A_613 = arith.constant dense<0.000000e+00> : vector<256x512xf32>
    %dot_general3A_614 = tpu.matmul %div3A_609, %get3A_612, %dot_general3A_613 {dimension_numbers = #tpu.dot_dimension_numbers<[0], [0], [1], [1], [0, 1, 1, 1], [], []>, precision = #tpu.contract_precision<fp32>, transpose_lhs_hint = false} : vector<256x256xf32>, vector<256x512xf32>, vector<256x512xf32> -> vector<256x512xf32>
    %dot_general3A_615 = arith.constant dense<0.000000e+00> : vector<512x512xf32>
    %dot_general3A_616 = tpu.matmul %dot_general3A_614, %get3A_612, %dot_general3A_615 {dimension_numbers = #tpu.dot_dimension_numbers<[0], [0], [1], [1], [0, 1, 1, 1], [], []>, precision = #tpu.contract_precision<fp32>, transpose_lhs_hint = false} : vector<256x512xf32>, vector<256x512xf32>, vector<512x512xf32> -> vector<512x512xf32>
    %add3A_617 = arith.addf %sub3A_561, %dot_general3A_616 : vector<512x512xf32>
    %get3A_618 = arith.constant 0 : index
    %get3A_619 = arith.constant 0 : index
    %get3A_620 = vector.load %arg4[%get3A_618, %get3A_619] : memref<256x128xf32, #tpu.memory_space<vmem>>, vector<256x128xf32>
    %iota3A_621 = tpu.iota {dimensions = array<i32: 1>} : vector<256x256xi32>
    %iota3A_622 = tpu.iota {dimensions = array<i32: 0>} : vector<256x256xi32>
    %eq3A_623 = arith.constant 0 : i32
    %eq3A_624 = vector.broadcast %eq3A_623 : i32 to vector<256x256xi32>
    %eq3A_625 = arith.cmpi eq, %iota3A_621, %eq3A_624 : vector<256x256xi32>
    %roll3A_626 = arith.constant 1 : i32
    %roll3A_627 = tpu.dynamic_rotate %div3A_609 by %roll3A_626 dim 1 : vector<256x256xf32>, i32 -> vector<256x256xf32>
    %jit3A_628 = arith.constant 9.99999974E-6 : f32
    %broadcast_in_dim3A_629 = vector.broadcast %jit3A_628 : f32 to vector<256x256xf32>
    %select_n3A_630 = arith.select %eq3A_625, %broadcast_in_dim3A_629, %roll3A_627 : vector<256x256xi1>, vector<256x256xf32>
    %eq3A_631 = arith.constant 255 : i32
    %eq3A_632 = vector.broadcast %eq3A_631 : i32 to vector<256x256xi32>
    %eq3A_633 = arith.cmpi eq, %iota3A_621, %eq3A_632 : vector<256x256xi32>
    %roll3A_634 = arith.constant 255 : i32
    %roll3A_635 = tpu.dynamic_rotate %div3A_609 by %roll3A_634 dim 1 : vector<256x256xf32>, i32 -> vector<256x256xf32>
    %jit3A_636 = arith.constant 9.99999974E-6 : f32
    %broadcast_in_dim3A_637 = vector.broadcast %jit3A_636 : f32 to vector<256x256xf32>
    %select_n3A_638 = arith.select %eq3A_633, %broadcast_in_dim3A_637, %roll3A_635 : vector<256x256xi1>, vector<256x256xf32>
    %add3A_639 = arith.addf %select_n3A_630, %div3A_609 : vector<256x256xf32>
    %add3A_640 = arith.addf %add3A_639, %select_n3A_638 : vector<256x256xf32>
    %eq3A_641 = arith.constant 0 : i32
    %eq3A_642 = vector.broadcast %eq3A_641 : i32 to vector<256x256xi32>
    %eq3A_643 = arith.cmpi eq, %iota3A_622, %eq3A_642 : vector<256x256xi32>
    %roll3A_644 = arith.constant 1 : i32
    %roll3A_645 = tpu.dynamic_rotate %add3A_640 by %roll3A_644 dim 0 : vector<256x256xf32>, i32 -> vector<256x256xf32>
    %jit3A_646 = arith.constant 3.000000e-05 : f32
    %broadcast_in_dim3A_647 = vector.broadcast %jit3A_646 : f32 to vector<256x256xf32>
    %select_n3A_648 = arith.select %eq3A_643, %broadcast_in_dim3A_647, %roll3A_645 : vector<256x256xi1>, vector<256x256xf32>
    %eq3A_649 = arith.constant 255 : i32
    %eq3A_650 = vector.broadcast %eq3A_649 : i32 to vector<256x256xi32>
    %eq3A_651 = arith.cmpi eq, %iota3A_622, %eq3A_650 : vector<256x256xi32>
    %roll3A_652 = arith.constant 255 : i32
    %roll3A_653 = tpu.dynamic_rotate %add3A_640 by %roll3A_652 dim 0 : vector<256x256xf32>, i32 -> vector<256x256xf32>
    %jit3A_654 = arith.constant 3.000000e-05 : f32
    %broadcast_in_dim3A_655 = vector.broadcast %jit3A_654 : f32 to vector<256x256xf32>
    %select_n3A_656 = arith.select %eq3A_651, %broadcast_in_dim3A_655, %roll3A_653 : vector<256x256xi1>, vector<256x256xf32>
    %add3A_657 = arith.addf %select_n3A_648, %add3A_640 : vector<256x256xf32>
    %add3A_658 = arith.addf %add3A_657, %select_n3A_656 : vector<256x256xf32>
    %dot_general3A_659 = arith.constant dense<0.000000e+00> : vector<128x256xf32>
    %dot_general3A_660 = tpu.matmul %get3A_620, %add3A_658, %dot_general3A_659 {dimension_numbers = #tpu.dot_dimension_numbers<[0], [0], [1], [1], [0, 1, 1, 1], [], []>, precision = #tpu.contract_precision<fp32>, transpose_lhs_hint = false} : vector<256x128xf32>, vector<256x256xf32>, vector<128x256xf32> -> vector<128x256xf32>
    %dot_general3A_661 = arith.constant dense<0.000000e+00> : vector<128x128xf32>
    %dot_general3A_662 = tpu.matmul %dot_general3A_660, %get3A_620, %dot_general3A_661 {dimension_numbers = #tpu.dot_dimension_numbers<[1], [0], [0], [1], [0, 0, 1, 1], [], []>, precision = #tpu.contract_precision<fp32>, transpose_lhs_hint = false} : vector<128x256xf32>, vector<256x128xf32>, vector<128x128xf32> -> vector<128x128xf32>
    %div3A_663 = arith.constant 9.000000e+00 : f32
    %div3A_664 = vector.broadcast %div3A_663 : f32 to vector<128x128xf32>
    %div3A_665 = arith.divf %dot_general3A_662, %div3A_664 : vector<128x128xf32>
    %get3A_666 = arith.constant 0 : index
    %get3A_667 = arith.constant 0 : index
    %get3A_668 = vector.load %arg13[%get3A_666, %get3A_667] : memref<128x512xf32, #tpu.memory_space<vmem>>, vector<128x512xf32>
    %dot_general3A_669 = arith.constant dense<0.000000e+00> : vector<128x512xf32>
    %dot_general3A_670 = tpu.matmul %div3A_665, %get3A_668, %dot_general3A_669 {dimension_numbers = #tpu.dot_dimension_numbers<[0], [0], [1], [1], [0, 1, 1, 1], [], []>, precision = #tpu.contract_precision<fp32>, transpose_lhs_hint = false} : vector<128x128xf32>, vector<128x512xf32>, vector<128x512xf32> -> vector<128x512xf32>
    %dot_general3A_671 = arith.constant dense<0.000000e+00> : vector<512x512xf32>
    %dot_general3A_672 = tpu.matmul %dot_general3A_670, %get3A_668, %dot_general3A_671 {dimension_numbers = #tpu.dot_dimension_numbers<[0], [0], [1], [1], [0, 1, 1, 1], [], []>, precision = #tpu.contract_precision<fp32>, transpose_lhs_hint = false} : vector<128x512xf32>, vector<128x512xf32>, vector<512x512xf32> -> vector<512x512xf32>
    %add3A_673 = arith.addf %add3A_617, %dot_general3A_672 : vector<512x512xf32>
    %get3A_674 = arith.constant 0 : index
    %get3A_675 = arith.constant 0 : index
    %get3A_676 = vector.load %arg5[%get3A_674, %get3A_675] : memref<128x64xf32, #tpu.memory_space<vmem>>, vector<128x64xf32>
    %iota3A_677 = tpu.iota {dimensions = array<i32: 1>} : vector<128x128xi32>
    %iota3A_678 = tpu.iota {dimensions = array<i32: 0>} : vector<128x128xi32>
    %eq3A_679 = arith.constant 0 : i32
    %eq3A_680 = vector.broadcast %eq3A_679 : i32 to vector<128x128xi32>
    %eq3A_681 = arith.cmpi eq, %iota3A_677, %eq3A_680 : vector<128x128xi32>
    %roll3A_682 = arith.constant 1 : i32
    %roll3A_683 = tpu.dynamic_rotate %div3A_665 by %roll3A_682 dim 1 : vector<128x128xf32>, i32 -> vector<128x128xf32>
    %jit3A_684 = arith.constant 9.99999974E-6 : f32
    %broadcast_in_dim3A_685 = vector.broadcast %jit3A_684 : f32 to vector<128x128xf32>
    %select_n3A_686 = arith.select %eq3A_681, %broadcast_in_dim3A_685, %roll3A_683 : vector<128x128xi1>, vector<128x128xf32>
    %eq3A_687 = arith.constant 127 : i32
    %eq3A_688 = vector.broadcast %eq3A_687 : i32 to vector<128x128xi32>
    %eq3A_689 = arith.cmpi eq, %iota3A_677, %eq3A_688 : vector<128x128xi32>
    %roll3A_690 = arith.constant 127 : i32
    %roll3A_691 = tpu.dynamic_rotate %div3A_665 by %roll3A_690 dim 1 : vector<128x128xf32>, i32 -> vector<128x128xf32>
    %jit3A_692 = arith.constant 9.99999974E-6 : f32
    %broadcast_in_dim3A_693 = vector.broadcast %jit3A_692 : f32 to vector<128x128xf32>
    %select_n3A_694 = arith.select %eq3A_689, %broadcast_in_dim3A_693, %roll3A_691 : vector<128x128xi1>, vector<128x128xf32>
    %add3A_695 = arith.addf %select_n3A_686, %div3A_665 : vector<128x128xf32>
    %add3A_696 = arith.addf %add3A_695, %select_n3A_694 : vector<128x128xf32>
    %eq3A_697 = arith.constant 0 : i32
    %eq3A_698 = vector.broadcast %eq3A_697 : i32 to vector<128x128xi32>
    %eq3A_699 = arith.cmpi eq, %iota3A_678, %eq3A_698 : vector<128x128xi32>
    %roll3A_700 = arith.constant 1 : i32
    %roll3A_701 = tpu.dynamic_rotate %add3A_696 by %roll3A_700 dim 0 : vector<128x128xf32>, i32 -> vector<128x128xf32>
    %jit3A_702 = arith.constant 3.000000e-05 : f32
    %broadcast_in_dim3A_703 = vector.broadcast %jit3A_702 : f32 to vector<128x128xf32>
    %select_n3A_704 = arith.select %eq3A_699, %broadcast_in_dim3A_703, %roll3A_701 : vector<128x128xi1>, vector<128x128xf32>
    %eq3A_705 = arith.constant 127 : i32
    %eq3A_706 = vector.broadcast %eq3A_705 : i32 to vector<128x128xi32>
    %eq3A_707 = arith.cmpi eq, %iota3A_678, %eq3A_706 : vector<128x128xi32>
    %roll3A_708 = arith.constant 127 : i32
    %roll3A_709 = tpu.dynamic_rotate %add3A_696 by %roll3A_708 dim 0 : vector<128x128xf32>, i32 -> vector<128x128xf32>
    %jit3A_710 = arith.constant 3.000000e-05 : f32
    %broadcast_in_dim3A_711 = vector.broadcast %jit3A_710 : f32 to vector<128x128xf32>
    %select_n3A_712 = arith.select %eq3A_707, %broadcast_in_dim3A_711, %roll3A_709 : vector<128x128xi1>, vector<128x128xf32>
    %add3A_713 = arith.addf %select_n3A_704, %add3A_696 : vector<128x128xf32>
    %add3A_714 = arith.addf %add3A_713, %select_n3A_712 : vector<128x128xf32>
    %dot_general3A_715 = arith.constant dense<0.000000e+00> : vector<64x128xf32>
    %dot_general3A_716 = tpu.matmul %get3A_676, %add3A_714, %dot_general3A_715 {dimension_numbers = #tpu.dot_dimension_numbers<[0], [0], [1], [1], [0, 1, 1, 1], [], []>, precision = #tpu.contract_precision<fp32>, transpose_lhs_hint = false} : vector<128x64xf32>, vector<128x128xf32>, vector<64x128xf32> -> vector<64x128xf32>
    %dot_general3A_717 = arith.constant dense<0.000000e+00> : vector<64x64xf32>
    %dot_general3A_718 = tpu.matmul %dot_general3A_716, %get3A_676, %dot_general3A_717 {dimension_numbers = #tpu.dot_dimension_numbers<[1], [0], [0], [1], [0, 0, 1, 1], [], []>, precision = #tpu.contract_precision<fp32>, transpose_lhs_hint = false} : vector<64x128xf32>, vector<128x64xf32>, vector<64x64xf32> -> vector<64x64xf32>
    %div3A_719 = arith.constant 9.000000e+00 : f32
    %div3A_720 = vector.broadcast %div3A_719 : f32 to vector<64x64xf32>
    %div3A_721 = arith.divf %dot_general3A_718, %div3A_720 : vector<64x64xf32>
    %get3A_722 = arith.constant 0 : index
    %get3A_723 = arith.constant 0 : index
    %get3A_724 = vector.load %arg14[%get3A_722, %get3A_723] : memref<64x512xf32, #tpu.memory_space<vmem>>, vector<64x512xf32>
    %dot_general3A_725 = arith.constant dense<0.000000e+00> : vector<64x512xf32>
    %dot_general3A_726 = tpu.matmul %div3A_721, %get3A_724, %dot_general3A_725 {dimension_numbers = #tpu.dot_dimension_numbers<[0], [0], [1], [1], [0, 1, 1, 1], [], []>, precision = #tpu.contract_precision<fp32>, transpose_lhs_hint = false} : vector<64x64xf32>, vector<64x512xf32>, vector<64x512xf32> -> vector<64x512xf32>
    %dot_general3A_727 = arith.constant dense<0.000000e+00> : vector<512x512xf32>
    %dot_general3A_728 = tpu.matmul %dot_general3A_726, %get3A_724, %dot_general3A_727 {dimension_numbers = #tpu.dot_dimension_numbers<[0], [0], [1], [1], [0, 1, 1, 1], [], []>, precision = #tpu.contract_precision<fp32>, transpose_lhs_hint = false} : vector<64x512xf32>, vector<64x512xf32>, vector<512x512xf32> -> vector<512x512xf32>
    %add3A_729 = arith.addf %add3A_673, %dot_general3A_728 : vector<512x512xf32>
    %get3A_730 = arith.constant 0 : index
    %get3A_731 = arith.constant 0 : index
    %get3A_732 = vector.load %arg6[%get3A_730, %get3A_731] : memref<64x32xf32, #tpu.memory_space<vmem>>, vector<64x32xf32>
    %iota3A_733 = tpu.iota {dimensions = array<i32: 1>} : vector<64x64xi32>
    %iota3A_734 = tpu.iota {dimensions = array<i32: 0>} : vector<64x64xi32>
    %eq3A_735 = arith.constant 0 : i32
    %eq3A_736 = vector.broadcast %eq3A_735 : i32 to vector<64x64xi32>
    %eq3A_737 = arith.cmpi eq, %iota3A_733, %eq3A_736 : vector<64x64xi32>
    %roll3A_738 = arith.constant 1 : i32
    %roll3A_739 = tpu.dynamic_rotate %div3A_721 by %roll3A_738 dim 1 : vector<64x64xf32>, i32 -> vector<64x64xf32>
    %jit3A_740 = arith.constant 9.99999974E-6 : f32
    %broadcast_in_dim3A_741 = vector.broadcast %jit3A_740 : f32 to vector<64x64xf32>
    %select_n3A_742 = arith.select %eq3A_737, %broadcast_in_dim3A_741, %roll3A_739 : vector<64x64xi1>, vector<64x64xf32>
    %eq3A_743 = arith.constant 63 : i32
    %eq3A_744 = vector.broadcast %eq3A_743 : i32 to vector<64x64xi32>
    %eq3A_745 = arith.cmpi eq, %iota3A_733, %eq3A_744 : vector<64x64xi32>
    %roll3A_746 = arith.constant 63 : i32
    %roll3A_747 = tpu.dynamic_rotate %div3A_721 by %roll3A_746 dim 1 : vector<64x64xf32>, i32 -> vector<64x64xf32>
    %jit3A_748 = arith.constant 9.99999974E-6 : f32
    %broadcast_in_dim3A_749 = vector.broadcast %jit3A_748 : f32 to vector<64x64xf32>
    %select_n3A_750 = arith.select %eq3A_745, %broadcast_in_dim3A_749, %roll3A_747 : vector<64x64xi1>, vector<64x64xf32>
    %add3A_751 = arith.addf %select_n3A_742, %div3A_721 : vector<64x64xf32>
    %add3A_752 = arith.addf %add3A_751, %select_n3A_750 : vector<64x64xf32>
    %eq3A_753 = arith.constant 0 : i32
    %eq3A_754 = vector.broadcast %eq3A_753 : i32 to vector<64x64xi32>
    %eq3A_755 = arith.cmpi eq, %iota3A_734, %eq3A_754 : vector<64x64xi32>
    %roll3A_756 = arith.constant 1 : i32
    %roll3A_757 = tpu.dynamic_rotate %add3A_752 by %roll3A_756 dim 0 : vector<64x64xf32>, i32 -> vector<64x64xf32>
    %jit3A_758 = arith.constant 3.000000e-05 : f32
    %broadcast_in_dim3A_759 = vector.broadcast %jit3A_758 : f32 to vector<64x64xf32>
    %select_n3A_760 = arith.select %eq3A_755, %broadcast_in_dim3A_759, %roll3A_757 : vector<64x64xi1>, vector<64x64xf32>
    %eq3A_761 = arith.constant 63 : i32
    %eq3A_762 = vector.broadcast %eq3A_761 : i32 to vector<64x64xi32>
    %eq3A_763 = arith.cmpi eq, %iota3A_734, %eq3A_762 : vector<64x64xi32>
    %roll3A_764 = arith.constant 63 : i32
    %roll3A_765 = tpu.dynamic_rotate %add3A_752 by %roll3A_764 dim 0 : vector<64x64xf32>, i32 -> vector<64x64xf32>
    %jit3A_766 = arith.constant 3.000000e-05 : f32
    %broadcast_in_dim3A_767 = vector.broadcast %jit3A_766 : f32 to vector<64x64xf32>
    %select_n3A_768 = arith.select %eq3A_763, %broadcast_in_dim3A_767, %roll3A_765 : vector<64x64xi1>, vector<64x64xf32>
    %add3A_769 = arith.addf %select_n3A_760, %add3A_752 : vector<64x64xf32>
    %add3A_770 = arith.addf %add3A_769, %select_n3A_768 : vector<64x64xf32>
    %dot_general3A_771 = arith.constant dense<0.000000e+00> : vector<32x64xf32>
    %dot_general3A_772 = tpu.matmul %get3A_732, %add3A_770, %dot_general3A_771 {dimension_numbers = #tpu.dot_dimension_numbers<[0], [0], [1], [1], [0, 1, 1, 1], [], []>, precision = #tpu.contract_precision<fp32>, transpose_lhs_hint = false} : vector<64x32xf32>, vector<64x64xf32>, vector<32x64xf32> -> vector<32x64xf32>
    %dot_general3A_773 = arith.constant dense<0.000000e+00> : vector<32x32xf32>
    %dot_general3A_774 = tpu.matmul %dot_general3A_772, %get3A_732, %dot_general3A_773 {dimension_numbers = #tpu.dot_dimension_numbers<[1], [0], [0], [1], [0, 0, 1, 1], [], []>, precision = #tpu.contract_precision<fp32>, transpose_lhs_hint = false} : vector<32x64xf32>, vector<64x32xf32>, vector<32x32xf32> -> vector<32x32xf32>
    %div3A_775 = arith.constant 9.000000e+00 : f32
    %div3A_776 = vector.broadcast %div3A_775 : f32 to vector<32x32xf32>
    %div3A_777 = arith.divf %dot_general3A_774, %div3A_776 : vector<32x32xf32>
    %get3A_778 = arith.constant 0 : index
    %get3A_779 = arith.constant 0 : index
    %get3A_780 = vector.load %arg15[%get3A_778, %get3A_779] : memref<32x512xf32, #tpu.memory_space<vmem>>, vector<32x512xf32>
    %dot_general3A_781 = arith.constant dense<0.000000e+00> : vector<32x512xf32>
    %dot_general3A_782 = tpu.matmul %div3A_777, %get3A_780, %dot_general3A_781 {dimension_numbers = #tpu.dot_dimension_numbers<[0], [0], [1], [1], [0, 1, 1, 1], [], []>, precision = #tpu.contract_precision<fp32>, transpose_lhs_hint = false} : vector<32x32xf32>, vector<32x512xf32>, vector<32x512xf32> -> vector<32x512xf32>
    %dot_general3A_783 = arith.constant dense<0.000000e+00> : vector<512x512xf32>
    %dot_general3A_784 = tpu.matmul %dot_general3A_782, %get3A_780, %dot_general3A_783 {dimension_numbers = #tpu.dot_dimension_numbers<[0], [0], [1], [1], [0, 1, 1, 1], [], []>, precision = #tpu.contract_precision<fp32>, transpose_lhs_hint = false} : vector<32x512xf32>, vector<32x512xf32>, vector<512x512xf32> -> vector<512x512xf32>
    %add3A_785 = arith.addf %add3A_729, %dot_general3A_784 : vector<512x512xf32>
    %get3A_786 = arith.constant 0 : index
    %get3A_787 = arith.constant 0 : index
    %get3A_788 = vector.load %arg7[%get3A_786, %get3A_787] : memref<32x16xf32, #tpu.memory_space<vmem>>, vector<32x16xf32>
    %iota3A_789 = tpu.iota {dimensions = array<i32: 1>} : vector<32x32xi32>
    %iota3A_790 = tpu.iota {dimensions = array<i32: 0>} : vector<32x32xi32>
    %eq3A_791 = arith.constant 0 : i32
    %eq3A_792 = vector.broadcast %eq3A_791 : i32 to vector<32x32xi32>
    %eq3A_793 = arith.cmpi eq, %iota3A_789, %eq3A_792 : vector<32x32xi32>
    %roll3A_794 = arith.constant 1 : i32
    %roll3A_795 = tpu.dynamic_rotate %div3A_777 by %roll3A_794 dim 1 : vector<32x32xf32>, i32 -> vector<32x32xf32>
    %jit3A_796 = arith.constant 9.99999974E-6 : f32
    %broadcast_in_dim3A_797 = vector.broadcast %jit3A_796 : f32 to vector<32x32xf32>
    %select_n3A_798 = arith.select %eq3A_793, %broadcast_in_dim3A_797, %roll3A_795 : vector<32x32xi1>, vector<32x32xf32>
    %eq3A_799 = arith.constant 31 : i32
    %eq3A_800 = vector.broadcast %eq3A_799 : i32 to vector<32x32xi32>
    %eq3A_801 = arith.cmpi eq, %iota3A_789, %eq3A_800 : vector<32x32xi32>
    %roll3A_802 = arith.constant 31 : i32
    %roll3A_803 = tpu.dynamic_rotate %div3A_777 by %roll3A_802 dim 1 : vector<32x32xf32>, i32 -> vector<32x32xf32>
    %jit3A_804 = arith.constant 9.99999974E-6 : f32
    %broadcast_in_dim3A_805 = vector.broadcast %jit3A_804 : f32 to vector<32x32xf32>
    %select_n3A_806 = arith.select %eq3A_801, %broadcast_in_dim3A_805, %roll3A_803 : vector<32x32xi1>, vector<32x32xf32>
    %add3A_807 = arith.addf %select_n3A_798, %div3A_777 : vector<32x32xf32>
    %add3A_808 = arith.addf %add3A_807, %select_n3A_806 : vector<32x32xf32>
    %eq3A_809 = arith.constant 0 : i32
    %eq3A_810 = vector.broadcast %eq3A_809 : i32 to vector<32x32xi32>
    %eq3A_811 = arith.cmpi eq, %iota3A_790, %eq3A_810 : vector<32x32xi32>
    %roll3A_812 = arith.constant 1 : i32
    %roll3A_813 = tpu.dynamic_rotate %add3A_808 by %roll3A_812 dim 0 : vector<32x32xf32>, i32 -> vector<32x32xf32>
    %jit3A_814 = arith.constant 3.000000e-05 : f32
    %broadcast_in_dim3A_815 = vector.broadcast %jit3A_814 : f32 to vector<32x32xf32>
    %select_n3A_816 = arith.select %eq3A_811, %broadcast_in_dim3A_815, %roll3A_813 : vector<32x32xi1>, vector<32x32xf32>
    %eq3A_817 = arith.constant 31 : i32
    %eq3A_818 = vector.broadcast %eq3A_817 : i32 to vector<32x32xi32>
    %eq3A_819 = arith.cmpi eq, %iota3A_790, %eq3A_818 : vector<32x32xi32>
    %roll3A_820 = arith.constant 31 : i32
    %roll3A_821 = tpu.dynamic_rotate %add3A_808 by %roll3A_820 dim 0 : vector<32x32xf32>, i32 -> vector<32x32xf32>
    %jit3A_822 = arith.constant 3.000000e-05 : f32
    %broadcast_in_dim3A_823 = vector.broadcast %jit3A_822 : f32 to vector<32x32xf32>
    %select_n3A_824 = arith.select %eq3A_819, %broadcast_in_dim3A_823, %roll3A_821 : vector<32x32xi1>, vector<32x32xf32>
    %add3A_825 = arith.addf %select_n3A_816, %add3A_808 : vector<32x32xf32>
    %add3A_826 = arith.addf %add3A_825, %select_n3A_824 : vector<32x32xf32>
    %dot_general3A_827 = arith.constant dense<0.000000e+00> : vector<16x32xf32>
    %dot_general3A_828 = tpu.matmul %get3A_788, %add3A_826, %dot_general3A_827 {dimension_numbers = #tpu.dot_dimension_numbers<[0], [0], [1], [1], [0, 1, 1, 1], [], []>, precision = #tpu.contract_precision<fp32>, transpose_lhs_hint = false} : vector<32x16xf32>, vector<32x32xf32>, vector<16x32xf32> -> vector<16x32xf32>
    %dot_general3A_829 = arith.constant dense<0.000000e+00> : vector<16x16xf32>
    %dot_general3A_830 = tpu.matmul %dot_general3A_828, %get3A_788, %dot_general3A_829 {dimension_numbers = #tpu.dot_dimension_numbers<[1], [0], [0], [1], [0, 0, 1, 1], [], []>, precision = #tpu.contract_precision<fp32>, transpose_lhs_hint = false} : vector<16x32xf32>, vector<32x16xf32>, vector<16x16xf32> -> vector<16x16xf32>
    %div3A_831 = arith.constant 9.000000e+00 : f32
    %div3A_832 = vector.broadcast %div3A_831 : f32 to vector<16x16xf32>
    %div3A_833 = arith.divf %dot_general3A_830, %div3A_832 : vector<16x16xf32>
    %get3A_834 = arith.constant 0 : index
    %get3A_835 = arith.constant 0 : index
    %get3A_836 = vector.load %arg16[%get3A_834, %get3A_835] : memref<16x512xf32, #tpu.memory_space<vmem>>, vector<16x512xf32>
    %dot_general3A_837 = arith.constant dense<0.000000e+00> : vector<16x512xf32>
    %dot_general3A_838 = tpu.matmul %div3A_833, %get3A_836, %dot_general3A_837 {dimension_numbers = #tpu.dot_dimension_numbers<[0], [0], [1], [1], [0, 1, 1, 1], [], []>, precision = #tpu.contract_precision<fp32>, transpose_lhs_hint = false} : vector<16x16xf32>, vector<16x512xf32>, vector<16x512xf32> -> vector<16x512xf32>
    %dot_general3A_839 = arith.constant dense<0.000000e+00> : vector<512x512xf32>
    %dot_general3A_840 = tpu.matmul %dot_general3A_838, %get3A_836, %dot_general3A_839 {dimension_numbers = #tpu.dot_dimension_numbers<[0], [0], [1], [1], [0, 1, 1, 1], [], []>, precision = #tpu.contract_precision<fp32>, transpose_lhs_hint = false} : vector<16x512xf32>, vector<16x512xf32>, vector<512x512xf32> -> vector<512x512xf32>
    %add3A_841 = arith.addf %add3A_785, %dot_general3A_840 : vector<512x512xf32>
    %get3A_842 = arith.constant 0 : index
    %get3A_843 = arith.constant 0 : index
    %get3A_844 = vector.load %arg8[%get3A_842, %get3A_843] : memref<16x8xf32, #tpu.memory_space<vmem>>, vector<16x8xf32>
    %iota3A_845 = tpu.iota {dimensions = array<i32: 1>} : vector<16x16xi32>
    %iota3A_846 = tpu.iota {dimensions = array<i32: 0>} : vector<16x16xi32>
    %eq3A_847 = arith.constant 0 : i32
    %eq3A_848 = vector.broadcast %eq3A_847 : i32 to vector<16x16xi32>
    %eq3A_849 = arith.cmpi eq, %iota3A_845, %eq3A_848 : vector<16x16xi32>
    %roll3A_850 = arith.constant 1 : i32
    %roll3A_851 = tpu.dynamic_rotate %div3A_833 by %roll3A_850 dim 1 : vector<16x16xf32>, i32 -> vector<16x16xf32>
    %jit3A_852 = arith.constant 9.99999974E-6 : f32
    %broadcast_in_dim3A_853 = vector.broadcast %jit3A_852 : f32 to vector<16x16xf32>
    %select_n3A_854 = arith.select %eq3A_849, %broadcast_in_dim3A_853, %roll3A_851 : vector<16x16xi1>, vector<16x16xf32>
    %eq3A_855 = arith.constant 15 : i32
    %eq3A_856 = vector.broadcast %eq3A_855 : i32 to vector<16x16xi32>
    %eq3A_857 = arith.cmpi eq, %iota3A_845, %eq3A_856 : vector<16x16xi32>
    %roll3A_858 = arith.constant 15 : i32
    %roll3A_859 = tpu.dynamic_rotate %div3A_833 by %roll3A_858 dim 1 : vector<16x16xf32>, i32 -> vector<16x16xf32>
    %jit3A_860 = arith.constant 9.99999974E-6 : f32
    %broadcast_in_dim3A_861 = vector.broadcast %jit3A_860 : f32 to vector<16x16xf32>
    %select_n3A_862 = arith.select %eq3A_857, %broadcast_in_dim3A_861, %roll3A_859 : vector<16x16xi1>, vector<16x16xf32>
    %add3A_863 = arith.addf %select_n3A_854, %div3A_833 : vector<16x16xf32>
    %add3A_864 = arith.addf %add3A_863, %select_n3A_862 : vector<16x16xf32>
    %eq3A_865 = arith.constant 0 : i32
    %eq3A_866 = vector.broadcast %eq3A_865 : i32 to vector<16x16xi32>
    %eq3A_867 = arith.cmpi eq, %iota3A_846, %eq3A_866 : vector<16x16xi32>
    %roll3A_868 = arith.constant 1 : i32
    %roll3A_869 = tpu.dynamic_rotate %add3A_864 by %roll3A_868 dim 0 : vector<16x16xf32>, i32 -> vector<16x16xf32>
    %jit3A_870 = arith.constant 3.000000e-05 : f32
    %broadcast_in_dim3A_871 = vector.broadcast %jit3A_870 : f32 to vector<16x16xf32>
    %select_n3A_872 = arith.select %eq3A_867, %broadcast_in_dim3A_871, %roll3A_869 : vector<16x16xi1>, vector<16x16xf32>
    %eq3A_873 = arith.constant 15 : i32
    %eq3A_874 = vector.broadcast %eq3A_873 : i32 to vector<16x16xi32>
    %eq3A_875 = arith.cmpi eq, %iota3A_846, %eq3A_874 : vector<16x16xi32>
    %roll3A_876 = arith.constant 15 : i32
    %roll3A_877 = tpu.dynamic_rotate %add3A_864 by %roll3A_876 dim 0 : vector<16x16xf32>, i32 -> vector<16x16xf32>
    %jit3A_878 = arith.constant 3.000000e-05 : f32
    %broadcast_in_dim3A_879 = vector.broadcast %jit3A_878 : f32 to vector<16x16xf32>
    %select_n3A_880 = arith.select %eq3A_875, %broadcast_in_dim3A_879, %roll3A_877 : vector<16x16xi1>, vector<16x16xf32>
    %add3A_881 = arith.addf %select_n3A_872, %add3A_864 : vector<16x16xf32>
    %add3A_882 = arith.addf %add3A_881, %select_n3A_880 : vector<16x16xf32>
    %dot_general3A_883 = arith.constant dense<0.000000e+00> : vector<8x16xf32>
    %dot_general3A_884 = tpu.matmul %get3A_844, %add3A_882, %dot_general3A_883 {dimension_numbers = #tpu.dot_dimension_numbers<[0], [0], [1], [1], [0, 1, 1, 1], [], []>, precision = #tpu.contract_precision<fp32>, transpose_lhs_hint = false} : vector<16x8xf32>, vector<16x16xf32>, vector<8x16xf32> -> vector<8x16xf32>
    %dot_general3A_885 = arith.constant dense<0.000000e+00> : vector<8x8xf32>
    %dot_general3A_886 = tpu.matmul %dot_general3A_884, %get3A_844, %dot_general3A_885 {dimension_numbers = #tpu.dot_dimension_numbers<[1], [0], [0], [1], [0, 0, 1, 1], [], []>, precision = #tpu.contract_precision<fp32>, transpose_lhs_hint = false} : vector<8x16xf32>, vector<16x8xf32>, vector<8x8xf32> -> vector<8x8xf32>
    %div3A_887 = arith.constant 9.000000e+00 : f32
    %div3A_888 = vector.broadcast %div3A_887 : f32 to vector<8x8xf32>
    %div3A_889 = arith.divf %dot_general3A_886, %div3A_888 : vector<8x8xf32>
    %get3A_890 = arith.constant 0 : index
    %get3A_891 = arith.constant 0 : index
    %get3A_892 = vector.load %arg17[%get3A_890, %get3A_891] : memref<8x512xf32, #tpu.memory_space<vmem>>, vector<8x512xf32>
    %dot_general3A_893 = arith.constant dense<0.000000e+00> : vector<8x512xf32>
    %dot_general3A_894 = tpu.matmul %div3A_889, %get3A_892, %dot_general3A_893 {dimension_numbers = #tpu.dot_dimension_numbers<[0], [0], [1], [1], [0, 1, 1, 1], [], []>, precision = #tpu.contract_precision<fp32>, transpose_lhs_hint = false} : vector<8x8xf32>, vector<8x512xf32>, vector<8x512xf32> -> vector<8x512xf32>
    %dot_general3A_895 = arith.constant dense<0.000000e+00> : vector<512x512xf32>
    %dot_general3A_896 = tpu.matmul %dot_general3A_894, %get3A_892, %dot_general3A_895 {dimension_numbers = #tpu.dot_dimension_numbers<[0], [0], [1], [1], [0, 1, 1, 1], [], []>, precision = #tpu.contract_precision<fp32>, transpose_lhs_hint = false} : vector<8x512xf32>, vector<8x512xf32>, vector<512x512xf32> -> vector<512x512xf32>
    %add3A_897 = arith.addf %add3A_841, %dot_general3A_896 : vector<512x512xf32>
    %get3A_898 = arith.constant 0 : index
    %get3A_899 = arith.constant 0 : index
    %get3A_900 = vector.load %arg9[%get3A_898, %get3A_899] : memref<8x4xf32, #tpu.memory_space<vmem>>, vector<8x4xf32>
    %iota3A_901 = tpu.iota {dimensions = array<i32: 1>} : vector<8x8xi32>
    %iota3A_902 = tpu.iota {dimensions = array<i32: 0>} : vector<8x8xi32>
    %eq3A_903 = arith.constant 0 : i32
    %eq3A_904 = vector.broadcast %eq3A_903 : i32 to vector<8x8xi32>
    %eq3A_905 = arith.cmpi eq, %iota3A_901, %eq3A_904 : vector<8x8xi32>
    %roll3A_906 = arith.constant 1 : i32
    %roll3A_907 = tpu.dynamic_rotate %div3A_889 by %roll3A_906 dim 1 : vector<8x8xf32>, i32 -> vector<8x8xf32>
    %jit3A_908 = arith.constant 9.99999974E-6 : f32
    %broadcast_in_dim3A_909 = vector.broadcast %jit3A_908 : f32 to vector<8x8xf32>
    %select_n3A_910 = arith.select %eq3A_905, %broadcast_in_dim3A_909, %roll3A_907 : vector<8x8xi1>, vector<8x8xf32>
    %eq3A_911 = arith.constant 7 : i32
    %eq3A_912 = vector.broadcast %eq3A_911 : i32 to vector<8x8xi32>
    %eq3A_913 = arith.cmpi eq, %iota3A_901, %eq3A_912 : vector<8x8xi32>
    %roll3A_914 = arith.constant 7 : i32
    %roll3A_915 = tpu.dynamic_rotate %div3A_889 by %roll3A_914 dim 1 : vector<8x8xf32>, i32 -> vector<8x8xf32>
    %jit3A_916 = arith.constant 9.99999974E-6 : f32
    %broadcast_in_dim3A_917 = vector.broadcast %jit3A_916 : f32 to vector<8x8xf32>
    %select_n3A_918 = arith.select %eq3A_913, %broadcast_in_dim3A_917, %roll3A_915 : vector<8x8xi1>, vector<8x8xf32>
    %add3A_919 = arith.addf %select_n3A_910, %div3A_889 : vector<8x8xf32>
    %add3A_920 = arith.addf %add3A_919, %select_n3A_918 : vector<8x8xf32>
    %eq3A_921 = arith.constant 0 : i32
    %eq3A_922 = vector.broadcast %eq3A_921 : i32 to vector<8x8xi32>
    %eq3A_923 = arith.cmpi eq, %iota3A_902, %eq3A_922 : vector<8x8xi32>
    %roll3A_924 = arith.constant 1 : i32
    %roll3A_925 = tpu.dynamic_rotate %add3A_920 by %roll3A_924 dim 0 : vector<8x8xf32>, i32 -> vector<8x8xf32>
    %jit3A_926 = arith.constant 3.000000e-05 : f32
    %broadcast_in_dim3A_927 = vector.broadcast %jit3A_926 : f32 to vector<8x8xf32>
    %select_n3A_928 = arith.select %eq3A_923, %broadcast_in_dim3A_927, %roll3A_925 : vector<8x8xi1>, vector<8x8xf32>
    %eq3A_929 = arith.constant 7 : i32
    %eq3A_930 = vector.broadcast %eq3A_929 : i32 to vector<8x8xi32>
    %eq3A_931 = arith.cmpi eq, %iota3A_902, %eq3A_930 : vector<8x8xi32>
    %roll3A_932 = arith.constant 7 : i32
    %roll3A_933 = tpu.dynamic_rotate %add3A_920 by %roll3A_932 dim 0 : vector<8x8xf32>, i32 -> vector<8x8xf32>
    %jit3A_934 = arith.constant 3.000000e-05 : f32
    %broadcast_in_dim3A_935 = vector.broadcast %jit3A_934 : f32 to vector<8x8xf32>
    %select_n3A_936 = arith.select %eq3A_931, %broadcast_in_dim3A_935, %roll3A_933 : vector<8x8xi1>, vector<8x8xf32>
    %add3A_937 = arith.addf %select_n3A_928, %add3A_920 : vector<8x8xf32>
    %add3A_938 = arith.addf %add3A_937, %select_n3A_936 : vector<8x8xf32>
    %dot_general3A_939 = arith.constant dense<0.000000e+00> : vector<4x8xf32>
    %dot_general3A_940 = tpu.matmul %get3A_900, %add3A_938, %dot_general3A_939 {dimension_numbers = #tpu.dot_dimension_numbers<[0], [0], [1], [1], [0, 1, 1, 1], [], []>, precision = #tpu.contract_precision<fp32>, transpose_lhs_hint = false} : vector<8x4xf32>, vector<8x8xf32>, vector<4x8xf32> -> vector<4x8xf32>
    %dot_general3A_941 = arith.constant dense<0.000000e+00> : vector<4x4xf32>
    %dot_general3A_942 = tpu.matmul %dot_general3A_940, %get3A_900, %dot_general3A_941 {dimension_numbers = #tpu.dot_dimension_numbers<[1], [0], [0], [1], [0, 0, 1, 1], [], []>, precision = #tpu.contract_precision<fp32>, transpose_lhs_hint = false} : vector<4x8xf32>, vector<8x4xf32>, vector<4x4xf32> -> vector<4x4xf32>
    %div3A_943 = arith.constant 9.000000e+00 : f32
    %div3A_944 = vector.broadcast %div3A_943 : f32 to vector<4x4xf32>
    %div3A_945 = arith.divf %dot_general3A_942, %div3A_944 : vector<4x4xf32>
    %get3A_946 = arith.constant 0 : index
    %get3A_947 = arith.constant 0 : index
    %get3A_948 = vector.load %arg18[%get3A_946, %get3A_947] : memref<4x512xf32, #tpu.memory_space<vmem>>, vector<4x512xf32>
    %dot_general3A_949 = arith.constant dense<0.000000e+00> : vector<4x512xf32>
    %dot_general3A_950 = tpu.matmul %div3A_945, %get3A_948, %dot_general3A_949 {dimension_numbers = #tpu.dot_dimension_numbers<[0], [0], [1], [1], [0, 1, 1, 1], [], []>, precision = #tpu.contract_precision<fp32>, transpose_lhs_hint = false} : vector<4x4xf32>, vector<4x512xf32>, vector<4x512xf32> -> vector<4x512xf32>
    %dot_general3A_951 = arith.constant dense<0.000000e+00> : vector<512x512xf32>
    %dot_general3A_952 = tpu.matmul %dot_general3A_950, %get3A_948, %dot_general3A_951 {dimension_numbers = #tpu.dot_dimension_numbers<[0], [0], [1], [1], [0, 1, 1, 1], [], []>, precision = #tpu.contract_precision<fp32>, transpose_lhs_hint = false} : vector<4x512xf32>, vector<4x512xf32>, vector<512x512xf32> -> vector<512x512xf32>
    %add3A_953 = arith.addf %add3A_897, %dot_general3A_952 : vector<512x512xf32>
    %get3A_954 = arith.constant 0 : index
    %get3A_955 = arith.constant 0 : index
    %get3A_956 = vector.load %arg10[%get3A_954, %get3A_955] : memref<4x2xf32, #tpu.memory_space<vmem>>, vector<4x2xf32>
    %iota3A_957 = tpu.iota {dimensions = array<i32: 1>} : vector<4x4xi32>
    %iota3A_958 = tpu.iota {dimensions = array<i32: 0>} : vector<4x4xi32>
    %eq3A_959 = arith.constant 0 : i32
    %eq3A_960 = vector.broadcast %eq3A_959 : i32 to vector<4x4xi32>
    %eq3A_961 = arith.cmpi eq, %iota3A_957, %eq3A_960 : vector<4x4xi32>
    %roll3A_962 = arith.constant 1 : i32
    %roll3A_963 = tpu.dynamic_rotate %div3A_945 by %roll3A_962 dim 1 : vector<4x4xf32>, i32 -> vector<4x4xf32>
    %jit3A_964 = arith.constant 9.99999974E-6 : f32
    %broadcast_in_dim3A_965 = vector.broadcast %jit3A_964 : f32 to vector<4x4xf32>
    %select_n3A_966 = arith.select %eq3A_961, %broadcast_in_dim3A_965, %roll3A_963 : vector<4x4xi1>, vector<4x4xf32>
    %eq3A_967 = arith.constant 3 : i32
    %eq3A_968 = vector.broadcast %eq3A_967 : i32 to vector<4x4xi32>
    %eq3A_969 = arith.cmpi eq, %iota3A_957, %eq3A_968 : vector<4x4xi32>
    %roll3A_970 = arith.constant 3 : i32
    %roll3A_971 = tpu.dynamic_rotate %div3A_945 by %roll3A_970 dim 1 : vector<4x4xf32>, i32 -> vector<4x4xf32>
    %jit3A_972 = arith.constant 9.99999974E-6 : f32
    %broadcast_in_dim3A_973 = vector.broadcast %jit3A_972 : f32 to vector<4x4xf32>
    %select_n3A_974 = arith.select %eq3A_969, %broadcast_in_dim3A_973, %roll3A_971 : vector<4x4xi1>, vector<4x4xf32>
    %add3A_975 = arith.addf %select_n3A_966, %div3A_945 : vector<4x4xf32>
    %add3A_976 = arith.addf %add3A_975, %select_n3A_974 : vector<4x4xf32>
    %eq3A_977 = arith.constant 0 : i32
    %eq3A_978 = vector.broadcast %eq3A_977 : i32 to vector<4x4xi32>
    %eq3A_979 = arith.cmpi eq, %iota3A_958, %eq3A_978 : vector<4x4xi32>
    %roll3A_980 = arith.constant 1 : i32
    %roll3A_981 = tpu.dynamic_rotate %add3A_976 by %roll3A_980 dim 0 : vector<4x4xf32>, i32 -> vector<4x4xf32>
    %jit3A_982 = arith.constant 3.000000e-05 : f32
    %broadcast_in_dim3A_983 = vector.broadcast %jit3A_982 : f32 to vector<4x4xf32>
    %select_n3A_984 = arith.select %eq3A_979, %broadcast_in_dim3A_983, %roll3A_981 : vector<4x4xi1>, vector<4x4xf32>
    %eq3A_985 = arith.constant 3 : i32
    %eq3A_986 = vector.broadcast %eq3A_985 : i32 to vector<4x4xi32>
    %eq3A_987 = arith.cmpi eq, %iota3A_958, %eq3A_986 : vector<4x4xi32>
    %roll3A_988 = arith.constant 3 : i32
    %roll3A_989 = tpu.dynamic_rotate %add3A_976 by %roll3A_988 dim 0 : vector<4x4xf32>, i32 -> vector<4x4xf32>
    %jit3A_990 = arith.constant 3.000000e-05 : f32
    %broadcast_in_dim3A_991 = vector.broadcast %jit3A_990 : f32 to vector<4x4xf32>
    %select_n3A_992 = arith.select %eq3A_987, %broadcast_in_dim3A_991, %roll3A_989 : vector<4x4xi1>, vector<4x4xf32>
    %add3A_993 = arith.addf %select_n3A_984, %add3A_976 : vector<4x4xf32>
    %add3A_994 = arith.addf %add3A_993, %select_n3A_992 : vector<4x4xf32>
    %dot_general3A_995 = arith.constant dense<0.000000e+00> : vector<2x4xf32>
    %dot_general3A_996 = tpu.matmul %get3A_956, %add3A_994, %dot_general3A_995 {dimension_numbers = #tpu.dot_dimension_numbers<[0], [0], [1], [1], [0, 1, 1, 1], [], []>, precision = #tpu.contract_precision<fp32>, transpose_lhs_hint = false} : vector<4x2xf32>, vector<4x4xf32>, vector<2x4xf32> -> vector<2x4xf32>
    %dot_general3A_997 = arith.constant dense<0.000000e+00> : vector<2x2xf32>
    %dot_general3A_998 = tpu.matmul %dot_general3A_996, %get3A_956, %dot_general3A_997 {dimension_numbers = #tpu.dot_dimension_numbers<[1], [0], [0], [1], [0, 0, 1, 1], [], []>, precision = #tpu.contract_precision<fp32>, transpose_lhs_hint = false} : vector<2x4xf32>, vector<4x2xf32>, vector<2x2xf32> -> vector<2x2xf32>
    %div3A_999 = arith.constant 9.000000e+00 : f32
    %div3A_1000 = vector.broadcast %div3A_999 : f32 to vector<2x2xf32>
    %div3A_1001 = arith.divf %dot_general3A_998, %div3A_1000 : vector<2x2xf32>
    %get3A_1002 = arith.constant 0 : index
    %get3A_1003 = arith.constant 0 : index
    %get3A_1004 = vector.load %arg19[%get3A_1002, %get3A_1003] : memref<2x512xf32, #tpu.memory_space<vmem>>, vector<2x512xf32>
    %dot_general3A_1005 = arith.constant dense<0.000000e+00> : vector<2x512xf32>
    %dot_general3A_1006 = tpu.matmul %div3A_1001, %get3A_1004, %dot_general3A_1005 {dimension_numbers = #tpu.dot_dimension_numbers<[0], [0], [1], [1], [0, 1, 1, 1], [], []>, precision = #tpu.contract_precision<fp32>, transpose_lhs_hint = false} : vector<2x2xf32>, vector<2x512xf32>, vector<2x512xf32> -> vector<2x512xf32>
    %dot_general3A_1007 = arith.constant dense<0.000000e+00> : vector<512x512xf32>
    %dot_general3A_1008 = tpu.matmul %dot_general3A_1006, %get3A_1004, %dot_general3A_1007 {dimension_numbers = #tpu.dot_dimension_numbers<[0], [0], [1], [1], [0, 1, 1, 1], [], []>, precision = #tpu.contract_precision<fp32>, transpose_lhs_hint = false} : vector<2x512xf32>, vector<2x512xf32>, vector<512x512xf32> -> vector<512x512xf32>
    %add3A_1009 = arith.addf %add3A_953, %dot_general3A_1008 : vector<512x512xf32>
    %get3A_1010 = arith.constant 0 : index
    %get3A_1011 = arith.constant 0 : index
    %get3A_1012 = vector.load %arg11[%get3A_1010, %get3A_1011] : memref<2x1xf32, #tpu.memory_space<vmem>>, vector<2x1xf32>
    %iota3A_1013 = tpu.iota {dimensions = array<i32: 1>} : vector<2x2xi32>
    %iota3A_1014 = tpu.iota {dimensions = array<i32: 0>} : vector<2x2xi32>
    %eq3A_1015 = arith.constant 0 : i32
    %eq3A_1016 = vector.broadcast %eq3A_1015 : i32 to vector<2x2xi32>
    %eq3A_1017 = arith.cmpi eq, %iota3A_1013, %eq3A_1016 : vector<2x2xi32>
    %roll3A_1018 = arith.constant 1 : i32
    %roll3A_1019 = tpu.dynamic_rotate %div3A_1001 by %roll3A_1018 dim 1 : vector<2x2xf32>, i32 -> vector<2x2xf32>
    %jit3A_1020 = arith.constant 9.99999974E-6 : f32
    %broadcast_in_dim3A_1021 = vector.broadcast %jit3A_1020 : f32 to vector<2x2xf32>
    %select_n3A_1022 = arith.select %eq3A_1017, %broadcast_in_dim3A_1021, %roll3A_1019 : vector<2x2xi1>, vector<2x2xf32>
    %eq3A_1023 = arith.constant 1 : i32
    %eq3A_1024 = vector.broadcast %eq3A_1023 : i32 to vector<2x2xi32>
    %eq3A_1025 = arith.cmpi eq, %iota3A_1013, %eq3A_1024 : vector<2x2xi32>
    %roll3A_1026 = arith.constant 1 : i32
    %roll3A_1027 = tpu.dynamic_rotate %div3A_1001 by %roll3A_1026 dim 1 : vector<2x2xf32>, i32 -> vector<2x2xf32>
    %jit3A_1028 = arith.constant 9.99999974E-6 : f32
    %broadcast_in_dim3A_1029 = vector.broadcast %jit3A_1028 : f32 to vector<2x2xf32>
    %select_n3A_1030 = arith.select %eq3A_1025, %broadcast_in_dim3A_1029, %roll3A_1027 : vector<2x2xi1>, vector<2x2xf32>
    %add3A_1031 = arith.addf %select_n3A_1022, %div3A_1001 : vector<2x2xf32>
    %add3A_1032 = arith.addf %add3A_1031, %select_n3A_1030 : vector<2x2xf32>
    %eq3A_1033 = arith.constant 0 : i32
    %eq3A_1034 = vector.broadcast %eq3A_1033 : i32 to vector<2x2xi32>
    %eq3A_1035 = arith.cmpi eq, %iota3A_1014, %eq3A_1034 : vector<2x2xi32>
    %roll3A_1036 = arith.constant 1 : i32
    %roll3A_1037 = tpu.dynamic_rotate %add3A_1032 by %roll3A_1036 dim 0 : vector<2x2xf32>, i32 -> vector<2x2xf32>
    %jit3A_1038 = arith.constant 3.000000e-05 : f32
    %broadcast_in_dim3A_1039 = vector.broadcast %jit3A_1038 : f32 to vector<2x2xf32>
    %select_n3A_1040 = arith.select %eq3A_1035, %broadcast_in_dim3A_1039, %roll3A_1037 : vector<2x2xi1>, vector<2x2xf32>
    %eq3A_1041 = arith.constant 1 : i32
    %eq3A_1042 = vector.broadcast %eq3A_1041 : i32 to vector<2x2xi32>
    %eq3A_1043 = arith.cmpi eq, %iota3A_1014, %eq3A_1042 : vector<2x2xi32>
    %roll3A_1044 = arith.constant 1 : i32
    %roll3A_1045 = tpu.dynamic_rotate %add3A_1032 by %roll3A_1044 dim 0 : vector<2x2xf32>, i32 -> vector<2x2xf32>
    %jit3A_1046 = arith.constant 3.000000e-05 : f32
    %broadcast_in_dim3A_1047 = vector.broadcast %jit3A_1046 : f32 to vector<2x2xf32>
    %select_n3A_1048 = arith.select %eq3A_1043, %broadcast_in_dim3A_1047, %roll3A_1045 : vector<2x2xi1>, vector<2x2xf32>
    %add3A_1049 = arith.addf %select_n3A_1040, %add3A_1032 : vector<2x2xf32>
    %add3A_1050 = arith.addf %add3A_1049, %select_n3A_1048 : vector<2x2xf32>
    %dot_general3A_1051 = arith.constant dense<0.000000e+00> : vector<1x2xf32>
    %dot_general3A_1052 = tpu.matmul %get3A_1012, %add3A_1050, %dot_general3A_1051 {dimension_numbers = #tpu.dot_dimension_numbers<[0], [0], [1], [1], [0, 1, 1, 1], [], []>, precision = #tpu.contract_precision<fp32>, transpose_lhs_hint = false} : vector<2x1xf32>, vector<2x2xf32>, vector<1x2xf32> -> vector<1x2xf32>
    %dot_general3A_1053 = arith.constant dense<0.000000e+00> : vector<1x1xf32>
    %dot_general3A_1054 = tpu.matmul %dot_general3A_1052, %get3A_1012, %dot_general3A_1053 {dimension_numbers = #tpu.dot_dimension_numbers<[1], [0], [0], [1], [0, 0, 1, 1], [], []>, precision = #tpu.contract_precision<fp32>, transpose_lhs_hint = false} : vector<1x2xf32>, vector<2x1xf32>, vector<1x1xf32> -> vector<1x1xf32>
    %div3A_1055 = arith.constant 9.000000e+00 : f32
    %div3A_1056 = vector.broadcast %div3A_1055 : f32 to vector<1x1xf32>
    %div3A_1057 = arith.divf %dot_general3A_1054, %div3A_1056 : vector<1x1xf32>
    %squeeze3A_1058 = vector.extract %div3A_1057[0, 0] : f32 from vector<1x1xf32>
    %add3A_1059 = vector.broadcast %squeeze3A_1058 : f32 to vector<512x512xf32>
    %add3A_1060 = arith.addf %add3A_1009, %add3A_1059 : vector<512x512xf32>
    %div3A_1061 = arith.constant 1.000000e+01 : f32
    %div3A_1062 = vector.broadcast %div3A_1061 : f32 to vector<512x512xf32>
    %div3A_1063 = arith.divf %add3A_1060, %div3A_1062 : vector<512x512xf32>
    %eq3A_1064 = arith.constant 0 : i32
    %eq3A_1065 = vector.broadcast %eq3A_1064 : i32 to vector<512x512xi32>
    %eq3A_1066 = arith.cmpi eq, %iota3A_0, %eq3A_1065 : vector<512x512xi32>
    %roll3A_1067 = arith.constant 1 : i32
    %roll3A_1068 = tpu.dynamic_rotate %div3A_1063 by %roll3A_1067 dim 0 : vector<512x512xf32>, i32 -> vector<512x512xf32>
    %select_n3A_1069 = arith.select %eq3A_1066, %div3A_1063, %roll3A_1068 : vector<512x512xi1>, vector<512x512xf32>
    %eq3A_1070 = arith.constant 511 : i32
    %eq3A_1071 = vector.broadcast %eq3A_1070 : i32 to vector<512x512xi32>
    %eq3A_1072 = arith.cmpi eq, %iota3A_0, %eq3A_1071 : vector<512x512xi32>
    %roll3A_1073 = arith.constant 511 : i32
    %roll3A_1074 = tpu.dynamic_rotate %div3A_1063 by %roll3A_1073 dim 0 : vector<512x512xf32>, i32 -> vector<512x512xf32>
    %select_n3A_1075 = arith.select %eq3A_1072, %div3A_1063, %roll3A_1074 : vector<512x512xi1>, vector<512x512xf32>
    %sub3A_1076 = arith.subf %select_n3A_1069, %select_n3A_1075 : vector<512x512xf32>
    %div3A_1077 = arith.constant 2.000000e+00 : f32
    %div3A_1078 = vector.broadcast %div3A_1077 : f32 to vector<512x512xf32>
    %div3A_1079 = arith.divf %sub3A_1076, %div3A_1078 : vector<512x512xf32>
    %swap3A_1080 = arith.constant 1 : index
    %swap3A_1081 = arith.constant 0 : index
    %swap3A_1082 = arith.constant 0 : index
    %swap3A_1083 = vector.load %arg20[%swap3A_1080, %swap3A_1081, %swap3A_1082] : memref<2x512x512xf32, #tpu.memory_space<vmem>>, vector<1x512x512xf32>
    %swap3A_1084 = vector.shape_cast %swap3A_1083 : vector<1x512x512xf32> to vector<512x512xf32>
    %swap3A_1085 = vector.shape_cast %div3A_1079 : vector<512x512xf32> to vector<1x512x512xf32>
    tpu.vector_store %arg20[%swap3A_1080, %swap3A_1081, %swap3A_1082], %swap3A_1085 {strides = array<i32>} : memref<2x512x512xf32, #tpu.memory_space<vmem>>, vector<1x512x512xf32>,
    %eq3A_1086 = arith.constant 0 : i32
    %eq3A_1087 = vector.broadcast %eq3A_1086 : i32 to vector<512x512xi32>
    %eq3A_1088 = arith.cmpi eq, %iota3A, %eq3A_1087 : vector<512x512xi32>
    %roll3A_1089 = arith.constant 1 : i32
    %roll3A_1090 = tpu.dynamic_rotate %div3A_1063 by %roll3A_1089 dim 1 : vector<512x512xf32>, i32 -> vector<512x512xf32>
    %select_n3A_1091 = arith.select %eq3A_1088, %div3A_1063, %roll3A_1090 : vector<512x512xi1>, vector<512x512xf32>
    %eq3A_1092 = arith.constant 511 : i32
    %eq3A_1093 = vector.broadcast %eq3A_1092 : i32 to vector<512x512xi32>
    %eq3A_1094 = arith.cmpi eq, %iota3A, %eq3A_1093 : vector<512x512xi32>
    %roll3A_1095 = arith.constant 511 : i32
    %roll3A_1096 = tpu.dynamic_rotate %div3A_1063 by %roll3A_1095 dim 1 : vector<512x512xf32>, i32 -> vector<512x512xf32>
    %select_n3A_1097 = arith.select %eq3A_1094, %div3A_1063, %roll3A_1096 : vector<512x512xi1>, vector<512x512xf32>
    %sub3A_1098 = arith.subf %select_n3A_1091, %select_n3A_1097 : vector<512x512xf32>
    %div3A_1099 = arith.constant 2.000000e+00 : f32
    %div3A_1100 = vector.broadcast %div3A_1099 : f32 to vector<512x512xf32>
    %div3A_1101 = arith.divf %sub3A_1098, %div3A_1100 : vector<512x512xf32>
    %swap3A_1102 = arith.constant 1 : index
    %swap3A_1103 = arith.constant 0 : index
    %swap3A_1104 = arith.constant 0 : index
    %swap3A_1105 = vector.load %arg21[%swap3A_1102, %swap3A_1103, %swap3A_1104] : memref<2x512x512xf32, #tpu.memory_space<vmem>>, vector<1x512x512xf32>
    %swap3A_1106 = vector.shape_cast %swap3A_1105 : vector<1x512x512xf32> to vector<512x512xf32>
    %swap3A_1107 = vector.shape_cast %div3A_1101 : vector<512x512xf32> to vector<1x512x512xf32>
    tpu.vector_store %arg21[%swap3A_1102, %swap3A_1103, %swap3A_1104], %swap3A_1107 {strides = array<i32>} : memref<2x512x512xf32, #tpu.memory_space<vmem>>, vector<1x512x512xf32>,
    return
  }
  func.func @transform_0(%arg0: i32) -> (i32, i32, i32) {
    %c0_i32 = arith.constant 0 : i32
    %c0_i32_0 = arith.constant 0 : i32
    %c0_i32_1 = arith.constant 0 : i32
    return %arg0, %c0_i32, %c0_i32_0 : i32, i32, i32
  }
  func.func @transform_1(%arg0: i32) -> (i32, i32, i32) {
    %c0_i32 = arith.constant 0 : i32
    %c0_i32_0 = arith.constant 0 : i32
    %c0_i32_1 = arith.constant 0 : i32
    return %arg0, %c0_i32, %c0_i32_0 : i32, i32, i32
  }
  func.func @transform_2(%arg0: i32) -> (i32, i32) {
    %c0_i32 = arith.constant 0 : i32
    %c0_i32_0 = arith.constant 0 : i32
    %c0_i32_1 = arith.constant 0 : i32
    return %c0_i32, %c0_i32_0 : i32, i32
  }
  func.func @transform_3(%arg0: i32) -> (i32, i32) {
    %c0_i32 = arith.constant 0 : i32
    %c0_i32_0 = arith.constant 0 : i32
    %c0_i32_1 = arith.constant 0 : i32
    return %c0_i32, %c0_i32_0 : i32, i32
  }
  func.func @transform_4(%arg0: i32) -> (i32, i32) {
    %c0_i32 = arith.constant 0 : i32
    %c0_i32_0 = arith.constant 0 : i32
    %c0_i32_1 = arith.constant 0 : i32
    return %c0_i32, %c0_i32_0 : i32, i32
  }
  func.func @transform_5(%arg0: i32) -> (i32, i32) {
    %c0_i32 = arith.constant 0 : i32
    %c0_i32_0 = arith.constant 0 : i32
    %c0_i32_1 = arith.constant 0 : i32
    return %c0_i32, %c0_i32_0 : i32, i32
  }
  func.func @transform_6(%arg0: i32) -> (i32, i32) {
    %c0_i32 = arith.constant 0 : i32
    %c0_i32_0 = arith.constant 0 : i32
    %c0_i32_1 = arith.constant 0 : i32
    return %c0_i32, %c0_i32_0 : i32, i32
  }
  func.func @transform_7(%arg0: i32) -> (i32, i32) {
    %c0_i32 = arith.constant 0 : i32
    %c0_i32_0 = arith.constant 0 : i32
    %c0_i32_1 = arith.constant 0 : i32
    return %c0_i32, %c0_i32_0 : i32, i32
  }
  func.func @transform_8(%arg0: i32) -> (i32, i32) {
    %c0_i32 = arith.constant 0 : i32
    %c0_i32_0 = arith.constant 0 : i32
    %c0_i32_1 = arith.constant 0 : i32
    return %c0_i32, %c0_i32_0 : i32, i32
  }
  func.func @transform_9(%arg0: i32) -> (i32, i32) {
    %c0_i32 = arith.constant 0 : i32
    %c0_i32_0 = arith.constant 0 : i32
    %c0_i32_1 = arith.constant 0 : i32
    return %c0_i32, %c0_i32_0 : i32, i32
  }
  func.func @transform_10(%arg0: i32) -> (i32, i32) {
    %c0_i32 = arith.constant 0 : i32
    %c0_i32_0 = arith.constant 0 : i32
    %c0_i32_1 = arith.constant 0 : i32
    return %c0_i32, %c0_i32_0 : i32, i32
  }
  func.func @transform_11(%arg0: i32) -> (i32, i32) {
    %c0_i32 = arith.constant 0 : i32
    %c0_i32_0 = arith.constant 0 : i32
    %c0_i32_1 = arith.constant 0 : i32
    return %c0_i32, %c0_i32_0 : i32, i32
  }
  func.func @transform_12(%arg0: i32) -> (i32, i32) {
    %c0_i32 = arith.constant 0 : i32
    %c0_i32_0 = arith.constant 0 : i32
    %c0_i32_1 = arith.constant 0 : i32
    return %c0_i32, %c0_i32_0 : i32, i32
  }
  func.func @transform_13(%arg0: i32) -> (i32, i32) {
    %c0_i32 = arith.constant 0 : i32
    %c0_i32_0 = arith.constant 0 : i32
    %c0_i32_1 = arith.constant 0 : i32
    return %c0_i32, %c0_i32_0 : i32, i32
  }
  func.func @transform_14(%arg0: i32) -> (i32, i32) {
    %c0_i32 = arith.constant 0 : i32
    %c0_i32_0 = arith.constant 0 : i32
    %c0_i32_1 = arith.constant 0 : i32
    return %c0_i32, %c0_i32_0 : i32, i32
  }
  func.func @transform_15(%arg0: i32) -> (i32, i32) {
    %c0_i32 = arith.constant 0 : i32
    %c0_i32_0 = arith.constant 0 : i32
    %c0_i32_1 = arith.constant 0 : i32
    return %c0_i32, %c0_i32_0 : i32, i32
  }
  func.func @transform_16(%arg0: i32) -> (i32, i32) {
    %c0_i32 = arith.constant 0 : i32
    %c0_i32_0 = arith.constant 0 : i32
    %c0_i32_1 = arith.constant 0 : i32
    return %c0_i32, %c0_i32_0 : i32, i32
  }
  func.func @transform_17(%arg0: i32) -> (i32, i32) {
    %c0_i32 = arith.constant 0 : i32
    %c0_i32_0 = arith.constant 0 : i32
    %c0_i32_1 = arith.constant 0 : i32
    return %c0_i32, %c0_i32_0 : i32, i32
  }
  func.func @transform_18(%arg0: i32) -> (i32, i32) {
    %c0_i32 = arith.constant 0 : i32
    %c0_i32_0 = arith.constant 0 : i32
    %c0_i32_1 = arith.constant 0 : i32
    return %c0_i32, %c0_i32_0 : i32, i32
  }
  func.func @transform_19(%arg0: i32) -> (i32, i32, i32) {
    %c0_i32 = arith.constant 0 : i32
    %c0_i32_0 = arith.constant 0 : i32
    %c0_i32_1 = arith.constant 0 : i32
    return %arg0, %c0_i32, %c0_i32_0 : i32, i32, i32
  }
  func.func @transform_20(%arg0: i32) -> (i32, i32, i32) {
    %c0_i32 = arith.constant 0 : i32
    %c0_i32_0 = arith.constant 0 : i32
    %c0_i32_1 = arith.constant 0 : i32
    return %arg0, %c0_i32, %c0_i32_0 : i32, i32, i32
  }
}

module attributes {stable_mosaic.version = 14 : i64} {
  func.func @_step_body(%arg0: memref<3x3072xf32, #tpu.memory_space<vmem>>, %arg1: memref<2x3072xf32, #tpu.memory_space<vmem>>, %arg2: memref<2x3072xf32, #tpu.memory_space<vmem>>, %arg3: memref<3072xf32, #tpu.memory_space<vmem>>, %arg4: memref<3072xf32, #tpu.memory_space<vmem>>, %arg5: memref<3072xf32, #tpu.memory_space<vmem>>, %arg6: memref<3072xf32, #tpu.memory_space<vmem>>, %arg7: memref<3072xi32, #tpu.memory_space<vmem>>, %arg8: memref<2x3072xf32, #tpu.memory_space<vmem>>, %arg9: memref<2x3072xf32, #tpu.memory_space<vmem>>, %arg10: memref<3072xf32, #tpu.memory_space<vmem>>, %arg11: memref<3072xi32, #tpu.memory_space<vmem>>) attributes {dimension_semantics = [], scalar_prefetch = 0 : i64, scratch_operands = 0 : i64, tpu.core_type = #tpu.core_type<tc>} {
    %get3A = arith.constant 2 : index
    %get3A_0 = arith.constant 0 : index
    %get3A_1 = vector.load %arg0[%get3A, %get3A_0] : memref<3x3072xf32, #tpu.memory_space<vmem>>, vector<1x3072xf32>
    %get3A_2 = vector.shape_cast %get3A_1 : vector<1x3072xf32> to vector<3072xf32>
    %sub3A = arith.constant 1.000000e+00 : f32
    %sub3A_3 = vector.broadcast %sub3A : f32 to vector<3072xf32>
    %sub3A_4 = arith.subf %sub3A_3, %get3A_2 : vector<3072xf32>
    %get3A_5 = arith.constant 0 : index
    %get3A_6 = vector.load %arg6[%get3A_5] : memref<3072xf32, #tpu.memory_space<vmem>>, vector<3072xf32>
    %mul3A = arith.mulf %sub3A_4, %get3A_6 : vector<3072xf32>
    %reduce_max3A = vector.shape_cast %mul3A : vector<3072xf32> to vector<1x3072xf32>
    %reduce_max3A_7 = arith.constant dense<0xFF800000> : vector<1xf32>
    %reduce_max3A_8 = vector.multi_reduction <maximumf>, %reduce_max3A, %reduce_max3A_7 [1] : vector<1x3072xf32> to vector<1xf32>
    %reduce_max3A_9 = vector.shape_cast %reduce_max3A_8 : vector<1xf32> to vector<1x1xf32>
    %reduce_max3A_10 = vector.extract %reduce_max3A_9[0, 0] : f32 from vector<1x1xf32>
    %gt3A = arith.constant 1.000000e-01 : f32
    %gt3A_11 = arith.cmpf ogt, %reduce_max3A_10, %gt3A : f32
    %broadcast_in_dim3A = vector.broadcast %gt3A_11 : i1 to vector<3072xi1>
    %convert_element_type3A = arith.extui %broadcast_in_dim3A : vector<3072xi1> to vector<3072xi32>
    %convert_element_type3A_12 = arith.sitofp %convert_element_type3A : vector<3072xi32> to vector<3072xf32>
    %get3A_13 = arith.constant 1 : index
    %get3A_14 = arith.constant 0 : index
    %get3A_15 = vector.load %arg0[%get3A_13, %get3A_14] : memref<3x3072xf32, #tpu.memory_space<vmem>>, vector<1x3072xf32>
    %get3A_16 = vector.shape_cast %get3A_15 : vector<1x3072xf32> to vector<3072xf32>
    %get3A_17 = arith.constant 0 : index
    %get3A_18 = vector.load %arg4[%get3A_17] : memref<3072xf32, #tpu.memory_space<vmem>>, vector<3072xf32>
    %mul3A_19 = arith.constant 5.000000e-01 : f32
    %mul3A_20 = vector.broadcast %mul3A_19 : f32 to vector<3072xf32>
    %mul3A_21 = arith.mulf %mul3A_20, %get3A_18 : vector<3072xf32>
    %add3A = arith.addf %get3A_16, %mul3A_21 : vector<3072xf32>
    %get3A_22 = arith.constant 0 : index
    %get3A_23 = arith.constant 0 : index
    %get3A_24 = vector.load %arg0[%get3A_22, %get3A_23] : memref<3x3072xf32, #tpu.memory_space<vmem>>, vector<1x3072xf32>
    %get3A_25 = vector.shape_cast %get3A_24 : vector<1x3072xf32> to vector<3072xf32>
    %get3A_26 = arith.constant 0 : index
    %get3A_27 = vector.load %arg5[%get3A_26] : memref<3072xf32, #tpu.memory_space<vmem>>, vector<3072xf32>
    %mul3A_28 = arith.constant 5.000000e-01 : f32
    %mul3A_29 = vector.broadcast %mul3A_28 : f32 to vector<3072xf32>
    %mul3A_30 = arith.mulf %mul3A_29, %get3A_27 : vector<3072xf32>
    %add3A_31 = arith.addf %get3A_25, %mul3A_30 : vector<3072xf32>
    %get3A_32 = arith.constant 0 : index
    %get3A_33 = arith.constant 0 : index
    %get3A_34 = vector.load %arg1[%get3A_32, %get3A_33] : memref<2x3072xf32, #tpu.memory_space<vmem>>, vector<1x3072xf32>
    %get3A_35 = vector.shape_cast %get3A_34 : vector<1x3072xf32> to vector<3072xf32>
    %get3A_36 = arith.constant 1 : index
    %get3A_37 = arith.constant 0 : index
    %get3A_38 = vector.load %arg1[%get3A_36, %get3A_37] : memref<2x3072xf32, #tpu.memory_space<vmem>>, vector<1x3072xf32>
    %get3A_39 = vector.shape_cast %get3A_38 : vector<1x3072xf32> to vector<3072xf32>
    %get3A_40 = arith.constant 0 : index
    %get3A_41 = arith.constant 0 : index
    %get3A_42 = vector.load %arg2[%get3A_40, %get3A_41] : memref<2x3072xf32, #tpu.memory_space<vmem>>, vector<1x3072xf32>
    %get3A_43 = vector.shape_cast %get3A_42 : vector<1x3072xf32> to vector<3072xf32>
    %get3A_44 = arith.constant 1 : index
    %get3A_45 = arith.constant 0 : index
    %get3A_46 = vector.load %arg2[%get3A_44, %get3A_45] : memref<2x3072xf32, #tpu.memory_space<vmem>>, vector<1x3072xf32>
    %get3A_47 = vector.shape_cast %get3A_46 : vector<1x3072xf32> to vector<3072xf32>
    %neg3A = arith.constant 0.000000e+00 : f32
    %neg3A_48 = vector.broadcast %neg3A : f32 to vector<3072xf32>
    %neg3A_49 = arith.subf %neg3A_48, %add3A : vector<3072xf32>
    %mul3A_50 = arith.mulf %neg3A_49, %mul3A : vector<3072xf32>
    %neg3A_51 = arith.constant 0.000000e+00 : f32
    %neg3A_52 = vector.broadcast %neg3A_51 : f32 to vector<3072xf32>
    %neg3A_53 = arith.subf %neg3A_52, %add3A_31 : vector<3072xf32>
    %mul3A_54 = arith.mulf %neg3A_53, %mul3A : vector<3072xf32>
    %mul3A_55 = arith.constant 9.900000e-01 : f32
    %mul3A_56 = vector.broadcast %mul3A_55 : f32 to vector<3072xf32>
    %mul3A_57 = arith.mulf %mul3A_56, %get3A_43 : vector<3072xf32>
    %mul3A_58 = arith.constant 0.00999999977 : f32
    %mul3A_59 = vector.broadcast %mul3A_58 : f32 to vector<3072xf32>
    %mul3A_60 = arith.mulf %mul3A_59, %mul3A_50 : vector<3072xf32>
    %mul3A_61 = arith.mulf %mul3A_60, %mul3A_50 : vector<3072xf32>
    %add3A_62 = arith.addf %mul3A_57, %mul3A_61 : vector<3072xf32>
    %mul3A_63 = arith.constant 9.900000e-01 : f32
    %mul3A_64 = vector.broadcast %mul3A_63 : f32 to vector<3072xf32>
    %mul3A_65 = arith.mulf %mul3A_64, %get3A_47 : vector<3072xf32>
    %mul3A_66 = arith.constant 0.00999999977 : f32
    %mul3A_67 = vector.broadcast %mul3A_66 : f32 to vector<3072xf32>
    %mul3A_68 = arith.mulf %mul3A_67, %mul3A_54 : vector<3072xf32>
    %mul3A_69 = arith.mulf %mul3A_68, %mul3A_54 : vector<3072xf32>
    %add3A_70 = arith.addf %mul3A_65, %mul3A_69 : vector<3072xf32>
    %mul3A_71 = arith.constant 2.000000e-01 : f32
    %mul3A_72 = vector.broadcast %mul3A_71 : f32 to vector<3072xf32>
    %mul3A_73 = arith.mulf %mul3A_72, %mul3A_50 : vector<3072xf32>
    %sqrt3A = math.sqrt %add3A_62 : vector<3072xf32>
    %add3A_74 = arith.constant 9.99999993E-9 : f32
    %add3A_75 = vector.broadcast %add3A_74 : f32 to vector<3072xf32>
    %add3A_76 = arith.addf %sqrt3A, %add3A_75 : vector<3072xf32>
    %div3A = arith.divf %mul3A_73, %add3A_76 : vector<3072xf32>
    %sub3A_77 = arith.subf %get3A_35, %div3A : vector<3072xf32>
    %mul3A_78 = arith.constant 2.000000e-01 : f32
    %mul3A_79 = vector.broadcast %mul3A_78 : f32 to vector<3072xf32>
    %mul3A_80 = arith.mulf %mul3A_79, %mul3A_54 : vector<3072xf32>
    %sqrt3A_81 = math.sqrt %add3A_70 : vector<3072xf32>
    %add3A_82 = arith.constant 9.99999993E-9 : f32
    %add3A_83 = vector.broadcast %add3A_82 : f32 to vector<3072xf32>
    %add3A_84 = arith.addf %sqrt3A_81, %add3A_83 : vector<3072xf32>
    %div3A_85 = arith.divf %mul3A_80, %add3A_84 : vector<3072xf32>
    %sub3A_86 = arith.subf %get3A_39, %div3A_85 : vector<3072xf32>
    %select_n3A = arith.select %broadcast_in_dim3A, %sub3A_77, %get3A_35 : vector<3072xi1>, vector<3072xf32>
    %select_n3A_87 = arith.select %broadcast_in_dim3A, %sub3A_86, %get3A_39 : vector<3072xi1>, vector<3072xf32>
    %swap3A = arith.constant 0 : index
    %swap3A_88 = arith.constant 0 : index
    %swap3A_89 = vector.load %arg8[%swap3A, %swap3A_88] : memref<2x3072xf32, #tpu.memory_space<vmem>>, vector<1x3072xf32>
    %swap3A_90 = vector.shape_cast %swap3A_89 : vector<1x3072xf32> to vector<3072xf32>
    %swap3A_91 = vector.shape_cast %select_n3A : vector<3072xf32> to vector<1x3072xf32>
    tpu.vector_store %arg8[%swap3A, %swap3A_88], %swap3A_91 {strides = array<i32>} : memref<2x3072xf32, #tpu.memory_space<vmem>>, vector<1x3072xf32>,
    %swap3A_92 = arith.constant 1 : index
    %swap3A_93 = arith.constant 0 : index
    %swap3A_94 = vector.load %arg8[%swap3A_92, %swap3A_93] : memref<2x3072xf32, #tpu.memory_space<vmem>>, vector<1x3072xf32>
    %swap3A_95 = vector.shape_cast %swap3A_94 : vector<1x3072xf32> to vector<3072xf32>
    %swap3A_96 = vector.shape_cast %select_n3A_87 : vector<3072xf32> to vector<1x3072xf32>
    tpu.vector_store %arg8[%swap3A_92, %swap3A_93], %swap3A_96 {strides = array<i32>} : memref<2x3072xf32, #tpu.memory_space<vmem>>, vector<1x3072xf32>,
    %select_n3A_97 = arith.select %broadcast_in_dim3A, %add3A_62, %get3A_43 : vector<3072xi1>, vector<3072xf32>
    %swap3A_98 = arith.constant 0 : index
    %swap3A_99 = arith.constant 0 : index
    %swap3A_100 = vector.load %arg9[%swap3A_98, %swap3A_99] : memref<2x3072xf32, #tpu.memory_space<vmem>>, vector<1x3072xf32>
    %swap3A_101 = vector.shape_cast %swap3A_100 : vector<1x3072xf32> to vector<3072xf32>
    %swap3A_102 = vector.shape_cast %select_n3A_97 : vector<3072xf32> to vector<1x3072xf32>
    tpu.vector_store %arg9[%swap3A_98, %swap3A_99], %swap3A_102 {strides = array<i32>} : memref<2x3072xf32, #tpu.memory_space<vmem>>, vector<1x3072xf32>,
    %select_n3A_103 = arith.select %broadcast_in_dim3A, %add3A_70, %get3A_47 : vector<3072xi1>, vector<3072xf32>
    %swap3A_104 = arith.constant 1 : index
    %swap3A_105 = arith.constant 0 : index
    %swap3A_106 = vector.load %arg9[%swap3A_104, %swap3A_105] : memref<2x3072xf32, #tpu.memory_space<vmem>>, vector<1x3072xf32>
    %swap3A_107 = vector.shape_cast %swap3A_106 : vector<1x3072xf32> to vector<3072xf32>
    %swap3A_108 = vector.shape_cast %select_n3A_103 : vector<3072xf32> to vector<1x3072xf32>
    tpu.vector_store %arg9[%swap3A_104, %swap3A_105], %swap3A_108 {strides = array<i32>} : memref<2x3072xf32, #tpu.memory_space<vmem>>, vector<1x3072xf32>,
    %swap3A_109 = arith.constant 0 : index
    %swap3A_110 = vector.load %arg10[%swap3A_109] : memref<3072xf32, #tpu.memory_space<vmem>>, vector<3072xf32>
    tpu.vector_store %arg10[%swap3A_109], %convert_element_type3A_12 {strides = array<i32>} : memref<3072xf32, #tpu.memory_space<vmem>>, vector<3072xf32>,
    %round3A = math.roundeven %select_n3A : vector<3072xf32>
    %convert_element_type3A_111 = arith.fptosi %round3A : vector<3072xf32> to vector<3072xi32>
    %jit3A = arith.constant 0 : i32
    %jit3A_112 = arith.constant 511 : i32
    %max3A = vector.broadcast %jit3A : i32 to vector<3072xi32>
    %max3A_113 = arith.maxsi %max3A, %convert_element_type3A_111 : vector<3072xi32>
    %min3A = vector.broadcast %jit3A_112 : i32 to vector<3072xi32>
    %min3A_114 = arith.minsi %min3A, %max3A_113 : vector<3072xi32>
    %round3A_115 = math.roundeven %select_n3A_87 : vector<3072xf32>
    %convert_element_type3A_116 = arith.fptosi %round3A_115 : vector<3072xf32> to vector<3072xi32>
    %jit3A_117 = arith.constant 0 : i32
    %jit3A_118 = arith.constant 511 : i32
    %max3A_119 = vector.broadcast %jit3A_117 : i32 to vector<3072xi32>
    %max3A_120 = arith.maxsi %max3A_119, %convert_element_type3A_116 : vector<3072xi32>
    %min3A_121 = vector.broadcast %jit3A_118 : i32 to vector<3072xi32>
    %min3A_122 = arith.minsi %min3A_121, %max3A_120 : vector<3072xi32>
    %mul3A_123 = arith.constant 512 : i32
    %mul3A_124 = vector.broadcast %mul3A_123 : i32 to vector<3072xi32>
    %mul3A_125 = arith.muli %min3A_122, %mul3A_124 : vector<3072xi32>
    %add3A_126 = arith.addi %mul3A_125, %min3A_114 : vector<3072xi32>
    %get3A_127 = arith.constant 0 : index
    %get3A_128 = vector.load %arg7[%get3A_127] : memref<3072xi32, #tpu.memory_space<vmem>>, vector<3072xi32>
    %add3A_129 = arith.addi %add3A_126, %get3A_128 : vector<3072xi32>
    %swap3A_130 = arith.constant 0 : index
    %swap3A_131 = vector.load %arg11[%swap3A_130] : memref<3072xi32, #tpu.memory_space<vmem>>, vector<3072xi32>
    tpu.vector_store %arg11[%swap3A_130], %add3A_129 {strides = array<i32>} : memref<3072xi32, #tpu.memory_space<vmem>>, vector<3072xi32>,
    return
  }
}

module attributes {stable_mosaic.version = 14 : i64} {
  func.func @_step_body(%arg0: memref<3x3072xf32, #tpu.memory_space<vmem>>, %arg1: memref<2x3072xf32, #tpu.memory_space<vmem>>, %arg2: memref<2x3072xf32, #tpu.memory_space<vmem>>, %arg3: memref<3072xf32, #tpu.memory_space<vmem>>, %arg4: memref<3072xf32, #tpu.memory_space<vmem>>, %arg5: memref<3072xf32, #tpu.memory_space<vmem>>, %arg6: memref<3072xf32, #tpu.memory_space<vmem>>, %arg7: memref<3072xi32, #tpu.memory_space<vmem>>, %arg8: memref<2x3072xf32, #tpu.memory_space<vmem>>, %arg9: memref<2x3072xf32, #tpu.memory_space<vmem>>, %arg10: memref<3072xf32, #tpu.memory_space<vmem>>, %arg11: memref<3072xi32, #tpu.memory_space<vmem>>) attributes {dimension_semantics = [], scalar_prefetch = 0 : i64, scratch_operands = 0 : i64, tpu.core_type = #tpu.core_type<tc>} {
    %get3A = arith.constant 2 : index
    %get3A_0 = arith.constant 0 : index
    %get3A_1 = vector.load %arg0[%get3A, %get3A_0] : memref<3x3072xf32, #tpu.memory_space<vmem>>, vector<1x3072xf32>
    %get3A_2 = vector.shape_cast %get3A_1 : vector<1x3072xf32> to vector<3072xf32>
    %sub3A = arith.constant 1.000000e+00 : f32
    %sub3A_3 = vector.broadcast %sub3A : f32 to vector<3072xf32>
    %sub3A_4 = arith.subf %sub3A_3, %get3A_2 : vector<3072xf32>
    %get3A_5 = arith.constant 0 : index
    %get3A_6 = vector.load %arg6[%get3A_5] : memref<3072xf32, #tpu.memory_space<vmem>>, vector<3072xf32>
    %mul3A = arith.mulf %sub3A_4, %get3A_6 : vector<3072xf32>
    %reduce_max3A = vector.shape_cast %mul3A : vector<3072xf32> to vector<1x3072xf32>
    %reduce_max3A_7 = arith.constant dense<0xFF800000> : vector<1xf32>
    %reduce_max3A_8 = vector.multi_reduction <maximumf>, %reduce_max3A, %reduce_max3A_7 [1] : vector<1x3072xf32> to vector<1xf32>
    %reduce_max3A_9 = vector.shape_cast %reduce_max3A_8 : vector<1xf32> to vector<1x1xf32>
    %reduce_max3A_10 = vector.extract %reduce_max3A_9[0, 0] : f32 from vector<1x1xf32>
    %gt3A = arith.constant 1.000000e-01 : f32
    %gt3A_11 = arith.cmpf ogt, %reduce_max3A_10, %gt3A : f32
    %get3A_12 = arith.constant 0 : index
    %get3A_13 = vector.load %arg3[%get3A_12] : memref<3072xf32, #tpu.memory_space<vmem>>, vector<3072xf32>
    %gt3A_14 = arith.constant 5.000000e-01 : f32
    %gt3A_15 = vector.broadcast %gt3A_14 : f32 to vector<3072xf32>
    %gt3A_16 = arith.cmpf ogt, %get3A_13, %gt3A_15 : vector<3072xf32>
    %and3A = vector.broadcast %gt3A_11 : i1 to vector<3072xi1>
    %and3A_17 = arith.andi %gt3A_16, %and3A : vector<3072xi1>
    %convert_element_type3A = arith.extui %and3A_17 : vector<3072xi1> to vector<3072xi32>
    %convert_element_type3A_18 = arith.sitofp %convert_element_type3A : vector<3072xi32> to vector<3072xf32>
    %get3A_19 = arith.constant 1 : index
    %get3A_20 = arith.constant 0 : index
    %get3A_21 = vector.load %arg0[%get3A_19, %get3A_20] : memref<3x3072xf32, #tpu.memory_space<vmem>>, vector<1x3072xf32>
    %get3A_22 = vector.shape_cast %get3A_21 : vector<1x3072xf32> to vector<3072xf32>
    %get3A_23 = arith.constant 0 : index
    %get3A_24 = vector.load %arg4[%get3A_23] : memref<3072xf32, #tpu.memory_space<vmem>>, vector<3072xf32>
    %mul3A_25 = arith.constant 5.000000e-01 : f32
    %mul3A_26 = vector.broadcast %mul3A_25 : f32 to vector<3072xf32>
    %mul3A_27 = arith.mulf %mul3A_26, %get3A_24 : vector<3072xf32>
    %add3A = arith.addf %get3A_22, %mul3A_27 : vector<3072xf32>
    %get3A_28 = arith.constant 0 : index
    %get3A_29 = arith.constant 0 : index
    %get3A_30 = vector.load %arg0[%get3A_28, %get3A_29] : memref<3x3072xf32, #tpu.memory_space<vmem>>, vector<1x3072xf32>
    %get3A_31 = vector.shape_cast %get3A_30 : vector<1x3072xf32> to vector<3072xf32>
    %get3A_32 = arith.constant 0 : index
    %get3A_33 = vector.load %arg5[%get3A_32] : memref<3072xf32, #tpu.memory_space<vmem>>, vector<3072xf32>
    %mul3A_34 = arith.constant 5.000000e-01 : f32
    %mul3A_35 = vector.broadcast %mul3A_34 : f32 to vector<3072xf32>
    %mul3A_36 = arith.mulf %mul3A_35, %get3A_33 : vector<3072xf32>
    %add3A_37 = arith.addf %get3A_31, %mul3A_36 : vector<3072xf32>
    %get3A_38 = arith.constant 0 : index
    %get3A_39 = arith.constant 0 : index
    %get3A_40 = vector.load %arg1[%get3A_38, %get3A_39] : memref<2x3072xf32, #tpu.memory_space<vmem>>, vector<1x3072xf32>
    %get3A_41 = vector.shape_cast %get3A_40 : vector<1x3072xf32> to vector<3072xf32>
    %get3A_42 = arith.constant 1 : index
    %get3A_43 = arith.constant 0 : index
    %get3A_44 = vector.load %arg1[%get3A_42, %get3A_43] : memref<2x3072xf32, #tpu.memory_space<vmem>>, vector<1x3072xf32>
    %get3A_45 = vector.shape_cast %get3A_44 : vector<1x3072xf32> to vector<3072xf32>
    %get3A_46 = arith.constant 0 : index
    %get3A_47 = arith.constant 0 : index
    %get3A_48 = vector.load %arg2[%get3A_46, %get3A_47] : memref<2x3072xf32, #tpu.memory_space<vmem>>, vector<1x3072xf32>
    %get3A_49 = vector.shape_cast %get3A_48 : vector<1x3072xf32> to vector<3072xf32>
    %get3A_50 = arith.constant 1 : index
    %get3A_51 = arith.constant 0 : index
    %get3A_52 = vector.load %arg2[%get3A_50, %get3A_51] : memref<2x3072xf32, #tpu.memory_space<vmem>>, vector<1x3072xf32>
    %get3A_53 = vector.shape_cast %get3A_52 : vector<1x3072xf32> to vector<3072xf32>
    %neg3A = arith.constant 0.000000e+00 : f32
    %neg3A_54 = vector.broadcast %neg3A : f32 to vector<3072xf32>
    %neg3A_55 = arith.subf %neg3A_54, %add3A : vector<3072xf32>
    %mul3A_56 = arith.mulf %neg3A_55, %mul3A : vector<3072xf32>
    %neg3A_57 = arith.constant 0.000000e+00 : f32
    %neg3A_58 = vector.broadcast %neg3A_57 : f32 to vector<3072xf32>
    %neg3A_59 = arith.subf %neg3A_58, %add3A_37 : vector<3072xf32>
    %mul3A_60 = arith.mulf %neg3A_59, %mul3A : vector<3072xf32>
    %mul3A_61 = arith.constant 9.900000e-01 : f32
    %mul3A_62 = vector.broadcast %mul3A_61 : f32 to vector<3072xf32>
    %mul3A_63 = arith.mulf %mul3A_62, %get3A_49 : vector<3072xf32>
    %mul3A_64 = arith.constant 0.00999999977 : f32
    %mul3A_65 = vector.broadcast %mul3A_64 : f32 to vector<3072xf32>
    %mul3A_66 = arith.mulf %mul3A_65, %mul3A_56 : vector<3072xf32>
    %mul3A_67 = arith.mulf %mul3A_66, %mul3A_56 : vector<3072xf32>
    %add3A_68 = arith.addf %mul3A_63, %mul3A_67 : vector<3072xf32>
    %mul3A_69 = arith.constant 9.900000e-01 : f32
    %mul3A_70 = vector.broadcast %mul3A_69 : f32 to vector<3072xf32>
    %mul3A_71 = arith.mulf %mul3A_70, %get3A_53 : vector<3072xf32>
    %mul3A_72 = arith.constant 0.00999999977 : f32
    %mul3A_73 = vector.broadcast %mul3A_72 : f32 to vector<3072xf32>
    %mul3A_74 = arith.mulf %mul3A_73, %mul3A_60 : vector<3072xf32>
    %mul3A_75 = arith.mulf %mul3A_74, %mul3A_60 : vector<3072xf32>
    %add3A_76 = arith.addf %mul3A_71, %mul3A_75 : vector<3072xf32>
    %mul3A_77 = arith.constant 2.000000e-01 : f32
    %mul3A_78 = vector.broadcast %mul3A_77 : f32 to vector<3072xf32>
    %mul3A_79 = arith.mulf %mul3A_78, %mul3A_56 : vector<3072xf32>
    %sqrt3A = math.sqrt %add3A_68 : vector<3072xf32>
    %add3A_80 = arith.constant 9.99999993E-9 : f32
    %add3A_81 = vector.broadcast %add3A_80 : f32 to vector<3072xf32>
    %add3A_82 = arith.addf %sqrt3A, %add3A_81 : vector<3072xf32>
    %div3A = arith.divf %mul3A_79, %add3A_82 : vector<3072xf32>
    %sub3A_83 = arith.subf %get3A_41, %div3A : vector<3072xf32>
    %mul3A_84 = arith.constant 2.000000e-01 : f32
    %mul3A_85 = vector.broadcast %mul3A_84 : f32 to vector<3072xf32>
    %mul3A_86 = arith.mulf %mul3A_85, %mul3A_60 : vector<3072xf32>
    %sqrt3A_87 = math.sqrt %add3A_76 : vector<3072xf32>
    %add3A_88 = arith.constant 9.99999993E-9 : f32
    %add3A_89 = vector.broadcast %add3A_88 : f32 to vector<3072xf32>
    %add3A_90 = arith.addf %sqrt3A_87, %add3A_89 : vector<3072xf32>
    %div3A_91 = arith.divf %mul3A_86, %add3A_90 : vector<3072xf32>
    %sub3A_92 = arith.subf %get3A_45, %div3A_91 : vector<3072xf32>
    %select_n3A = arith.select %and3A_17, %sub3A_83, %get3A_41 : vector<3072xi1>, vector<3072xf32>
    %select_n3A_93 = arith.select %and3A_17, %sub3A_92, %get3A_45 : vector<3072xi1>, vector<3072xf32>
    %swap3A = arith.constant 0 : index
    %swap3A_94 = arith.constant 0 : index
    %swap3A_95 = vector.load %arg8[%swap3A, %swap3A_94] : memref<2x3072xf32, #tpu.memory_space<vmem>>, vector<1x3072xf32>
    %swap3A_96 = vector.shape_cast %swap3A_95 : vector<1x3072xf32> to vector<3072xf32>
    %swap3A_97 = vector.shape_cast %select_n3A : vector<3072xf32> to vector<1x3072xf32>
    tpu.vector_store %arg8[%swap3A, %swap3A_94], %swap3A_97 {strides = array<i32>} : memref<2x3072xf32, #tpu.memory_space<vmem>>, vector<1x3072xf32>,
    %swap3A_98 = arith.constant 1 : index
    %swap3A_99 = arith.constant 0 : index
    %swap3A_100 = vector.load %arg8[%swap3A_98, %swap3A_99] : memref<2x3072xf32, #tpu.memory_space<vmem>>, vector<1x3072xf32>
    %swap3A_101 = vector.shape_cast %swap3A_100 : vector<1x3072xf32> to vector<3072xf32>
    %swap3A_102 = vector.shape_cast %select_n3A_93 : vector<3072xf32> to vector<1x3072xf32>
    tpu.vector_store %arg8[%swap3A_98, %swap3A_99], %swap3A_102 {strides = array<i32>} : memref<2x3072xf32, #tpu.memory_space<vmem>>, vector<1x3072xf32>,
    %select_n3A_103 = arith.select %and3A_17, %add3A_68, %get3A_49 : vector<3072xi1>, vector<3072xf32>
    %swap3A_104 = arith.constant 0 : index
    %swap3A_105 = arith.constant 0 : index
    %swap3A_106 = vector.load %arg9[%swap3A_104, %swap3A_105] : memref<2x3072xf32, #tpu.memory_space<vmem>>, vector<1x3072xf32>
    %swap3A_107 = vector.shape_cast %swap3A_106 : vector<1x3072xf32> to vector<3072xf32>
    %swap3A_108 = vector.shape_cast %select_n3A_103 : vector<3072xf32> to vector<1x3072xf32>
    tpu.vector_store %arg9[%swap3A_104, %swap3A_105], %swap3A_108 {strides = array<i32>} : memref<2x3072xf32, #tpu.memory_space<vmem>>, vector<1x3072xf32>,
    %select_n3A_109 = arith.select %and3A_17, %add3A_76, %get3A_53 : vector<3072xi1>, vector<3072xf32>
    %swap3A_110 = arith.constant 1 : index
    %swap3A_111 = arith.constant 0 : index
    %swap3A_112 = vector.load %arg9[%swap3A_110, %swap3A_111] : memref<2x3072xf32, #tpu.memory_space<vmem>>, vector<1x3072xf32>
    %swap3A_113 = vector.shape_cast %swap3A_112 : vector<1x3072xf32> to vector<3072xf32>
    %swap3A_114 = vector.shape_cast %select_n3A_109 : vector<3072xf32> to vector<1x3072xf32>
    tpu.vector_store %arg9[%swap3A_110, %swap3A_111], %swap3A_114 {strides = array<i32>} : memref<2x3072xf32, #tpu.memory_space<vmem>>, vector<1x3072xf32>,
    %swap3A_115 = arith.constant 0 : index
    %swap3A_116 = vector.load %arg10[%swap3A_115] : memref<3072xf32, #tpu.memory_space<vmem>>, vector<3072xf32>
    tpu.vector_store %arg10[%swap3A_115], %convert_element_type3A_18 {strides = array<i32>} : memref<3072xf32, #tpu.memory_space<vmem>>, vector<3072xf32>,
    %round3A = math.roundeven %select_n3A : vector<3072xf32>
    %convert_element_type3A_117 = arith.fptosi %round3A : vector<3072xf32> to vector<3072xi32>
    %jit3A = arith.constant 0 : i32
    %jit3A_118 = arith.constant 511 : i32
    %max3A = vector.broadcast %jit3A : i32 to vector<3072xi32>
    %max3A_119 = arith.maxsi %max3A, %convert_element_type3A_117 : vector<3072xi32>
    %min3A = vector.broadcast %jit3A_118 : i32 to vector<3072xi32>
    %min3A_120 = arith.minsi %min3A, %max3A_119 : vector<3072xi32>
    %round3A_121 = math.roundeven %select_n3A_93 : vector<3072xf32>
    %convert_element_type3A_122 = arith.fptosi %round3A_121 : vector<3072xf32> to vector<3072xi32>
    %jit3A_123 = arith.constant 0 : i32
    %jit3A_124 = arith.constant 511 : i32
    %max3A_125 = vector.broadcast %jit3A_123 : i32 to vector<3072xi32>
    %max3A_126 = arith.maxsi %max3A_125, %convert_element_type3A_122 : vector<3072xi32>
    %min3A_127 = vector.broadcast %jit3A_124 : i32 to vector<3072xi32>
    %min3A_128 = arith.minsi %min3A_127, %max3A_126 : vector<3072xi32>
    %mul3A_129 = arith.constant 512 : i32
    %mul3A_130 = vector.broadcast %mul3A_129 : i32 to vector<3072xi32>
    %mul3A_131 = arith.muli %min3A_128, %mul3A_130 : vector<3072xi32>
    %add3A_132 = arith.addi %mul3A_131, %min3A_120 : vector<3072xi32>
    %get3A_133 = arith.constant 0 : index
    %get3A_134 = vector.load %arg7[%get3A_133] : memref<3072xi32, #tpu.memory_space<vmem>>, vector<3072xi32>
    %add3A_135 = arith.addi %add3A_132, %get3A_134 : vector<3072xi32>
    %swap3A_136 = arith.constant 0 : index
    %swap3A_137 = vector.load %arg11[%swap3A_136] : memref<3072xi32, #tpu.memory_space<vmem>>, vector<3072xi32>
    tpu.vector_store %arg11[%swap3A_136], %add3A_135 {strides = array<i32>} : memref<3072xi32, #tpu.memory_space<vmem>>, vector<3072xi32>,
    return
  }
}

module attributes {stable_mosaic.version = 14 : i64} {
  func.func @_step_body(%arg0: memref<3x3072xf32, #tpu.memory_space<vmem>>, %arg1: memref<2x3072xf32, #tpu.memory_space<vmem>>, %arg2: memref<2x3072xf32, #tpu.memory_space<vmem>>, %arg3: memref<3072xf32, #tpu.memory_space<vmem>>, %arg4: memref<3072xf32, #tpu.memory_space<vmem>>, %arg5: memref<3072xf32, #tpu.memory_space<vmem>>, %arg6: memref<3072xf32, #tpu.memory_space<vmem>>, %arg7: memref<3072xi32, #tpu.memory_space<vmem>>, %arg8: memref<2x3072xf32, #tpu.memory_space<vmem>>, %arg9: memref<2x3072xf32, #tpu.memory_space<vmem>>, %arg10: memref<3072xf32, #tpu.memory_space<vmem>>, %arg11: memref<3072xi32, #tpu.memory_space<vmem>>) attributes {dimension_semantics = [], scalar_prefetch = 0 : i64, scratch_operands = 0 : i64, tpu.core_type = #tpu.core_type<tc>} {
    %get3A = arith.constant 2 : index
    %get3A_0 = arith.constant 0 : index
    %get3A_1 = vector.load %arg0[%get3A, %get3A_0] : memref<3x3072xf32, #tpu.memory_space<vmem>>, vector<1x3072xf32>
    %get3A_2 = vector.shape_cast %get3A_1 : vector<1x3072xf32> to vector<3072xf32>
    %sub3A = arith.constant 1.000000e+00 : f32
    %sub3A_3 = vector.broadcast %sub3A : f32 to vector<3072xf32>
    %sub3A_4 = arith.subf %sub3A_3, %get3A_2 : vector<3072xf32>
    %get3A_5 = arith.constant 0 : index
    %get3A_6 = vector.load %arg6[%get3A_5] : memref<3072xf32, #tpu.memory_space<vmem>>, vector<3072xf32>
    %mul3A = arith.mulf %sub3A_4, %get3A_6 : vector<3072xf32>
    %reduce_max3A = vector.shape_cast %mul3A : vector<3072xf32> to vector<1x3072xf32>
    %reduce_max3A_7 = arith.constant dense<0xFF800000> : vector<1xf32>
    %reduce_max3A_8 = vector.multi_reduction <maximumf>, %reduce_max3A, %reduce_max3A_7 [1] : vector<1x3072xf32> to vector<1xf32>
    %reduce_max3A_9 = vector.shape_cast %reduce_max3A_8 : vector<1xf32> to vector<1x1xf32>
    %reduce_max3A_10 = vector.extract %reduce_max3A_9[0, 0] : f32 from vector<1x1xf32>
    %gt3A = arith.constant 1.000000e-01 : f32
    %gt3A_11 = arith.cmpf ogt, %reduce_max3A_10, %gt3A : f32
    %get3A_12 = arith.constant 0 : index
    %get3A_13 = vector.load %arg3[%get3A_12] : memref<3072xf32, #tpu.memory_space<vmem>>, vector<3072xf32>
    %gt3A_14 = arith.constant 5.000000e-01 : f32
    %gt3A_15 = vector.broadcast %gt3A_14 : f32 to vector<3072xf32>
    %gt3A_16 = arith.cmpf ogt, %get3A_13, %gt3A_15 : vector<3072xf32>
    %and3A = vector.broadcast %gt3A_11 : i1 to vector<3072xi1>
    %and3A_17 = arith.andi %gt3A_16, %and3A : vector<3072xi1>
    %convert_element_type3A = arith.extui %and3A_17 : vector<3072xi1> to vector<3072xi32>
    %convert_element_type3A_18 = arith.sitofp %convert_element_type3A : vector<3072xi32> to vector<3072xf32>
    %get3A_19 = arith.constant 1 : index
    %get3A_20 = arith.constant 0 : index
    %get3A_21 = vector.load %arg0[%get3A_19, %get3A_20] : memref<3x3072xf32, #tpu.memory_space<vmem>>, vector<1x3072xf32>
    %get3A_22 = vector.shape_cast %get3A_21 : vector<1x3072xf32> to vector<3072xf32>
    %get3A_23 = arith.constant 0 : index
    %get3A_24 = vector.load %arg4[%get3A_23] : memref<3072xf32, #tpu.memory_space<vmem>>, vector<3072xf32>
    %mul3A_25 = arith.constant 5.000000e-01 : f32
    %mul3A_26 = vector.broadcast %mul3A_25 : f32 to vector<3072xf32>
    %mul3A_27 = arith.mulf %mul3A_26, %get3A_24 : vector<3072xf32>
    %add3A = arith.addf %get3A_22, %mul3A_27 : vector<3072xf32>
    %get3A_28 = arith.constant 0 : index
    %get3A_29 = arith.constant 0 : index
    %get3A_30 = vector.load %arg0[%get3A_28, %get3A_29] : memref<3x3072xf32, #tpu.memory_space<vmem>>, vector<1x3072xf32>
    %get3A_31 = vector.shape_cast %get3A_30 : vector<1x3072xf32> to vector<3072xf32>
    %get3A_32 = arith.constant 0 : index
    %get3A_33 = vector.load %arg5[%get3A_32] : memref<3072xf32, #tpu.memory_space<vmem>>, vector<3072xf32>
    %mul3A_34 = arith.constant 5.000000e-01 : f32
    %mul3A_35 = vector.broadcast %mul3A_34 : f32 to vector<3072xf32>
    %mul3A_36 = arith.mulf %mul3A_35, %get3A_33 : vector<3072xf32>
    %add3A_37 = arith.addf %get3A_31, %mul3A_36 : vector<3072xf32>
    %get3A_38 = arith.constant 0 : index
    %get3A_39 = arith.constant 0 : index
    %get3A_40 = vector.load %arg1[%get3A_38, %get3A_39] : memref<2x3072xf32, #tpu.memory_space<vmem>>, vector<1x3072xf32>
    %get3A_41 = vector.shape_cast %get3A_40 : vector<1x3072xf32> to vector<3072xf32>
    %get3A_42 = arith.constant 1 : index
    %get3A_43 = arith.constant 0 : index
    %get3A_44 = vector.load %arg1[%get3A_42, %get3A_43] : memref<2x3072xf32, #tpu.memory_space<vmem>>, vector<1x3072xf32>
    %get3A_45 = vector.shape_cast %get3A_44 : vector<1x3072xf32> to vector<3072xf32>
    %get3A_46 = arith.constant 0 : index
    %get3A_47 = arith.constant 0 : index
    %get3A_48 = vector.load %arg2[%get3A_46, %get3A_47] : memref<2x3072xf32, #tpu.memory_space<vmem>>, vector<1x3072xf32>
    %get3A_49 = vector.shape_cast %get3A_48 : vector<1x3072xf32> to vector<3072xf32>
    %get3A_50 = arith.constant 1 : index
    %get3A_51 = arith.constant 0 : index
    %get3A_52 = vector.load %arg2[%get3A_50, %get3A_51] : memref<2x3072xf32, #tpu.memory_space<vmem>>, vector<1x3072xf32>
    %get3A_53 = vector.shape_cast %get3A_52 : vector<1x3072xf32> to vector<3072xf32>
    %neg3A = arith.constant 0.000000e+00 : f32
    %neg3A_54 = vector.broadcast %neg3A : f32 to vector<3072xf32>
    %neg3A_55 = arith.subf %neg3A_54, %add3A : vector<3072xf32>
    %mul3A_56 = arith.mulf %neg3A_55, %mul3A : vector<3072xf32>
    %neg3A_57 = arith.constant 0.000000e+00 : f32
    %neg3A_58 = vector.broadcast %neg3A_57 : f32 to vector<3072xf32>
    %neg3A_59 = arith.subf %neg3A_58, %add3A_37 : vector<3072xf32>
    %mul3A_60 = arith.mulf %neg3A_59, %mul3A : vector<3072xf32>
    %mul3A_61 = arith.constant 9.900000e-01 : f32
    %mul3A_62 = vector.broadcast %mul3A_61 : f32 to vector<3072xf32>
    %mul3A_63 = arith.mulf %mul3A_62, %get3A_49 : vector<3072xf32>
    %mul3A_64 = arith.constant 0.00999999977 : f32
    %mul3A_65 = vector.broadcast %mul3A_64 : f32 to vector<3072xf32>
    %mul3A_66 = arith.mulf %mul3A_65, %mul3A_56 : vector<3072xf32>
    %mul3A_67 = arith.mulf %mul3A_66, %mul3A_56 : vector<3072xf32>
    %add3A_68 = arith.addf %mul3A_63, %mul3A_67 : vector<3072xf32>
    %mul3A_69 = arith.constant 9.900000e-01 : f32
    %mul3A_70 = vector.broadcast %mul3A_69 : f32 to vector<3072xf32>
    %mul3A_71 = arith.mulf %mul3A_70, %get3A_53 : vector<3072xf32>
    %mul3A_72 = arith.constant 0.00999999977 : f32
    %mul3A_73 = vector.broadcast %mul3A_72 : f32 to vector<3072xf32>
    %mul3A_74 = arith.mulf %mul3A_73, %mul3A_60 : vector<3072xf32>
    %mul3A_75 = arith.mulf %mul3A_74, %mul3A_60 : vector<3072xf32>
    %add3A_76 = arith.addf %mul3A_71, %mul3A_75 : vector<3072xf32>
    %mul3A_77 = arith.constant 2.000000e-01 : f32
    %mul3A_78 = vector.broadcast %mul3A_77 : f32 to vector<3072xf32>
    %mul3A_79 = arith.mulf %mul3A_78, %mul3A_56 : vector<3072xf32>
    %sqrt3A = math.sqrt %add3A_68 : vector<3072xf32>
    %add3A_80 = arith.constant 9.99999993E-9 : f32
    %add3A_81 = vector.broadcast %add3A_80 : f32 to vector<3072xf32>
    %add3A_82 = arith.addf %sqrt3A, %add3A_81 : vector<3072xf32>
    %div3A = arith.divf %mul3A_79, %add3A_82 : vector<3072xf32>
    %sub3A_83 = arith.subf %get3A_41, %div3A : vector<3072xf32>
    %mul3A_84 = arith.constant 2.000000e-01 : f32
    %mul3A_85 = vector.broadcast %mul3A_84 : f32 to vector<3072xf32>
    %mul3A_86 = arith.mulf %mul3A_85, %mul3A_60 : vector<3072xf32>
    %sqrt3A_87 = math.sqrt %add3A_76 : vector<3072xf32>
    %add3A_88 = arith.constant 9.99999993E-9 : f32
    %add3A_89 = vector.broadcast %add3A_88 : f32 to vector<3072xf32>
    %add3A_90 = arith.addf %sqrt3A_87, %add3A_89 : vector<3072xf32>
    %div3A_91 = arith.divf %mul3A_86, %add3A_90 : vector<3072xf32>
    %sub3A_92 = arith.subf %get3A_45, %div3A_91 : vector<3072xf32>
    %select_n3A = arith.select %and3A_17, %sub3A_83, %get3A_41 : vector<3072xi1>, vector<3072xf32>
    %select_n3A_93 = arith.select %and3A_17, %sub3A_92, %get3A_45 : vector<3072xi1>, vector<3072xf32>
    %swap3A = arith.constant 0 : index
    %swap3A_94 = arith.constant 0 : index
    %swap3A_95 = vector.load %arg8[%swap3A, %swap3A_94] : memref<2x3072xf32, #tpu.memory_space<vmem>>, vector<1x3072xf32>
    %swap3A_96 = vector.shape_cast %swap3A_95 : vector<1x3072xf32> to vector<3072xf32>
    %swap3A_97 = vector.shape_cast %select_n3A : vector<3072xf32> to vector<1x3072xf32>
    tpu.vector_store %arg8[%swap3A, %swap3A_94], %swap3A_97 {strides = array<i32>} : memref<2x3072xf32, #tpu.memory_space<vmem>>, vector<1x3072xf32>,
    %swap3A_98 = arith.constant 1 : index
    %swap3A_99 = arith.constant 0 : index
    %swap3A_100 = vector.load %arg8[%swap3A_98, %swap3A_99] : memref<2x3072xf32, #tpu.memory_space<vmem>>, vector<1x3072xf32>
    %swap3A_101 = vector.shape_cast %swap3A_100 : vector<1x3072xf32> to vector<3072xf32>
    %swap3A_102 = vector.shape_cast %select_n3A_93 : vector<3072xf32> to vector<1x3072xf32>
    tpu.vector_store %arg8[%swap3A_98, %swap3A_99], %swap3A_102 {strides = array<i32>} : memref<2x3072xf32, #tpu.memory_space<vmem>>, vector<1x3072xf32>,
    %select_n3A_103 = arith.select %and3A_17, %add3A_68, %get3A_49 : vector<3072xi1>, vector<3072xf32>
    %swap3A_104 = arith.constant 0 : index
    %swap3A_105 = arith.constant 0 : index
    %swap3A_106 = vector.load %arg9[%swap3A_104, %swap3A_105] : memref<2x3072xf32, #tpu.memory_space<vmem>>, vector<1x3072xf32>
    %swap3A_107 = vector.shape_cast %swap3A_106 : vector<1x3072xf32> to vector<3072xf32>
    %swap3A_108 = vector.shape_cast %select_n3A_103 : vector<3072xf32> to vector<1x3072xf32>
    tpu.vector_store %arg9[%swap3A_104, %swap3A_105], %swap3A_108 {strides = array<i32>} : memref<2x3072xf32, #tpu.memory_space<vmem>>, vector<1x3072xf32>,
    %select_n3A_109 = arith.select %and3A_17, %add3A_76, %get3A_53 : vector<3072xi1>, vector<3072xf32>
    %swap3A_110 = arith.constant 1 : index
    %swap3A_111 = arith.constant 0 : index
    %swap3A_112 = vector.load %arg9[%swap3A_110, %swap3A_111] : memref<2x3072xf32, #tpu.memory_space<vmem>>, vector<1x3072xf32>
    %swap3A_113 = vector.shape_cast %swap3A_112 : vector<1x3072xf32> to vector<3072xf32>
    %swap3A_114 = vector.shape_cast %select_n3A_109 : vector<3072xf32> to vector<1x3072xf32>
    tpu.vector_store %arg9[%swap3A_110, %swap3A_111], %swap3A_114 {strides = array<i32>} : memref<2x3072xf32, #tpu.memory_space<vmem>>, vector<1x3072xf32>,
    %swap3A_115 = arith.constant 0 : index
    %swap3A_116 = vector.load %arg10[%swap3A_115] : memref<3072xf32, #tpu.memory_space<vmem>>, vector<3072xf32>
    tpu.vector_store %arg10[%swap3A_115], %convert_element_type3A_18 {strides = array<i32>} : memref<3072xf32, #tpu.memory_space<vmem>>, vector<3072xf32>,
    %round3A = math.roundeven %select_n3A : vector<3072xf32>
    %convert_element_type3A_117 = arith.fptosi %round3A : vector<3072xf32> to vector<3072xi32>
    %jit3A = arith.constant 0 : i32
    %jit3A_118 = arith.constant 511 : i32
    %max3A = vector.broadcast %jit3A : i32 to vector<3072xi32>
    %max3A_119 = arith.maxsi %max3A, %convert_element_type3A_117 : vector<3072xi32>
    %min3A = vector.broadcast %jit3A_118 : i32 to vector<3072xi32>
    %min3A_120 = arith.minsi %min3A, %max3A_119 : vector<3072xi32>
    %round3A_121 = math.roundeven %select_n3A_93 : vector<3072xf32>
    %convert_element_type3A_122 = arith.fptosi %round3A_121 : vector<3072xf32> to vector<3072xi32>
    %jit3A_123 = arith.constant 0 : i32
    %jit3A_124 = arith.constant 511 : i32
    %max3A_125 = vector.broadcast %jit3A_123 : i32 to vector<3072xi32>
    %max3A_126 = arith.maxsi %max3A_125, %convert_element_type3A_122 : vector<3072xi32>
    %min3A_127 = vector.broadcast %jit3A_124 : i32 to vector<3072xi32>
    %min3A_128 = arith.minsi %min3A_127, %max3A_126 : vector<3072xi32>
    %mul3A_129 = arith.constant 512 : i32
    %mul3A_130 = vector.broadcast %mul3A_129 : i32 to vector<3072xi32>
    %mul3A_131 = arith.muli %min3A_128, %mul3A_130 : vector<3072xi32>
    %add3A_132 = arith.addi %mul3A_131, %min3A_120 : vector<3072xi32>
    %get3A_133 = arith.constant 0 : index
    %get3A_134 = vector.load %arg7[%get3A_133] : memref<3072xi32, #tpu.memory_space<vmem>>, vector<3072xi32>
    %add3A_135 = arith.addi %add3A_132, %get3A_134 : vector<3072xi32>
    %swap3A_136 = arith.constant 0 : index
    %swap3A_137 = vector.load %arg11[%swap3A_136] : memref<3072xi32, #tpu.memory_space<vmem>>, vector<3072xi32>
    tpu.vector_store %arg11[%swap3A_136], %add3A_135 {strides = array<i32>} : memref<3072xi32, #tpu.memory_space<vmem>>, vector<3072xi32>,
    return
  }
}

</mosaic_0001>

<sc_bundles>
// kernel: kernel.27.cloned.1.call-start
scs
__scs_entry_jumppad:
0x0: {  	(pc) =	sbr.rel $0x88, $3  }
0x1: {  	(tag) =	ssettag $0x0;
	lr =	simm.s32 $0x1  }
0x2: {  	[smem:$0x3F9F] =	sst lr;
	_ =	strace $0xD0000000  }
0x3: {  	_ = 	snop  }
0x4: {  	_ = 	snop  }
0x5: {  	_ = 	snop  }
0x6: {  	_ = 	snop  }
0x7: {  	_ = 	snop  }
__scs_overlays_trampoline_lowered:
0x8: {  	[smem:$0x3FAE] =	sst s0  }
0x9: {  	[smem:$0x3FAF] =	sst s1  }
0xa: {  	[smem:$0x3FB0] =	sst s2  }
0xb: {  	[smem:$0x3FB1] =	sst s3  }
0xc: {  	[smem:$0x3FB2] =	sst s4  }
0xd: {  	[smem:$0x3FB3] =	sst s5  }
0xe: {  	[smem:$0x3FB4] =	sst s6  }
0xf: {  	[smem:$0x3FB5] =	sst s7  }
0x10: {  	[smem:$0x3FB6] =	sst s8  }
0x11: {  	[smem:$0x3FB7] =	sst s9;
	s0 =	simm.s32 @!p0 $0x0  }
0x12: {  	s1 =	sld [smem:$0x3F9D];
	s0 =	simm.s32 @p0 $0x1  }
0x13: {  	[smem:$0x3FB8] =	sst s0;
	s0 =	simm.s32 @!p1 $0x0  }
0x14: {  	s2 =	sld [smem:$0x3F9C];
	s0 =	simm.s32 @p1 $0x1  }
0x15: {  	[smem:$0x3FB9] =	sst s0;
	s0 =	simm.s32 @!p2 $0x0  }
0x16: {  	s3 =	sld [smem:$0x3FDB];
	s0 =	simm.s32 @p2 $0x1  }
0x17: {  	s4 =	simm.s32 $0x1BF5;
	[smem:$0x3FBB] =	sst s0  }
0x18: {  	s0 =	sld [smem:$0x3F9E];
	_ =	swait.ge [sflag:s4], $0x0  }
0x19: {  	s7 =	sld [smem:$0x3F9F]  }
0x1a: {  	s8 =	sadd.s32 $0xFFFFE003, lr  }
0x1b: {  	s9 =	sadd.s32 $0xFFFFFEF7, lr;
	s5 =	simm.s32 $0xFFFFFFFF;
	p2 =	slt.u32 s8, $0xFFFFF086  }
0x1c: {  	p1 =	slt.u32 s9, $0xF7A;
	s5 =	simm.s32 @!p2 $0x0  }
0x1d: {  	s5 =	simm.s32 @p1 $0x1;
	p0 =	seq.s32 s7, s2  }
0x1e: {  	s7 =	smul.u32 @!p0 $0xF7A, s2;
	p2 =	seq.s32 @!p0 s5, $0x0  }
0x1f: {  	s9 =	smul.u32 $0xF7A, s1;
	s8 =	simm.s32 @!p0 $0x1BF5;
	p2 =	por !p2, p0  }
0x20: {  	[sflag:s8] =	ssyncset.s32 @!p0 $0xFFFFF086;
	s6 =	sadd.s32 @!p0 s3, s7;
	s7 =	simm.s32 @!p0 $0x108  }
0x21: {  	s3 =	sadd.s32 s3, s9;
	s6 =	sadd.s32 @!p0 $0x88, s6;
	s7 =	simm.s32 @p2 $0x1082  }
0x22: {  	[simem:s7], [sflag:s8] =	dma.local @!p0 [hbm:s6], $0xF7A  }
0x23: {  	s9 =	sor.u32 $0xD0000000, s2;
	s6 =	simm.s32 $0x108;
	_ =	swait.ge @!p0 [sflag:s8], $0x0  }
0x24: {  	s3 =	sadd.s32 $0x88, s3;
	s6 =	simm.s32 @!p1 $0x1082;
	[sflag:s4] =	ssyncset.s32 $0xFFFFF086  }
0x25: {  	[simem:s6], [sflag:s4] =	dma.local [hbm:s3], $0xF7A  }
0x26: {  	[smem:$0x3F9F] =	sst s1;
	(tag) =	ssettag s2;
	_ =	strace s9  }
0x27: {  	s1 =	sld [smem:$0x3FAF]  }
0x28: {  	s2 =	sld [smem:$0x3FB0]  }
0x29: {  	s4 =	sld [smem:$0x3FB2]  }
0x2a: {  	p0 =	seq.s32 s5, $0x0;
	s5 =	sld [smem:$0x3FB3]  }
0x2b: {  	s6 =	sld [smem:$0x3FB4]  }
0x2c: {  	s7 =	sld [smem:$0x3FB5]  }
0x2d: {  	s3 =	simm.s32 $0x108;
	s8 =	sld [smem:$0x3FB6]  }
0x2e: {  	s3 =	simm.s32 @!p0 $0x1082;
	s9 =	sld [smem:$0x3FB7]  }
0x2f: {  	lr =	sadd.s32 s0, s3;
	s0 =	sld [smem:$0x3FAE]  }
0x30: {  	s3 =	sld [smem:$0x3FB1]  }
0x31: {  	[smem:$0x3FBA] =	sst s10  }
0x32: {  	s10 =	sld [smem:$0x3FB8];
	_ =	sdelay $0x3  }
0x33: {  	p0 =	seq.s32 s10, $0x1;
	s10 =	sld [smem:$0x3FBA];
	_ =	sdelay $0x3  }
0x34: {  	[smem:$0x3FBA] =	sst s10  }
0x35: {  	s10 =	sld [smem:$0x3FB9];
	_ =	sdelay $0x3  }
0x36: {  	p1 =	seq.s32 s10, $0x1;
	s10 =	sld [smem:$0x3FBA];
	_ =	sdelay $0x3  }
0x37: {  	[smem:$0x3FBA] =	sst s10  }
0x38: {  	s10 =	sld [smem:$0x3FBB]  }
0x39: {  	_ = 	snop;
	(pc) =	sbr.ind lr, $3  }
0x3a: {  	_ = 	snop  }
0x3b: {  	_ = 	snop  }
0x3c: {  	p2 =	seq.s32 s10, $0x1;
	s10 =	sld [smem:$0x3FBA]  }
0x3d: {  	_ =	shalt  }
0x3e: {  	_ =	shalt  }
0x3f: {  	_ =	shalt  }
0x40: {  	_ =	shalt  }
0x41: {  	_ =	shalt  }
0x42: {  	_ =	shalt  }
0x43: {  	_ =	shalt  }
0x44: {  	_ =	shalt  }
0x45: {  	_ =	shalt  }
0x46: {  	_ =	shalt  }
0x47: {  	_ =	shalt  }
0x48: {  	_ =	shalt  }
0x49: {  	_ =	shalt  }
0x4a: {  	_ =	shalt  }
0x4b: {  	_ =	shalt  }
0x4c: {  	_ =	shalt  }
0x4d: {  	_ =	shalt  }
0x4e: {  	_ =	shalt  }
0x4f: {  	_ =	shalt  }
0x50: {  	_ =	shalt  }
0x51: {  	_ =	shalt  }
0x52: {  	_ =	shalt  }
0x53: {  	_ =	shalt  }
0x54: {  	_ =	shalt  }
0x55: {  	_ =	shalt  }
0x56: {  	_ =	shalt  }
0x57: {  	_ =	shalt  }
0x58: {  	_ =	shalt  }
0x59: {  	_ =	shalt  }
0x5a: {  	_ =	shalt  }
0x5b: {  	_ =	shalt  }
0x5c: {  	_ =	shalt  }
0x5d: {  	_ =	shalt  }
0x5e: {  	_ =	shalt  }
0x5f: {  	_ =	shalt  }
0x60: {  	_ =	shalt  }
0x61: {  	_ =	shalt  }
0x62: {  	_ =	shalt  }
0x63: {  	_ =	shalt  }
0x64: {  	_ =	shalt  }
0x65: {  	_ =	shalt  }
0x66: {  	_ =	shalt  }
0x67: {  	_ =	shalt  }
0x68: {  	_ =	shalt  }
0x69: {  	_ =	shalt  }
0x6a: {  	_ =	shalt  }
0x6b: {  	_ =	shalt  }
0x6c: {  	_ =	shalt  }
0x6d: {  	_ =	shalt  }
0x6e: {  	_ =	shalt  }
0x6f: {  	_ =	shalt  }
0x70: {  	_ =	shalt  }
0x71: {  	_ =	shalt  }
0x72: {  	_ =	shalt  }
0x73: {  	_ =	shalt  }
0x74: {  	_ =	shalt  }
0x75: {  	_ =	shalt  }
0x76: {  	_ =	shalt  }
0x77: {  	_ =	shalt  }
0x78: {  	_ =	shalt  }
0x79: {  	_ =	shalt  }
0x7a: {  	_ =	shalt  }
0x7b: {  	_ =	shalt  }
0x7c: {  	_ =	shalt  }
0x7d: {  	_ =	shalt  }
0x7e: {  	_ =	shalt  }
0x7f: {  	_ =	shalt  }
0x80: {  	_ =	shalt  }
0x81: {  	_ =	shalt  }
0x82: {  	_ =	shalt  }
0x83: {  	_ =	shalt  }
0x84: {  	_ =	shalt  }
0x85: {  	_ =	shalt  }
0x86: {  	_ =	shalt  }
0x87: {  	_ =	shalt  }
.Lfunc_end0:
.L_simem_size_0:
called_computation_lowered:
.L_overlay_start_0:
0x88: {  	s2 =	sld [smem:$0x3FD9]  }
0x89: {  	s3 =	sld [smem:$0x3FFE];
	_ =	sdelay $0x1  }
0x8a: {  	s1 =	srdreg.scid  }
0x8b: {  	s0 =	sand.u32 $0x1, s1  }
0x8c: {  	s14 =	sshll.u32 s0, $0xA;
	s2 =	sadd.s32 s3, s2  }
0x8d: {  	s2 =	sadd.s32 s2, s14  }
0x8e: {  	[smem:$0x3FC6] =	sst s2  }
0x8f: {  	_ = 	snop  }
0x90: {  	s2 =	sld [smem:$0x3FD0];
	_ =	sdelay $0x2  }
0x91: {  	s15 =	simm.s32 $0xA;
	s4 =	simm.s32 $0x10  }
0x92: {  	[smem:s4], [sflag:s15] =	dma.local [hbm:s2], $0x1  }
0x93: {  	_ =	swait.eq [sflag:s15], $0x1  }
0x94: {  	[sflag:s15] =	ssyncset.done $0x0  }
0x95: {  	s16 =	sld [smem:$0x11];
	[sflag:s15] =	ssyncadd.s32 $0xFFFFFFFF  }
0x96: {  	s17 =	sld [smem:$0x12];
	(tm) =	ssettm $0x1  }
0x97: {  	s18 =	sld [smem:$0x3FFB];
	_ =	sdelay $0x3  }
0x98: {  	_ =	strace s18  }
0x99: {  	s4 =	sld [smem:$0x3FFC];
	_ =	sdelay $0x3  }
0x9a: {  	_ =	strace s4  }
0x9b: {  	s4 =	sld [smem:$0x3FFD];
	_ =	sdelay $0x3  }
0x9c: {  	_ =	strace s4  }
0x9d: {  	_ =	strace $0x8FFFFFFF  }
0x9e: {  	s19 =	sld [smem:$0x3FDB];
	_ =	sdelay $0x1  }
0x9f: {  	s5 =	simm.s32 $_scs_section_size  }
0xa0: {  	s6 =	simm.s32 $_size__tile_overlayer_lowered;
	s7 =	simm.s32 $_tile_overlayer_lowered  }
0xa1: {  	s22 =	simm.s32 $0x1BFF;
	s21 =	sshll.u32 s7, $0x1;
	s4 =	sadd.s32 s5, s19  }
0xa2: {  	s8 =	simm.s32 $0x0;
	s20 =	sshll.u32 s6, $0x1;
	s6 =	sadd.s32 s21, s4  }
0xa3: {  	[timem:s8], [sflag:s22] =	dma.local [hbm:s6], s20  }
0xa4: {  	_ =	swait.ge [sflag:s22], s20  }
0xa5: {  	s5 =	ssub.s32 $0x0, s20;
	[sflag:s22] =	ssyncset.done $0x0  }
0xa6: {  	[sflag:s22] =	ssyncadd.s32 s5;
	_ =	sdelay $0x1  }
0xa7: {  	s23 =	simm.s32 $0x1B8B  }
0xa8: {  	_ =	swait.ge [sflag:s23], $0x1  }
0xa9: {  	[sflag:s23] =	ssyncset.done $0x0  }
0xaa: {  	s25 =	simm.s32 $0x1B8E;
	s24 =	sld [smem:$0x3FFE];
	[sflag:s23] =	ssyncadd.s32 $0xFFFFFFFF  }
0xab: {  	s26 =	simm.s32 $execute0_lowered;
	[smem:$0x3FD2] =	sst s25  }
0xac: {  	s6 =	sshll.u32 s26, $0x1;
	_ =	strace $0x80000046;
	[dreg:$0x1] =	wrdreg $0xFFFFFFFF  }
0xad: {  	s28 =	simm.s32 $_size_execute0_lowered;
	s4 =	sadd.s32 s4, s6;
	[dreg:$0x0] =	wrdreg $0x0  }
0xae: {  	s6 =	sshll.u32 s28, $0x1;
	[dreg:$0x2] =	wrdreg s4  }
0xaf: {  	[dreg:$0x3] =	wrdreg s6  }
0xb0: {  	[dreg:$0x4] =	wrdreg $0xC0  }
0xb1: {  	_ =	task [dreg:s8], $0x5FFFF  }
0xb2: {  	[dreg:$0x1] =	wrdreg $0xFFFFFFFF  }
0xb3: {  	[dreg:$0x0] =	wrdreg $0x60  }
0xb4: {  	[dreg:$0x2] =	wrdreg s16  }
0xb5: {  	[dreg:$0x3] =	wrdreg s24  }
0xb6: {  	[dreg:$0x4] =	wrdreg s17  }
0xb7: {  	[dreg:$0x5] =	wrdreg $0x9  }
0xb8: {  	_ =	task.clear_ibuf [dreg:s8], $0x6FFFF;
	_ =	strace $0x90000046  }
0xb9: {  	s29 =	simm.s32 $0x9;
	_ =	strace $0x80000048  }
0xba: {  	_ =	swait.ge [sflag:s29], $0x1  }
0xbb: {  	[sflag:s29] =	ssyncadd.s32 $0xFFFFFFFF  }
0xbc: {  	_ =	strace $0x90000048  }
0xbd: {  	_ =	sfence  }
0xbe: {  	s30 =	sld [smem:$0x0];
	_ =	sdelay $0x2  }
0xbf: {  	s31 =	sshll.u32 s1, $0xD;
	s1 =	sshrl.u32 s1, $0x2  }
0xc0: {  	s3 =	sand.u32 $0x4000, s31;
	s1 =	sadd.s32 s1, s30  }
0xc1: {  	s0 =	sor.u32 s3, s0;
	s1 =	sshll.u32 s1, $0x11  }
0xc2: {  	s0 =	sor.u32 s1, s0  }
0xc3: {  	s0 =	sadd.s32 $0x8F2B, s0  }
0xc4: {  	[sflag:s0] =	ssyncadd.remote.s32 $0x1  }
0xc5: {  	_ =	sfence.sel $0xFFFF  }
0xc6: {  	[dreg:$0x0] =	wrdreg $0xFFFFFFFF;
	(pc) =	sbr.abs _section_cstart, $3  }
0xc7: {  	[dreg:$0x1] =	wrdreg $0xFFFFFFFF  }
0xc8: {  	_ =	task.clear_ibuf [dreg:s8], $0x2FFFF;
	_ =	strace $0x9FFFFFFF  }
0xc9: {  	(tm) =	ssettm $0x7FFFFFFF  }
tec
execute0_lowered:
.L_overlay_start_1:
0x0: {  	(tag) =	ssettag $0x1  }
0x1: {  	s1 =	srdreg.scid;
	s0 =	stileid.u32  }
0x2: {  	s2 =	rddreg [dreg:$0x0];
	s13 =	sand.u32 $0x1, s1;
	s31 =	sshll.u32 s0, $0x1  }
0x3: {  	s4 =	rddreg [dreg:$0x1];
	s1 =	sor.u32 s13, s31  }
0x4: {  	s5 =	rddreg [dreg:$0x2];
	s3 =	simm.s32 $0x0;
	s7 =	smul.u32 $0xC, s1  }
0x5: {  	[smem:$0x7FF] =	sst s3  }
0x6: {  	s1 =	rddreg [dreg:$0x3];
	s12 =	sadd.s32 s7, s4  }
0x7: {  	_ =	strace $0x80000047;
	s4 =	simm.s32 $0x1;
	s6 =	sadd.s32 $0xC600, s12  }
0x8: {  	[tilespmem:s3], [sflag:$0x1] =	stream.linear.gather [hbm4b:s6+s3], $0x60, $0x38;
	[tilespmem:$0x280] =	vst v63  }
0x9: {  	_ =	swait.ge [sflag:s4], $0x60  }
0xa: {  	[sflag:s4] =	ssyncset.done $0x0  }
0xb: {  	s8 =	simm.s32 $0x80;
	s7 =	sadd.s32 s5, s7;
	[sflag:s4] =	ssyncadd.s32 $0xFFFFFFA0  }
0xc: {  	[tilespmem:s8], [sflag:$0x1] =	stream.linear.gather [hbm4b:s7+s3], $0x60, $0x38;
	[tilespmem:$0x280] =	vst v63  }
0xd: {  	_ =	swait.ge [sflag:s4], $0x60  }
0xe: {  	[sflag:s4] =	ssyncset.done $0x0  }
0xf: {  	s10 =	simm.s32 $0x100;
	s9 =	sadd.s32 $0xC400, s12;
	[sflag:s4] =	ssyncadd.s32 $0xFFFFFFA0  }
0x10: {  	[tilespmem:s10], [sflag:$0x1] =	stream.linear.gather [hbm4b:s9+s3], $0x60, $0x38;
	[tilespmem:$0x280] =	vst v63  }
0x11: {  	_ =	swait.ge [sflag:s4], $0x60  }
0x12: {  	[sflag:s4] =	ssyncset.done $0x0  }
0x13: {  	s5 =	simm.s32 $0x200;
	s11 =	sadd.s32 $0xC800, s12;
	[sflag:s4] =	ssyncadd.s32 $0xFFFFFFA0  }
0x14: {  	[tilespmem:s5], [sflag:$0x1] =	stream.linear.gather [hbm4b:s11+s3], $0x60, $0x38;
	[tilespmem:$0x280] =	vst v63  }
0x15: {  	_ =	swait.ge [sflag:s4], $0x60  }
0x16: {  	[sflag:s4] =	ssyncset.done $0x0  }
0x17: {  	[sflag:s4] =	ssyncadd.s32 $0xFFFFFFA0  }
0x18: {  	v0 =	vld [tilespmem:$0xD0]  }
0x19: {  	v1 =	vld [tilespmem:$0xA0]  }
0x1a: {  	v2 =	vld [tilespmem:$0xB0]  }
0x1b: {  	v3 =	vld [tilespmem:$0x80]  }
0x1c: {  	v4 =	vld [tilespmem:$0x50]  }
0x1d: {  	v5 =	vld [tilespmem:$0x0]  }
0x1e: {  	v6 =	vld [tilespmem:$0x10];
	_ =	sdelay $0x1  }
0x1f: {  	v0 =	vadd.f32 $8.388608000e+06, v0;
	v1 =	vadd.f32 $8.388608000e+06, v1  }
0x20: {  	v7 =	vld [tilespmem:$0x30];
	v2 =	vadd.f32 $8.388608000e+06, v2;
	v3 =	vadd.f32 $8.388608000e+06, v3  }
0x21: {  	v8 =	vld [tilespmem:$0x20];
	v4 =	vadd.f32 $8.388608000e+06, v4;
	v10 =	vadd.f32 $8.388608000e+06, v5  }
0x22: {  	v11 =	vld [tilespmem:$0x90];
	v6 =	vadd.f32 $8.388608000e+06, v6;
	v0 =	vadd.f32 $-8.388608000e+06, v0  }
0x23: {  	v5 =	vld [tilespmem:$0x40];
	v1 =	vadd.f32 $-8.388608000e+06, v1;
	v2 =	vadd.f32 $-8.388608000e+06, v2  }
0x24: {  	v3 =	vadd.f32 $-8.388608000e+06, v3;
	v12 =	vadd.f32 $-8.388608000e+06, v4;
	v0 =	vtrunc.f32 v0  }
0x25: {  	v4 =	vadd.f32 $8.388608000e+06, v7;
	v1 =	vtrunc.f32 v1;
	v9 =	vtrunc.f32 v2;
	v2 =	vld [tilespmem:$0xC0]  }
0x26: {  	v7 =	vadd.f32 $8.388608000e+06, v8;
	v3 =	vtrunc.f32 v3;
	v0 =	vcvt.f32.s32 v0  }
0x27: {  	v6 =	vadd.f32 $-8.388608000e+06, v6;
	v1 =	vcvt.f32.s32 v1;
	v3 =	vcvt.f32.s32 v3  }
0x28: {  	v8 =	vadd.f32 $8.388608000e+06, v5;
	v5 =	vadd.f32 $8.388608000e+06, v11  }
0x29: {  	s13 =	ssub.s32 $0x2, s13;
	vm0 =	vgt.s32 v0, $0x0;
	vm13 =	vgt.s32 v1, $0x0;
	vm14 =	vgt.s32 v3, $0x0  }
0x2a: {  	s14 =	sshrl.u32 s13, $0x1;
	v0 =	vnsel vm0, $0x0, v0;
	v1 =	vnsel vm13, $0x0, v1;
	v13 =	vadd.f32 $8.388608000e+06, v2  }
0x2b: {  	s13 =	ssub.s32 s13, s14;
	v3 =	vnsel vm14, $0x0, v3;
	v0 =	vmin.u32 v0, $0x1FF;
	v1 =	vmin.u32 v1, $0x1FF  }
0x2c: {  	s15 =	smax.u32 s13, $0x1;
	v2 =	vshll.u32 v1, $0x9;
	v1 =	vadd.f32 $-8.388608000e+06, v4;
	v11 =	vadd.f32 $-8.388608000e+06, v13  }
0x2d: {  	p0 =	sne.s32 s15, $0x1;
	v4 =	vadd.f32 $-8.388608000e+06, v8;
	v8 =	vmin.u32 v3, $0x1FF;
	v13 =	vtrunc.f32 v6  }
.Ltmp0:
0x2e: {  	v6 =	vadd.f32 $-8.388608000e+06, v7;
	v1 =	vtrunc.f32 v1;
	v7 =	vtrunc.f32 v11;
	(pc) =	sbr.rel @!p0 .LBB2_2-.Ltmp0, $4  }
0x2f: {  	v14 =	vcvt.f32.s32 v1;
	v1 =	vshll.u32 v8, $0x9;
	v8 =	vcvt.f32.s32 v9;
	v9 =	vld [tilespmem:$0x130]  }
0x30: {  	v0 =	vshll.u32 v0, $0x9;
	v3 =	vcvt.f32.s32 v7;
	v7 =	vtrunc.f32 v12  }
0x31: {  	s14 =	simm.s32 $0x60;
	v11 =	vtrunc.f32 v6;
	vm15 =	vgt.s32 v14, $0x0;
	v6 =	vcvt.f32.s32 v7  }
0x32: {  	s13 =	simm.s32 $0x180;
	s12 =	sadd.s32 $0xCA00, s12;
	s15 =	sadd.s32 $0xFFFFFFFF, s15;
	v7 =	vadd.f32 $-8.388608000e+06, v10;
	v10 =	vcvt.f32.s32 v13;
	v12 =	vnsel vm15, $0x0, v14  }
.LBB2_1:
0x33: {  	p0 =	sne.s32 s15, $0x1;
	s15 =	sadd.s32 $0xFFFFFFFF, s15;
	v11 =	vcvt.f32.s32 v11;
	v12 =	vmin.u32 v12, $0x1FF;
	vm0 =	vgt.s32 v8, $0x0  }
0x34: {  	v5 =	vadd.f32 $-8.388608000e+06, v5;
	v8 =	vnsel vm0, $0x0, v8;
	v9 =	vadd.s32 v9, v12  }
0x35: {  	vm1 =	vgt.s32 v6, $0x0;
	vm0 =	vgt.s32 v10, $0x0;
	v8 =	vmin.u32 v8, $0x1FF  }
0x36: {  	v4 =	vtrunc.f32 v4;
	v10 =	vnsel vm0, $0x0, v10;
	v5 =	vtrunc.f32 v5;
	v12 =	vld [tilespmem:$0x120]  }
0x37: {  	v7 =	vtrunc.f32 v7;
	v6 =	vnsel vm1, $0x0, v6;
	v10 =	vmin.u32 v10, $0x1FF;
	v13 =	vld [tilespmem:$0x110]  }
0x38: {  	v7 =	vcvt.f32.s32 v7;
	vm0 =	vgt.s32 v11, $0x0;
	v6 =	vmin.u32 v6, $0x1FF  }
0x39: {  	v4 =	vcvt.f32.s32 v4;
	v11 =	vnsel vm0, $0x0, v11;
	v8 =	vshll.u32 v8, $0x9  }
0x3a: {  	v5 =	vcvt.f32.s32 v5;
	v11 =	vmin.u32 v11, $0x1FF;
	v8 =	vadd.s32 v8, v9;
	v9 =	vld [tilespmem:$0x150]  }
0x3b: {  	vm1 =	vgt.s32 v3, $0x0;
	vm0 =	vgt.s32 v7, $0x0;
	v11 =	vadd.s32 v12, v11;
	v12 =	vld [tilespmem:$0x140]  }
0x3c: {  	v3 =	vnsel vm1, $0x0, v3;
	v10 =	vadd.s32 v13, v10;
	v2 =	vadd.s32 v2, v11;
	[tilespmem:$0x1B0] =	vst v8  }
0x3d: {  	vm1 =	vgt.s32 v4, $0x0;
	v7 =	vnsel vm0, $0x0, v7;
	vm0 =	vgt.s32 v5, $0x0;
	v8 =	vld [tilespmem:$0x100];
	[tilespmem:$0x1A0] =	vst v2  }
0x3e: {  	v3 =	vmin.u32 v3, $0x1FF;
	v4 =	vnsel vm1, $0x0, v4;
	v2 =	vnsel vm0, $0x0, v5  }
0x3f: {  	v3 =	vshll.u32 v3, $0x9;
	v4 =	vmin.u32 v4, $0x1FF;
	v2 =	vmin.u32 v2, $0x1FF  }
0x40: {  	v2 =	vshll.u32 v2, $0x9;
	v5 =	vadd.s32 v9, v6;
	v4 =	vadd.s32 v12, v4  }
0x41: {  	v6 =	vmin.u32 v7, $0x1FF;
	v2 =	vadd.s32 v2, v10;
	v3 =	vadd.s32 v3, v4  }
0x42: {  	v0 =	vadd.s32 v0, v5;
	v4 =	vadd.s32 v8, v6;
	[tilespmem:$0x1C0] =	vst v3  }
0x43: {  	v1 =	vadd.s32 v1, v4;
	[tilespmem:$0x1D0] =	vst v0  }
0x44: {  	[tilespmem:$0x190] =	vst v2  }
0x45: {  	[tilespmem:$0x180] =	vst v1  }
0x46: {  	[hbm4b:s2+s14] =	stream.indirect.scatter [tilespmem:s5], [sflag:$0x1], $0x1, s13, s14, $0xb8;
	[tilespmem:$0x280] =	vst v63  }
0x47: {  	_ =	swait.ge [sflag:s4], $0x60  }
0x48: {  	[sflag:s4] =	ssyncset.done $0x0  }
0x49: {  	[sflag:s4] =	ssyncadd.s32 $0xFFFFFFA0  }
0x4a: {  	[hbm4b:s12+s3] =	stream.linear.scatter [tilespmem:s13], [sflag:$0x1], $0x60, $0x38;
	[tilespmem:$0x280] =	vst v63  }
0x4b: {  	_ =	swait.ge [sflag:s4], $0x60  }
0x4c: {  	[sflag:s4] =	ssyncset.done $0x0  }
0x4d: {  	[sflag:s4] =	ssyncadd.s32 $0xFFFFFFA0  }
0x4e: {  	[tilespmem:s3], [sflag:$0x1] =	stream.linear.gather [hbm4b:s6+s3], $0x60, $0x38;
	[tilespmem:$0x280] =	vst v63  }
0x4f: {  	_ =	swait.ge [sflag:s4], $0x60  }
0x50: {  	[sflag:s4] =	ssyncset.done $0x0  }
0x51: {  	[sflag:s4] =	ssyncadd.s32 $0xFFFFFFA0  }
0x52: {  	[tilespmem:s8], [sflag:$0x1] =	stream.linear.gather [hbm4b:s7+s3], $0x60, $0x38;
	[tilespmem:$0x280] =	vst v63  }
0x53: {  	_ =	swait.ge [sflag:s4], $0x60  }
0x54: {  	[sflag:s4] =	ssyncset.done $0x0  }
0x55: {  	[sflag:s4] =	ssyncadd.s32 $0xFFFFFFA0  }
0x56: {  	[tilespmem:s10], [sflag:$0x1] =	stream.linear.gather [hbm4b:s9+s3], $0x60, $0x38;
	[tilespmem:$0x280] =	vst v63  }
0x57: {  	_ =	swait.ge [sflag:s4], $0x60  }
0x58: {  	[sflag:s4] =	ssyncset.done $0x0  }
0x59: {  	[sflag:s4] =	ssyncadd.s32 $0xFFFFFFA0  }
0x5a: {  	[tilespmem:s5], [sflag:$0x1] =	stream.linear.gather [hbm4b:s11+s3], $0x60, $0x38;
	[tilespmem:$0x280] =	vst v63  }
0x5b: {  	_ =	swait.ge [sflag:s4], $0x60  }
0x5c: {  	[sflag:s4] =	ssyncset.done $0x0  }
0x5d: {  	[sflag:s4] =	ssyncadd.s32 $0xFFFFFFA0  }
0x5e: {  	v0 =	vld [tilespmem:$0xD0]  }
0x5f: {  	v1 =	vld [tilespmem:$0xA0]  }
0x60: {  	v2 =	vld [tilespmem:$0xB0]  }
0x61: {  	v3 =	vld [tilespmem:$0x80]  }
0x62: {  	v4 =	vld [tilespmem:$0x50]  }
0x63: {  	v5 =	vld [tilespmem:$0x0];
	v0 =	vadd.f32 $8.388608000e+06, v0  }
0x64: {  	v6 =	vld [tilespmem:$0x10];
	v1 =	vadd.f32 $8.388608000e+06, v1  }
0x65: {  	v7 =	vld [tilespmem:$0x90];
	v2 =	vadd.f32 $8.388608000e+06, v2;
	v0 =	vadd.f32 $-8.388608000e+06, v0  }
0x66: {  	v3 =	vadd.f32 $8.388608000e+06, v3;
	v1 =	vadd.f32 $-8.388608000e+06, v1;
	v8 =	vld [tilespmem:$0x30]  }
0x67: {  	v9 =	vld [tilespmem:$0x20];
	v2 =	vadd.f32 $-8.388608000e+06, v2;
	v4 =	vadd.f32 $8.388608000e+06, v4;
	v0 =	vtrunc.f32 v0  }
0x68: {  	v10 =	vadd.f32 $8.388608000e+06, v5;
	v3 =	vadd.f32 $-8.388608000e+06, v3;
	v5 =	vld [tilespmem:$0x40];
	v0 =	vcvt.f32.s32 v0  }
0x69: {  	v1 =	vtrunc.f32 v1;
	v6 =	vadd.f32 $8.388608000e+06, v6;
	v11 =	vtrunc.f32 v2;
	v2 =	vld [tilespmem:$0xC0]  }
0x6a: {  	v1 =	vcvt.f32.s32 v1;
	v12 =	vadd.f32 $-8.388608000e+06, v4;
	vm0 =	vgt.s32 v0, $0x0  }
0x6b: {  	v3 =	vtrunc.f32 v3;
	v4 =	vadd.f32 $8.388608000e+06, v8;
	v0 =	vnsel vm0, $0x0, v0  }
0x6c: {  	vm0 =	vgt.s32 v1, $0x0;
	v8 =	vadd.f32 $8.388608000e+06, v9;
	v0 =	vmin.u32 v0, $0x1FF  }
0x6d: {  	v1 =	vnsel vm0, $0x0, v1;
	v9 =	vadd.f32 $8.388608000e+06, v5;
	v0 =	vshll.u32 v0, $0x9  }
0x6e: {  	v3 =	vcvt.f32.s32 v3;
	v1 =	vmin.u32 v1, $0x1FF;
	v13 =	vadd.f32 $8.388608000e+06, v2  }
0x6f: {  	v6 =	vadd.f32 $-8.388608000e+06, v6;
	v5 =	vadd.f32 $8.388608000e+06, v7;
	v2 =	vshll.u32 v1, $0x9  }
0x70: {  	vm0 =	vgt.s32 v3, $0x0;
	v1 =	vadd.f32 $-8.388608000e+06, v4;
	v7 =	vadd.f32 $-8.388608000e+06, v13  }
0x71: {  	v3 =	vnsel vm0, $0x0, v3;
	v4 =	vadd.f32 $-8.388608000e+06, v9;
	v13 =	vtrunc.f32 v6  }
.Ltmp1:
0x72: {  	v6 =	vadd.f32 $-8.388608000e+06, v8;
	v1 =	vtrunc.f32 v1;
	v7 =	vtrunc.f32 v7;
	(pc) =	sbr.rel @p0 .LBB2_1-.Ltmp1, $4  }
0x73: {  	v8 =	vmin.u32 v3, $0x1FF;
	v14 =	vcvt.f32.s32 v1;
	v9 =	vld [tilespmem:$0x130];
	v3 =	vcvt.f32.s32 v7  }
0x74: {  	v1 =	vshll.u32 v8, $0x9;
	v8 =	vcvt.f32.s32 v11;
	v7 =	vtrunc.f32 v12  }
0x75: {  	v11 =	vtrunc.f32 v6;
	vm0 =	vgt.s32 v14, $0x0;
	v6 =	vcvt.f32.s32 v7  }
0x76: {  	v7 =	vadd.f32 $-8.388608000e+06, v10;
	v10 =	vcvt.f32.s32 v13;
	v12 =	vnsel vm0, $0x0, v14  }
.LBB2_2:
0x77: {  	v11 =	vcvt.f32.s32 v11;
	v12 =	vmin.u32 v12, $0x1FF  }
0x78: {  	vm0 =	vgt.s32 v8, $0x0;
	v5 =	vadd.f32 $-8.388608000e+06, v5;
	vm1 =	vgt.s32 v6, $0x0  }
0x79: {  	v4 =	vtrunc.f32 v4;
	vm13 =	vgt.s32 v3, $0x0;
	v8 =	vnsel vm0, $0x0, v8  }
0x7a: {  	v9 =	vadd.s32 v9, v12;
	vm10 =	vgt.s32 v10, $0x0;
	v7 =	vtrunc.f32 v7  }
0x7b: {  	v6 =	vnsel vm1, $0x0, v6;
	v4 =	vcvt.f32.s32 v4;
	v3 =	vnsel vm13, $0x0, v3  }
0x7c: {  	v55 =	vld [tilespmem:$0x120];
	v8 =	vmin.u32 v8, $0x1FF;
	v10 =	vnsel vm10, $0x0, v10;
	v5 =	vtrunc.f32 v5  }
0x7d: {  	v7 =	vcvt.f32.s32 v7;
	vm11 =	vgt.s32 v11, $0x0;
	v6 =	vmin.u32 v6, $0x1FF  }
0x7e: {  	v57 =	vld [tilespmem:$0x150];
	v3 =	vmin.u32 v3, $0x1FF;
	v10 =	vmin.u32 v10, $0x1FF;
	v11 =	vnsel vm11, $0x0, v11  }
0x7f: {  	v56 =	vld [tilespmem:$0x140];
	v8 =	vshll.u32 v8, $0x9;
	v5 =	vcvt.f32.s32 v5;
	vm14 =	vgt.s32 v4, $0x0  }
0x80: {  	v58 =	vld [tilespmem:$0x100];
	v3 =	vshll.u32 v3, $0x9;
	v11 =	vmin.u32 v11, $0x1FF;
	v8 =	vadd.s32 v8, v9  }
0x81: {  	v13 =	vld [tilespmem:$0x110];
	vm12 =	vgt.s32 v7, $0x0;
	v4 =	vnsel vm14, $0x0, v4;
	v11 =	vadd.s32 v55, v11  }
0x82: {  	v7 =	vnsel vm12, $0x0, v7;
	vm15 =	vgt.s32 v5, $0x0;
	v4 =	vmin.u32 v4, $0x1FF  }
0x83: {  	[tilespmem:$0x1B0] =	vst v8;
	v60 =	vadd.s32 v57, v6;
	v2 =	vadd.s32 v2, v11;
	v5 =	vnsel vm15, $0x0, v5  }
0x84: {  	v4 =	vadd.s32 v56, v4;
	v61 =	vmin.u32 v7, $0x1FF;
	v0 =	vadd.s32 v0, v60;
	[tilespmem:$0x1A0] =	vst v2  }
0x85: {  	v59 =	vmin.u32 v5, $0x1FF;
	v3 =	vadd.s32 v3, v4;
	v62 =	vadd.s32 v58, v61;
	[tilespmem:$0x1D0] =	vst v0  }
0x86: {  	v10 =	vadd.s32 v13, v10;
	v2 =	vshll.u32 v59, $0x9;
	[tilespmem:$0x1C0] =	vst v3;
	v63 =	vadd.s32 v1, v62  }
0x87: {  	v2 =	vadd.s32 v2, v10;
	[tilespmem:$0x180] =	vst v63  }
0x88: {  	[tilespmem:$0x190] =	vst v2  }
0x89: {  	[hbm4b:s2+s14] =	stream.indirect.scatter [tilespmem:s5], [sflag:$0x1], $0x1, s13, s14, $0xb8;
	[tilespmem:$0x280] =	vst v63  }
0x8a: {  	_ =	swait.ge [sflag:s4], $0x60  }
0x8b: {  	[sflag:s4] =	ssyncset.done $0x0  }
0x8c: {  	[sflag:s4] =	ssyncadd.s32 $0xFFFFFFA0  }
0x8d: {  	[hbm4b:s12+s3] =	stream.linear.scatter [tilespmem:s13], [sflag:$0x1], $0x60, $0x38;
	[tilespmem:$0x280] =	vst v63  }
0x8e: {  	_ =	swait.ge [sflag:s4], $0x60  }
0x8f: {  	[sflag:s4] =	ssyncset.done $0x0  }
0x90: {  	[sflag:s4] =	ssyncadd.s32 $0xFFFFFFA0  }
0x91: {  	_ =	sfence.sel $0x180000  }
0x92: {  	[bflag:$0x0] =	sbarrier.arrive $0xFFFF  }
0x93: {  	p0 =	sne.s32 s0, $0x0;
	_ =	strace $0x90000047  }
0x94: {  	s0 =	sadd.s32 @!p0 $0x100000, s1;
	[bflag:$0x2] =	sbarrier.arrive $0xFFFF  }
0x95: {  	[sflag:s0] =	ssyncadd.tile.s32 @!p0 $0x1;
	_ =	shalt  }
.Lfunc_end2:
_tile_overlayer_lowered:
.L_overlay_start_2:
0x96: {  	(tag) =	ssettag $0x2  }
0x97: {  	s0 =	rddreg [dreg:$0x0];
	s2 =	stileid.u32  }
0x98: {  	s1 =	rddreg [dreg:$0x1];
	p0 =	sne.s32 s2, $0x0  }
0x99: {  	s3 =	rddreg [dreg:$0x2];
	[bflag:$0x3] =	sbarrier.arrive $0xFFFF;
	s2 =	simm.s32 @!p0 $0x1C01  }
0x9a: {  	[timem:s3], [sflag:s2] =	dma.local @!p0 [hbm:s0], s1  }
0x9b: {  	s0 =	simm.s32 @!p0 $0x1  }
0x9c: {  	_ =	swait.ge @!p0 [sflag:s0], s1  }
0x9d: {  	s1 =	ssub.s32 @!p0 $0x0, s1;
	[sflag:s0] =	ssyncset.done @!p0 $0x0  }
0x9e: {  	[sflag:s0] =	ssyncadd.s32 @!p0 s1  }
0x9f: {  	[bflag:$0x3] =	sbarrier.arrive $0xFFFF  }
0xa0: {  	_ =	shalt  }

// kernel: kernel.30.cloned.1.call-start
scs
__scs_entry_jumppad:
0x0: {  	(pc) =	sbr.rel $0x88, $3  }
0x1: {  	(tag) =	ssettag $0x0;
	lr =	simm.s32 $0x1  }
0x2: {  	[smem:$0x3F9F] =	sst lr;
	_ =	strace $0xD0000000  }
0x3: {  	_ = 	snop  }
0x4: {  	_ = 	snop  }
0x5: {  	_ = 	snop  }
0x6: {  	_ = 	snop  }
0x7: {  	_ = 	snop  }
__scs_overlays_trampoline_lowered:
0x8: {  	[smem:$0x3FAE] =	sst s0  }
0x9: {  	[smem:$0x3FAF] =	sst s1  }
0xa: {  	[smem:$0x3FB0] =	sst s2  }
0xb: {  	[smem:$0x3FB1] =	sst s3  }
0xc: {  	[smem:$0x3FB2] =	sst s4  }
0xd: {  	[smem:$0x3FB3] =	sst s5  }
0xe: {  	[smem:$0x3FB4] =	sst s6  }
0xf: {  	[smem:$0x3FB5] =	sst s7  }
0x10: {  	[smem:$0x3FB6] =	sst s8  }
0x11: {  	[smem:$0x3FB7] =	sst s9;
	s0 =	simm.s32 @!p0 $0x0  }
0x12: {  	s1 =	sld [smem:$0x3F9D];
	s0 =	simm.s32 @p0 $0x1  }
0x13: {  	[smem:$0x3FB8] =	sst s0;
	s0 =	simm.s32 @!p1 $0x0  }
0x14: {  	s2 =	sld [smem:$0x3F9C];
	s0 =	simm.s32 @p1 $0x1  }
0x15: {  	[smem:$0x3FB9] =	sst s0;
	s0 =	simm.s32 @!p2 $0x0  }
0x16: {  	s3 =	sld [smem:$0x3FDB];
	s0 =	simm.s32 @p2 $0x1  }
0x17: {  	s4 =	simm.s32 $0x1BF5;
	[smem:$0x3FBB] =	sst s0  }
0x18: {  	s0 =	sld [smem:$0x3F9E];
	_ =	swait.ge [sflag:s4], $0x0  }
0x19: {  	s7 =	sld [smem:$0x3F9F]  }
0x1a: {  	s8 =	sadd.s32 $0xFFFFE003, lr  }
0x1b: {  	s9 =	sadd.s32 $0xFFFFFEF7, lr;
	s5 =	simm.s32 $0xFFFFFFFF;
	p2 =	slt.u32 s8, $0xFFFFF086  }
0x1c: {  	p1 =	slt.u32 s9, $0xF7A;
	s5 =	simm.s32 @!p2 $0x0  }
0x1d: {  	s5 =	simm.s32 @p1 $0x1;
	p0 =	seq.s32 s7, s2  }
0x1e: {  	s7 =	smul.u32 @!p0 $0xF7A, s2;
	p2 =	seq.s32 @!p0 s5, $0x0  }
0x1f: {  	s9 =	smul.u32 $0xF7A, s1;
	s8 =	simm.s32 @!p0 $0x1BF5;
	p2 =	por !p2, p0  }
0x20: {  	[sflag:s8] =	ssyncset.s32 @!p0 $0xFFFFF086;
	s6 =	sadd.s32 @!p0 s3, s7;
	s7 =	simm.s32 @!p0 $0x108  }
0x21: {  	s3 =	sadd.s32 s3, s9;
	s6 =	sadd.s32 @!p0 $0x88, s6;
	s7 =	simm.s32 @p2 $0x1082  }
0x22: {  	[simem:s7], [sflag:s8] =	dma.local @!p0 [hbm:s6], $0xF7A  }
0x23: {  	s9 =	sor.u32 $0xD0000000, s2;
	s6 =	simm.s32 $0x108;
	_ =	swait.ge @!p0 [sflag:s8], $0x0  }
0x24: {  	s3 =	sadd.s32 $0x88, s3;
	s6 =	simm.s32 @!p1 $0x1082;
	[sflag:s4] =	ssyncset.s32 $0xFFFFF086  }
0x25: {  	[simem:s6], [sflag:s4] =	dma.local [hbm:s3], $0xF7A  }
0x26: {  	[smem:$0x3F9F] =	sst s1;
	(tag) =	ssettag s2;
	_ =	strace s9  }
0x27: {  	s1 =	sld [smem:$0x3FAF]  }
0x28: {  	s2 =	sld [smem:$0x3FB0]  }
0x29: {  	s4 =	sld [smem:$0x3FB2]  }
0x2a: {  	p0 =	seq.s32 s5, $0x0;
	s5 =	sld [smem:$0x3FB3]  }
0x2b: {  	s6 =	sld [smem:$0x3FB4]  }
0x2c: {  	s7 =	sld [smem:$0x3FB5]  }
0x2d: {  	s3 =	simm.s32 $0x108;
	s8 =	sld [smem:$0x3FB6]  }
0x2e: {  	s3 =	simm.s32 @!p0 $0x1082;
	s9 =	sld [smem:$0x3FB7]  }
0x2f: {  	lr =	sadd.s32 s0, s3;
	s0 =	sld [smem:$0x3FAE]  }
0x30: {  	s3 =	sld [smem:$0x3FB1]  }
0x31: {  	[smem:$0x3FBA] =	sst s10  }
0x32: {  	s10 =	sld [smem:$0x3FB8];
	_ =	sdelay $0x3  }
0x33: {  	p0 =	seq.s32 s10, $0x1;
	s10 =	sld [smem:$0x3FBA];
	_ =	sdelay $0x3  }
0x34: {  	[smem:$0x3FBA] =	sst s10  }
0x35: {  	s10 =	sld [smem:$0x3FB9];
	_ =	sdelay $0x3  }
0x36: {  	p1 =	seq.s32 s10, $0x1;
	s10 =	sld [smem:$0x3FBA];
	_ =	sdelay $0x3  }
0x37: {  	[smem:$0x3FBA] =	sst s10  }
0x38: {  	s10 =	sld [smem:$0x3FBB]  }
0x39: {  	_ = 	snop;
	(pc) =	sbr.ind lr, $3  }
0x3a: {  	_ = 	snop  }
0x3b: {  	_ = 	snop  }
0x3c: {  	p2 =	seq.s32 s10, $0x1;
	s10 =	sld [smem:$0x3FBA]  }
0x3d: {  	_ =	shalt  }
0x3e: {  	_ =	shalt  }
0x3f: {  	_ =	shalt  }
0x40: {  	_ =	shalt  }
0x41: {  	_ =	shalt  }
0x42: {  	_ =	shalt  }
0x43: {  	_ =	shalt  }
0x44: {  	_ =	shalt  }
0x45: {  	_ =	shalt  }
0x46: {  	_ =	shalt  }
0x47: {  	_ =	shalt  }
0x48: {  	_ =	shalt  }
0x49: {  	_ =	shalt  }
0x4a: {  	_ =	shalt  }
0x4b: {  	_ =	shalt  }
0x4c: {  	_ =	shalt  }
0x4d: {  	_ =	shalt  }
0x4e: {  	_ =	shalt  }
0x4f: {  	_ =	shalt  }
0x50: {  	_ =	shalt  }
0x51: {  	_ =	shalt  }
0x52: {  	_ =	shalt  }
0x53: {  	_ =	shalt  }
0x54: {  	_ =	shalt  }
0x55: {  	_ =	shalt  }
0x56: {  	_ =	shalt  }
0x57: {  	_ =	shalt  }
0x58: {  	_ =	shalt  }
0x59: {  	_ =	shalt  }
0x5a: {  	_ =	shalt  }
0x5b: {  	_ =	shalt  }
0x5c: {  	_ =	shalt  }
0x5d: {  	_ =	shalt  }
0x5e: {  	_ =	shalt  }
0x5f: {  	_ =	shalt  }
0x60: {  	_ =	shalt  }
0x61: {  	_ =	shalt  }
0x62: {  	_ =	shalt  }
0x63: {  	_ =	shalt  }
0x64: {  	_ =	shalt  }
0x65: {  	_ =	shalt  }
0x66: {  	_ =	shalt  }
0x67: {  	_ =	shalt  }
0x68: {  	_ =	shalt  }
0x69: {  	_ =	shalt  }
0x6a: {  	_ =	shalt  }
0x6b: {  	_ =	shalt  }
0x6c: {  	_ =	shalt  }
0x6d: {  	_ =	shalt  }
0x6e: {  	_ =	shalt  }
0x6f: {  	_ =	shalt  }
0x70: {  	_ =	shalt  }
0x71: {  	_ =	shalt  }
0x72: {  	_ =	shalt  }
0x73: {  	_ =	shalt  }
0x74: {  	_ =	shalt  }
0x75: {  	_ =	shalt  }
0x76: {  	_ =	shalt  }
0x77: {  	_ =	shalt  }
0x78: {  	_ =	shalt  }
0x79: {  	_ =	shalt  }
0x7a: {  	_ =	shalt  }
0x7b: {  	_ =	shalt  }
0x7c: {  	_ =	shalt  }
0x7d: {  	_ =	shalt  }
0x7e: {  	_ =	shalt  }
0x7f: {  	_ =	shalt  }
0x80: {  	_ =	shalt  }
0x81: {  	_ =	shalt  }
0x82: {  	_ =	shalt  }
0x83: {  	_ =	shalt  }
0x84: {  	_ =	shalt  }
0x85: {  	_ =	shalt  }
0x86: {  	_ =	shalt  }
0x87: {  	_ =	shalt  }
.Lfunc_end0:
.L_simem_size_0:
called_computation.1_lowered:
.L_overlay_start_0:
0x88: {  	s2 =	sld [smem:$0x3FD9]  }
0x89: {  	s3 =	sld [smem:$0x3FFE];
	_ =	sdelay $0x1  }
0x8a: {  	s1 =	srdreg.scid  }
0x8b: {  	s0 =	sand.u32 $0x1, s1  }
0x8c: {  	s14 =	sshll.u32 s0, $0xA;
	s2 =	sadd.s32 s3, s2  }
0x8d: {  	s2 =	sadd.s32 s2, s14  }
0x8e: {  	[smem:$0x3FC6] =	sst s2  }
0x8f: {  	_ = 	snop  }
0x90: {  	s2 =	sld [smem:$0x3FD0];
	_ =	sdelay $0x2  }
0x91: {  	s15 =	simm.s32 $0xA;
	s4 =	simm.s32 $0x10  }
0x92: {  	[smem:s4], [sflag:s15] =	dma.local [hbm:s2], $0x1  }
0x93: {  	_ =	swait.eq [sflag:s15], $0x1  }
0x94: {  	[sflag:s15] =	ssyncset.done $0x0  }
0x95: {  	[sflag:s15] =	ssyncadd.s32 $0xFFFFFFFF  }
0x96: {  	s16 =	sld [smem:$0x10];
	(tm) =	ssettm $0x1  }
0x97: {  	s17 =	sld [smem:$0x3FFB];
	_ =	sdelay $0x3  }
0x98: {  	_ =	strace s17  }
0x99: {  	s3 =	sld [smem:$0x3FFC];
	_ =	sdelay $0x3  }
0x9a: {  	_ =	strace s3  }
0x9b: {  	s3 =	sld [smem:$0x3FFD];
	_ =	sdelay $0x3  }
0x9c: {  	_ =	strace s3  }
0x9d: {  	_ =	strace $0x8FFFFFFF  }
0x9e: {  	s18 =	sld [smem:$0x3FDB];
	_ =	sdelay $0x1  }
0x9f: {  	s19 =	simm.s32 $_scs_section_size  }
0xa0: {  	s5 =	simm.s32 $_size__tile_overlayer_lowered;
	s6 =	simm.s32 $_tile_overlayer_lowered  }
0xa1: {  	s22 =	simm.s32 $0x1BFF;
	s21 =	sshll.u32 s6, $0x1;
	s3 =	sadd.s32 s19, s18  }
0xa2: {  	s7 =	simm.s32 $0x0;
	s20 =	sshll.u32 s5, $0x1;
	s5 =	sadd.s32 s21, s3  }
0xa3: {  	[timem:s7], [sflag:s22] =	dma.local [hbm:s5], s20  }
0xa4: {  	_ =	swait.ge [sflag:s22], s20  }
0xa5: {  	s4 =	ssub.s32 $0x0, s20;
	[sflag:s22] =	ssyncset.done $0x0  }
0xa6: {  	[sflag:s22] =	ssyncadd.s32 s4;
	_ =	sdelay $0x1  }
0xa7: {  	s23 =	simm.s32 $0x1B8B  }
0xa8: {  	_ =	swait.ge [sflag:s23], $0x1  }
0xa9: {  	[sflag:s23] =	ssyncset.done $0x0  }
0xaa: {  	s25 =	simm.s32 $0x1B8E;
	s24 =	sld [smem:$0x3FFE];
	[sflag:s23] =	ssyncadd.s32 $0xFFFFFFFF  }
0xab: {  	s26 =	simm.s32 $execute0_lowered;
	[smem:$0x3FD2] =	sst s25  }
0xac: {  	s5 =	sshll.u32 s26, $0x1;
	_ =	strace $0x80000049;
	[dreg:$0x1] =	wrdreg $0xFFFFFFFF  }
0xad: {  	s28 =	simm.s32 $_size_execute0_lowered;
	s3 =	sadd.s32 s3, s5;
	[dreg:$0x0] =	wrdreg $0x0  }
0xae: {  	s5 =	sshll.u32 s28, $0x1;
	[dreg:$0x2] =	wrdreg s3  }
0xaf: {  	[dreg:$0x3] =	wrdreg s5  }
0xb0: {  	[dreg:$0x4] =	wrdreg $0xC0  }
0xb1: {  	_ =	task [dreg:s7], $0x5FFFF  }
0xb2: {  	[dreg:$0x1] =	wrdreg $0xFFFFFFFF  }
0xb3: {  	[dreg:$0x0] =	wrdreg $0x60  }
0xb4: {  	[dreg:$0x2] =	wrdreg s16  }
0xb5: {  	[dreg:$0x3] =	wrdreg s24  }
0xb6: {  	[dreg:$0x4] =	wrdreg $0x9  }
0xb7: {  	_ =	task.clear_ibuf [dreg:s7], $0x5FFFF;
	_ =	strace $0x90000049  }
0xb8: {  	s29 =	simm.s32 $0x9;
	_ =	strace $0x8000004B  }
0xb9: {  	_ =	swait.ge [sflag:s29], $0x1  }
0xba: {  	[sflag:s29] =	ssyncadd.s32 $0xFFFFFFFF  }
0xbb: {  	_ =	strace $0x9000004B  }
0xbc: {  	_ =	sfence  }
0xbd: {  	s30 =	sld [smem:$0x0];
	_ =	sdelay $0x2  }
0xbe: {  	s31 =	sshll.u32 s1, $0xD;
	s1 =	sshrl.u32 s1, $0x2  }
0xbf: {  	s3 =	sand.u32 $0x4000, s31;
	s1 =	sadd.s32 s1, s30  }
0xc0: {  	s0 =	sor.u32 s3, s0;
	s1 =	sshll.u32 s1, $0x11  }
0xc1: {  	s0 =	sor.u32 s1, s0  }
0xc2: {  	s0 =	sadd.s32 $0x8F2B, s0  }
0xc3: {  	[sflag:s0] =	ssyncadd.remote.s32 $0x1  }
0xc4: {  	_ =	sfence.sel $0xFFFF  }
0xc5: {  	[dreg:$0x0] =	wrdreg $0xFFFFFFFF;
	(pc) =	sbr.abs _section_cstart, $3  }
0xc6: {  	[dreg:$0x1] =	wrdreg $0xFFFFFFFF  }
0xc7: {  	_ =	task.clear_ibuf [dreg:s7], $0x2FFFF;
	_ =	strace $0x9FFFFFFF  }
0xc8: {  	(tm) =	ssettm $0x7FFFFFFF  }
0xc9: {  	_ =	shalt  }
tec
execute0_lowered:
.L_overlay_start_1:
0x0: {  	(tag) =	ssettag $0x1  }
0x1: {  	s1 =	srdreg.scid;
	s0 =	stileid.u32  }
0x2: {  	s14 =	sand.u32 $0x1, s1;
	s31 =	sshll.u32 s0, $0x1  }
0x3: {  	s1 =	sor.u32 s14, s31  }
0x4: {  	s2 =	rddreg [dreg:$0x0];
	s4 =	smul.u32 $0x60, s1  }
0x5: {  	s10 =	rddreg [dreg:$0x1];
	s3 =	simm.s32 $0x0  }
0x6: {  	[smem:$0x7FF] =	sst s3;
	s4 =	sshrl.u32 s4, $0x3  }
0x7: {  	s1 =	rddreg [dreg:$0x2];
	s15 =	sadd.s32 s4, s10  }
0x8: {  	_ =	strace $0x8000004A;
	s4 =	simm.s32 $0x2;
	s5 =	sadd.s32 $0xCA00, s15  }
0x9: {  	[tilespmem:s3], [sflag:$0x2] =	stream.linear.gather [hbm4b:s5+s3], $0x60, $0x38;
	[tilespmem:$0x200] =	vst v63  }
0xa: {  	_ =	swait.ge [sflag:s4], $0x60  }
0xb: {  	[sflag:s4] =	ssyncset.done $0x0  }
0xc: {  	s6 =	simm.s32 $0x60;
	s7 =	simm.s32 $0x80;
	[sflag:s4] =	ssyncadd.s32 $0xFFFFFFA0  }
0xd: {  	[tilespmem:s7], [sflag:$0x1] =	stream.indirect.gather [hbm4b:s2+s6], $0x1, s3, s6, $0xb8;
	[tilespmem:$0x200] =	vst v63  }
0xe: {  	s9 =	simm.s32 $0x100;
	s8 =	sadd.s32 $0xCCC00, s10  }
0xf: {  	[tilespmem:s9], [sflag:$0x1] =	stream.indirect.gather [hbm4b:s8+s6], $0x1, s3, s6, $0xb8;
	[tilespmem:$0x200] =	vst v63  }
0x10: {  	s11 =	simm.s32 $0x180;
	s12 =	simm.s32 $0x1;
	s10 =	sadd.s32 $0xCC00, s10  }
0x11: {  	[tilespmem:s11], [sflag:$0x1] =	stream.indirect.gather [hbm4b:s10+s6], $0x1, s3, s6, $0xb8;
	[tilespmem:$0x200] =	vst v63  }
0x12: {  	_ =	swait.ge [sflag:s12], $0x60  }
0x13: {  	[sflag:s12] =	ssyncset.done $0x0  }
0x14: {  	[sflag:s12] =	ssyncadd.s32 $0xFFFFFFA0  }
0x15: {  	_ =	swait.ge [sflag:s12], $0x60  }
0x16: {  	[sflag:s12] =	ssyncset.done $0x0  }
0x17: {  	[sflag:s12] =	ssyncadd.s32 $0xFFFFFFA0  }
0x18: {  	_ =	swait.ge [sflag:s12], $0x60  }
0x19: {  	[sflag:s12] =	ssyncset.done $0x0  }
0x1a: {  	s16 =	ssub.s32 $0x2, s14;
	s13 =	sadd.s32 $0x18CC00, s15;
	[sflag:s12] =	ssyncadd.s32 $0xFFFFFFA0  }
0x1b: {  	[hbm4b:s13+s3] =	stream.linear.scatter [tilespmem:s7], [sflag:$0x2], $0x60, $0x38;
	[tilespmem:$0x200] =	vst v63  }
0x1c: {  	s17 =	sshrl.u32 s16, $0x1;
	_ =	swait.ge [sflag:s4], $0x60  }
0x1d: {  	s16 =	ssub.s32 s16, s17;
	[sflag:s4] =	ssyncset.done $0x0  }
0x1e: {  	s16 =	smax.u32 s16, $0x1;
	s14 =	sadd.s32 $0x18CD80, s15;
	[sflag:s4] =	ssyncadd.s32 $0xFFFFFFA0  }
0x1f: {  	[hbm4b:s14+s3] =	stream.linear.scatter [tilespmem:s9], [sflag:$0x2], $0x60, $0x38;
	[tilespmem:$0x200] =	vst v63  }
0x20: {  	p0 =	sne.s32 s16, $0x1;
	_ =	swait.ge [sflag:s4], $0x60  }
.Ltmp0:
0x21: {  	[sflag:s4] =	ssyncset.done $0x0;
	(pc) =	sbr.rel @!p0 .LBB2_2-.Ltmp0, $4  }
0x22: {  	s15 =	sadd.s32 $0x18CF00, s15;
	[sflag:s4] =	ssyncadd.s32 $0xFFFFFFA0  }
0x23: {  	[hbm4b:s15+s3] =	stream.linear.scatter [tilespmem:s11], [sflag:$0x2], $0x60, $0x38;
	[tilespmem:$0x200] =	vst v63  }
0x24: {  	_ =	swait.ge [sflag:s4], $0x60  }
0x25: {  	s16 =	sadd.s32 $0xFFFFFFFF, s16;
	[sflag:s4] =	ssyncset.done $0x0  }
.LBB2_1:
0x26: {  	p0 =	sne.s32 s16, $0x1;
	s16 =	sadd.s32 $0xFFFFFFFF, s16;
	[sflag:s4] =	ssyncadd.s32 $0xFFFFFFA0  }
0x27: {  	[tilespmem:s3], [sflag:$0x2] =	stream.linear.gather [hbm4b:s5+s3], $0x60, $0x38;
	[tilespmem:$0x200] =	vst v63  }
0x28: {  	_ =	swait.ge [sflag:s4], $0x60  }
0x29: {  	[sflag:s4] =	ssyncset.done $0x0  }
0x2a: {  	[sflag:s4] =	ssyncadd.s32 $0xFFFFFFA0  }
0x2b: {  	[tilespmem:s7], [sflag:$0x1] =	stream.indirect.gather [hbm4b:s2+s6], $0x1, s3, s6, $0xb8;
	[tilespmem:$0x200] =	vst v63  }
0x2c: {  	_ = 	snop  }
0x2d: {  	[tilespmem:s9], [sflag:$0x1] =	stream.indirect.gather [hbm4b:s8+s6], $0x1, s3, s6, $0xb8;
	[tilespmem:$0x200] =	vst v63  }
0x2e: {  	_ = 	snop  }
0x2f: {  	[tilespmem:s11], [sflag:$0x1] =	stream.indirect.gather [hbm4b:s10+s6], $0x1, s3, s6, $0xb8;
	[tilespmem:$0x200] =	vst v63  }
0x30: {  	_ =	swait.ge [sflag:s12], $0x60  }
0x31: {  	[sflag:s12] =	ssyncset.done $0x0  }
0x32: {  	[sflag:s12] =	ssyncadd.s32 $0xFFFFFFA0  }
0x33: {  	_ =	swait.ge [sflag:s12], $0x60  }
0x34: {  	[sflag:s12] =	ssyncset.done $0x0  }
0x35: {  	[sflag:s12] =	ssyncadd.s32 $0xFFFFFFA0  }
0x36: {  	_ =	swait.ge [sflag:s12], $0x60  }
0x37: {  	[sflag:s12] =	ssyncset.done $0x0  }
0x38: {  	[sflag:s12] =	ssyncadd.s32 $0xFFFFFFA0  }
0x39: {  	[hbm4b:s13+s3] =	stream.linear.scatter [tilespmem:s7], [sflag:$0x2], $0x60, $0x38;
	[tilespmem:$0x200] =	vst v63  }
0x3a: {  	_ =	swait.ge [sflag:s4], $0x60  }
0x3b: {  	[sflag:s4] =	ssyncset.done $0x0  }
0x3c: {  	[sflag:s4] =	ssyncadd.s32 $0xFFFFFFA0  }
0x3d: {  	[hbm4b:s14+s3] =	stream.linear.scatter [tilespmem:s9], [sflag:$0x2], $0x60, $0x38;
	[tilespmem:$0x200] =	vst v63  }
0x3e: {  	_ =	swait.ge [sflag:s4], $0x60  }
.Ltmp1:
0x3f: {  	[sflag:s4] =	ssyncset.done $0x0;
	(pc) =	sbr.rel @p0 .LBB2_1-.Ltmp1, $4  }
0x40: {  	[sflag:s4] =	ssyncadd.s32 $0xFFFFFFA0  }
0x41: {  	[hbm4b:s15+s3] =	stream.linear.scatter [tilespmem:s11], [sflag:$0x2], $0x60, $0x38;
	[tilespmem:$0x200] =	vst v63  }
0x42: {  	_ =	swait.ge [sflag:s4], $0x60  }
0x43: {  	[sflag:s4] =	ssyncset.done $0x0  }
.LBB2_2:
0x44: {  	[sflag:s4] =	ssyncadd.s32 $0xFFFFFFA0  }
0x45: {  	_ =	sfence.sel $0x180000  }
0x46: {  	[bflag:$0x0] =	sbarrier.arrive $0xFFFF  }
0x47: {  	p0 =	sne.s32 s0, $0x0;
	_ =	strace $0x9000004A  }
0x48: {  	s0 =	sadd.s32 @!p0 $0x100000, s1;
	[bflag:$0x2] =	sbarrier.arrive $0xFFFF  }
0x49: {  	[sflag:s0] =	ssyncadd.tile.s32 @!p0 $0x1;
	_ =	shalt  }
.Lfunc_end2:
_tile_overlayer_lowered:
.L_overlay_start_2:
0x4a: {  	(tag) =	ssettag $0x2  }
0x4b: {  	s0 =	rddreg [dreg:$0x0];
	s2 =	stileid.u32  }
0x4c: {  	s1 =	rddreg [dreg:$0x1];
	p0 =	sne.s32 s2, $0x0  }
0x4d: {  	s3 =	rddreg [dreg:$0x2];
	[bflag:$0x3] =	sbarrier.arrive $0xFFFF;
	s2 =	simm.s32 @!p0 $0x1C02  }
0x4e: {  	[timem:s3], [sflag:s2] =	dma.local @!p0 [hbm:s0], s1  }
0x4f: {  	s0 =	simm.s32 @!p0 $0x2  }
0x50: {  	_ =	swait.ge @!p0 [sflag:s0], s1  }
0x51: {  	s1 =	ssub.s32 @!p0 $0x0, s1;
	[sflag:s0] =	ssyncset.done @!p0 $0x0  }
0x52: {  	[sflag:s0] =	ssyncadd.s32 @!p0 s1  }
0x53: {  	[bflag:$0x3] =	sbarrier.arrive $0xFFFF  }
0x54: {  	_ =	shalt  }

// kernel: kernel.33.cloned.1.call-start
scs
__scs_entry_jumppad:
0x0: {  	(pc) =	sbr.rel $0x88, $3  }
0x1: {  	(tag) =	ssettag $0x0;
	lr =	simm.s32 $0x1  }
0x2: {  	[smem:$0x3F9F] =	sst lr;
	_ =	strace $0xD0000000  }
0x3: {  	_ = 	snop  }
0x4: {  	_ = 	snop  }
0x5: {  	_ = 	snop  }
0x6: {  	_ = 	snop  }
0x7: {  	_ = 	snop  }
__scs_overlays_trampoline_lowered:
0x8: {  	[smem:$0x3FAE] =	sst s0  }
0x9: {  	[smem:$0x3FAF] =	sst s1  }
0xa: {  	[smem:$0x3FB0] =	sst s2  }
0xb: {  	[smem:$0x3FB1] =	sst s3  }
0xc: {  	[smem:$0x3FB2] =	sst s4  }
0xd: {  	[smem:$0x3FB3] =	sst s5  }
0xe: {  	[smem:$0x3FB4] =	sst s6  }
0xf: {  	[smem:$0x3FB5] =	sst s7  }
0x10: {  	[smem:$0x3FB6] =	sst s8  }
0x11: {  	[smem:$0x3FB7] =	sst s9;
	s0 =	simm.s32 @!p0 $0x0  }
0x12: {  	s1 =	sld [smem:$0x3F9D];
	s0 =	simm.s32 @p0 $0x1  }
0x13: {  	[smem:$0x3FB8] =	sst s0;
	s0 =	simm.s32 @!p1 $0x0  }
0x14: {  	s2 =	sld [smem:$0x3F9C];
	s0 =	simm.s32 @p1 $0x1  }
0x15: {  	[smem:$0x3FB9] =	sst s0;
	s0 =	simm.s32 @!p2 $0x0  }
0x16: {  	s3 =	sld [smem:$0x3FDB];
	s0 =	simm.s32 @p2 $0x1  }
0x17: {  	s4 =	simm.s32 $0x1BF5;
	[smem:$0x3FBB] =	sst s0  }
0x18: {  	s0 =	sld [smem:$0x3F9E];
	_ =	swait.ge [sflag:s4], $0x0  }
0x19: {  	s7 =	sld [smem:$0x3F9F]  }
0x1a: {  	s8 =	sadd.s32 $0xFFFFE003, lr  }
0x1b: {  	s9 =	sadd.s32 $0xFFFFFEF7, lr;
	s5 =	simm.s32 $0xFFFFFFFF;
	p2 =	slt.u32 s8, $0xFFFFF086  }
0x1c: {  	p1 =	slt.u32 s9, $0xF7A;
	s5 =	simm.s32 @!p2 $0x0  }
0x1d: {  	s5 =	simm.s32 @p1 $0x1;
	p0 =	seq.s32 s7, s2  }
0x1e: {  	s7 =	smul.u32 @!p0 $0xF7A, s2;
	p2 =	seq.s32 @!p0 s5, $0x0  }
0x1f: {  	s9 =	smul.u32 $0xF7A, s1;
	s8 =	simm.s32 @!p0 $0x1BF5;
	p2 =	por !p2, p0  }
0x20: {  	[sflag:s8] =	ssyncset.s32 @!p0 $0xFFFFF086;
	s6 =	sadd.s32 @!p0 s3, s7;
	s7 =	simm.s32 @!p0 $0x108  }
0x21: {  	s3 =	sadd.s32 s3, s9;
	s6 =	sadd.s32 @!p0 $0x88, s6;
	s7 =	simm.s32 @p2 $0x1082  }
0x22: {  	[simem:s7], [sflag:s8] =	dma.local @!p0 [hbm:s6], $0xF7A  }
0x23: {  	s9 =	sor.u32 $0xD0000000, s2;
	s6 =	simm.s32 $0x108;
	_ =	swait.ge @!p0 [sflag:s8], $0x0  }
0x24: {  	s3 =	sadd.s32 $0x88, s3;
	s6 =	simm.s32 @!p1 $0x1082;
	[sflag:s4] =	ssyncset.s32 $0xFFFFF086  }
0x25: {  	[simem:s6], [sflag:s4] =	dma.local [hbm:s3], $0xF7A  }
0x26: {  	[smem:$0x3F9F] =	sst s1;
	(tag) =	ssettag s2;
	_ =	strace s9  }
0x27: {  	s1 =	sld [smem:$0x3FAF]  }
0x28: {  	s2 =	sld [smem:$0x3FB0]  }
0x29: {  	s4 =	sld [smem:$0x3FB2]  }
0x2a: {  	p0 =	seq.s32 s5, $0x0;
	s5 =	sld [smem:$0x3FB3]  }
0x2b: {  	s6 =	sld [smem:$0x3FB4]  }
0x2c: {  	s7 =	sld [smem:$0x3FB5]  }
0x2d: {  	s3 =	simm.s32 $0x108;
	s8 =	sld [smem:$0x3FB6]  }
0x2e: {  	s3 =	simm.s32 @!p0 $0x1082;
	s9 =	sld [smem:$0x3FB7]  }
0x2f: {  	lr =	sadd.s32 s0, s3;
	s0 =	sld [smem:$0x3FAE]  }
0x30: {  	s3 =	sld [smem:$0x3FB1]  }
0x31: {  	[smem:$0x3FBA] =	sst s10  }
0x32: {  	s10 =	sld [smem:$0x3FB8];
	_ =	sdelay $0x3  }
0x33: {  	p0 =	seq.s32 s10, $0x1;
	s10 =	sld [smem:$0x3FBA];
	_ =	sdelay $0x3  }
0x34: {  	[smem:$0x3FBA] =	sst s10  }
0x35: {  	s10 =	sld [smem:$0x3FB9];
	_ =	sdelay $0x3  }
0x36: {  	p1 =	seq.s32 s10, $0x1;
	s10 =	sld [smem:$0x3FBA];
	_ =	sdelay $0x3  }
0x37: {  	[smem:$0x3FBA] =	sst s10  }
0x38: {  	s10 =	sld [smem:$0x3FBB]  }
0x39: {  	_ = 	snop;
	(pc) =	sbr.ind lr, $3  }
0x3a: {  	_ = 	snop  }
0x3b: {  	_ = 	snop  }
0x3c: {  	p2 =	seq.s32 s10, $0x1;
	s10 =	sld [smem:$0x3FBA]  }
0x3d: {  	_ =	shalt  }
0x3e: {  	_ =	shalt  }
0x3f: {  	_ =	shalt  }
0x40: {  	_ =	shalt  }
0x41: {  	_ =	shalt  }
0x42: {  	_ =	shalt  }
0x43: {  	_ =	shalt  }
0x44: {  	_ =	shalt  }
0x45: {  	_ =	shalt  }
0x46: {  	_ =	shalt  }
0x47: {  	_ =	shalt  }
0x48: {  	_ =	shalt  }
0x49: {  	_ =	shalt  }
0x4a: {  	_ =	shalt  }
0x4b: {  	_ =	shalt  }
0x4c: {  	_ =	shalt  }
0x4d: {  	_ =	shalt  }
0x4e: {  	_ =	shalt  }
0x4f: {  	_ =	shalt  }
0x50: {  	_ =	shalt  }
0x51: {  	_ =	shalt  }
0x52: {  	_ =	shalt  }
0x53: {  	_ =	shalt  }
0x54: {  	_ =	shalt  }
0x55: {  	_ =	shalt  }
0x56: {  	_ =	shalt  }
0x57: {  	_ =	shalt  }
0x58: {  	_ =	shalt  }
0x59: {  	_ =	shalt  }
0x5a: {  	_ =	shalt  }
0x5b: {  	_ =	shalt  }
0x5c: {  	_ =	shalt  }
0x5d: {  	_ =	shalt  }
0x5e: {  	_ =	shalt  }
0x5f: {  	_ =	shalt  }
0x60: {  	_ =	shalt  }
0x61: {  	_ =	shalt  }
0x62: {  	_ =	shalt  }
0x63: {  	_ =	shalt  }
0x64: {  	_ =	shalt  }
0x65: {  	_ =	shalt  }
0x66: {  	_ =	shalt  }
0x67: {  	_ =	shalt  }
0x68: {  	_ =	shalt  }
0x69: {  	_ =	shalt  }
0x6a: {  	_ =	shalt  }
0x6b: {  	_ =	shalt  }
0x6c: {  	_ =	shalt  }
0x6d: {  	_ =	shalt  }
0x6e: {  	_ =	shalt  }
0x6f: {  	_ =	shalt  }
0x70: {  	_ =	shalt  }
0x71: {  	_ =	shalt  }
0x72: {  	_ =	shalt  }
0x73: {  	_ =	shalt  }
0x74: {  	_ =	shalt  }
0x75: {  	_ =	shalt  }
0x76: {  	_ =	shalt  }
0x77: {  	_ =	shalt  }
0x78: {  	_ =	shalt  }
0x79: {  	_ =	shalt  }
0x7a: {  	_ =	shalt  }
0x7b: {  	_ =	shalt  }
0x7c: {  	_ =	shalt  }
0x7d: {  	_ =	shalt  }
0x7e: {  	_ =	shalt  }
0x7f: {  	_ =	shalt  }
0x80: {  	_ =	shalt  }
0x81: {  	_ =	shalt  }
0x82: {  	_ =	shalt  }
0x83: {  	_ =	shalt  }
0x84: {  	_ =	shalt  }
0x85: {  	_ =	shalt  }
0x86: {  	_ =	shalt  }
0x87: {  	_ =	shalt  }
.Lfunc_end0:
.L_simem_size_0:
called_computation.2_lowered:
.L_overlay_start_0:
0x88: {  	s2 =	sld [smem:$0x3FD9]  }
0x89: {  	s3 =	sld [smem:$0x3FFE];
	_ =	sdelay $0x1  }
0x8a: {  	s1 =	srdreg.scid  }
0x8b: {  	s0 =	sand.u32 $0x1, s1  }
0x8c: {  	s14 =	sshll.u32 s0, $0xA;
	s2 =	sadd.s32 s3, s2  }
0x8d: {  	s2 =	sadd.s32 s2, s14  }
0x8e: {  	[smem:$0x3FC6] =	sst s2  }
0x8f: {  	_ = 	snop  }
0x90: {  	s2 =	sld [smem:$0x3FD0];
	_ =	sdelay $0x2  }
0x91: {  	s15 =	simm.s32 $0xA;
	s4 =	simm.s32 $0x10  }
0x92: {  	[smem:s4], [sflag:s15] =	dma.local [hbm:s2], $0x1  }
0x93: {  	_ =	swait.eq [sflag:s15], $0x1  }
0x94: {  	[sflag:s15] =	ssyncset.done $0x0  }
0x95: {  	[sflag:s15] =	ssyncadd.s32 $0xFFFFFFFF  }
0x96: {  	s16 =	sld [smem:$0x10];
	(tm) =	ssettm $0x1  }
0x97: {  	s17 =	sld [smem:$0x3FFB];
	_ =	sdelay $0x3  }
0x98: {  	_ =	strace s17  }
0x99: {  	s3 =	sld [smem:$0x3FFC];
	_ =	sdelay $0x3  }
0x9a: {  	_ =	strace s3  }
0x9b: {  	s3 =	sld [smem:$0x3FFD];
	_ =	sdelay $0x3  }
0x9c: {  	_ =	strace s3  }
0x9d: {  	_ =	strace $0x8FFFFFFF  }
0x9e: {  	s18 =	sld [smem:$0x3FDB];
	_ =	sdelay $0x1  }
0x9f: {  	s19 =	simm.s32 $_scs_section_size  }
0xa0: {  	s5 =	simm.s32 $_size__tile_overlayer_lowered;
	s6 =	simm.s32 $_tile_overlayer_lowered  }
0xa1: {  	s22 =	simm.s32 $0x1BFF;
	s21 =	sshll.u32 s6, $0x1;
	s3 =	sadd.s32 s19, s18  }
0xa2: {  	s7 =	simm.s32 $0x0;
	s20 =	sshll.u32 s5, $0x1;
	s5 =	sadd.s32 s21, s3  }
0xa3: {  	[timem:s7], [sflag:s22] =	dma.local [hbm:s5], s20  }
0xa4: {  	_ =	swait.ge [sflag:s22], s20  }
0xa5: {  	s4 =	ssub.s32 $0x0, s20;
	[sflag:s22] =	ssyncset.done $0x0  }
0xa6: {  	[sflag:s22] =	ssyncadd.s32 s4;
	_ =	sdelay $0x1  }
0xa7: {  	s23 =	simm.s32 $0x1B8B  }
0xa8: {  	_ =	swait.ge [sflag:s23], $0x1  }
0xa9: {  	[sflag:s23] =	ssyncset.done $0x0  }
0xaa: {  	s25 =	simm.s32 $0x1B8E;
	s24 =	sld [smem:$0x3FFE];
	[sflag:s23] =	ssyncadd.s32 $0xFFFFFFFF  }
0xab: {  	s26 =	simm.s32 $execute0_lowered;
	[smem:$0x3FD2] =	sst s25  }
0xac: {  	s5 =	sshll.u32 s26, $0x1;
	_ =	strace $0x8000004C;
	[dreg:$0x1] =	wrdreg $0xFFFFFFFF  }
0xad: {  	s28 =	simm.s32 $_size_execute0_lowered;
	s3 =	sadd.s32 s3, s5;
	[dreg:$0x0] =	wrdreg $0x0  }
0xae: {  	s5 =	sshll.u32 s28, $0x1;
	[dreg:$0x2] =	wrdreg s3  }
0xaf: {  	[dreg:$0x3] =	wrdreg s5  }
0xb0: {  	[dreg:$0x4] =	wrdreg $0xC0  }
0xb1: {  	_ =	task [dreg:s7], $0x5FFFF  }
0xb2: {  	[dreg:$0x1] =	wrdreg $0xFFFFFFFF  }
0xb3: {  	[dreg:$0x0] =	wrdreg $0x60  }
0xb4: {  	[dreg:$0x2] =	wrdreg s16  }
0xb5: {  	[dreg:$0x3] =	wrdreg s24  }
0xb6: {  	[dreg:$0x4] =	wrdreg $0x9  }
0xb7: {  	_ =	task.clear_ibuf [dreg:s7], $0x5FFFF;
	_ =	strace $0x9000004C  }
0xb8: {  	s29 =	simm.s32 $0x9;
	_ =	strace $0x8000004E  }
0xb9: {  	_ =	swait.ge [sflag:s29], $0x1  }
0xba: {  	[sflag:s29] =	ssyncadd.s32 $0xFFFFFFFF  }
0xbb: {  	_ =	strace $0x9000004E  }
0xbc: {  	_ =	sfence  }
0xbd: {  	s30 =	sld [smem:$0x0];
	_ =	sdelay $0x2  }
0xbe: {  	s31 =	sshll.u32 s1, $0xD;
	s1 =	sshrl.u32 s1, $0x2  }
0xbf: {  	s3 =	sand.u32 $0x4000, s31;
	s1 =	sadd.s32 s1, s30  }
0xc0: {  	s0 =	sor.u32 s3, s0;
	s1 =	sshll.u32 s1, $0x11  }
0xc1: {  	s0 =	sor.u32 s1, s0  }
0xc2: {  	s0 =	sadd.s32 $0x8F2B, s0  }
0xc3: {  	[sflag:s0] =	ssyncadd.remote.s32 $0x1  }
0xc4: {  	_ =	sfence.sel $0xFFFF  }
0xc5: {  	[dreg:$0x0] =	wrdreg $0xFFFFFFFF;
	(pc) =	sbr.abs _section_cstart, $3  }
0xc6: {  	[dreg:$0x1] =	wrdreg $0xFFFFFFFF  }
0xc7: {  	_ =	task.clear_ibuf [dreg:s7], $0x2FFFF;
	_ =	strace $0x9FFFFFFF  }
0xc8: {  	(tm) =	ssettm $0x7FFFFFFF  }
0xc9: {  	_ =	shalt  }
tec
execute0_lowered:
.L_overlay_start_1:
0x0: {  	(tag) =	ssettag $0x1  }
0x1: {  	s1 =	srdreg.scid;
	s0 =	stileid.u32  }
0x2: {  	s14 =	sand.u32 $0x1, s1;
	s31 =	sshll.u32 s0, $0x1  }
0x3: {  	s1 =	sor.u32 s14, s31  }
0x4: {  	s2 =	rddreg [dreg:$0x0];
	s4 =	smul.u32 $0x60, s1  }
0x5: {  	s10 =	rddreg [dreg:$0x1];
	s3 =	simm.s32 $0x0  }
0x6: {  	[smem:$0x7FF] =	sst s3;
	s4 =	sshrl.u32 s4, $0x3  }
0x7: {  	s1 =	rddreg [dreg:$0x2];
	s15 =	sadd.s32 s4, s10  }
0x8: {  	_ =	strace $0x8000004D;
	s4 =	simm.s32 $0x2;
	s5 =	sadd.s32 $0xCA00, s15  }
0x9: {  	[tilespmem:s3], [sflag:$0x2] =	stream.linear.gather [hbm4b:s5+s3], $0x60, $0x38;
	[tilespmem:$0x200] =	vst v63  }
0xa: {  	_ =	swait.ge [sflag:s4], $0x60  }
0xb: {  	[sflag:s4] =	ssyncset.done $0x0  }
0xc: {  	s6 =	simm.s32 $0x60;
	s7 =	simm.s32 $0x80;
	[sflag:s4] =	ssyncadd.s32 $0xFFFFFFA0  }
0xd: {  	[tilespmem:s7], [sflag:$0x1] =	stream.indirect.gather [hbm4b:s2+s6], $0x1, s3, s6, $0xb8;
	[tilespmem:$0x200] =	vst v63  }
0xe: {  	s9 =	simm.s32 $0x100;
	s8 =	sadd.s32 $0xCCC00, s10  }
0xf: {  	[tilespmem:s9], [sflag:$0x1] =	stream.indirect.gather [hbm4b:s8+s6], $0x1, s3, s6, $0xb8;
	[tilespmem:$0x200] =	vst v63  }
0x10: {  	s11 =	simm.s32 $0x180;
	s12 =	simm.s32 $0x1;
	s10 =	sadd.s32 $0xCC00, s10  }
0x11: {  	[tilespmem:s11], [sflag:$0x1] =	stream.indirect.gather [hbm4b:s10+s6], $0x1, s3, s6, $0xb8;
	[tilespmem:$0x200] =	vst v63  }
0x12: {  	_ =	swait.ge [sflag:s12], $0x60  }
0x13: {  	[sflag:s12] =	ssyncset.done $0x0  }
0x14: {  	[sflag:s12] =	ssyncadd.s32 $0xFFFFFFA0  }
0x15: {  	_ =	swait.ge [sflag:s12], $0x60  }
0x16: {  	[sflag:s12] =	ssyncset.done $0x0  }
0x17: {  	[sflag:s12] =	ssyncadd.s32 $0xFFFFFFA0  }
0x18: {  	_ =	swait.ge [sflag:s12], $0x60  }
0x19: {  	[sflag:s12] =	ssyncset.done $0x0  }
0x1a: {  	s16 =	ssub.s32 $0x2, s14;
	s13 =	sadd.s32 $0x18CC00, s15;
	[sflag:s12] =	ssyncadd.s32 $0xFFFFFFA0  }
0x1b: {  	[hbm4b:s13+s3] =	stream.linear.scatter [tilespmem:s7], [sflag:$0x2], $0x60, $0x38;
	[tilespmem:$0x200] =	vst v63  }
0x1c: {  	s17 =	sshrl.u32 s16, $0x1;
	_ =	swait.ge [sflag:s4], $0x60  }
0x1d: {  	s16 =	ssub.s32 s16, s17;
	[sflag:s4] =	ssyncset.done $0x0  }
0x1e: {  	s16 =	smax.u32 s16, $0x1;
	s14 =	sadd.s32 $0x18CD80, s15;
	[sflag:s4] =	ssyncadd.s32 $0xFFFFFFA0  }
0x1f: {  	[hbm4b:s14+s3] =	stream.linear.scatter [tilespmem:s9], [sflag:$0x2], $0x60, $0x38;
	[tilespmem:$0x200] =	vst v63  }
0x20: {  	p0 =	sne.s32 s16, $0x1;
	_ =	swait.ge [sflag:s4], $0x60  }
.Ltmp0:
0x21: {  	[sflag:s4] =	ssyncset.done $0x0;
	(pc) =	sbr.rel @!p0 .LBB2_2-.Ltmp0, $4  }
0x22: {  	s15 =	sadd.s32 $0x18CF00, s15;
	[sflag:s4] =	ssyncadd.s32 $0xFFFFFFA0  }
0x23: {  	[hbm4b:s15+s3] =	stream.linear.scatter [tilespmem:s11], [sflag:$0x2], $0x60, $0x38;
	[tilespmem:$0x200] =	vst v63  }
0x24: {  	_ =	swait.ge [sflag:s4], $0x60  }
0x25: {  	s16 =	sadd.s32 $0xFFFFFFFF, s16;
	[sflag:s4] =	ssyncset.done $0x0  }
.LBB2_1:
0x26: {  	p0 =	sne.s32 s16, $0x1;
	s16 =	sadd.s32 $0xFFFFFFFF, s16;
	[sflag:s4] =	ssyncadd.s32 $0xFFFFFFA0  }
0x27: {  	[tilespmem:s3], [sflag:$0x2] =	stream.linear.gather [hbm4b:s5+s3], $0x60, $0x38;
	[tilespmem:$0x200] =	vst v63  }
0x28: {  	_ =	swait.ge [sflag:s4], $0x60  }
0x29: {  	[sflag:s4] =	ssyncset.done $0x0  }
0x2a: {  	[sflag:s4] =	ssyncadd.s32 $0xFFFFFFA0  }
0x2b: {  	[tilespmem:s7], [sflag:$0x1] =	stream.indirect.gather [hbm4b:s2+s6], $0x1, s3, s6, $0xb8;
	[tilespmem:$0x200] =	vst v63  }
0x2c: {  	_ = 	snop  }
0x2d: {  	[tilespmem:s9], [sflag:$0x1] =	stream.indirect.gather [hbm4b:s8+s6], $0x1, s3, s6, $0xb8;
	[tilespmem:$0x200] =	vst v63  }
0x2e: {  	_ = 	snop  }
0x2f: {  	[tilespmem:s11], [sflag:$0x1] =	stream.indirect.gather [hbm4b:s10+s6], $0x1, s3, s6, $0xb8;
	[tilespmem:$0x200] =	vst v63  }
0x30: {  	_ =	swait.ge [sflag:s12], $0x60  }
0x31: {  	[sflag:s12] =	ssyncset.done $0x0  }
0x32: {  	[sflag:s12] =	ssyncadd.s32 $0xFFFFFFA0  }
0x33: {  	_ =	swait.ge [sflag:s12], $0x60  }
0x34: {  	[sflag:s12] =	ssyncset.done $0x0  }
0x35: {  	[sflag:s12] =	ssyncadd.s32 $0xFFFFFFA0  }
0x36: {  	_ =	swait.ge [sflag:s12], $0x60  }
0x37: {  	[sflag:s12] =	ssyncset.done $0x0  }
0x38: {  	[sflag:s12] =	ssyncadd.s32 $0xFFFFFFA0  }
0x39: {  	[hbm4b:s13+s3] =	stream.linear.scatter [tilespmem:s7], [sflag:$0x2], $0x60, $0x38;
	[tilespmem:$0x200] =	vst v63  }
0x3a: {  	_ =	swait.ge [sflag:s4], $0x60  }
0x3b: {  	[sflag:s4] =	ssyncset.done $0x0  }
0x3c: {  	[sflag:s4] =	ssyncadd.s32 $0xFFFFFFA0  }
0x3d: {  	[hbm4b:s14+s3] =	stream.linear.scatter [tilespmem:s9], [sflag:$0x2], $0x60, $0x38;
	[tilespmem:$0x200] =	vst v63  }
0x3e: {  	_ =	swait.ge [sflag:s4], $0x60  }
.Ltmp1:
0x3f: {  	[sflag:s4] =	ssyncset.done $0x0;
	(pc) =	sbr.rel @p0 .LBB2_1-.Ltmp1, $4  }
0x40: {  	[sflag:s4] =	ssyncadd.s32 $0xFFFFFFA0  }
0x41: {  	[hbm4b:s15+s3] =	stream.linear.scatter [tilespmem:s11], [sflag:$0x2], $0x60, $0x38;
	[tilespmem:$0x200] =	vst v63  }
0x42: {  	_ =	swait.ge [sflag:s4], $0x60  }
0x43: {  	[sflag:s4] =	ssyncset.done $0x0  }
.LBB2_2:
0x44: {  	[sflag:s4] =	ssyncadd.s32 $0xFFFFFFA0  }
0x45: {  	_ =	sfence.sel $0x180000  }
0x46: {  	[bflag:$0x0] =	sbarrier.arrive $0xFFFF  }
0x47: {  	p0 =	sne.s32 s0, $0x0;
	_ =	strace $0x9000004D  }
0x48: {  	s0 =	sadd.s32 @!p0 $0x100000, s1;
	[bflag:$0x2] =	sbarrier.arrive $0xFFFF  }
0x49: {  	[sflag:s0] =	ssyncadd.tile.s32 @!p0 $0x1;
	_ =	shalt  }
.Lfunc_end2:
_tile_overlayer_lowered:
.L_overlay_start_2:
0x4a: {  	(tag) =	ssettag $0x2  }
0x4b: {  	s0 =	rddreg [dreg:$0x0];
	s2 =	stileid.u32  }
0x4c: {  	s1 =	rddreg [dreg:$0x1];
	p0 =	sne.s32 s2, $0x0  }
0x4d: {  	s3 =	rddreg [dreg:$0x2];
	[bflag:$0x3] =	sbarrier.arrive $0xFFFF;
	s2 =	simm.s32 @!p0 $0x1C02  }
0x4e: {  	[timem:s3], [sflag:s2] =	dma.local @!p0 [hbm:s0], s1  }
0x4f: {  	s0 =	simm.s32 @!p0 $0x2  }
0x50: {  	_ =	swait.ge @!p0 [sflag:s0], s1  }
0x51: {  	s1 =	ssub.s32 @!p0 $0x0, s1;
	[sflag:s0] =	ssyncset.done @!p0 $0x0  }
0x52: {  	[sflag:s0] =	ssyncadd.s32 @!p0 s1  }
0x53: {  	[bflag:$0x3] =	sbarrier.arrive $0xFFFF  }
0x54: {  	_ =	shalt  }

// kernel: kernel.36.cloned.1.call-start
scs
__scs_entry_jumppad:
0x0: {  	(pc) =	sbr.rel $0x88, $3  }
0x1: {  	(tag) =	ssettag $0x0;
	lr =	simm.s32 $0x1  }
0x2: {  	[smem:$0x3F9F] =	sst lr;
	_ =	strace $0xD0000000  }
0x3: {  	_ = 	snop  }
0x4: {  	_ = 	snop  }
0x5: {  	_ = 	snop  }
0x6: {  	_ = 	snop  }
0x7: {  	_ = 	snop  }
__scs_overlays_trampoline_lowered:
0x8: {  	[smem:$0x3FAE] =	sst s0  }
0x9: {  	[smem:$0x3FAF] =	sst s1  }
0xa: {  	[smem:$0x3FB0] =	sst s2  }
0xb: {  	[smem:$0x3FB1] =	sst s3  }
0xc: {  	[smem:$0x3FB2] =	sst s4  }
0xd: {  	[smem:$0x3FB3] =	sst s5  }
0xe: {  	[smem:$0x3FB4] =	sst s6  }
0xf: {  	[smem:$0x3FB5] =	sst s7  }
0x10: {  	[smem:$0x3FB6] =	sst s8  }
0x11: {  	[smem:$0x3FB7] =	sst s9;
	s0 =	simm.s32 @!p0 $0x0  }
0x12: {  	s1 =	sld [smem:$0x3F9D];
	s0 =	simm.s32 @p0 $0x1  }
0x13: {  	[smem:$0x3FB8] =	sst s0;
	s0 =	simm.s32 @!p1 $0x0  }
0x14: {  	s2 =	sld [smem:$0x3F9C];
	s0 =	simm.s32 @p1 $0x1  }
0x15: {  	[smem:$0x3FB9] =	sst s0;
	s0 =	simm.s32 @!p2 $0x0  }
0x16: {  	s3 =	sld [smem:$0x3FDB];
	s0 =	simm.s32 @p2 $0x1  }
0x17: {  	s4 =	simm.s32 $0x1BF5;
	[smem:$0x3FBB] =	sst s0  }
0x18: {  	s0 =	sld [smem:$0x3F9E];
	_ =	swait.ge [sflag:s4], $0x0  }
0x19: {  	s7 =	sld [smem:$0x3F9F]  }
0x1a: {  	s8 =	sadd.s32 $0xFFFFE003, lr  }
0x1b: {  	s9 =	sadd.s32 $0xFFFFFEF7, lr;
	s5 =	simm.s32 $0xFFFFFFFF;
	p2 =	slt.u32 s8, $0xFFFFF086  }
0x1c: {  	p1 =	slt.u32 s9, $0xF7A;
	s5 =	simm.s32 @!p2 $0x0  }
0x1d: {  	s5 =	simm.s32 @p1 $0x1;
	p0 =	seq.s32 s7, s2  }
0x1e: {  	s7 =	smul.u32 @!p0 $0xF7A, s2;
	p2 =	seq.s32 @!p0 s5, $0x0  }
0x1f: {  	s9 =	smul.u32 $0xF7A, s1;
	s8 =	simm.s32 @!p0 $0x1BF5;
	p2 =	por !p2, p0  }
0x20: {  	[sflag:s8] =	ssyncset.s32 @!p0 $0xFFFFF086;
	s6 =	sadd.s32 @!p0 s3, s7;
	s7 =	simm.s32 @!p0 $0x108  }
0x21: {  	s3 =	sadd.s32 s3, s9;
	s6 =	sadd.s32 @!p0 $0x88, s6;
	s7 =	simm.s32 @p2 $0x1082  }
0x22: {  	[simem:s7], [sflag:s8] =	dma.local @!p0 [hbm:s6], $0xF7A  }
0x23: {  	s9 =	sor.u32 $0xD0000000, s2;
	s6 =	simm.s32 $0x108;
	_ =	swait.ge @!p0 [sflag:s8], $0x0  }
0x24: {  	s3 =	sadd.s32 $0x88, s3;
	s6 =	simm.s32 @!p1 $0x1082;
	[sflag:s4] =	ssyncset.s32 $0xFFFFF086  }
0x25: {  	[simem:s6], [sflag:s4] =	dma.local [hbm:s3], $0xF7A  }
0x26: {  	[smem:$0x3F9F] =	sst s1;
	(tag) =	ssettag s2;
	_ =	strace s9  }
0x27: {  	s1 =	sld [smem:$0x3FAF]  }
0x28: {  	s2 =	sld [smem:$0x3FB0]  }
0x29: {  	s4 =	sld [smem:$0x3FB2]  }
0x2a: {  	p0 =	seq.s32 s5, $0x0;
	s5 =	sld [smem:$0x3FB3]  }
0x2b: {  	s6 =	sld [smem:$0x3FB4]  }
0x2c: {  	s7 =	sld [smem:$0x3FB5]  }
0x2d: {  	s3 =	simm.s32 $0x108;
	s8 =	sld [smem:$0x3FB6]  }
0x2e: {  	s3 =	simm.s32 @!p0 $0x1082;
	s9 =	sld [smem:$0x3FB7]  }
0x2f: {  	lr =	sadd.s32 s0, s3;
	s0 =	sld [smem:$0x3FAE]  }
0x30: {  	s3 =	sld [smem:$0x3FB1]  }
0x31: {  	[smem:$0x3FBA] =	sst s10  }
0x32: {  	s10 =	sld [smem:$0x3FB8];
	_ =	sdelay $0x3  }
0x33: {  	p0 =	seq.s32 s10, $0x1;
	s10 =	sld [smem:$0x3FBA];
	_ =	sdelay $0x3  }
0x34: {  	[smem:$0x3FBA] =	sst s10  }
0x35: {  	s10 =	sld [smem:$0x3FB9];
	_ =	sdelay $0x3  }
0x36: {  	p1 =	seq.s32 s10, $0x1;
	s10 =	sld [smem:$0x3FBA];
	_ =	sdelay $0x3  }
0x37: {  	[smem:$0x3FBA] =	sst s10  }
0x38: {  	s10 =	sld [smem:$0x3FBB]  }
0x39: {  	_ = 	snop;
	(pc) =	sbr.ind lr, $3  }
0x3a: {  	_ = 	snop  }
0x3b: {  	_ = 	snop  }
0x3c: {  	p2 =	seq.s32 s10, $0x1;
	s10 =	sld [smem:$0x3FBA]  }
0x3d: {  	_ =	shalt  }
0x3e: {  	_ =	shalt  }
0x3f: {  	_ =	shalt  }
0x40: {  	_ =	shalt  }
0x41: {  	_ =	shalt  }
0x42: {  	_ =	shalt  }
0x43: {  	_ =	shalt  }
0x44: {  	_ =	shalt  }
0x45: {  	_ =	shalt  }
0x46: {  	_ =	shalt  }
0x47: {  	_ =	shalt  }
0x48: {  	_ =	shalt  }
0x49: {  	_ =	shalt  }
0x4a: {  	_ =	shalt  }
0x4b: {  	_ =	shalt  }
0x4c: {  	_ =	shalt  }
0x4d: {  	_ =	shalt  }
0x4e: {  	_ =	shalt  }
0x4f: {  	_ =	shalt  }
0x50: {  	_ =	shalt  }
0x51: {  	_ =	shalt  }
0x52: {  	_ =	shalt  }
0x53: {  	_ =	shalt  }
0x54: {  	_ =	shalt  }
0x55: {  	_ =	shalt  }
0x56: {  	_ =	shalt  }
0x57: {  	_ =	shalt  }
0x58: {  	_ =	shalt  }
0x59: {  	_ =	shalt  }
0x5a: {  	_ =	shalt  }
0x5b: {  	_ =	shalt  }
0x5c: {  	_ =	shalt  }
0x5d: {  	_ =	shalt  }
0x5e: {  	_ =	shalt  }
0x5f: {  	_ =	shalt  }
0x60: {  	_ =	shalt  }
0x61: {  	_ =	shalt  }
0x62: {  	_ =	shalt  }
0x63: {  	_ =	shalt  }
0x64: {  	_ =	shalt  }
0x65: {  	_ =	shalt  }
0x66: {  	_ =	shalt  }
0x67: {  	_ =	shalt  }
0x68: {  	_ =	shalt  }
0x69: {  	_ =	shalt  }
0x6a: {  	_ =	shalt  }
0x6b: {  	_ =	shalt  }
0x6c: {  	_ =	shalt  }
0x6d: {  	_ =	shalt  }
0x6e: {  	_ =	shalt  }
0x6f: {  	_ =	shalt  }
0x70: {  	_ =	shalt  }
0x71: {  	_ =	shalt  }
0x72: {  	_ =	shalt  }
0x73: {  	_ =	shalt  }
0x74: {  	_ =	shalt  }
0x75: {  	_ =	shalt  }
0x76: {  	_ =	shalt  }
0x77: {  	_ =	shalt  }
0x78: {  	_ =	shalt  }
0x79: {  	_ =	shalt  }
0x7a: {  	_ =	shalt  }
0x7b: {  	_ =	shalt  }
0x7c: {  	_ =	shalt  }
0x7d: {  	_ =	shalt  }
0x7e: {  	_ =	shalt  }
0x7f: {  	_ =	shalt  }
0x80: {  	_ =	shalt  }
0x81: {  	_ =	shalt  }
0x82: {  	_ =	shalt  }
0x83: {  	_ =	shalt  }
0x84: {  	_ =	shalt  }
0x85: {  	_ =	shalt  }
0x86: {  	_ =	shalt  }
0x87: {  	_ =	shalt  }
.Lfunc_end0:
.L_simem_size_0:
called_computation.3_lowered:
.L_overlay_start_0:
0x88: {  	s2 =	sld [smem:$0x3FD9]  }
0x89: {  	s3 =	sld [smem:$0x3FFE];
	_ =	sdelay $0x1  }
0x8a: {  	s1 =	srdreg.scid  }
0x8b: {  	s0 =	sand.u32 $0x1, s1  }
0x8c: {  	s14 =	sshll.u32 s0, $0xA;
	s2 =	sadd.s32 s3, s2  }
0x8d: {  	s2 =	sadd.s32 s2, s14  }
0x8e: {  	[smem:$0x3FC6] =	sst s2  }
0x8f: {  	_ = 	snop  }
0x90: {  	s2 =	sld [smem:$0x3FD0];
	_ =	sdelay $0x2  }
0x91: {  	s15 =	simm.s32 $0xA;
	s4 =	simm.s32 $0x10  }
0x92: {  	[smem:s4], [sflag:s15] =	dma.local [hbm:s2], $0x1  }
0x93: {  	_ =	swait.eq [sflag:s15], $0x1  }
0x94: {  	[sflag:s15] =	ssyncset.done $0x0  }
0x95: {  	[sflag:s15] =	ssyncadd.s32 $0xFFFFFFFF  }
0x96: {  	s16 =	sld [smem:$0x10];
	(tm) =	ssettm $0x1  }
0x97: {  	s17 =	sld [smem:$0x3FFB];
	_ =	sdelay $0x3  }
0x98: {  	_ =	strace s17  }
0x99: {  	s3 =	sld [smem:$0x3FFC];
	_ =	sdelay $0x3  }
0x9a: {  	_ =	strace s3  }
0x9b: {  	s3 =	sld [smem:$0x3FFD];
	_ =	sdelay $0x3  }
0x9c: {  	_ =	strace s3  }
0x9d: {  	_ =	strace $0x8FFFFFFF  }
0x9e: {  	s18 =	sld [smem:$0x3FDB];
	_ =	sdelay $0x1  }
0x9f: {  	s19 =	simm.s32 $_scs_section_size  }
0xa0: {  	s5 =	simm.s32 $_size__tile_overlayer_lowered;
	s6 =	simm.s32 $_tile_overlayer_lowered  }
0xa1: {  	s22 =	simm.s32 $0x1BFF;
	s21 =	sshll.u32 s6, $0x1;
	s3 =	sadd.s32 s19, s18  }
0xa2: {  	s7 =	simm.s32 $0x0;
	s20 =	sshll.u32 s5, $0x1;
	s5 =	sadd.s32 s21, s3  }
0xa3: {  	[timem:s7], [sflag:s22] =	dma.local [hbm:s5], s20  }
0xa4: {  	_ =	swait.ge [sflag:s22], s20  }
0xa5: {  	s4 =	ssub.s32 $0x0, s20;
	[sflag:s22] =	ssyncset.done $0x0  }
0xa6: {  	[sflag:s22] =	ssyncadd.s32 s4;
	_ =	sdelay $0x1  }
0xa7: {  	s23 =	simm.s32 $0x1B8B  }
0xa8: {  	_ =	swait.ge [sflag:s23], $0x1  }
0xa9: {  	[sflag:s23] =	ssyncset.done $0x0  }
0xaa: {  	s25 =	simm.s32 $0x1B8E;
	s24 =	sld [smem:$0x3FFE];
	[sflag:s23] =	ssyncadd.s32 $0xFFFFFFFF  }
0xab: {  	s26 =	simm.s32 $execute0_lowered;
	[smem:$0x3FD2] =	sst s25  }
0xac: {  	s5 =	sshll.u32 s26, $0x1;
	_ =	strace $0x8000004F;
	[dreg:$0x1] =	wrdreg $0xFFFFFFFF  }
0xad: {  	s28 =	simm.s32 $_size_execute0_lowered;
	s3 =	sadd.s32 s3, s5;
	[dreg:$0x0] =	wrdreg $0x0  }
0xae: {  	s5 =	sshll.u32 s28, $0x1;
	[dreg:$0x2] =	wrdreg s3  }
0xaf: {  	[dreg:$0x3] =	wrdreg s5  }
0xb0: {  	[dreg:$0x4] =	wrdreg $0xC0  }
0xb1: {  	_ =	task [dreg:s7], $0x5FFFF  }
0xb2: {  	[dreg:$0x1] =	wrdreg $0xFFFFFFFF  }
0xb3: {  	[dreg:$0x0] =	wrdreg $0x60  }
0xb4: {  	[dreg:$0x2] =	wrdreg s16  }
0xb5: {  	[dreg:$0x3] =	wrdreg s24  }
0xb6: {  	[dreg:$0x4] =	wrdreg $0x9  }
0xb7: {  	_ =	task.clear_ibuf [dreg:s7], $0x5FFFF;
	_ =	strace $0x9000004F  }
0xb8: {  	s29 =	simm.s32 $0x9;
	_ =	strace $0x80000051  }
0xb9: {  	_ =	swait.ge [sflag:s29], $0x1  }
0xba: {  	[sflag:s29] =	ssyncadd.s32 $0xFFFFFFFF  }
0xbb: {  	_ =	strace $0x90000051  }
0xbc: {  	_ =	sfence  }
0xbd: {  	s30 =	sld [smem:$0x0];
	_ =	sdelay $0x2  }
0xbe: {  	s31 =	sshll.u32 s1, $0xD;
	s1 =	sshrl.u32 s1, $0x2  }
0xbf: {  	s3 =	sand.u32 $0x4000, s31;
	s1 =	sadd.s32 s1, s30  }
0xc0: {  	s0 =	sor.u32 s3, s0;
	s1 =	sshll.u32 s1, $0x11  }
0xc1: {  	s0 =	sor.u32 s1, s0  }
0xc2: {  	s0 =	sadd.s32 $0x8F2B, s0  }
0xc3: {  	[sflag:s0] =	ssyncadd.remote.s32 $0x1  }
0xc4: {  	_ =	sfence.sel $0xFFFF  }
0xc5: {  	[dreg:$0x0] =	wrdreg $0xFFFFFFFF;
	(pc) =	sbr.abs _section_cstart, $3  }
0xc6: {  	[dreg:$0x1] =	wrdreg $0xFFFFFFFF  }
0xc7: {  	_ =	task.clear_ibuf [dreg:s7], $0x2FFFF;
	_ =	strace $0x9FFFFFFF  }
0xc8: {  	(tm) =	ssettm $0x7FFFFFFF  }
0xc9: {  	_ =	shalt  }
tec
execute0_lowered:
.L_overlay_start_1:
0x0: {  	(tag) =	ssettag $0x1  }
0x1: {  	s1 =	srdreg.scid;
	s0 =	stileid.u32  }
0x2: {  	s14 =	sand.u32 $0x1, s1;
	s31 =	sshll.u32 s0, $0x1  }
0x3: {  	s1 =	sor.u32 s14, s31  }
0x4: {  	s2 =	rddreg [dreg:$0x0];
	s4 =	smul.u32 $0x60, s1  }
0x5: {  	s10 =	rddreg [dreg:$0x1];
	s3 =	simm.s32 $0x0  }
0x6: {  	[smem:$0x7FF] =	sst s3;
	s4 =	sshrl.u32 s4, $0x3  }
0x7: {  	s1 =	rddreg [dreg:$0x2];
	s15 =	sadd.s32 s4, s10  }
0x8: {  	_ =	strace $0x80000050;
	s4 =	simm.s32 $0x2;
	s5 =	sadd.s32 $0xC600, s15  }
0x9: {  	[tilespmem:s3], [sflag:$0x2] =	stream.linear.gather [hbm4b:s5+s3], $0x60, $0x38;
	[tilespmem:$0x200] =	vst v63  }
0xa: {  	_ =	swait.ge [sflag:s4], $0x60  }
0xb: {  	[sflag:s4] =	ssyncset.done $0x0  }
0xc: {  	s6 =	simm.s32 $0x60;
	s7 =	simm.s32 $0x80;
	[sflag:s4] =	ssyncadd.s32 $0xFFFFFFA0  }
0xd: {  	[tilespmem:s7], [sflag:$0x1] =	stream.indirect.gather [hbm4b:s2+s6], $0x1, s3, s6, $0xb8;
	[tilespmem:$0x200] =	vst v63  }
0xe: {  	s9 =	simm.s32 $0x100;
	s8 =	sadd.s32 $0xCCC00, s10  }
0xf: {  	[tilespmem:s9], [sflag:$0x1] =	stream.indirect.gather [hbm4b:s8+s6], $0x1, s3, s6, $0xb8;
	[tilespmem:$0x200] =	vst v63  }
0x10: {  	s11 =	simm.s32 $0x180;
	s12 =	simm.s32 $0x1;
	s10 =	sadd.s32 $0xCC00, s10  }
0x11: {  	[tilespmem:s11], [sflag:$0x1] =	stream.indirect.gather [hbm4b:s10+s6], $0x1, s3, s6, $0xb8;
	[tilespmem:$0x200] =	vst v63  }
0x12: {  	_ =	swait.ge [sflag:s12], $0x60  }
0x13: {  	[sflag:s12] =	ssyncset.done $0x0  }
0x14: {  	[sflag:s12] =	ssyncadd.s32 $0xFFFFFFA0  }
0x15: {  	_ =	swait.ge [sflag:s12], $0x60  }
0x16: {  	[sflag:s12] =	ssyncset.done $0x0  }
0x17: {  	[sflag:s12] =	ssyncadd.s32 $0xFFFFFFA0  }
0x18: {  	_ =	swait.ge [sflag:s12], $0x60  }
0x19: {  	[sflag:s12] =	ssyncset.done $0x0  }
0x1a: {  	s16 =	ssub.s32 $0x2, s14;
	s13 =	sadd.s32 $0x18CC00, s15;
	[sflag:s12] =	ssyncadd.s32 $0xFFFFFFA0  }
0x1b: {  	[hbm4b:s13+s3] =	stream.linear.scatter [tilespmem:s7], [sflag:$0x2], $0x60, $0x38;
	[tilespmem:$0x200] =	vst v63  }
0x1c: {  	s17 =	sshrl.u32 s16, $0x1;
	_ =	swait.ge [sflag:s4], $0x60  }
0x1d: {  	s16 =	ssub.s32 s16, s17;
	[sflag:s4] =	ssyncset.done $0x0  }
0x1e: {  	s16 =	smax.u32 s16, $0x1;
	s14 =	sadd.s32 $0x18CD80, s15;
	[sflag:s4] =	ssyncadd.s32 $0xFFFFFFA0  }
0x1f: {  	[hbm4b:s14+s3] =	stream.linear.scatter [tilespmem:s9], [sflag:$0x2], $0x60, $0x38;
	[tilespmem:$0x200] =	vst v63  }
0x20: {  	p0 =	sne.s32 s16, $0x1;
	_ =	swait.ge [sflag:s4], $0x60  }
.Ltmp0:
0x21: {  	[sflag:s4] =	ssyncset.done $0x0;
	(pc) =	sbr.rel @!p0 .LBB2_2-.Ltmp0, $4  }
0x22: {  	s15 =	sadd.s32 $0x18CF00, s15;
	[sflag:s4] =	ssyncadd.s32 $0xFFFFFFA0  }
0x23: {  	[hbm4b:s15+s3] =	stream.linear.scatter [tilespmem:s11], [sflag:$0x2], $0x60, $0x38;
	[tilespmem:$0x200] =	vst v63  }
0x24: {  	_ =	swait.ge [sflag:s4], $0x60  }
0x25: {  	s16 =	sadd.s32 $0xFFFFFFFF, s16;
	[sflag:s4] =	ssyncset.done $0x0  }
.LBB2_1:
0x26: {  	p0 =	sne.s32 s16, $0x1;
	s16 =	sadd.s32 $0xFFFFFFFF, s16;
	[sflag:s4] =	ssyncadd.s32 $0xFFFFFFA0  }
0x27: {  	[tilespmem:s3], [sflag:$0x2] =	stream.linear.gather [hbm4b:s5+s3], $0x60, $0x38;
	[tilespmem:$0x200] =	vst v63  }
0x28: {  	_ =	swait.ge [sflag:s4], $0x60  }
0x29: {  	[sflag:s4] =	ssyncset.done $0x0  }
0x2a: {  	[sflag:s4] =	ssyncadd.s32 $0xFFFFFFA0  }
0x2b: {  	[tilespmem:s7], [sflag:$0x1] =	stream.indirect.gather [hbm4b:s2+s6], $0x1, s3, s6, $0xb8;
	[tilespmem:$0x200] =	vst v63  }
0x2c: {  	_ = 	snop  }
0x2d: {  	[tilespmem:s9], [sflag:$0x1] =	stream.indirect.gather [hbm4b:s8+s6], $0x1, s3, s6, $0xb8;
	[tilespmem:$0x200] =	vst v63  }
0x2e: {  	_ = 	snop  }
0x2f: {  	[tilespmem:s11], [sflag:$0x1] =	stream.indirect.gather [hbm4b:s10+s6], $0x1, s3, s6, $0xb8;
	[tilespmem:$0x200] =	vst v63  }
0x30: {  	_ =	swait.ge [sflag:s12], $0x60  }
0x31: {  	[sflag:s12] =	ssyncset.done $0x0  }
0x32: {  	[sflag:s12] =	ssyncadd.s32 $0xFFFFFFA0  }
0x33: {  	_ =	swait.ge [sflag:s12], $0x60  }
0x34: {  	[sflag:s12] =	ssyncset.done $0x0  }
0x35: {  	[sflag:s12] =	ssyncadd.s32 $0xFFFFFFA0  }
0x36: {  	_ =	swait.ge [sflag:s12], $0x60  }
0x37: {  	[sflag:s12] =	ssyncset.done $0x0  }
0x38: {  	[sflag:s12] =	ssyncadd.s32 $0xFFFFFFA0  }
0x39: {  	[hbm4b:s13+s3] =	stream.linear.scatter [tilespmem:s7], [sflag:$0x2], $0x60, $0x38;
	[tilespmem:$0x200] =	vst v63  }
0x3a: {  	_ =	swait.ge [sflag:s4], $0x60  }
0x3b: {  	[sflag:s4] =	ssyncset.done $0x0  }
0x3c: {  	[sflag:s4] =	ssyncadd.s32 $0xFFFFFFA0  }
0x3d: {  	[hbm4b:s14+s3] =	stream.linear.scatter [tilespmem:s9], [sflag:$0x2], $0x60, $0x38;
	[tilespmem:$0x200] =	vst v63  }
0x3e: {  	_ =	swait.ge [sflag:s4], $0x60  }
.Ltmp1:
0x3f: {  	[sflag:s4] =	ssyncset.done $0x0;
	(pc) =	sbr.rel @p0 .LBB2_1-.Ltmp1, $4  }
0x40: {  	[sflag:s4] =	ssyncadd.s32 $0xFFFFFFA0  }
0x41: {  	[hbm4b:s15+s3] =	stream.linear.scatter [tilespmem:s11], [sflag:$0x2], $0x60, $0x38;
	[tilespmem:$0x200] =	vst v63  }
0x42: {  	_ =	swait.ge [sflag:s4], $0x60  }
0x43: {  	[sflag:s4] =	ssyncset.done $0x0  }
.LBB2_2:
0x44: {  	[sflag:s4] =	ssyncadd.s32 $0xFFFFFFA0  }
0x45: {  	_ =	sfence.sel $0x180000  }
0x46: {  	[bflag:$0x0] =	sbarrier.arrive $0xFFFF  }
0x47: {  	p0 =	sne.s32 s0, $0x0;
	_ =	strace $0x90000050  }
0x48: {  	s0 =	sadd.s32 @!p0 $0x100000, s1;
	[bflag:$0x2] =	sbarrier.arrive $0xFFFF  }
0x49: {  	[sflag:s0] =	ssyncadd.tile.s32 @!p0 $0x1;
	_ =	shalt  }
.Lfunc_end2:
_tile_overlayer_lowered:
.L_overlay_start_2:
0x4a: {  	(tag) =	ssettag $0x2  }
0x4b: {  	s0 =	rddreg [dreg:$0x0];
	s2 =	stileid.u32  }
0x4c: {  	s1 =	rddreg [dreg:$0x1];
	p0 =	sne.s32 s2, $0x0  }
0x4d: {  	s3 =	rddreg [dreg:$0x2];
	[bflag:$0x3] =	sbarrier.arrive $0xFFFF;
	s2 =	simm.s32 @!p0 $0x1C02  }
0x4e: {  	[timem:s3], [sflag:s2] =	dma.local @!p0 [hbm:s0], s1  }
0x4f: {  	s0 =	simm.s32 @!p0 $0x2  }
0x50: {  	_ =	swait.ge @!p0 [sflag:s0], s1  }
0x51: {  	s1 =	ssub.s32 @!p0 $0x0, s1;
	[sflag:s0] =	ssyncset.done @!p0 $0x0  }
0x52: {  	[sflag:s0] =	ssyncadd.s32 @!p0 s1  }
0x53: {  	[bflag:$0x3] =	sbarrier.arrive $0xFFFF  }
0x54: {  	_ =	shalt  }

// kernel: kernel.39.cloned.1.call-start
scs
__scs_entry_jumppad:
0x0: {  	(pc) =	sbr.rel $0x88, $3  }
0x1: {  	(tag) =	ssettag $0x0;
	lr =	simm.s32 $0x1  }
0x2: {  	[smem:$0x3F9F] =	sst lr;
	_ =	strace $0xD0000000  }
0x3: {  	_ = 	snop  }
0x4: {  	_ = 	snop  }
0x5: {  	_ = 	snop  }
0x6: {  	_ = 	snop  }
0x7: {  	_ = 	snop  }
__scs_overlays_trampoline_lowered:
0x8: {  	[smem:$0x3FAE] =	sst s0  }
0x9: {  	[smem:$0x3FAF] =	sst s1  }
0xa: {  	[smem:$0x3FB0] =	sst s2  }
0xb: {  	[smem:$0x3FB1] =	sst s3  }
0xc: {  	[smem:$0x3FB2] =	sst s4  }
0xd: {  	[smem:$0x3FB3] =	sst s5  }
0xe: {  	[smem:$0x3FB4] =	sst s6  }
0xf: {  	[smem:$0x3FB5] =	sst s7  }
0x10: {  	[smem:$0x3FB6] =	sst s8  }
0x11: {  	[smem:$0x3FB7] =	sst s9;
	s0 =	simm.s32 @!p0 $0x0  }
0x12: {  	s1 =	sld [smem:$0x3F9D];
	s0 =	simm.s32 @p0 $0x1  }
0x13: {  	[smem:$0x3FB8] =	sst s0;
	s0 =	simm.s32 @!p1 $0x0  }
0x14: {  	s2 =	sld [smem:$0x3F9C];
	s0 =	simm.s32 @p1 $0x1  }
0x15: {  	[smem:$0x3FB9] =	sst s0;
	s0 =	simm.s32 @!p2 $0x0  }
0x16: {  	s3 =	sld [smem:$0x3FDB];
	s0 =	simm.s32 @p2 $0x1  }
0x17: {  	s4 =	simm.s32 $0x1BF5;
	[smem:$0x3FBB] =	sst s0  }
0x18: {  	s0 =	sld [smem:$0x3F9E];
	_ =	swait.ge [sflag:s4], $0x0  }
0x19: {  	s7 =	sld [smem:$0x3F9F]  }
0x1a: {  	s8 =	sadd.s32 $0xFFFFE003, lr  }
0x1b: {  	s9 =	sadd.s32 $0xFFFFFEF7, lr;
	s5 =	simm.s32 $0xFFFFFFFF;
	p2 =	slt.u32 s8, $0xFFFFF086  }
0x1c: {  	p1 =	slt.u32 s9, $0xF7A;
	s5 =	simm.s32 @!p2 $0x0  }
0x1d: {  	s5 =	simm.s32 @p1 $0x1;
	p0 =	seq.s32 s7, s2  }
0x1e: {  	s7 =	smul.u32 @!p0 $0xF7A, s2;
	p2 =	seq.s32 @!p0 s5, $0x0  }
0x1f: {  	s9 =	smul.u32 $0xF7A, s1;
	s8 =	simm.s32 @!p0 $0x1BF5;
	p2 =	por !p2, p0  }
0x20: {  	[sflag:s8] =	ssyncset.s32 @!p0 $0xFFFFF086;
	s6 =	sadd.s32 @!p0 s3, s7;
	s7 =	simm.s32 @!p0 $0x108  }
0x21: {  	s3 =	sadd.s32 s3, s9;
	s6 =	sadd.s32 @!p0 $0x88, s6;
	s7 =	simm.s32 @p2 $0x1082  }
0x22: {  	[simem:s7], [sflag:s8] =	dma.local @!p0 [hbm:s6], $0xF7A  }
0x23: {  	s9 =	sor.u32 $0xD0000000, s2;
	s6 =	simm.s32 $0x108;
	_ =	swait.ge @!p0 [sflag:s8], $0x0  }
0x24: {  	s3 =	sadd.s32 $0x88, s3;
	s6 =	simm.s32 @!p1 $0x1082;
	[sflag:s4] =	ssyncset.s32 $0xFFFFF086  }
0x25: {  	[simem:s6], [sflag:s4] =	dma.local [hbm:s3], $0xF7A  }
0x26: {  	[smem:$0x3F9F] =	sst s1;
	(tag) =	ssettag s2;
	_ =	strace s9  }
0x27: {  	s1 =	sld [smem:$0x3FAF]  }
0x28: {  	s2 =	sld [smem:$0x3FB0]  }
0x29: {  	s4 =	sld [smem:$0x3FB2]  }
0x2a: {  	p0 =	seq.s32 s5, $0x0;
	s5 =	sld [smem:$0x3FB3]  }
0x2b: {  	s6 =	sld [smem:$0x3FB4]  }
0x2c: {  	s7 =	sld [smem:$0x3FB5]  }
0x2d: {  	s3 =	simm.s32 $0x108;
	s8 =	sld [smem:$0x3FB6]  }
0x2e: {  	s3 =	simm.s32 @!p0 $0x1082;
	s9 =	sld [smem:$0x3FB7]  }
0x2f: {  	lr =	sadd.s32 s0, s3;
	s0 =	sld [smem:$0x3FAE]  }
0x30: {  	s3 =	sld [smem:$0x3FB1]  }
0x31: {  	[smem:$0x3FBA] =	sst s10  }
0x32: {  	s10 =	sld [smem:$0x3FB8];
	_ =	sdelay $0x3  }
0x33: {  	p0 =	seq.s32 s10, $0x1;
	s10 =	sld [smem:$0x3FBA];
	_ =	sdelay $0x3  }
0x34: {  	[smem:$0x3FBA] =	sst s10  }
0x35: {  	s10 =	sld [smem:$0x3FB9];
	_ =	sdelay $0x3  }
0x36: {  	p1 =	seq.s32 s10, $0x1;
	s10 =	sld [smem:$0x3FBA];
	_ =	sdelay $0x3  }
0x37: {  	[smem:$0x3FBA] =	sst s10  }
0x38: {  	s10 =	sld [smem:$0x3FBB]  }
0x39: {  	_ = 	snop;
	(pc) =	sbr.ind lr, $3  }
0x3a: {  	_ = 	snop  }
0x3b: {  	_ = 	snop  }
0x3c: {  	p2 =	seq.s32 s10, $0x1;
	s10 =	sld [smem:$0x3FBA]  }
0x3d: {  	_ =	shalt  }
0x3e: {  	_ =	shalt  }
0x3f: {  	_ =	shalt  }
0x40: {  	_ =	shalt  }
0x41: {  	_ =	shalt  }
0x42: {  	_ =	shalt  }
0x43: {  	_ =	shalt  }
0x44: {  	_ =	shalt  }
0x45: {  	_ =	shalt  }
0x46: {  	_ =	shalt  }
0x47: {  	_ =	shalt  }
0x48: {  	_ =	shalt  }
0x49: {  	_ =	shalt  }
0x4a: {  	_ =	shalt  }
0x4b: {  	_ =	shalt  }
0x4c: {  	_ =	shalt  }
0x4d: {  	_ =	shalt  }
0x4e: {  	_ =	shalt  }
0x4f: {  	_ =	shalt  }
0x50: {  	_ =	shalt  }
0x51: {  	_ =	shalt  }
0x52: {  	_ =	shalt  }
0x53: {  	_ =	shalt  }
0x54: {  	_ =	shalt  }
0x55: {  	_ =	shalt  }
0x56: {  	_ =	shalt  }
0x57: {  	_ =	shalt  }
0x58: {  	_ =	shalt  }
0x59: {  	_ =	shalt  }
0x5a: {  	_ =	shalt  }
0x5b: {  	_ =	shalt  }
0x5c: {  	_ =	shalt  }
0x5d: {  	_ =	shalt  }
0x5e: {  	_ =	shalt  }
0x5f: {  	_ =	shalt  }
0x60: {  	_ =	shalt  }
0x61: {  	_ =	shalt  }
0x62: {  	_ =	shalt  }
0x63: {  	_ =	shalt  }
0x64: {  	_ =	shalt  }
0x65: {  	_ =	shalt  }
0x66: {  	_ =	shalt  }
0x67: {  	_ =	shalt  }
0x68: {  	_ =	shalt  }
0x69: {  	_ =	shalt  }
0x6a: {  	_ =	shalt  }
0x6b: {  	_ =	shalt  }
0x6c: {  	_ =	shalt  }
0x6d: {  	_ =	shalt  }
0x6e: {  	_ =	shalt  }
0x6f: {  	_ =	shalt  }
0x70: {  	_ =	shalt  }
0x71: {  	_ =	shalt  }
0x72: {  	_ =	shalt  }
0x73: {  	_ =	shalt  }
0x74: {  	_ =	shalt  }
0x75: {  	_ =	shalt  }
0x76: {  	_ =	shalt  }
0x77: {  	_ =	shalt  }
0x78: {  	_ =	shalt  }
0x79: {  	_ =	shalt  }
0x7a: {  	_ =	shalt  }
0x7b: {  	_ =	shalt  }
0x7c: {  	_ =	shalt  }
0x7d: {  	_ =	shalt  }
0x7e: {  	_ =	shalt  }
0x7f: {  	_ =	shalt  }
0x80: {  	_ =	shalt  }
0x81: {  	_ =	shalt  }
0x82: {  	_ =	shalt  }
0x83: {  	_ =	shalt  }
0x84: {  	_ =	shalt  }
0x85: {  	_ =	shalt  }
0x86: {  	_ =	shalt  }
0x87: {  	_ =	shalt  }
.Lfunc_end0:
.L_simem_size_0:
called_computation.4_lowered:
.L_overlay_start_0:
0x88: {  	s2 =	sld [smem:$0x3FD9]  }
0x89: {  	s3 =	sld [smem:$0x3FFE];
	_ =	sdelay $0x1  }
0x8a: {  	s1 =	srdreg.scid  }
0x8b: {  	s0 =	sand.u32 $0x1, s1  }
0x8c: {  	s14 =	sshll.u32 s0, $0xA;
	s2 =	sadd.s32 s3, s2  }
0x8d: {  	s2 =	sadd.s32 s2, s14  }
0x8e: {  	[smem:$0x3FC6] =	sst s2  }
0x8f: {  	_ = 	snop  }
0x90: {  	s2 =	sld [smem:$0x3FD0];
	_ =	sdelay $0x2  }
0x91: {  	s15 =	simm.s32 $0xA;
	s4 =	simm.s32 $0x10  }
0x92: {  	[smem:s4], [sflag:s15] =	dma.local [hbm:s2], $0x1  }
0x93: {  	_ =	swait.eq [sflag:s15], $0x1  }
0x94: {  	[sflag:s15] =	ssyncset.done $0x0  }
0x95: {  	[sflag:s15] =	ssyncadd.s32 $0xFFFFFFFF  }
0x96: {  	s16 =	sld [smem:$0x10];
	(tm) =	ssettm $0x1  }
0x97: {  	s17 =	sld [smem:$0x3FFB];
	_ =	sdelay $0x3  }
0x98: {  	_ =	strace s17  }
0x99: {  	s3 =	sld [smem:$0x3FFC];
	_ =	sdelay $0x3  }
0x9a: {  	_ =	strace s3  }
0x9b: {  	s3 =	sld [smem:$0x3FFD];
	_ =	sdelay $0x3  }
0x9c: {  	_ =	strace s3  }
0x9d: {  	_ =	strace $0x8FFFFFFF  }
0x9e: {  	s18 =	sld [smem:$0x3FDB];
	_ =	sdelay $0x1  }
0x9f: {  	s19 =	simm.s32 $_scs_section_size  }
0xa0: {  	s5 =	simm.s32 $_size__tile_overlayer_lowered;
	s6 =	simm.s32 $_tile_overlayer_lowered  }
0xa1: {  	s22 =	simm.s32 $0x1BFF;
	s21 =	sshll.u32 s6, $0x1;
	s3 =	sadd.s32 s19, s18  }
0xa2: {  	s7 =	simm.s32 $0x0;
	s20 =	sshll.u32 s5, $0x1;
	s5 =	sadd.s32 s21, s3  }
0xa3: {  	[timem:s7], [sflag:s22] =	dma.local [hbm:s5], s20  }
0xa4: {  	_ =	swait.ge [sflag:s22], s20  }
0xa5: {  	s4 =	ssub.s32 $0x0, s20;
	[sflag:s22] =	ssyncset.done $0x0  }
0xa6: {  	[sflag:s22] =	ssyncadd.s32 s4;
	_ =	sdelay $0x1  }
0xa7: {  	s23 =	simm.s32 $0x1B8B  }
0xa8: {  	_ =	swait.ge [sflag:s23], $0x1  }
0xa9: {  	[sflag:s23] =	ssyncset.done $0x0  }
0xaa: {  	s25 =	simm.s32 $0x1B8E;
	s24 =	sld [smem:$0x3FFE];
	[sflag:s23] =	ssyncadd.s32 $0xFFFFFFFF  }
0xab: {  	s26 =	simm.s32 $execute0_lowered;
	[smem:$0x3FD2] =	sst s25  }
0xac: {  	s5 =	sshll.u32 s26, $0x1;
	_ =	strace $0x80000052;
	[dreg:$0x1] =	wrdreg $0xFFFFFFFF  }
0xad: {  	s28 =	simm.s32 $_size_execute0_lowered;
	s3 =	sadd.s32 s3, s5;
	[dreg:$0x0] =	wrdreg $0x0  }
0xae: {  	s5 =	sshll.u32 s28, $0x1;
	[dreg:$0x2] =	wrdreg s3  }
0xaf: {  	[dreg:$0x3] =	wrdreg s5  }
0xb0: {  	[dreg:$0x4] =	wrdreg $0xC0  }
0xb1: {  	_ =	task [dreg:s7], $0x5FFFF  }
0xb2: {  	[dreg:$0x1] =	wrdreg $0xFFFFFFFF  }
0xb3: {  	[dreg:$0x0] =	wrdreg $0x60  }
0xb4: {  	[dreg:$0x2] =	wrdreg s16  }
0xb5: {  	[dreg:$0x3] =	wrdreg s24  }
0xb6: {  	[dreg:$0x4] =	wrdreg $0x9  }
0xb7: {  	_ =	task.clear_ibuf [dreg:s7], $0x5FFFF;
	_ =	strace $0x90000052  }
0xb8: {  	s29 =	simm.s32 $0x9;
	_ =	strace $0x80000054  }
0xb9: {  	_ =	swait.ge [sflag:s29], $0x1  }
0xba: {  	[sflag:s29] =	ssyncadd.s32 $0xFFFFFFFF  }
0xbb: {  	_ =	strace $0x90000054  }
0xbc: {  	_ =	sfence  }
0xbd: {  	s30 =	sld [smem:$0x0];
	_ =	sdelay $0x2  }
0xbe: {  	s31 =	sshll.u32 s1, $0xD;
	s1 =	sshrl.u32 s1, $0x2  }
0xbf: {  	s3 =	sand.u32 $0x4000, s31;
	s1 =	sadd.s32 s1, s30  }
0xc0: {  	s0 =	sor.u32 s3, s0;
	s1 =	sshll.u32 s1, $0x11  }
0xc1: {  	s0 =	sor.u32 s1, s0  }
0xc2: {  	s0 =	sadd.s32 $0x8F2B, s0  }
0xc3: {  	[sflag:s0] =	ssyncadd.remote.s32 $0x1  }
0xc4: {  	_ =	sfence.sel $0xFFFF  }
0xc5: {  	[dreg:$0x0] =	wrdreg $0xFFFFFFFF;
	(pc) =	sbr.abs _section_cstart, $3  }
0xc6: {  	[dreg:$0x1] =	wrdreg $0xFFFFFFFF  }
0xc7: {  	_ =	task.clear_ibuf [dreg:s7], $0x2FFFF;
	_ =	strace $0x9FFFFFFF  }
0xc8: {  	(tm) =	ssettm $0x7FFFFFFF  }
0xc9: {  	_ =	shalt  }
tec
execute0_lowered:
.L_overlay_start_1:
0x0: {  	(tag) =	ssettag $0x1  }
0x1: {  	s1 =	srdreg.scid;
	s0 =	stileid.u32  }
0x2: {  	s14 =	sand.u32 $0x1, s1;
	s31 =	sshll.u32 s0, $0x1  }
0x3: {  	s1 =	sor.u32 s14, s31  }
0x4: {  	s2 =	rddreg [dreg:$0x0];
	s4 =	smul.u32 $0x60, s1  }
0x5: {  	s10 =	rddreg [dreg:$0x1];
	s3 =	simm.s32 $0x0  }
0x6: {  	[smem:$0x7FF] =	sst s3;
	s4 =	sshrl.u32 s4, $0x3  }
0x7: {  	s1 =	rddreg [dreg:$0x2];
	s15 =	sadd.s32 s4, s10  }
0x8: {  	_ =	strace $0x80000053;
	s4 =	simm.s32 $0x2;
	s5 =	sadd.s32 $0xC600, s15  }
0x9: {  	[tilespmem:s3], [sflag:$0x2] =	stream.linear.gather [hbm4b:s5+s3], $0x60, $0x38;
	[tilespmem:$0x200] =	vst v63  }
0xa: {  	_ =	swait.ge [sflag:s4], $0x60  }
0xb: {  	[sflag:s4] =	ssyncset.done $0x0  }
0xc: {  	s6 =	simm.s32 $0x60;
	s7 =	simm.s32 $0x80;
	[sflag:s4] =	ssyncadd.s32 $0xFFFFFFA0  }
0xd: {  	[tilespmem:s7], [sflag:$0x1] =	stream.indirect.gather [hbm4b:s2+s6], $0x1, s3, s6, $0xb8;
	[tilespmem:$0x200] =	vst v63  }
0xe: {  	s9 =	simm.s32 $0x100;
	s8 =	sadd.s32 $0xCCC00, s10  }
0xf: {  	[tilespmem:s9], [sflag:$0x1] =	stream.indirect.gather [hbm4b:s8+s6], $0x1, s3, s6, $0xb8;
	[tilespmem:$0x200] =	vst v63  }
0x10: {  	s11 =	simm.s32 $0x180;
	s12 =	simm.s32 $0x1;
	s10 =	sadd.s32 $0xCC00, s10  }
0x11: {  	[tilespmem:s11], [sflag:$0x1] =	stream.indirect.gather [hbm4b:s10+s6], $0x1, s3, s6, $0xb8;
	[tilespmem:$0x200] =	vst v63  }
0x12: {  	_ =	swait.ge [sflag:s12], $0x60  }
0x13: {  	[sflag:s12] =	ssyncset.done $0x0  }
0x14: {  	[sflag:s12] =	ssyncadd.s32 $0xFFFFFFA0  }
0x15: {  	_ =	swait.ge [sflag:s12], $0x60  }
0x16: {  	[sflag:s12] =	ssyncset.done $0x0  }
0x17: {  	[sflag:s12] =	ssyncadd.s32 $0xFFFFFFA0  }
0x18: {  	_ =	swait.ge [sflag:s12], $0x60  }
0x19: {  	[sflag:s12] =	ssyncset.done $0x0  }
0x1a: {  	s16 =	ssub.s32 $0x2, s14;
	s13 =	sadd.s32 $0x18CC00, s15;
	[sflag:s12] =	ssyncadd.s32 $0xFFFFFFA0  }
0x1b: {  	[hbm4b:s13+s3] =	stream.linear.scatter [tilespmem:s7], [sflag:$0x2], $0x60, $0x38;
	[tilespmem:$0x200] =	vst v63  }
0x1c: {  	s17 =	sshrl.u32 s16, $0x1;
	_ =	swait.ge [sflag:s4], $0x60  }
0x1d: {  	s16 =	ssub.s32 s16, s17;
	[sflag:s4] =	ssyncset.done $0x0  }
0x1e: {  	s16 =	smax.u32 s16, $0x1;
	s14 =	sadd.s32 $0x18CD80, s15;
	[sflag:s4] =	ssyncadd.s32 $0xFFFFFFA0  }
0x1f: {  	[hbm4b:s14+s3] =	stream.linear.scatter [tilespmem:s9], [sflag:$0x2], $0x60, $0x38;
	[tilespmem:$0x200] =	vst v63  }
0x20: {  	p0 =	sne.s32 s16, $0x1;
	_ =	swait.ge [sflag:s4], $0x60  }
.Ltmp0:
0x21: {  	[sflag:s4] =	ssyncset.done $0x0;
	(pc) =	sbr.rel @!p0 .LBB2_2-.Ltmp0, $4  }
0x22: {  	s15 =	sadd.s32 $0x18CF00, s15;
	[sflag:s4] =	ssyncadd.s32 $0xFFFFFFA0  }
0x23: {  	[hbm4b:s15+s3] =	stream.linear.scatter [tilespmem:s11], [sflag:$0x2], $0x60, $0x38;
	[tilespmem:$0x200] =	vst v63  }
0x24: {  	_ =	swait.ge [sflag:s4], $0x60  }
0x25: {  	s16 =	sadd.s32 $0xFFFFFFFF, s16;
	[sflag:s4] =	ssyncset.done $0x0  }
.LBB2_1:
0x26: {  	p0 =	sne.s32 s16, $0x1;
	s16 =	sadd.s32 $0xFFFFFFFF, s16;
	[sflag:s4] =	ssyncadd.s32 $0xFFFFFFA0  }
0x27: {  	[tilespmem:s3], [sflag:$0x2] =	stream.linear.gather [hbm4b:s5+s3], $0x60, $0x38;
	[tilespmem:$0x200] =	vst v63  }
0x28: {  	_ =	swait.ge [sflag:s4], $0x60  }
0x29: {  	[sflag:s4] =	ssyncset.done $0x0  }
0x2a: {  	[sflag:s4] =	ssyncadd.s32 $0xFFFFFFA0  }
0x2b: {  	[tilespmem:s7], [sflag:$0x1] =	stream.indirect.gather [hbm4b:s2+s6], $0x1, s3, s6, $0xb8;
	[tilespmem:$0x200] =	vst v63  }
0x2c: {  	_ = 	snop  }
0x2d: {  	[tilespmem:s9], [sflag:$0x1] =	stream.indirect.gather [hbm4b:s8+s6], $0x1, s3, s6, $0xb8;
	[tilespmem:$0x200] =	vst v63  }
0x2e: {  	_ = 	snop  }
0x2f: {  	[tilespmem:s11], [sflag:$0x1] =	stream.indirect.gather [hbm4b:s10+s6], $0x1, s3, s6, $0xb8;
	[tilespmem:$0x200] =	vst v63  }
0x30: {  	_ =	swait.ge [sflag:s12], $0x60  }
0x31: {  	[sflag:s12] =	ssyncset.done $0x0  }
0x32: {  	[sflag:s12] =	ssyncadd.s32 $0xFFFFFFA0  }
0x33: {  	_ =	swait.ge [sflag:s12], $0x60  }
0x34: {  	[sflag:s12] =	ssyncset.done $0x0  }
0x35: {  	[sflag:s12] =	ssyncadd.s32 $0xFFFFFFA0  }
0x36: {  	_ =	swait.ge [sflag:s12], $0x60  }
0x37: {  	[sflag:s12] =	ssyncset.done $0x0  }
0x38: {  	[sflag:s12] =	ssyncadd.s32 $0xFFFFFFA0  }
0x39: {  	[hbm4b:s13+s3] =	stream.linear.scatter [tilespmem:s7], [sflag:$0x2], $0x60, $0x38;
	[tilespmem:$0x200] =	vst v63  }
0x3a: {  	_ =	swait.ge [sflag:s4], $0x60  }
0x3b: {  	[sflag:s4] =	ssyncset.done $0x0  }
0x3c: {  	[sflag:s4] =	ssyncadd.s32 $0xFFFFFFA0  }
0x3d: {  	[hbm4b:s14+s3] =	stream.linear.scatter [tilespmem:s9], [sflag:$0x2], $0x60, $0x38;
	[tilespmem:$0x200] =	vst v63  }
0x3e: {  	_ =	swait.ge [sflag:s4], $0x60  }
.Ltmp1:
0x3f: {  	[sflag:s4] =	ssyncset.done $0x0;
	(pc) =	sbr.rel @p0 .LBB2_1-.Ltmp1, $4  }
0x40: {  	[sflag:s4] =	ssyncadd.s32 $0xFFFFFFA0  }
0x41: {  	[hbm4b:s15+s3] =	stream.linear.scatter [tilespmem:s11], [sflag:$0x2], $0x60, $0x38;
	[tilespmem:$0x200] =	vst v63  }
0x42: {  	_ =	swait.ge [sflag:s4], $0x60  }
0x43: {  	[sflag:s4] =	ssyncset.done $0x0  }
.LBB2_2:
0x44: {  	[sflag:s4] =	ssyncadd.s32 $0xFFFFFFA0  }
0x45: {  	_ =	sfence.sel $0x180000  }
0x46: {  	[bflag:$0x0] =	sbarrier.arrive $0xFFFF  }
0x47: {  	p0 =	sne.s32 s0, $0x0;
	_ =	strace $0x90000053  }
0x48: {  	s0 =	sadd.s32 @!p0 $0x100000, s1;
	[bflag:$0x2] =	sbarrier.arrive $0xFFFF  }
0x49: {  	[sflag:s0] =	ssyncadd.tile.s32 @!p0 $0x1;
	_ =	shalt  }
.Lfunc_end2:
_tile_overlayer_lowered:
.L_overlay_start_2:
0x4a: {  	(tag) =	ssettag $0x2  }
0x4b: {  	s0 =	rddreg [dreg:$0x0];
	s2 =	stileid.u32  }
0x4c: {  	s1 =	rddreg [dreg:$0x1];
	p0 =	sne.s32 s2, $0x0  }
0x4d: {  	s3 =	rddreg [dreg:$0x2];
	[bflag:$0x3] =	sbarrier.arrive $0xFFFF;
	s2 =	simm.s32 @!p0 $0x1C02  }
0x4e: {  	[timem:s3], [sflag:s2] =	dma.local @!p0 [hbm:s0], s1  }
0x4f: {  	s0 =	simm.s32 @!p0 $0x2  }
0x50: {  	_ =	swait.ge @!p0 [sflag:s0], s1  }
0x51: {  	s1 =	ssub.s32 @!p0 $0x0, s1;
	[sflag:s0] =	ssyncset.done @!p0 $0x0  }
0x52: {  	[sflag:s0] =	ssyncadd.s32 @!p0 s1  }
0x53: {  	[bflag:$0x3] =	sbarrier.arrive $0xFFFF  }
0x54: {  	_ =	shalt  }

// kernel: kernel.42.cloned.1.call-start
scs
__scs_entry_jumppad:
0x0: {  	(pc) =	sbr.rel $0x88, $3  }
0x1: {  	(tag) =	ssettag $0x0;
	lr =	simm.s32 $0x1  }
0x2: {  	[smem:$0x3F9F] =	sst lr;
	_ =	strace $0xD0000000  }
0x3: {  	_ = 	snop  }
0x4: {  	_ = 	snop  }
0x5: {  	_ = 	snop  }
0x6: {  	_ = 	snop  }
0x7: {  	_ = 	snop  }
__scs_overlays_trampoline_lowered:
0x8: {  	[smem:$0x3FAE] =	sst s0  }
0x9: {  	[smem:$0x3FAF] =	sst s1  }
0xa: {  	[smem:$0x3FB0] =	sst s2  }
0xb: {  	[smem:$0x3FB1] =	sst s3  }
0xc: {  	[smem:$0x3FB2] =	sst s4  }
0xd: {  	[smem:$0x3FB3] =	sst s5  }
0xe: {  	[smem:$0x3FB4] =	sst s6  }
0xf: {  	[smem:$0x3FB5] =	sst s7  }
0x10: {  	[smem:$0x3FB6] =	sst s8  }
0x11: {  	[smem:$0x3FB7] =	sst s9;
	s0 =	simm.s32 @!p0 $0x0  }
0x12: {  	s1 =	sld [smem:$0x3F9D];
	s0 =	simm.s32 @p0 $0x1  }
0x13: {  	[smem:$0x3FB8] =	sst s0;
	s0 =	simm.s32 @!p1 $0x0  }
0x14: {  	s2 =	sld [smem:$0x3F9C];
	s0 =	simm.s32 @p1 $0x1  }
0x15: {  	[smem:$0x3FB9] =	sst s0;
	s0 =	simm.s32 @!p2 $0x0  }
0x16: {  	s3 =	sld [smem:$0x3FDB];
	s0 =	simm.s32 @p2 $0x1  }
0x17: {  	s4 =	simm.s32 $0x1BF5;
	[smem:$0x3FBB] =	sst s0  }
0x18: {  	s0 =	sld [smem:$0x3F9E];
	_ =	swait.ge [sflag:s4], $0x0  }
0x19: {  	s7 =	sld [smem:$0x3F9F]  }
0x1a: {  	s8 =	sadd.s32 $0xFFFFE003, lr  }
0x1b: {  	s9 =	sadd.s32 $0xFFFFFEF7, lr;
	s5 =	simm.s32 $0xFFFFFFFF;
	p2 =	slt.u32 s8, $0xFFFFF086  }
0x1c: {  	p1 =	slt.u32 s9, $0xF7A;
	s5 =	simm.s32 @!p2 $0x0  }
0x1d: {  	s5 =	simm.s32 @p1 $0x1;
	p0 =	seq.s32 s7, s2  }
0x1e: {  	s7 =	smul.u32 @!p0 $0xF7A, s2;
	p2 =	seq.s32 @!p0 s5, $0x0  }
0x1f: {  	s9 =	smul.u32 $0xF7A, s1;
	s8 =	simm.s32 @!p0 $0x1BF5;
	p2 =	por !p2, p0  }
0x20: {  	[sflag:s8] =	ssyncset.s32 @!p0 $0xFFFFF086;
	s6 =	sadd.s32 @!p0 s3, s7;
	s7 =	simm.s32 @!p0 $0x108  }
0x21: {  	s3 =	sadd.s32 s3, s9;
	s6 =	sadd.s32 @!p0 $0x88, s6;
	s7 =	simm.s32 @p2 $0x1082  }
0x22: {  	[simem:s7], [sflag:s8] =	dma.local @!p0 [hbm:s6], $0xF7A  }
0x23: {  	s9 =	sor.u32 $0xD0000000, s2;
	s6 =	simm.s32 $0x108;
	_ =	swait.ge @!p0 [sflag:s8], $0x0  }
0x24: {  	s3 =	sadd.s32 $0x88, s3;
	s6 =	simm.s32 @!p1 $0x1082;
	[sflag:s4] =	ssyncset.s32 $0xFFFFF086  }
0x25: {  	[simem:s6], [sflag:s4] =	dma.local [hbm:s3], $0xF7A  }
0x26: {  	[smem:$0x3F9F] =	sst s1;
	(tag) =	ssettag s2;
	_ =	strace s9  }
0x27: {  	s1 =	sld [smem:$0x3FAF]  }
0x28: {  	s2 =	sld [smem:$0x3FB0]  }
0x29: {  	s4 =	sld [smem:$0x3FB2]  }
0x2a: {  	p0 =	seq.s32 s5, $0x0;
	s5 =	sld [smem:$0x3FB3]  }
0x2b: {  	s6 =	sld [smem:$0x3FB4]  }
0x2c: {  	s7 =	sld [smem:$0x3FB5]  }
0x2d: {  	s3 =	simm.s32 $0x108;
	s8 =	sld [smem:$0x3FB6]  }
0x2e: {  	s3 =	simm.s32 @!p0 $0x1082;
	s9 =	sld [smem:$0x3FB7]  }
0x2f: {  	lr =	sadd.s32 s0, s3;
	s0 =	sld [smem:$0x3FAE]  }
0x30: {  	s3 =	sld [smem:$0x3FB1]  }
0x31: {  	[smem:$0x3FBA] =	sst s10  }
0x32: {  	s10 =	sld [smem:$0x3FB8];
	_ =	sdelay $0x3  }
0x33: {  	p0 =	seq.s32 s10, $0x1;
	s10 =	sld [smem:$0x3FBA];
	_ =	sdelay $0x3  }
0x34: {  	[smem:$0x3FBA] =	sst s10  }
0x35: {  	s10 =	sld [smem:$0x3FB9];
	_ =	sdelay $0x3  }
0x36: {  	p1 =	seq.s32 s10, $0x1;
	s10 =	sld [smem:$0x3FBA];
	_ =	sdelay $0x3  }
0x37: {  	[smem:$0x3FBA] =	sst s10  }
0x38: {  	s10 =	sld [smem:$0x3FBB]  }
0x39: {  	_ = 	snop;
	(pc) =	sbr.ind lr, $3  }
0x3a: {  	_ = 	snop  }
0x3b: {  	_ = 	snop  }
0x3c: {  	p2 =	seq.s32 s10, $0x1;
	s10 =	sld [smem:$0x3FBA]  }
0x3d: {  	_ =	shalt  }
0x3e: {  	_ =	shalt  }
0x3f: {  	_ =	shalt  }
0x40: {  	_ =	shalt  }
0x41: {  	_ =	shalt  }
0x42: {  	_ =	shalt  }
0x43: {  	_ =	shalt  }
0x44: {  	_ =	shalt  }
0x45: {  	_ =	shalt  }
0x46: {  	_ =	shalt  }
0x47: {  	_ =	shalt  }
0x48: {  	_ =	shalt  }
0x49: {  	_ =	shalt  }
0x4a: {  	_ =	shalt  }
0x4b: {  	_ =	shalt  }
0x4c: {  	_ =	shalt  }
0x4d: {  	_ =	shalt  }
0x4e: {  	_ =	shalt  }
0x4f: {  	_ =	shalt  }
0x50: {  	_ =	shalt  }
0x51: {  	_ =	shalt  }
0x52: {  	_ =	shalt  }
0x53: {  	_ =	shalt  }
0x54: {  	_ =	shalt  }
0x55: {  	_ =	shalt  }
0x56: {  	_ =	shalt  }
0x57: {  	_ =	shalt  }
0x58: {  	_ =	shalt  }
0x59: {  	_ =	shalt  }
0x5a: {  	_ =	shalt  }
0x5b: {  	_ =	shalt  }
0x5c: {  	_ =	shalt  }
0x5d: {  	_ =	shalt  }
0x5e: {  	_ =	shalt  }
0x5f: {  	_ =	shalt  }
0x60: {  	_ =	shalt  }
0x61: {  	_ =	shalt  }
0x62: {  	_ =	shalt  }
0x63: {  	_ =	shalt  }
0x64: {  	_ =	shalt  }
0x65: {  	_ =	shalt  }
0x66: {  	_ =	shalt  }
0x67: {  	_ =	shalt  }
0x68: {  	_ =	shalt  }
0x69: {  	_ =	shalt  }
0x6a: {  	_ =	shalt  }
0x6b: {  	_ =	shalt  }
0x6c: {  	_ =	shalt  }
0x6d: {  	_ =	shalt  }
0x6e: {  	_ =	shalt  }
0x6f: {  	_ =	shalt  }
0x70: {  	_ =	shalt  }
0x71: {  	_ =	shalt  }
0x72: {  	_ =	shalt  }
0x73: {  	_ =	shalt  }
0x74: {  	_ =	shalt  }
0x75: {  	_ =	shalt  }
0x76: {  	_ =	shalt  }
0x77: {  	_ =	shalt  }
0x78: {  	_ =	shalt  }
0x79: {  	_ =	shalt  }
0x7a: {  	_ =	shalt  }
0x7b: {  	_ =	shalt  }
0x7c: {  	_ =	shalt  }
0x7d: {  	_ =	shalt  }
0x7e: {  	_ =	shalt  }
0x7f: {  	_ =	shalt  }
0x80: {  	_ =	shalt  }
0x81: {  	_ =	shalt  }
0x82: {  	_ =	shalt  }
0x83: {  	_ =	shalt  }
0x84: {  	_ =	shalt  }
0x85: {  	_ =	shalt  }
0x86: {  	_ =	shalt  }
0x87: {  	_ =	shalt  }
.Lfunc_end0:
.L_simem_size_0:
called_computation.5_lowered:
.L_overlay_start_0:
0x88: {  	s2 =	sld [smem:$0x3FD9]  }
0x89: {  	s3 =	sld [smem:$0x3FFE];
	_ =	sdelay $0x1  }
0x8a: {  	s1 =	srdreg.scid  }
0x8b: {  	s0 =	sand.u32 $0x1, s1  }
0x8c: {  	s14 =	sshll.u32 s0, $0xA;
	s2 =	sadd.s32 s3, s2  }
0x8d: {  	s2 =	sadd.s32 s2, s14  }
0x8e: {  	[smem:$0x3FC6] =	sst s2  }
0x8f: {  	_ = 	snop  }
0x90: {  	s2 =	sld [smem:$0x3FD0];
	_ =	sdelay $0x2  }
0x91: {  	s15 =	simm.s32 $0xA;
	s4 =	simm.s32 $0x10  }
0x92: {  	[smem:s4], [sflag:s15] =	dma.local [hbm:s2], $0x1  }
0x93: {  	_ =	swait.eq [sflag:s15], $0x1  }
0x94: {  	[sflag:s15] =	ssyncset.done $0x0  }
0x95: {  	[sflag:s15] =	ssyncadd.s32 $0xFFFFFFFF  }
0x96: {  	s16 =	sld [smem:$0x10];
	(tm) =	ssettm $0x1  }
0x97: {  	s17 =	sld [smem:$0x3FFB];
	_ =	sdelay $0x3  }
0x98: {  	_ =	strace s17  }
0x99: {  	s3 =	sld [smem:$0x3FFC];
	_ =	sdelay $0x3  }
0x9a: {  	_ =	strace s3  }
0x9b: {  	s3 =	sld [smem:$0x3FFD];
	_ =	sdelay $0x3  }
0x9c: {  	_ =	strace s3  }
0x9d: {  	_ =	strace $0x8FFFFFFF  }
0x9e: {  	s18 =	sld [smem:$0x3FDB];
	_ =	sdelay $0x1  }
0x9f: {  	s19 =	simm.s32 $_scs_section_size  }
0xa0: {  	s5 =	simm.s32 $_size__tile_overlayer_lowered;
	s6 =	simm.s32 $_tile_overlayer_lowered  }
0xa1: {  	s22 =	simm.s32 $0x1BFF;
	s21 =	sshll.u32 s6, $0x1;
	s3 =	sadd.s32 s19, s18  }
0xa2: {  	s7 =	simm.s32 $0x0;
	s20 =	sshll.u32 s5, $0x1;
	s5 =	sadd.s32 s21, s3  }
0xa3: {  	[timem:s7], [sflag:s22] =	dma.local [hbm:s5], s20  }
0xa4: {  	_ =	swait.ge [sflag:s22], s20  }
0xa5: {  	s4 =	ssub.s32 $0x0, s20;
	[sflag:s22] =	ssyncset.done $0x0  }
0xa6: {  	[sflag:s22] =	ssyncadd.s32 s4;
	_ =	sdelay $0x1  }
0xa7: {  	s23 =	simm.s32 $0x1B8B  }
0xa8: {  	_ =	swait.ge [sflag:s23], $0x1  }
0xa9: {  	[sflag:s23] =	ssyncset.done $0x0  }
0xaa: {  	s25 =	simm.s32 $0x1B8E;
	s24 =	sld [smem:$0x3FFE];
	[sflag:s23] =	ssyncadd.s32 $0xFFFFFFFF  }
0xab: {  	s26 =	simm.s32 $execute0_lowered;
	[smem:$0x3FD2] =	sst s25  }
0xac: {  	s5 =	sshll.u32 s26, $0x1;
	_ =	strace $0x80000055;
	[dreg:$0x1] =	wrdreg $0xFFFFFFFF  }
0xad: {  	s28 =	simm.s32 $_size_execute0_lowered;
	s3 =	sadd.s32 s3, s5;
	[dreg:$0x0] =	wrdreg $0x0  }
0xae: {  	s5 =	sshll.u32 s28, $0x1;
	[dreg:$0x2] =	wrdreg s3  }
0xaf: {  	[dreg:$0x3] =	wrdreg s5  }
0xb0: {  	[dreg:$0x4] =	wrdreg $0xC0  }
0xb1: {  	_ =	task [dreg:s7], $0x5FFFF  }
0xb2: {  	[dreg:$0x1] =	wrdreg $0xFFFFFFFF  }
0xb3: {  	[dreg:$0x0] =	wrdreg $0x60  }
0xb4: {  	[dreg:$0x2] =	wrdreg s16  }
0xb5: {  	[dreg:$0x3] =	wrdreg s24  }
0xb6: {  	[dreg:$0x4] =	wrdreg $0x9  }
0xb7: {  	_ =	task.clear_ibuf [dreg:s7], $0x5FFFF;
	_ =	strace $0x90000055  }
0xb8: {  	s29 =	simm.s32 $0x9;
	_ =	strace $0x80000057  }
0xb9: {  	_ =	swait.ge [sflag:s29], $0x1  }
0xba: {  	[sflag:s29] =	ssyncadd.s32 $0xFFFFFFFF  }
0xbb: {  	_ =	strace $0x90000057  }
0xbc: {  	_ =	sfence  }
0xbd: {  	s30 =	sld [smem:$0x0];
	_ =	sdelay $0x2  }
0xbe: {  	s31 =	sshll.u32 s1, $0xD;
	s1 =	sshrl.u32 s1, $0x2  }
0xbf: {  	s3 =	sand.u32 $0x4000, s31;
	s1 =	sadd.s32 s1, s30  }
0xc0: {  	s0 =	sor.u32 s3, s0;
	s1 =	sshll.u32 s1, $0x11  }
0xc1: {  	s0 =	sor.u32 s1, s0  }
0xc2: {  	s0 =	sadd.s32 $0x8F2B, s0  }
0xc3: {  	[sflag:s0] =	ssyncadd.remote.s32 $0x1  }
0xc4: {  	_ =	sfence.sel $0xFFFF  }
0xc5: {  	[dreg:$0x0] =	wrdreg $0xFFFFFFFF;
	(pc) =	sbr.abs _section_cstart, $3  }
0xc6: {  	[dreg:$0x1] =	wrdreg $0xFFFFFFFF  }
0xc7: {  	_ =	task.clear_ibuf [dreg:s7], $0x2FFFF;
	_ =	strace $0x9FFFFFFF  }
0xc8: {  	(tm) =	ssettm $0x7FFFFFFF  }
0xc9: {  	_ =	shalt  }
tec
execute0_lowered:
.L_overlay_start_1:
0x0: {  	(tag) =	ssettag $0x1  }
0x1: {  	s1 =	srdreg.scid;
	s0 =	stileid.u32  }
0x2: {  	s14 =	sand.u32 $0x1, s1;
	s31 =	sshll.u32 s0, $0x1  }
0x3: {  	s1 =	sor.u32 s14, s31  }
0x4: {  	s2 =	rddreg [dreg:$0x0];
	s4 =	smul.u32 $0x60, s1  }
0x5: {  	s10 =	rddreg [dreg:$0x1];
	s3 =	simm.s32 $0x0  }
0x6: {  	[smem:$0x7FF] =	sst s3;
	s4 =	sshrl.u32 s4, $0x3  }
0x7: {  	s1 =	rddreg [dreg:$0x2];
	s15 =	sadd.s32 s4, s10  }
0x8: {  	_ =	strace $0x80000056;
	s4 =	simm.s32 $0x2;
	s5 =	sadd.s32 $0xC600, s15  }
0x9: {  	[tilespmem:s3], [sflag:$0x2] =	stream.linear.gather [hbm4b:s5+s3], $0x60, $0x38;
	[tilespmem:$0x200] =	vst v63  }
0xa: {  	_ =	swait.ge [sflag:s4], $0x60  }
0xb: {  	[sflag:s4] =	ssyncset.done $0x0  }
0xc: {  	s6 =	simm.s32 $0x60;
	s7 =	simm.s32 $0x80;
	[sflag:s4] =	ssyncadd.s32 $0xFFFFFFA0  }
0xd: {  	[tilespmem:s7], [sflag:$0x1] =	stream.indirect.gather [hbm4b:s2+s6], $0x1, s3, s6, $0xb8;
	[tilespmem:$0x200] =	vst v63  }
0xe: {  	s9 =	simm.s32 $0x100;
	s8 =	sadd.s32 $0xCCC00, s10  }
0xf: {  	[tilespmem:s9], [sflag:$0x1] =	stream.indirect.gather [hbm4b:s8+s6], $0x1, s3, s6, $0xb8;
	[tilespmem:$0x200] =	vst v63  }
0x10: {  	s11 =	simm.s32 $0x180;
	s12 =	simm.s32 $0x1;
	s10 =	sadd.s32 $0xCC00, s10  }
0x11: {  	[tilespmem:s11], [sflag:$0x1] =	stream.indirect.gather [hbm4b:s10+s6], $0x1, s3, s6, $0xb8;
	[tilespmem:$0x200] =	vst v63  }
0x12: {  	_ =	swait.ge [sflag:s12], $0x60  }
0x13: {  	[sflag:s12] =	ssyncset.done $0x0  }
0x14: {  	[sflag:s12] =	ssyncadd.s32 $0xFFFFFFA0  }
0x15: {  	_ =	swait.ge [sflag:s12], $0x60  }
0x16: {  	[sflag:s12] =	ssyncset.done $0x0  }
0x17: {  	[sflag:s12] =	ssyncadd.s32 $0xFFFFFFA0  }
0x18: {  	_ =	swait.ge [sflag:s12], $0x60  }
0x19: {  	[sflag:s12] =	ssyncset.done $0x0  }
0x1a: {  	s16 =	ssub.s32 $0x2, s14;
	s13 =	sadd.s32 $0x18CC00, s15;
	[sflag:s12] =	ssyncadd.s32 $0xFFFFFFA0  }
0x1b: {  	[hbm4b:s13+s3] =	stream.linear.scatter [tilespmem:s7], [sflag:$0x2], $0x60, $0x38;
	[tilespmem:$0x200] =	vst v63  }
0x1c: {  	s17 =	sshrl.u32 s16, $0x1;
	_ =	swait.ge [sflag:s4], $0x60  }
0x1d: {  	s16 =	ssub.s32 s16, s17;
	[sflag:s4] =	ssyncset.done $0x0  }
0x1e: {  	s16 =	smax.u32 s16, $0x1;
	s14 =	sadd.s32 $0x18CD80, s15;
	[sflag:s4] =	ssyncadd.s32 $0xFFFFFFA0  }
0x1f: {  	[hbm4b:s14+s3] =	stream.linear.scatter [tilespmem:s9], [sflag:$0x2], $0x60, $0x38;
	[tilespmem:$0x200] =	vst v63  }
0x20: {  	p0 =	sne.s32 s16, $0x1;
	_ =	swait.ge [sflag:s4], $0x60  }
.Ltmp0:
0x21: {  	[sflag:s4] =	ssyncset.done $0x0;
	(pc) =	sbr.rel @!p0 .LBB2_2-.Ltmp0, $4  }
0x22: {  	s15 =	sadd.s32 $0x18CF00, s15;
	[sflag:s4] =	ssyncadd.s32 $0xFFFFFFA0  }
0x23: {  	[hbm4b:s15+s3] =	stream.linear.scatter [tilespmem:s11], [sflag:$0x2], $0x60, $0x38;
	[tilespmem:$0x200] =	vst v63  }
0x24: {  	_ =	swait.ge [sflag:s4], $0x60  }
0x25: {  	s16 =	sadd.s32 $0xFFFFFFFF, s16;
	[sflag:s4] =	ssyncset.done $0x0  }
.LBB2_1:
0x26: {  	p0 =	sne.s32 s16, $0x1;
	s16 =	sadd.s32 $0xFFFFFFFF, s16;
	[sflag:s4] =	ssyncadd.s32 $0xFFFFFFA0  }
0x27: {  	[tilespmem:s3], [sflag:$0x2] =	stream.linear.gather [hbm4b:s5+s3], $0x60, $0x38;
	[tilespmem:$0x200] =	vst v63  }
0x28: {  	_ =	swait.ge [sflag:s4], $0x60  }
0x29: {  	[sflag:s4] =	ssyncset.done $0x0  }
0x2a: {  	[sflag:s4] =	ssyncadd.s32 $0xFFFFFFA0  }
0x2b: {  	[tilespmem:s7], [sflag:$0x1] =	stream.indirect.gather [hbm4b:s2+s6], $0x1, s3, s6, $0xb8;
	[tilespmem:$0x200] =	vst v63  }
0x2c: {  	_ = 	snop  }
0x2d: {  	[tilespmem:s9], [sflag:$0x1] =	stream.indirect.gather [hbm4b:s8+s6], $0x1, s3, s6, $0xb8;
	[tilespmem:$0x200] =	vst v63  }
0x2e: {  	_ = 	snop  }
0x2f: {  	[tilespmem:s11], [sflag:$0x1] =	stream.indirect.gather [hbm4b:s10+s6], $0x1, s3, s6, $0xb8;
	[tilespmem:$0x200] =	vst v63  }
0x30: {  	_ =	swait.ge [sflag:s12], $0x60  }
0x31: {  	[sflag:s12] =	ssyncset.done $0x0  }
0x32: {  	[sflag:s12] =	ssyncadd.s32 $0xFFFFFFA0  }
0x33: {  	_ =	swait.ge [sflag:s12], $0x60  }
0x34: {  	[sflag:s12] =	ssyncset.done $0x0  }
0x35: {  	[sflag:s12] =	ssyncadd.s32 $0xFFFFFFA0  }
0x36: {  	_ =	swait.ge [sflag:s12], $0x60  }
0x37: {  	[sflag:s12] =	ssyncset.done $0x0  }
0x38: {  	[sflag:s12] =	ssyncadd.s32 $0xFFFFFFA0  }
0x39: {  	[hbm4b:s13+s3] =	stream.linear.scatter [tilespmem:s7], [sflag:$0x2], $0x60, $0x38;
	[tilespmem:$0x200] =	vst v63  }
0x3a: {  	_ =	swait.ge [sflag:s4], $0x60  }
0x3b: {  	[sflag:s4] =	ssyncset.done $0x0  }
0x3c: {  	[sflag:s4] =	ssyncadd.s32 $0xFFFFFFA0  }
0x3d: {  	[hbm4b:s14+s3] =	stream.linear.scatter [tilespmem:s9], [sflag:$0x2], $0x60, $0x38;
	[tilespmem:$0x200] =	vst v63  }
0x3e: {  	_ =	swait.ge [sflag:s4], $0x60  }
.Ltmp1:
0x3f: {  	[sflag:s4] =	ssyncset.done $0x0;
	(pc) =	sbr.rel @p0 .LBB2_1-.Ltmp1, $4  }
0x40: {  	[sflag:s4] =	ssyncadd.s32 $0xFFFFFFA0  }
0x41: {  	[hbm4b:s15+s3] =	stream.linear.scatter [tilespmem:s11], [sflag:$0x2], $0x60, $0x38;
	[tilespmem:$0x200] =	vst v63  }
0x42: {  	_ =	swait.ge [sflag:s4], $0x60  }
0x43: {  	[sflag:s4] =	ssyncset.done $0x0  }
.LBB2_2:
0x44: {  	[sflag:s4] =	ssyncadd.s32 $0xFFFFFFA0  }
0x45: {  	_ =	sfence.sel $0x180000  }
0x46: {  	[bflag:$0x0] =	sbarrier.arrive $0xFFFF  }
0x47: {  	p0 =	sne.s32 s0, $0x0;
	_ =	strace $0x90000056  }
0x48: {  	s0 =	sadd.s32 @!p0 $0x100000, s1;
	[bflag:$0x2] =	sbarrier.arrive $0xFFFF  }
0x49: {  	[sflag:s0] =	ssyncadd.tile.s32 @!p0 $0x1;
	_ =	shalt  }
.Lfunc_end2:
_tile_overlayer_lowered:
.L_overlay_start_2:
0x4a: {  	(tag) =	ssettag $0x2  }
0x4b: {  	s0 =	rddreg [dreg:$0x0];
	s2 =	stileid.u32  }
0x4c: {  	s1 =	rddreg [dreg:$0x1];
	p0 =	sne.s32 s2, $0x0  }
0x4d: {  	s3 =	rddreg [dreg:$0x2];
	[bflag:$0x3] =	sbarrier.arrive $0xFFFF;
	s2 =	simm.s32 @!p0 $0x1C02  }
0x4e: {  	[timem:s3], [sflag:s2] =	dma.local @!p0 [hbm:s0], s1  }
0x4f: {  	s0 =	simm.s32 @!p0 $0x2  }
0x50: {  	_ =	swait.ge @!p0 [sflag:s0], s1  }
0x51: {  	s1 =	ssub.s32 @!p0 $0x0, s1;
	[sflag:s0] =	ssyncset.done @!p0 $0x0  }
0x52: {  	[sflag:s0] =	ssyncadd.s32 @!p0 s1  }
0x53: {  	[bflag:$0x3] =	sbarrier.arrive $0xFFFF  }
0x54: {  	_ =	shalt  }

// kernel: kernel.45.cloned.1.call-start
scs
__scs_entry_jumppad:
0x0: {  	(pc) =	sbr.rel $0x88, $3  }
0x1: {  	(tag) =	ssettag $0x0;
	lr =	simm.s32 $0x1  }
0x2: {  	[smem:$0x3F9F] =	sst lr;
	_ =	strace $0xD0000000  }
0x3: {  	_ = 	snop  }
0x4: {  	_ = 	snop  }
0x5: {  	_ = 	snop  }
0x6: {  	_ = 	snop  }
0x7: {  	_ = 	snop  }
__scs_overlays_trampoline_lowered:
0x8: {  	[smem:$0x3FAE] =	sst s0  }
0x9: {  	[smem:$0x3FAF] =	sst s1  }
0xa: {  	[smem:$0x3FB0] =	sst s2  }
0xb: {  	[smem:$0x3FB1] =	sst s3  }
0xc: {  	[smem:$0x3FB2] =	sst s4  }
0xd: {  	[smem:$0x3FB3] =	sst s5  }
0xe: {  	[smem:$0x3FB4] =	sst s6  }
0xf: {  	[smem:$0x3FB5] =	sst s7  }
0x10: {  	[smem:$0x3FB6] =	sst s8  }
0x11: {  	[smem:$0x3FB7] =	sst s9;
	s0 =	simm.s32 @!p0 $0x0  }
0x12: {  	s1 =	sld [smem:$0x3F9D];
	s0 =	simm.s32 @p0 $0x1  }
0x13: {  	[smem:$0x3FB8] =	sst s0;
	s0 =	simm.s32 @!p1 $0x0  }
0x14: {  	s2 =	sld [smem:$0x3F9C];
	s0 =	simm.s32 @p1 $0x1  }
0x15: {  	[smem:$0x3FB9] =	sst s0;
	s0 =	simm.s32 @!p2 $0x0  }
0x16: {  	s3 =	sld [smem:$0x3FDB];
	s0 =	simm.s32 @p2 $0x1  }
0x17: {  	s4 =	simm.s32 $0x1BF5;
	[smem:$0x3FBB] =	sst s0  }
0x18: {  	s0 =	sld [smem:$0x3F9E];
	_ =	swait.ge [sflag:s4], $0x0  }
0x19: {  	s7 =	sld [smem:$0x3F9F]  }
0x1a: {  	s8 =	sadd.s32 $0xFFFFE003, lr  }
0x1b: {  	s9 =	sadd.s32 $0xFFFFFEF7, lr;
	s5 =	simm.s32 $0xFFFFFFFF;
	p2 =	slt.u32 s8, $0xFFFFF086  }
0x1c: {  	p1 =	slt.u32 s9, $0xF7A;
	s5 =	simm.s32 @!p2 $0x0  }
0x1d: {  	s5 =	simm.s32 @p1 $0x1;
	p0 =	seq.s32 s7, s2  }
0x1e: {  	s7 =	smul.u32 @!p0 $0xF7A, s2;
	p2 =	seq.s32 @!p0 s5, $0x0  }
0x1f: {  	s9 =	smul.u32 $0xF7A, s1;
	s8 =	simm.s32 @!p0 $0x1BF5;
	p2 =	por !p2, p0  }
0x20: {  	[sflag:s8] =	ssyncset.s32 @!p0 $0xFFFFF086;
	s6 =	sadd.s32 @!p0 s3, s7;
	s7 =	simm.s32 @!p0 $0x108  }
0x21: {  	s3 =	sadd.s32 s3, s9;
	s6 =	sadd.s32 @!p0 $0x88, s6;
	s7 =	simm.s32 @p2 $0x1082  }
0x22: {  	[simem:s7], [sflag:s8] =	dma.local @!p0 [hbm:s6], $0xF7A  }
0x23: {  	s9 =	sor.u32 $0xD0000000, s2;
	s6 =	simm.s32 $0x108;
	_ =	swait.ge @!p0 [sflag:s8], $0x0  }
0x24: {  	s3 =	sadd.s32 $0x88, s3;
	s6 =	simm.s32 @!p1 $0x1082;
	[sflag:s4] =	ssyncset.s32 $0xFFFFF086  }
0x25: {  	[simem:s6], [sflag:s4] =	dma.local [hbm:s3], $0xF7A  }
0x26: {  	[smem:$0x3F9F] =	sst s1;
	(tag) =	ssettag s2;
	_ =	strace s9  }
0x27: {  	s1 =	sld [smem:$0x3FAF]  }
0x28: {  	s2 =	sld [smem:$0x3FB0]  }
0x29: {  	s4 =	sld [smem:$0x3FB2]  }
0x2a: {  	p0 =	seq.s32 s5, $0x0;
	s5 =	sld [smem:$0x3FB3]  }
0x2b: {  	s6 =	sld [smem:$0x3FB4]  }
0x2c: {  	s7 =	sld [smem:$0x3FB5]  }
0x2d: {  	s3 =	simm.s32 $0x108;
	s8 =	sld [smem:$0x3FB6]  }
0x2e: {  	s3 =	simm.s32 @!p0 $0x1082;
	s9 =	sld [smem:$0x3FB7]  }
0x2f: {  	lr =	sadd.s32 s0, s3;
	s0 =	sld [smem:$0x3FAE]  }
0x30: {  	s3 =	sld [smem:$0x3FB1]  }
0x31: {  	[smem:$0x3FBA] =	sst s10  }
0x32: {  	s10 =	sld [smem:$0x3FB8];
	_ =	sdelay $0x3  }
0x33: {  	p0 =	seq.s32 s10, $0x1;
	s10 =	sld [smem:$0x3FBA];
	_ =	sdelay $0x3  }
0x34: {  	[smem:$0x3FBA] =	sst s10  }
0x35: {  	s10 =	sld [smem:$0x3FB9];
	_ =	sdelay $0x3  }
0x36: {  	p1 =	seq.s32 s10, $0x1;
	s10 =	sld [smem:$0x3FBA];
	_ =	sdelay $0x3  }
0x37: {  	[smem:$0x3FBA] =	sst s10  }
0x38: {  	s10 =	sld [smem:$0x3FBB]  }
0x39: {  	_ = 	snop;
	(pc) =	sbr.ind lr, $3  }
0x3a: {  	_ = 	snop  }
0x3b: {  	_ = 	snop  }
0x3c: {  	p2 =	seq.s32 s10, $0x1;
	s10 =	sld [smem:$0x3FBA]  }
0x3d: {  	_ =	shalt  }
0x3e: {  	_ =	shalt  }
0x3f: {  	_ =	shalt  }
0x40: {  	_ =	shalt  }
0x41: {  	_ =	shalt  }
0x42: {  	_ =	shalt  }
0x43: {  	_ =	shalt  }
0x44: {  	_ =	shalt  }
0x45: {  	_ =	shalt  }
0x46: {  	_ =	shalt  }
0x47: {  	_ =	shalt  }
0x48: {  	_ =	shalt  }
0x49: {  	_ =	shalt  }
0x4a: {  	_ =	shalt  }
0x4b: {  	_ =	shalt  }
0x4c: {  	_ =	shalt  }
0x4d: {  	_ =	shalt  }
0x4e: {  	_ =	shalt  }
0x4f: {  	_ =	shalt  }
0x50: {  	_ =	shalt  }
0x51: {  	_ =	shalt  }
0x52: {  	_ =	shalt  }
0x53: {  	_ =	shalt  }
0x54: {  	_ =	shalt  }
0x55: {  	_ =	shalt  }
0x56: {  	_ =	shalt  }
0x57: {  	_ =	shalt  }
0x58: {  	_ =	shalt  }
0x59: {  	_ =	shalt  }
0x5a: {  	_ =	shalt  }
0x5b: {  	_ =	shalt  }
0x5c: {  	_ =	shalt  }
0x5d: {  	_ =	shalt  }
0x5e: {  	_ =	shalt  }
0x5f: {  	_ =	shalt  }
0x60: {  	_ =	shalt  }
0x61: {  	_ =	shalt  }
0x62: {  	_ =	shalt  }
0x63: {  	_ =	shalt  }
0x64: {  	_ =	shalt  }
0x65: {  	_ =	shalt  }
0x66: {  	_ =	shalt  }
0x67: {  	_ =	shalt  }
0x68: {  	_ =	shalt  }
0x69: {  	_ =	shalt  }
0x6a: {  	_ =	shalt  }
0x6b: {  	_ =	shalt  }
0x6c: {  	_ =	shalt  }
0x6d: {  	_ =	shalt  }
0x6e: {  	_ =	shalt  }
0x6f: {  	_ =	shalt  }
0x70: {  	_ =	shalt  }
0x71: {  	_ =	shalt  }
0x72: {  	_ =	shalt  }
0x73: {  	_ =	shalt  }
0x74: {  	_ =	shalt  }
0x75: {  	_ =	shalt  }
0x76: {  	_ =	shalt  }
0x77: {  	_ =	shalt  }
0x78: {  	_ =	shalt  }
0x79: {  	_ =	shalt  }
0x7a: {  	_ =	shalt  }
0x7b: {  	_ =	shalt  }
0x7c: {  	_ =	shalt  }
0x7d: {  	_ =	shalt  }
0x7e: {  	_ =	shalt  }
0x7f: {  	_ =	shalt  }
0x80: {  	_ =	shalt  }
0x81: {  	_ =	shalt  }
0x82: {  	_ =	shalt  }
0x83: {  	_ =	shalt  }
0x84: {  	_ =	shalt  }
0x85: {  	_ =	shalt  }
0x86: {  	_ =	shalt  }
0x87: {  	_ =	shalt  }
.Lfunc_end0:
.L_simem_size_0:
called_computation.6_lowered:
.L_overlay_start_0:
0x88: {  	s2 =	sld [smem:$0x3FD9]  }
0x89: {  	s3 =	sld [smem:$0x3FFE];
	_ =	sdelay $0x1  }
0x8a: {  	s1 =	srdreg.scid  }
0x8b: {  	s0 =	sand.u32 $0x1, s1  }
0x8c: {  	s14 =	sshll.u32 s0, $0xA;
	s2 =	sadd.s32 s3, s2  }
0x8d: {  	s2 =	sadd.s32 s2, s14  }
0x8e: {  	[smem:$0x3FC6] =	sst s2  }
0x8f: {  	_ = 	snop  }
0x90: {  	s2 =	sld [smem:$0x3FD0];
	_ =	sdelay $0x2  }
0x91: {  	s15 =	simm.s32 $0xA;
	s4 =	simm.s32 $0x10  }
0x92: {  	[smem:s4], [sflag:s15] =	dma.local [hbm:s2], $0x1  }
0x93: {  	_ =	swait.eq [sflag:s15], $0x1  }
0x94: {  	[sflag:s15] =	ssyncset.done $0x0  }
0x95: {  	[sflag:s15] =	ssyncadd.s32 $0xFFFFFFFF  }
0x96: {  	s16 =	sld [smem:$0x10];
	(tm) =	ssettm $0x1  }
0x97: {  	s17 =	sld [smem:$0x3FFB];
	_ =	sdelay $0x3  }
0x98: {  	_ =	strace s17  }
0x99: {  	s3 =	sld [smem:$0x3FFC];
	_ =	sdelay $0x3  }
0x9a: {  	_ =	strace s3  }
0x9b: {  	s3 =	sld [smem:$0x3FFD];
	_ =	sdelay $0x3  }
0x9c: {  	_ =	strace s3  }
0x9d: {  	_ =	strace $0x8FFFFFFF  }
0x9e: {  	s18 =	sld [smem:$0x3FDB];
	_ =	sdelay $0x1  }
0x9f: {  	s19 =	simm.s32 $_scs_section_size  }
0xa0: {  	s5 =	simm.s32 $_size__tile_overlayer_lowered;
	s6 =	simm.s32 $_tile_overlayer_lowered  }
0xa1: {  	s22 =	simm.s32 $0x1BFF;
	s21 =	sshll.u32 s6, $0x1;
	s3 =	sadd.s32 s19, s18  }
0xa2: {  	s7 =	simm.s32 $0x0;
	s20 =	sshll.u32 s5, $0x1;
	s5 =	sadd.s32 s21, s3  }
0xa3: {  	[timem:s7], [sflag:s22] =	dma.local [hbm:s5], s20  }
0xa4: {  	_ =	swait.ge [sflag:s22], s20  }
0xa5: {  	s4 =	ssub.s32 $0x0, s20;
	[sflag:s22] =	ssyncset.done $0x0  }
0xa6: {  	[sflag:s22] =	ssyncadd.s32 s4;
	_ =	sdelay $0x1  }
0xa7: {  	s23 =	simm.s32 $0x1B8B  }
0xa8: {  	_ =	swait.ge [sflag:s23], $0x1  }
0xa9: {  	[sflag:s23] =	ssyncset.done $0x0  }
0xaa: {  	s25 =	simm.s32 $0x1B8E;
	s24 =	sld [smem:$0x3FFE];
	[sflag:s23] =	ssyncadd.s32 $0xFFFFFFFF  }
0xab: {  	s26 =	simm.s32 $execute0_lowered;
	[smem:$0x3FD2] =	sst s25  }
0xac: {  	s5 =	sshll.u32 s26, $0x1;
	_ =	strace $0x80000058;
	[dreg:$0x1] =	wrdreg $0xFFFFFFFF  }
0xad: {  	s28 =	simm.s32 $_size_execute0_lowered;
	s3 =	sadd.s32 s3, s5;
	[dreg:$0x0] =	wrdreg $0x0  }
0xae: {  	s5 =	sshll.u32 s28, $0x1;
	[dreg:$0x2] =	wrdreg s3  }
0xaf: {  	[dreg:$0x3] =	wrdreg s5  }
0xb0: {  	[dreg:$0x4] =	wrdreg $0xC0  }
0xb1: {  	_ =	task [dreg:s7], $0x5FFFF  }
0xb2: {  	[dreg:$0x1] =	wrdreg $0xFFFFFFFF  }
0xb3: {  	[dreg:$0x0] =	wrdreg $0x60  }
0xb4: {  	[dreg:$0x2] =	wrdreg s16  }
0xb5: {  	[dreg:$0x3] =	wrdreg s24  }
0xb6: {  	[dreg:$0x4] =	wrdreg $0x9  }
0xb7: {  	_ =	task.clear_ibuf [dreg:s7], $0x5FFFF;
	_ =	strace $0x90000058  }
0xb8: {  	s29 =	simm.s32 $0x9;
	_ =	strace $0x8000005A  }
0xb9: {  	_ =	swait.ge [sflag:s29], $0x1  }
0xba: {  	[sflag:s29] =	ssyncadd.s32 $0xFFFFFFFF  }
0xbb: {  	_ =	strace $0x9000005A  }
0xbc: {  	_ =	sfence  }
0xbd: {  	s30 =	sld [smem:$0x0];
	_ =	sdelay $0x2  }
0xbe: {  	s31 =	sshll.u32 s1, $0xD;
	s1 =	sshrl.u32 s1, $0x2  }
0xbf: {  	s3 =	sand.u32 $0x4000, s31;
	s1 =	sadd.s32 s1, s30  }
0xc0: {  	s0 =	sor.u32 s3, s0;
	s1 =	sshll.u32 s1, $0x11  }
0xc1: {  	s0 =	sor.u32 s1, s0  }
0xc2: {  	s0 =	sadd.s32 $0x8F2B, s0  }
0xc3: {  	[sflag:s0] =	ssyncadd.remote.s32 $0x1  }
0xc4: {  	_ =	sfence.sel $0xFFFF  }
0xc5: {  	[dreg:$0x0] =	wrdreg $0xFFFFFFFF;
	(pc) =	sbr.abs _section_cstart, $3  }
0xc6: {  	[dreg:$0x1] =	wrdreg $0xFFFFFFFF  }
0xc7: {  	_ =	task.clear_ibuf [dreg:s7], $0x2FFFF;
	_ =	strace $0x9FFFFFFF  }
0xc8: {  	(tm) =	ssettm $0x7FFFFFFF  }
0xc9: {  	_ =	shalt  }
tec
execute0_lowered:
.L_overlay_start_1:
0x0: {  	(tag) =	ssettag $0x1  }
0x1: {  	s1 =	srdreg.scid;
	s0 =	stileid.u32  }
0x2: {  	s14 =	sand.u32 $0x1, s1;
	s31 =	sshll.u32 s0, $0x1  }
0x3: {  	s1 =	sor.u32 s14, s31  }
0x4: {  	s2 =	rddreg [dreg:$0x0];
	s4 =	smul.u32 $0x60, s1  }
0x5: {  	s10 =	rddreg [dreg:$0x1];
	s3 =	simm.s32 $0x0  }
0x6: {  	[smem:$0x7FF] =	sst s3;
	s4 =	sshrl.u32 s4, $0x3  }
0x7: {  	s1 =	rddreg [dreg:$0x2];
	s15 =	sadd.s32 s4, s10  }
0x8: {  	_ =	strace $0x80000059;
	s4 =	simm.s32 $0x2;
	s5 =	sadd.s32 $0xC600, s15  }
0x9: {  	[tilespmem:s3], [sflag:$0x2] =	stream.linear.gather [hbm4b:s5+s3], $0x60, $0x38;
	[tilespmem:$0x200] =	vst v63  }
0xa: {  	_ =	swait.ge [sflag:s4], $0x60  }
0xb: {  	[sflag:s4] =	ssyncset.done $0x0  }
0xc: {  	s6 =	simm.s32 $0x60;
	s7 =	simm.s32 $0x80;
	[sflag:s4] =	ssyncadd.s32 $0xFFFFFFA0  }
0xd: {  	[tilespmem:s7], [sflag:$0x1] =	stream.indirect.gather [hbm4b:s2+s6], $0x1, s3, s6, $0xb8;
	[tilespmem:$0x200] =	vst v63  }
0xe: {  	s9 =	simm.s32 $0x100;
	s8 =	sadd.s32 $0xCCC00, s10  }
0xf: {  	[tilespmem:s9], [sflag:$0x1] =	stream.indirect.gather [hbm4b:s8+s6], $0x1, s3, s6, $0xb8;
	[tilespmem:$0x200] =	vst v63  }
0x10: {  	s11 =	simm.s32 $0x180;
	s12 =	simm.s32 $0x1;
	s10 =	sadd.s32 $0xCC00, s10  }
0x11: {  	[tilespmem:s11], [sflag:$0x1] =	stream.indirect.gather [hbm4b:s10+s6], $0x1, s3, s6, $0xb8;
	[tilespmem:$0x200] =	vst v63  }
0x12: {  	_ =	swait.ge [sflag:s12], $0x60  }
0x13: {  	[sflag:s12] =	ssyncset.done $0x0  }
0x14: {  	[sflag:s12] =	ssyncadd.s32 $0xFFFFFFA0  }
0x15: {  	_ =	swait.ge [sflag:s12], $0x60  }
0x16: {  	[sflag:s12] =	ssyncset.done $0x0  }
0x17: {  	[sflag:s12] =	ssyncadd.s32 $0xFFFFFFA0  }
0x18: {  	_ =	swait.ge [sflag:s12], $0x60  }
0x19: {  	[sflag:s12] =	ssyncset.done $0x0  }
0x1a: {  	s16 =	ssub.s32 $0x2, s14;
	s13 =	sadd.s32 $0x18CC00, s15;
	[sflag:s12] =	ssyncadd.s32 $0xFFFFFFA0  }
0x1b: {  	[hbm4b:s13+s3] =	stream.linear.scatter [tilespmem:s7], [sflag:$0x2], $0x60, $0x38;
	[tilespmem:$0x200] =	vst v63  }
0x1c: {  	s17 =	sshrl.u32 s16, $0x1;
	_ =	swait.ge [sflag:s4], $0x60  }
0x1d: {  	s16 =	ssub.s32 s16, s17;
	[sflag:s4] =	ssyncset.done $0x0  }
0x1e: {  	s16 =	smax.u32 s16, $0x1;
	s14 =	sadd.s32 $0x18CD80, s15;
	[sflag:s4] =	ssyncadd.s32 $0xFFFFFFA0  }
0x1f: {  	[hbm4b:s14+s3] =	stream.linear.scatter [tilespmem:s9], [sflag:$0x2], $0x60, $0x38;
	[tilespmem:$0x200] =	vst v63  }
0x20: {  	p0 =	sne.s32 s16, $0x1;
	_ =	swait.ge [sflag:s4], $0x60  }
.Ltmp0:
0x21: {  	[sflag:s4] =	ssyncset.done $0x0;
	(pc) =	sbr.rel @!p0 .LBB2_2-.Ltmp0, $4  }
0x22: {  	s15 =	sadd.s32 $0x18CF00, s15;
	[sflag:s4] =	ssyncadd.s32 $0xFFFFFFA0  }
0x23: {  	[hbm4b:s15+s3] =	stream.linear.scatter [tilespmem:s11], [sflag:$0x2], $0x60, $0x38;
	[tilespmem:$0x200] =	vst v63  }
0x24: {  	_ =	swait.ge [sflag:s4], $0x60  }
0x25: {  	s16 =	sadd.s32 $0xFFFFFFFF, s16;
	[sflag:s4] =	ssyncset.done $0x0  }
.LBB2_1:
0x26: {  	p0 =	sne.s32 s16, $0x1;
	s16 =	sadd.s32 $0xFFFFFFFF, s16;
	[sflag:s4] =	ssyncadd.s32 $0xFFFFFFA0  }
0x27: {  	[tilespmem:s3], [sflag:$0x2] =	stream.linear.gather [hbm4b:s5+s3], $0x60, $0x38;
	[tilespmem:$0x200] =	vst v63  }
0x28: {  	_ =	swait.ge [sflag:s4], $0x60  }
0x29: {  	[sflag:s4] =	ssyncset.done $0x0  }
0x2a: {  	[sflag:s4] =	ssyncadd.s32 $0xFFFFFFA0  }
0x2b: {  	[tilespmem:s7], [sflag:$0x1] =	stream.indirect.gather [hbm4b:s2+s6], $0x1, s3, s6, $0xb8;
	[tilespmem:$0x200] =	vst v63  }
0x2c: {  	_ = 	snop  }
0x2d: {  	[tilespmem:s9], [sflag:$0x1] =	stream.indirect.gather [hbm4b:s8+s6], $0x1, s3, s6, $0xb8;
	[tilespmem:$0x200] =	vst v63  }
0x2e: {  	_ = 	snop  }
0x2f: {  	[tilespmem:s11], [sflag:$0x1] =	stream.indirect.gather [hbm4b:s10+s6], $0x1, s3, s6, $0xb8;
	[tilespmem:$0x200] =	vst v63  }
0x30: {  	_ =	swait.ge [sflag:s12], $0x60  }
0x31: {  	[sflag:s12] =	ssyncset.done $0x0  }
0x32: {  	[sflag:s12] =	ssyncadd.s32 $0xFFFFFFA0  }
0x33: {  	_ =	swait.ge [sflag:s12], $0x60  }
0x34: {  	[sflag:s12] =	ssyncset.done $0x0  }
0x35: {  	[sflag:s12] =	ssyncadd.s32 $0xFFFFFFA0  }
0x36: {  	_ =	swait.ge [sflag:s12], $0x60  }
0x37: {  	[sflag:s12] =	ssyncset.done $0x0  }
0x38: {  	[sflag:s12] =	ssyncadd.s32 $0xFFFFFFA0  }
0x39: {  	[hbm4b:s13+s3] =	stream.linear.scatter [tilespmem:s7], [sflag:$0x2], $0x60, $0x38;
	[tilespmem:$0x200] =	vst v63  }
0x3a: {  	_ =	swait.ge [sflag:s4], $0x60  }
0x3b: {  	[sflag:s4] =	ssyncset.done $0x0  }
0x3c: {  	[sflag:s4] =	ssyncadd.s32 $0xFFFFFFA0  }
0x3d: {  	[hbm4b:s14+s3] =	stream.linear.scatter [tilespmem:s9], [sflag:$0x2], $0x60, $0x38;
	[tilespmem:$0x200] =	vst v63  }
0x3e: {  	_ =	swait.ge [sflag:s4], $0x60  }
.Ltmp1:
0x3f: {  	[sflag:s4] =	ssyncset.done $0x0;
	(pc) =	sbr.rel @p0 .LBB2_1-.Ltmp1, $4  }
0x40: {  	[sflag:s4] =	ssyncadd.s32 $0xFFFFFFA0  }
0x41: {  	[hbm4b:s15+s3] =	stream.linear.scatter [tilespmem:s11], [sflag:$0x2], $0x60, $0x38;
	[tilespmem:$0x200] =	vst v63  }
0x42: {  	_ =	swait.ge [sflag:s4], $0x60  }
0x43: {  	[sflag:s4] =	ssyncset.done $0x0  }
.LBB2_2:
0x44: {  	[sflag:s4] =	ssyncadd.s32 $0xFFFFFFA0  }
0x45: {  	_ =	sfence.sel $0x180000  }
0x46: {  	[bflag:$0x0] =	sbarrier.arrive $0xFFFF  }
0x47: {  	p0 =	sne.s32 s0, $0x0;
	_ =	strace $0x90000059  }
0x48: {  	s0 =	sadd.s32 @!p0 $0x100000, s1;
	[bflag:$0x2] =	sbarrier.arrive $0xFFFF  }
0x49: {  	[sflag:s0] =	ssyncadd.tile.s32 @!p0 $0x1;
	_ =	shalt  }
.Lfunc_end2:
_tile_overlayer_lowered:
.L_overlay_start_2:
0x4a: {  	(tag) =	ssettag $0x2  }
0x4b: {  	s0 =	rddreg [dreg:$0x0];
	s2 =	stileid.u32  }
0x4c: {  	s1 =	rddreg [dreg:$0x1];
	p0 =	sne.s32 s2, $0x0  }
0x4d: {  	s3 =	rddreg [dreg:$0x2];
	[bflag:$0x3] =	sbarrier.arrive $0xFFFF;
	s2 =	simm.s32 @!p0 $0x1C02  }
0x4e: {  	[timem:s3], [sflag:s2] =	dma.local @!p0 [hbm:s0], s1  }
0x4f: {  	s0 =	simm.s32 @!p0 $0x2  }
0x50: {  	_ =	swait.ge @!p0 [sflag:s0], s1  }
0x51: {  	s1 =	ssub.s32 @!p0 $0x0, s1;
	[sflag:s0] =	ssyncset.done @!p0 $0x0  }
0x52: {  	[sflag:s0] =	ssyncadd.s32 @!p0 s1  }
0x53: {  	[bflag:$0x3] =	sbarrier.arrive $0xFFFF  }
0x54: {  	_ =	shalt  }

// kernel: kernel.48.cloned.1.call-start
scs
__scs_entry_jumppad:
0x0: {  	(pc) =	sbr.rel $0x88, $3  }
0x1: {  	(tag) =	ssettag $0x0;
	lr =	simm.s32 $0x1  }
0x2: {  	[smem:$0x3F9F] =	sst lr;
	_ =	strace $0xD0000000  }
0x3: {  	_ = 	snop  }
0x4: {  	_ = 	snop  }
0x5: {  	_ = 	snop  }
0x6: {  	_ = 	snop  }
0x7: {  	_ = 	snop  }
__scs_overlays_trampoline_lowered:
0x8: {  	[smem:$0x3FAE] =	sst s0  }
0x9: {  	[smem:$0x3FAF] =	sst s1  }
0xa: {  	[smem:$0x3FB0] =	sst s2  }
0xb: {  	[smem:$0x3FB1] =	sst s3  }
0xc: {  	[smem:$0x3FB2] =	sst s4  }
0xd: {  	[smem:$0x3FB3] =	sst s5  }
0xe: {  	[smem:$0x3FB4] =	sst s6  }
0xf: {  	[smem:$0x3FB5] =	sst s7  }
0x10: {  	[smem:$0x3FB6] =	sst s8  }
0x11: {  	[smem:$0x3FB7] =	sst s9;
	s0 =	simm.s32 @!p0 $0x0  }
0x12: {  	s1 =	sld [smem:$0x3F9D];
	s0 =	simm.s32 @p0 $0x1  }
0x13: {  	[smem:$0x3FB8] =	sst s0;
	s0 =	simm.s32 @!p1 $0x0  }
0x14: {  	s2 =	sld [smem:$0x3F9C];
	s0 =	simm.s32 @p1 $0x1  }
0x15: {  	[smem:$0x3FB9] =	sst s0;
	s0 =	simm.s32 @!p2 $0x0  }
0x16: {  	s3 =	sld [smem:$0x3FDB];
	s0 =	simm.s32 @p2 $0x1  }
0x17: {  	s4 =	simm.s32 $0x1BF5;
	[smem:$0x3FBB] =	sst s0  }
0x18: {  	s0 =	sld [smem:$0x3F9E];
	_ =	swait.ge [sflag:s4], $0x0  }
0x19: {  	s7 =	sld [smem:$0x3F9F]  }
0x1a: {  	s8 =	sadd.s32 $0xFFFFE003, lr  }
0x1b: {  	s9 =	sadd.s32 $0xFFFFFEF7, lr;
	s5 =	simm.s32 $0xFFFFFFFF;
	p2 =	slt.u32 s8, $0xFFFFF086  }
0x1c: {  	p1 =	slt.u32 s9, $0xF7A;
	s5 =	simm.s32 @!p2 $0x0  }
0x1d: {  	s5 =	simm.s32 @p1 $0x1;
	p0 =	seq.s32 s7, s2  }
0x1e: {  	s7 =	smul.u32 @!p0 $0xF7A, s2;
	p2 =	seq.s32 @!p0 s5, $0x0  }
0x1f: {  	s9 =	smul.u32 $0xF7A, s1;
	s8 =	simm.s32 @!p0 $0x1BF5;
	p2 =	por !p2, p0  }
0x20: {  	[sflag:s8] =	ssyncset.s32 @!p0 $0xFFFFF086;
	s6 =	sadd.s32 @!p0 s3, s7;
	s7 =	simm.s32 @!p0 $0x108  }
0x21: {  	s3 =	sadd.s32 s3, s9;
	s6 =	sadd.s32 @!p0 $0x88, s6;
	s7 =	simm.s32 @p2 $0x1082  }
0x22: {  	[simem:s7], [sflag:s8] =	dma.local @!p0 [hbm:s6], $0xF7A  }
0x23: {  	s9 =	sor.u32 $0xD0000000, s2;
	s6 =	simm.s32 $0x108;
	_ =	swait.ge @!p0 [sflag:s8], $0x0  }
0x24: {  	s3 =	sadd.s32 $0x88, s3;
	s6 =	simm.s32 @!p1 $0x1082;
	[sflag:s4] =	ssyncset.s32 $0xFFFFF086  }
0x25: {  	[simem:s6], [sflag:s4] =	dma.local [hbm:s3], $0xF7A  }
0x26: {  	[smem:$0x3F9F] =	sst s1;
	(tag) =	ssettag s2;
	_ =	strace s9  }
0x27: {  	s1 =	sld [smem:$0x3FAF]  }
0x28: {  	s2 =	sld [smem:$0x3FB0]  }
0x29: {  	s4 =	sld [smem:$0x3FB2]  }
0x2a: {  	p0 =	seq.s32 s5, $0x0;
	s5 =	sld [smem:$0x3FB3]  }
0x2b: {  	s6 =	sld [smem:$0x3FB4]  }
0x2c: {  	s7 =	sld [smem:$0x3FB5]  }
0x2d: {  	s3 =	simm.s32 $0x108;
	s8 =	sld [smem:$0x3FB6]  }
0x2e: {  	s3 =	simm.s32 @!p0 $0x1082;
	s9 =	sld [smem:$0x3FB7]  }
0x2f: {  	lr =	sadd.s32 s0, s3;
	s0 =	sld [smem:$0x3FAE]  }
0x30: {  	s3 =	sld [smem:$0x3FB1]  }
0x31: {  	[smem:$0x3FBA] =	sst s10  }
0x32: {  	s10 =	sld [smem:$0x3FB8];
	_ =	sdelay $0x3  }
0x33: {  	p0 =	seq.s32 s10, $0x1;
	s10 =	sld [smem:$0x3FBA];
	_ =	sdelay $0x3  }
0x34: {  	[smem:$0x3FBA] =	sst s10  }
0x35: {  	s10 =	sld [smem:$0x3FB9];
	_ =	sdelay $0x3  }
0x36: {  	p1 =	seq.s32 s10, $0x1;
	s10 =	sld [smem:$0x3FBA];
	_ =	sdelay $0x3  }
0x37: {  	[smem:$0x3FBA] =	sst s10  }
0x38: {  	s10 =	sld [smem:$0x3FBB]  }
0x39: {  	_ = 	snop;
	(pc) =	sbr.ind lr, $3  }
0x3a: {  	_ = 	snop  }
0x3b: {  	_ = 	snop  }
0x3c: {  	p2 =	seq.s32 s10, $0x1;
	s10 =	sld [smem:$0x3FBA]  }
0x3d: {  	_ =	shalt  }
0x3e: {  	_ =	shalt  }
0x3f: {  	_ =	shalt  }
0x40: {  	_ =	shalt  }
0x41: {  	_ =	shalt  }
0x42: {  	_ =	shalt  }
0x43: {  	_ =	shalt  }
0x44: {  	_ =	shalt  }
0x45: {  	_ =	shalt  }
0x46: {  	_ =	shalt  }
0x47: {  	_ =	shalt  }
0x48: {  	_ =	shalt  }
0x49: {  	_ =	shalt  }
0x4a: {  	_ =	shalt  }
0x4b: {  	_ =	shalt  }
0x4c: {  	_ =	shalt  }
0x4d: {  	_ =	shalt  }
0x4e: {  	_ =	shalt  }
0x4f: {  	_ =	shalt  }
0x50: {  	_ =	shalt  }
0x51: {  	_ =	shalt  }
0x52: {  	_ =	shalt  }
0x53: {  	_ =	shalt  }
0x54: {  	_ =	shalt  }
0x55: {  	_ =	shalt  }
0x56: {  	_ =	shalt  }
0x57: {  	_ =	shalt  }
0x58: {  	_ =	shalt  }
0x59: {  	_ =	shalt  }
0x5a: {  	_ =	shalt  }
0x5b: {  	_ =	shalt  }
0x5c: {  	_ =	shalt  }
0x5d: {  	_ =	shalt  }
0x5e: {  	_ =	shalt  }
0x5f: {  	_ =	shalt  }
0x60: {  	_ =	shalt  }
0x61: {  	_ =	shalt  }
0x62: {  	_ =	shalt  }
0x63: {  	_ =	shalt  }
0x64: {  	_ =	shalt  }
0x65: {  	_ =	shalt  }
0x66: {  	_ =	shalt  }
0x67: {  	_ =	shalt  }
0x68: {  	_ =	shalt  }
0x69: {  	_ =	shalt  }
0x6a: {  	_ =	shalt  }
0x6b: {  	_ =	shalt  }
0x6c: {  	_ =	shalt  }
0x6d: {  	_ =	shalt  }
0x6e: {  	_ =	shalt  }
0x6f: {  	_ =	shalt  }
0x70: {  	_ =	shalt  }
0x71: {  	_ =	shalt  }
0x72: {  	_ =	shalt  }
0x73: {  	_ =	shalt  }
0x74: {  	_ =	shalt  }
0x75: {  	_ =	shalt  }
0x76: {  	_ =	shalt  }
0x77: {  	_ =	shalt  }
0x78: {  	_ =	shalt  }
0x79: {  	_ =	shalt  }
0x7a: {  	_ =	shalt  }
0x7b: {  	_ =	shalt  }
0x7c: {  	_ =	shalt  }
0x7d: {  	_ =	shalt  }
0x7e: {  	_ =	shalt  }
0x7f: {  	_ =	shalt  }
0x80: {  	_ =	shalt  }
0x81: {  	_ =	shalt  }
0x82: {  	_ =	shalt  }
0x83: {  	_ =	shalt  }
0x84: {  	_ =	shalt  }
0x85: {  	_ =	shalt  }
0x86: {  	_ =	shalt  }
0x87: {  	_ =	shalt  }
.Lfunc_end0:
.L_simem_size_0:
called_computation.7_lowered:
.L_overlay_start_0:
0x88: {  	s2 =	sld [smem:$0x3FD9]  }
0x89: {  	s3 =	sld [smem:$0x3FFE];
	_ =	sdelay $0x1  }
0x8a: {  	s1 =	srdreg.scid  }
0x8b: {  	s0 =	sand.u32 $0x1, s1  }
0x8c: {  	s14 =	sshll.u32 s0, $0xA;
	s2 =	sadd.s32 s3, s2  }
0x8d: {  	s2 =	sadd.s32 s2, s14  }
0x8e: {  	[smem:$0x3FC6] =	sst s2  }
0x8f: {  	_ = 	snop  }
0x90: {  	s2 =	sld [smem:$0x3FD0];
	_ =	sdelay $0x2  }
0x91: {  	s15 =	simm.s32 $0xA;
	s4 =	simm.s32 $0x10  }
0x92: {  	[smem:s4], [sflag:s15] =	dma.local [hbm:s2], $0x1  }
0x93: {  	_ =	swait.eq [sflag:s15], $0x1  }
0x94: {  	[sflag:s15] =	ssyncset.done $0x0  }
0x95: {  	[sflag:s15] =	ssyncadd.s32 $0xFFFFFFFF  }
0x96: {  	s16 =	sld [smem:$0x10];
	(tm) =	ssettm $0x1  }
0x97: {  	s17 =	sld [smem:$0x3FFB];
	_ =	sdelay $0x3  }
0x98: {  	_ =	strace s17  }
0x99: {  	s3 =	sld [smem:$0x3FFC];
	_ =	sdelay $0x3  }
0x9a: {  	_ =	strace s3  }
0x9b: {  	s3 =	sld [smem:$0x3FFD];
	_ =	sdelay $0x3  }
0x9c: {  	_ =	strace s3  }
0x9d: {  	_ =	strace $0x8FFFFFFF  }
0x9e: {  	s18 =	sld [smem:$0x3FDB];
	_ =	sdelay $0x1  }
0x9f: {  	s19 =	simm.s32 $_scs_section_size  }
0xa0: {  	s5 =	simm.s32 $_size__tile_overlayer_lowered;
	s6 =	simm.s32 $_tile_overlayer_lowered  }
0xa1: {  	s22 =	simm.s32 $0x1BFF;
	s21 =	sshll.u32 s6, $0x1;
	s3 =	sadd.s32 s19, s18  }
0xa2: {  	s7 =	simm.s32 $0x0;
	s20 =	sshll.u32 s5, $0x1;
	s5 =	sadd.s32 s21, s3  }
0xa3: {  	[timem:s7], [sflag:s22] =	dma.local [hbm:s5], s20  }
0xa4: {  	_ =	swait.ge [sflag:s22], s20  }
0xa5: {  	s4 =	ssub.s32 $0x0, s20;
	[sflag:s22] =	ssyncset.done $0x0  }
0xa6: {  	[sflag:s22] =	ssyncadd.s32 s4;
	_ =	sdelay $0x1  }
0xa7: {  	s23 =	simm.s32 $0x1B8B  }
0xa8: {  	_ =	swait.ge [sflag:s23], $0x1  }
0xa9: {  	[sflag:s23] =	ssyncset.done $0x0  }
0xaa: {  	s25 =	simm.s32 $0x1B8E;
	s24 =	sld [smem:$0x3FFE];
	[sflag:s23] =	ssyncadd.s32 $0xFFFFFFFF  }
0xab: {  	s26 =	simm.s32 $execute0_lowered;
	[smem:$0x3FD2] =	sst s25  }
0xac: {  	s5 =	sshll.u32 s26, $0x1;
	_ =	strace $0x8000005B;
	[dreg:$0x1] =	wrdreg $0xFFFFFFFF  }
0xad: {  	s28 =	simm.s32 $_size_execute0_lowered;
	s3 =	sadd.s32 s3, s5;
	[dreg:$0x0] =	wrdreg $0x0  }
0xae: {  	s5 =	sshll.u32 s28, $0x1;
	[dreg:$0x2] =	wrdreg s3  }
0xaf: {  	[dreg:$0x3] =	wrdreg s5  }
0xb0: {  	[dreg:$0x4] =	wrdreg $0xC0  }
0xb1: {  	_ =	task [dreg:s7], $0x5FFFF  }
0xb2: {  	[dreg:$0x1] =	wrdreg $0xFFFFFFFF  }
0xb3: {  	[dreg:$0x0] =	wrdreg $0x60  }
0xb4: {  	[dreg:$0x2] =	wrdreg s16  }
0xb5: {  	[dreg:$0x3] =	wrdreg s24  }
0xb6: {  	[dreg:$0x4] =	wrdreg $0x9  }
0xb7: {  	_ =	task.clear_ibuf [dreg:s7], $0x5FFFF;
	_ =	strace $0x9000005B  }
0xb8: {  	s29 =	simm.s32 $0x9;
	_ =	strace $0x8000005D  }
0xb9: {  	_ =	swait.ge [sflag:s29], $0x1  }
0xba: {  	[sflag:s29] =	ssyncadd.s32 $0xFFFFFFFF  }
0xbb: {  	_ =	strace $0x9000005D  }
0xbc: {  	_ =	sfence  }
0xbd: {  	s30 =	sld [smem:$0x0];
	_ =	sdelay $0x2  }
0xbe: {  	s31 =	sshll.u32 s1, $0xD;
	s1 =	sshrl.u32 s1, $0x2  }
0xbf: {  	s3 =	sand.u32 $0x4000, s31;
	s1 =	sadd.s32 s1, s30  }
0xc0: {  	s0 =	sor.u32 s3, s0;
	s1 =	sshll.u32 s1, $0x11  }
0xc1: {  	s0 =	sor.u32 s1, s0  }
0xc2: {  	s0 =	sadd.s32 $0x8F2B, s0  }
0xc3: {  	[sflag:s0] =	ssyncadd.remote.s32 $0x1  }
0xc4: {  	_ =	sfence.sel $0xFFFF  }
0xc5: {  	[dreg:$0x0] =	wrdreg $0xFFFFFFFF;
	(pc) =	sbr.abs _section_cstart, $3  }
0xc6: {  	[dreg:$0x1] =	wrdreg $0xFFFFFFFF  }
0xc7: {  	_ =	task.clear_ibuf [dreg:s7], $0x2FFFF;
	_ =	strace $0x9FFFFFFF  }
0xc8: {  	(tm) =	ssettm $0x7FFFFFFF  }
0xc9: {  	_ =	shalt  }
tec
execute0_lowered:
.L_overlay_start_1:
0x0: {  	(tag) =	ssettag $0x1  }
0x1: {  	s1 =	srdreg.scid;
	s0 =	stileid.u32  }
0x2: {  	s14 =	sand.u32 $0x1, s1;
	s31 =	sshll.u32 s0, $0x1  }
0x3: {  	s1 =	sor.u32 s14, s31  }
0x4: {  	s2 =	rddreg [dreg:$0x0];
	s4 =	smul.u32 $0x60, s1  }
0x5: {  	s10 =	rddreg [dreg:$0x1];
	s3 =	simm.s32 $0x0  }
0x6: {  	[smem:$0x7FF] =	sst s3;
	s4 =	sshrl.u32 s4, $0x3  }
0x7: {  	s1 =	rddreg [dreg:$0x2];
	s15 =	sadd.s32 s4, s10  }
0x8: {  	_ =	strace $0x8000005C;
	s4 =	simm.s32 $0x2;
	s5 =	sadd.s32 $0xC600, s15  }
0x9: {  	[tilespmem:s3], [sflag:$0x2] =	stream.linear.gather [hbm4b:s5+s3], $0x60, $0x38;
	[tilespmem:$0x200] =	vst v63  }
0xa: {  	_ =	swait.ge [sflag:s4], $0x60  }
0xb: {  	[sflag:s4] =	ssyncset.done $0x0  }
0xc: {  	s6 =	simm.s32 $0x60;
	s7 =	simm.s32 $0x80;
	[sflag:s4] =	ssyncadd.s32 $0xFFFFFFA0  }
0xd: {  	[tilespmem:s7], [sflag:$0x1] =	stream.indirect.gather [hbm4b:s2+s6], $0x1, s3, s6, $0xb8;
	[tilespmem:$0x200] =	vst v63  }
0xe: {  	s9 =	simm.s32 $0x100;
	s8 =	sadd.s32 $0xCCC00, s10  }
0xf: {  	[tilespmem:s9], [sflag:$0x1] =	stream.indirect.gather [hbm4b:s8+s6], $0x1, s3, s6, $0xb8;
	[tilespmem:$0x200] =	vst v63  }
0x10: {  	s11 =	simm.s32 $0x180;
	s12 =	simm.s32 $0x1;
	s10 =	sadd.s32 $0xCC00, s10  }
0x11: {  	[tilespmem:s11], [sflag:$0x1] =	stream.indirect.gather [hbm4b:s10+s6], $0x1, s3, s6, $0xb8;
	[tilespmem:$0x200] =	vst v63  }
0x12: {  	_ =	swait.ge [sflag:s12], $0x60  }
0x13: {  	[sflag:s12] =	ssyncset.done $0x0  }
0x14: {  	[sflag:s12] =	ssyncadd.s32 $0xFFFFFFA0  }
0x15: {  	_ =	swait.ge [sflag:s12], $0x60  }
0x16: {  	[sflag:s12] =	ssyncset.done $0x0  }
0x17: {  	[sflag:s12] =	ssyncadd.s32 $0xFFFFFFA0  }
0x18: {  	_ =	swait.ge [sflag:s12], $0x60  }
0x19: {  	[sflag:s12] =	ssyncset.done $0x0  }
0x1a: {  	s16 =	ssub.s32 $0x2, s14;
	s13 =	sadd.s32 $0x18CC00, s15;
	[sflag:s12] =	ssyncadd.s32 $0xFFFFFFA0  }
0x1b: {  	[hbm4b:s13+s3] =	stream.linear.scatter [tilespmem:s7], [sflag:$0x2], $0x60, $0x38;
	[tilespmem:$0x200] =	vst v63  }
0x1c: {  	s17 =	sshrl.u32 s16, $0x1;
	_ =	swait.ge [sflag:s4], $0x60  }
0x1d: {  	s16 =	ssub.s32 s16, s17;
	[sflag:s4] =	ssyncset.done $0x0  }
0x1e: {  	s16 =	smax.u32 s16, $0x1;
	s14 =	sadd.s32 $0x18CD80, s15;
	[sflag:s4] =	ssyncadd.s32 $0xFFFFFFA0  }
0x1f: {  	[hbm4b:s14+s3] =	stream.linear.scatter [tilespmem:s9], [sflag:$0x2], $0x60, $0x38;
	[tilespmem:$0x200] =	vst v63  }
0x20: {  	p0 =	sne.s32 s16, $0x1;
	_ =	swait.ge [sflag:s4], $0x60  }
.Ltmp0:
0x21: {  	[sflag:s4] =	ssyncset.done $0x0;
	(pc) =	sbr.rel @!p0 .LBB2_2-.Ltmp0, $4  }
0x22: {  	s15 =	sadd.s32 $0x18CF00, s15;
	[sflag:s4] =	ssyncadd.s32 $0xFFFFFFA0  }
0x23: {  	[hbm4b:s15+s3] =	stream.linear.scatter [tilespmem:s11], [sflag:$0x2], $0x60, $0x38;
	[tilespmem:$0x200] =	vst v63  }
0x24: {  	_ =	swait.ge [sflag:s4], $0x60  }
0x25: {  	s16 =	sadd.s32 $0xFFFFFFFF, s16;
	[sflag:s4] =	ssyncset.done $0x0  }
.LBB2_1:
0x26: {  	p0 =	sne.s32 s16, $0x1;
	s16 =	sadd.s32 $0xFFFFFFFF, s16;
	[sflag:s4] =	ssyncadd.s32 $0xFFFFFFA0  }
0x27: {  	[tilespmem:s3], [sflag:$0x2] =	stream.linear.gather [hbm4b:s5+s3], $0x60, $0x38;
	[tilespmem:$0x200] =	vst v63  }
0x28: {  	_ =	swait.ge [sflag:s4], $0x60  }
0x29: {  	[sflag:s4] =	ssyncset.done $0x0  }
0x2a: {  	[sflag:s4] =	ssyncadd.s32 $0xFFFFFFA0  }
0x2b: {  	[tilespmem:s7], [sflag:$0x1] =	stream.indirect.gather [hbm4b:s2+s6], $0x1, s3, s6, $0xb8;
	[tilespmem:$0x200] =	vst v63  }
0x2c: {  	_ = 	snop  }
0x2d: {  	[tilespmem:s9], [sflag:$0x1] =	stream.indirect.gather [hbm4b:s8+s6], $0x1, s3, s6, $0xb8;
	[tilespmem:$0x200] =	vst v63  }
0x2e: {  	_ = 	snop  }
0x2f: {  	[tilespmem:s11], [sflag:$0x1] =	stream.indirect.gather [hbm4b:s10+s6], $0x1, s3, s6, $0xb8;
	[tilespmem:$0x200] =	vst v63  }
0x30: {  	_ =	swait.ge [sflag:s12], $0x60  }
0x31: {  	[sflag:s12] =	ssyncset.done $0x0  }
0x32: {  	[sflag:s12] =	ssyncadd.s32 $0xFFFFFFA0  }
0x33: {  	_ =	swait.ge [sflag:s12], $0x60  }
0x34: {  	[sflag:s12] =	ssyncset.done $0x0  }
0x35: {  	[sflag:s12] =	ssyncadd.s32 $0xFFFFFFA0  }
0x36: {  	_ =	swait.ge [sflag:s12], $0x60  }
0x37: {  	[sflag:s12] =	ssyncset.done $0x0  }
0x38: {  	[sflag:s12] =	ssyncadd.s32 $0xFFFFFFA0  }
0x39: {  	[hbm4b:s13+s3] =	stream.linear.scatter [tilespmem:s7], [sflag:$0x2], $0x60, $0x38;
	[tilespmem:$0x200] =	vst v63  }
0x3a: {  	_ =	swait.ge [sflag:s4], $0x60  }
0x3b: {  	[sflag:s4] =	ssyncset.done $0x0  }
0x3c: {  	[sflag:s4] =	ssyncadd.s32 $0xFFFFFFA0  }
0x3d: {  	[hbm4b:s14+s3] =	stream.linear.scatter [tilespmem:s9], [sflag:$0x2], $0x60, $0x38;
	[tilespmem:$0x200] =	vst v63  }
0x3e: {  	_ =	swait.ge [sflag:s4], $0x60  }
.Ltmp1:
0x3f: {  	[sflag:s4] =	ssyncset.done $0x0;
	(pc) =	sbr.rel @p0 .LBB2_1-.Ltmp1, $4  }
0x40: {  	[sflag:s4] =	ssyncadd.s32 $0xFFFFFFA0  }
0x41: {  	[hbm4b:s15+s3] =	stream.linear.scatter [tilespmem:s11], [sflag:$0x2], $0x60, $0x38;
	[tilespmem:$0x200] =	vst v63  }
0x42: {  	_ =	swait.ge [sflag:s4], $0x60  }
0x43: {  	[sflag:s4] =	ssyncset.done $0x0  }
.LBB2_2:
0x44: {  	[sflag:s4] =	ssyncadd.s32 $0xFFFFFFA0  }
0x45: {  	_ =	sfence.sel $0x180000  }
0x46: {  	[bflag:$0x0] =	sbarrier.arrive $0xFFFF  }
0x47: {  	p0 =	sne.s32 s0, $0x0;
	_ =	strace $0x9000005C  }
0x48: {  	s0 =	sadd.s32 @!p0 $0x100000, s1;
	[bflag:$0x2] =	sbarrier.arrive $0xFFFF  }
0x49: {  	[sflag:s0] =	ssyncadd.tile.s32 @!p0 $0x1;
	_ =	shalt  }
.Lfunc_end2:
_tile_overlayer_lowered:
.L_overlay_start_2:
0x4a: {  	(tag) =	ssettag $0x2  }
0x4b: {  	s0 =	rddreg [dreg:$0x0];
	s2 =	stileid.u32  }
0x4c: {  	s1 =	rddreg [dreg:$0x1];
	p0 =	sne.s32 s2, $0x0  }
0x4d: {  	s3 =	rddreg [dreg:$0x2];
	[bflag:$0x3] =	sbarrier.arrive $0xFFFF;
	s2 =	simm.s32 @!p0 $0x1C02  }
0x4e: {  	[timem:s3], [sflag:s2] =	dma.local @!p0 [hbm:s0], s1  }
0x4f: {  	s0 =	simm.s32 @!p0 $0x2  }
0x50: {  	_ =	swait.ge @!p0 [sflag:s0], s1  }
0x51: {  	s1 =	ssub.s32 @!p0 $0x0, s1;
	[sflag:s0] =	ssyncset.done @!p0 $0x0  }
0x52: {  	[sflag:s0] =	ssyncadd.s32 @!p0 s1  }
0x53: {  	[bflag:$0x3] =	sbarrier.arrive $0xFFFF  }
0x54: {  	_ =	shalt  }

// kernel: kernel.51.cloned.1.call-start
scs
__scs_entry_jumppad:
0x0: {  	(pc) =	sbr.rel $0x88, $3  }
0x1: {  	(tag) =	ssettag $0x0;
	lr =	simm.s32 $0x1  }
0x2: {  	[smem:$0x3F9F] =	sst lr;
	_ =	strace $0xD0000000  }
0x3: {  	_ = 	snop  }
0x4: {  	_ = 	snop  }
0x5: {  	_ = 	snop  }
0x6: {  	_ = 	snop  }
0x7: {  	_ = 	snop  }
__scs_overlays_trampoline_lowered:
0x8: {  	[smem:$0x3FAE] =	sst s0  }
0x9: {  	[smem:$0x3FAF] =	sst s1  }
0xa: {  	[smem:$0x3FB0] =	sst s2  }
0xb: {  	[smem:$0x3FB1] =	sst s3  }
0xc: {  	[smem:$0x3FB2] =	sst s4  }
0xd: {  	[smem:$0x3FB3] =	sst s5  }
0xe: {  	[smem:$0x3FB4] =	sst s6  }
0xf: {  	[smem:$0x3FB5] =	sst s7  }
0x10: {  	[smem:$0x3FB6] =	sst s8  }
0x11: {  	[smem:$0x3FB7] =	sst s9;
	s0 =	simm.s32 @!p0 $0x0  }
0x12: {  	s1 =	sld [smem:$0x3F9D];
	s0 =	simm.s32 @p0 $0x1  }
0x13: {  	[smem:$0x3FB8] =	sst s0;
	s0 =	simm.s32 @!p1 $0x0  }
0x14: {  	s2 =	sld [smem:$0x3F9C];
	s0 =	simm.s32 @p1 $0x1  }
0x15: {  	[smem:$0x3FB9] =	sst s0;
	s0 =	simm.s32 @!p2 $0x0  }
0x16: {  	s3 =	sld [smem:$0x3FDB];
	s0 =	simm.s32 @p2 $0x1  }
0x17: {  	s4 =	simm.s32 $0x1BF5;
	[smem:$0x3FBB] =	sst s0  }
0x18: {  	s0 =	sld [smem:$0x3F9E];
	_ =	swait.ge [sflag:s4], $0x0  }
0x19: {  	s7 =	sld [smem:$0x3F9F]  }
0x1a: {  	s8 =	sadd.s32 $0xFFFFE003, lr  }
0x1b: {  	s9 =	sadd.s32 $0xFFFFFEF7, lr;
	s5 =	simm.s32 $0xFFFFFFFF;
	p2 =	slt.u32 s8, $0xFFFFF086  }
0x1c: {  	p1 =	slt.u32 s9, $0xF7A;
	s5 =	simm.s32 @!p2 $0x0  }
0x1d: {  	s5 =	simm.s32 @p1 $0x1;
	p0 =	seq.s32 s7, s2  }
0x1e: {  	s7 =	smul.u32 @!p0 $0xF7A, s2;
	p2 =	seq.s32 @!p0 s5, $0x0  }
0x1f: {  	s9 =	smul.u32 $0xF7A, s1;
	s8 =	simm.s32 @!p0 $0x1BF5;
	p2 =	por !p2, p0  }
0x20: {  	[sflag:s8] =	ssyncset.s32 @!p0 $0xFFFFF086;
	s6 =	sadd.s32 @!p0 s3, s7;
	s7 =	simm.s32 @!p0 $0x108  }
0x21: {  	s3 =	sadd.s32 s3, s9;
	s6 =	sadd.s32 @!p0 $0x88, s6;
	s7 =	simm.s32 @p2 $0x1082  }
0x22: {  	[simem:s7], [sflag:s8] =	dma.local @!p0 [hbm:s6], $0xF7A  }
0x23: {  	s9 =	sor.u32 $0xD0000000, s2;
	s6 =	simm.s32 $0x108;
	_ =	swait.ge @!p0 [sflag:s8], $0x0  }
0x24: {  	s3 =	sadd.s32 $0x88, s3;
	s6 =	simm.s32 @!p1 $0x1082;
	[sflag:s4] =	ssyncset.s32 $0xFFFFF086  }
0x25: {  	[simem:s6], [sflag:s4] =	dma.local [hbm:s3], $0xF7A  }
0x26: {  	[smem:$0x3F9F] =	sst s1;
	(tag) =	ssettag s2;
	_ =	strace s9  }
0x27: {  	s1 =	sld [smem:$0x3FAF]  }
0x28: {  	s2 =	sld [smem:$0x3FB0]  }
0x29: {  	s4 =	sld [smem:$0x3FB2]  }
0x2a: {  	p0 =	seq.s32 s5, $0x0;
	s5 =	sld [smem:$0x3FB3]  }
0x2b: {  	s6 =	sld [smem:$0x3FB4]  }
0x2c: {  	s7 =	sld [smem:$0x3FB5]  }
0x2d: {  	s3 =	simm.s32 $0x108;
	s8 =	sld [smem:$0x3FB6]  }
0x2e: {  	s3 =	simm.s32 @!p0 $0x1082;
	s9 =	sld [smem:$0x3FB7]  }
0x2f: {  	lr =	sadd.s32 s0, s3;
	s0 =	sld [smem:$0x3FAE]  }
0x30: {  	s3 =	sld [smem:$0x3FB1]  }
0x31: {  	[smem:$0x3FBA] =	sst s10  }
0x32: {  	s10 =	sld [smem:$0x3FB8];
	_ =	sdelay $0x3  }
0x33: {  	p0 =	seq.s32 s10, $0x1;
	s10 =	sld [smem:$0x3FBA];
	_ =	sdelay $0x3  }
0x34: {  	[smem:$0x3FBA] =	sst s10  }
0x35: {  	s10 =	sld [smem:$0x3FB9];
	_ =	sdelay $0x3  }
0x36: {  	p1 =	seq.s32 s10, $0x1;
	s10 =	sld [smem:$0x3FBA];
	_ =	sdelay $0x3  }
0x37: {  	[smem:$0x3FBA] =	sst s10  }
0x38: {  	s10 =	sld [smem:$0x3FBB]  }
0x39: {  	_ = 	snop;
	(pc) =	sbr.ind lr, $3  }
0x3a: {  	_ = 	snop  }
0x3b: {  	_ = 	snop  }
0x3c: {  	p2 =	seq.s32 s10, $0x1;
	s10 =	sld [smem:$0x3FBA]  }
0x3d: {  	_ =	shalt  }
0x3e: {  	_ =	shalt  }
0x3f: {  	_ =	shalt  }
0x40: {  	_ =	shalt  }
0x41: {  	_ =	shalt  }
0x42: {  	_ =	shalt  }
0x43: {  	_ =	shalt  }
0x44: {  	_ =	shalt  }
0x45: {  	_ =	shalt  }
0x46: {  	_ =	shalt  }
0x47: {  	_ =	shalt  }
0x48: {  	_ =	shalt  }
0x49: {  	_ =	shalt  }
0x4a: {  	_ =	shalt  }
0x4b: {  	_ =	shalt  }
0x4c: {  	_ =	shalt  }
0x4d: {  	_ =	shalt  }
0x4e: {  	_ =	shalt  }
0x4f: {  	_ =	shalt  }
0x50: {  	_ =	shalt  }
0x51: {  	_ =	shalt  }
0x52: {  	_ =	shalt  }
0x53: {  	_ =	shalt  }
0x54: {  	_ =	shalt  }
0x55: {  	_ =	shalt  }
0x56: {  	_ =	shalt  }
0x57: {  	_ =	shalt  }
0x58: {  	_ =	shalt  }
0x59: {  	_ =	shalt  }
0x5a: {  	_ =	shalt  }
0x5b: {  	_ =	shalt  }
0x5c: {  	_ =	shalt  }
0x5d: {  	_ =	shalt  }
0x5e: {  	_ =	shalt  }
0x5f: {  	_ =	shalt  }
0x60: {  	_ =	shalt  }
0x61: {  	_ =	shalt  }
0x62: {  	_ =	shalt  }
0x63: {  	_ =	shalt  }
0x64: {  	_ =	shalt  }
0x65: {  	_ =	shalt  }
0x66: {  	_ =	shalt  }
0x67: {  	_ =	shalt  }
0x68: {  	_ =	shalt  }
0x69: {  	_ =	shalt  }
0x6a: {  	_ =	shalt  }
0x6b: {  	_ =	shalt  }
0x6c: {  	_ =	shalt  }
0x6d: {  	_ =	shalt  }
0x6e: {  	_ =	shalt  }
0x6f: {  	_ =	shalt  }
0x70: {  	_ =	shalt  }
0x71: {  	_ =	shalt  }
0x72: {  	_ =	shalt  }
0x73: {  	_ =	shalt  }
0x74: {  	_ =	shalt  }
0x75: {  	_ =	shalt  }
0x76: {  	_ =	shalt  }
0x77: {  	_ =	shalt  }
0x78: {  	_ =	shalt  }
0x79: {  	_ =	shalt  }
0x7a: {  	_ =	shalt  }
0x7b: {  	_ =	shalt  }
0x7c: {  	_ =	shalt  }
0x7d: {  	_ =	shalt  }
0x7e: {  	_ =	shalt  }
0x7f: {  	_ =	shalt  }
0x80: {  	_ =	shalt  }
0x81: {  	_ =	shalt  }
0x82: {  	_ =	shalt  }
0x83: {  	_ =	shalt  }
0x84: {  	_ =	shalt  }
0x85: {  	_ =	shalt  }
0x86: {  	_ =	shalt  }
0x87: {  	_ =	shalt  }
.Lfunc_end0:
.L_simem_size_0:
called_computation.8_lowered:
.L_overlay_start_0:
0x88: {  	s2 =	sld [smem:$0x3FD9]  }
0x89: {  	s3 =	sld [smem:$0x3FFE];
	_ =	sdelay $0x1  }
0x8a: {  	s1 =	srdreg.scid  }
0x8b: {  	s0 =	sand.u32 $0x1, s1  }
0x8c: {  	s14 =	sshll.u32 s0, $0xA;
	s2 =	sadd.s32 s3, s2  }
0x8d: {  	s2 =	sadd.s32 s2, s14  }
0x8e: {  	[smem:$0x3FC6] =	sst s2  }
0x8f: {  	_ = 	snop  }
0x90: {  	s2 =	sld [smem:$0x3FD0];
	_ =	sdelay $0x2  }
0x91: {  	s15 =	simm.s32 $0xA;
	s4 =	simm.s32 $0x10  }
0x92: {  	[smem:s4], [sflag:s15] =	dma.local [hbm:s2], $0x1  }
0x93: {  	_ =	swait.eq [sflag:s15], $0x1  }
0x94: {  	[sflag:s15] =	ssyncset.done $0x0  }
0x95: {  	[sflag:s15] =	ssyncadd.s32 $0xFFFFFFFF  }
0x96: {  	s16 =	sld [smem:$0x10];
	(tm) =	ssettm $0x1  }
0x97: {  	s17 =	sld [smem:$0x3FFB];
	_ =	sdelay $0x3  }
0x98: {  	_ =	strace s17  }
0x99: {  	s3 =	sld [smem:$0x3FFC];
	_ =	sdelay $0x3  }
0x9a: {  	_ =	strace s3  }
0x9b: {  	s3 =	sld [smem:$0x3FFD];
	_ =	sdelay $0x3  }
0x9c: {  	_ =	strace s3  }
0x9d: {  	_ =	strace $0x8FFFFFFF  }
0x9e: {  	s18 =	sld [smem:$0x3FDB];
	_ =	sdelay $0x1  }
0x9f: {  	s19 =	simm.s32 $_scs_section_size  }
0xa0: {  	s5 =	simm.s32 $_size__tile_overlayer_lowered;
	s6 =	simm.s32 $_tile_overlayer_lowered  }
0xa1: {  	s22 =	simm.s32 $0x1BFF;
	s21 =	sshll.u32 s6, $0x1;
	s3 =	sadd.s32 s19, s18  }
0xa2: {  	s7 =	simm.s32 $0x0;
	s20 =	sshll.u32 s5, $0x1;
	s5 =	sadd.s32 s21, s3  }
0xa3: {  	[timem:s7], [sflag:s22] =	dma.local [hbm:s5], s20  }
0xa4: {  	_ =	swait.ge [sflag:s22], s20  }
0xa5: {  	s4 =	ssub.s32 $0x0, s20;
	[sflag:s22] =	ssyncset.done $0x0  }
0xa6: {  	[sflag:s22] =	ssyncadd.s32 s4;
	_ =	sdelay $0x1  }
0xa7: {  	s23 =	simm.s32 $0x1B8B  }
0xa8: {  	_ =	swait.ge [sflag:s23], $0x1  }
0xa9: {  	[sflag:s23] =	ssyncset.done $0x0  }
0xaa: {  	s25 =	simm.s32 $0x1B8E;
	s24 =	sld [smem:$0x3FFE];
	[sflag:s23] =	ssyncadd.s32 $0xFFFFFFFF  }
0xab: {  	s26 =	simm.s32 $execute0_lowered;
	[smem:$0x3FD2] =	sst s25  }
0xac: {  	s5 =	sshll.u32 s26, $0x1;
	_ =	strace $0x8000005E;
	[dreg:$0x1] =	wrdreg $0xFFFFFFFF  }
0xad: {  	s28 =	simm.s32 $_size_execute0_lowered;
	s3 =	sadd.s32 s3, s5;
	[dreg:$0x0] =	wrdreg $0x0  }
0xae: {  	s5 =	sshll.u32 s28, $0x1;
	[dreg:$0x2] =	wrdreg s3  }
0xaf: {  	[dreg:$0x3] =	wrdreg s5  }
0xb0: {  	[dreg:$0x4] =	wrdreg $0xC0  }
0xb1: {  	_ =	task [dreg:s7], $0x5FFFF  }
0xb2: {  	[dreg:$0x1] =	wrdreg $0xFFFFFFFF  }
0xb3: {  	[dreg:$0x0] =	wrdreg $0x60  }
0xb4: {  	[dreg:$0x2] =	wrdreg s16  }
0xb5: {  	[dreg:$0x3] =	wrdreg s24  }
0xb6: {  	[dreg:$0x4] =	wrdreg $0x9  }
0xb7: {  	_ =	task.clear_ibuf [dreg:s7], $0x5FFFF;
	_ =	strace $0x9000005E  }
0xb8: {  	s29 =	simm.s32 $0x9;
	_ =	strace $0x80000060  }
0xb9: {  	_ =	swait.ge [sflag:s29], $0x1  }
0xba: {  	[sflag:s29] =	ssyncadd.s32 $0xFFFFFFFF  }
0xbb: {  	_ =	strace $0x90000060  }
0xbc: {  	_ =	sfence  }
0xbd: {  	s30 =	sld [smem:$0x0];
	_ =	sdelay $0x2  }
0xbe: {  	s31 =	sshll.u32 s1, $0xD;
	s1 =	sshrl.u32 s1, $0x2  }
0xbf: {  	s3 =	sand.u32 $0x4000, s31;
	s1 =	sadd.s32 s1, s30  }
0xc0: {  	s0 =	sor.u32 s3, s0;
	s1 =	sshll.u32 s1, $0x11  }
0xc1: {  	s0 =	sor.u32 s1, s0  }
0xc2: {  	s0 =	sadd.s32 $0x8F2B, s0  }
0xc3: {  	[sflag:s0] =	ssyncadd.remote.s32 $0x1  }
0xc4: {  	_ =	sfence.sel $0xFFFF  }
0xc5: {  	[dreg:$0x0] =	wrdreg $0xFFFFFFFF;
	(pc) =	sbr.abs _section_cstart, $3  }
0xc6: {  	[dreg:$0x1] =	wrdreg $0xFFFFFFFF  }
0xc7: {  	_ =	task.clear_ibuf [dreg:s7], $0x2FFFF;
	_ =	strace $0x9FFFFFFF  }
0xc8: {  	(tm) =	ssettm $0x7FFFFFFF  }
0xc9: {  	_ =	shalt  }
tec
execute0_lowered:
.L_overlay_start_1:
0x0: {  	(tag) =	ssettag $0x1  }
0x1: {  	s1 =	srdreg.scid;
	s0 =	stileid.u32  }
0x2: {  	s14 =	sand.u32 $0x1, s1;
	s31 =	sshll.u32 s0, $0x1  }
0x3: {  	s1 =	sor.u32 s14, s31  }
0x4: {  	s2 =	rddreg [dreg:$0x0];
	s4 =	smul.u32 $0x60, s1  }
0x5: {  	s10 =	rddreg [dreg:$0x1];
	s3 =	simm.s32 $0x0  }
0x6: {  	[smem:$0x7FF] =	sst s3;
	s4 =	sshrl.u32 s4, $0x3  }
0x7: {  	s1 =	rddreg [dreg:$0x2];
	s15 =	sadd.s32 s4, s10  }
0x8: {  	_ =	strace $0x8000005F;
	s4 =	simm.s32 $0x2;
	s5 =	sadd.s32 $0xC600, s15  }
0x9: {  	[tilespmem:s3], [sflag:$0x2] =	stream.linear.gather [hbm4b:s5+s3], $0x60, $0x38;
	[tilespmem:$0x200] =	vst v63  }
0xa: {  	_ =	swait.ge [sflag:s4], $0x60  }
0xb: {  	[sflag:s4] =	ssyncset.done $0x0  }
0xc: {  	s6 =	simm.s32 $0x60;
	s7 =	simm.s32 $0x80;
	[sflag:s4] =	ssyncadd.s32 $0xFFFFFFA0  }
0xd: {  	[tilespmem:s7], [sflag:$0x1] =	stream.indirect.gather [hbm4b:s2+s6], $0x1, s3, s6, $0xb8;
	[tilespmem:$0x200] =	vst v63  }
0xe: {  	s9 =	simm.s32 $0x100;
	s8 =	sadd.s32 $0xCCC00, s10  }
0xf: {  	[tilespmem:s9], [sflag:$0x1] =	stream.indirect.gather [hbm4b:s8+s6], $0x1, s3, s6, $0xb8;
	[tilespmem:$0x200] =	vst v63  }
0x10: {  	s11 =	simm.s32 $0x180;
	s12 =	simm.s32 $0x1;
	s10 =	sadd.s32 $0xCC00, s10  }
0x11: {  	[tilespmem:s11], [sflag:$0x1] =	stream.indirect.gather [hbm4b:s10+s6], $0x1, s3, s6, $0xb8;
	[tilespmem:$0x200] =	vst v63  }
0x12: {  	_ =	swait.ge [sflag:s12], $0x60  }
0x13: {  	[sflag:s12] =	ssyncset.done $0x0  }
0x14: {  	[sflag:s12] =	ssyncadd.s32 $0xFFFFFFA0  }
0x15: {  	_ =	swait.ge [sflag:s12], $0x60  }
0x16: {  	[sflag:s12] =	ssyncset.done $0x0  }
0x17: {  	[sflag:s12] =	ssyncadd.s32 $0xFFFFFFA0  }
0x18: {  	_ =	swait.ge [sflag:s12], $0x60  }
0x19: {  	[sflag:s12] =	ssyncset.done $0x0  }
0x1a: {  	s16 =	ssub.s32 $0x2, s14;
	s13 =	sadd.s32 $0x18CC00, s15;
	[sflag:s12] =	ssyncadd.s32 $0xFFFFFFA0  }
0x1b: {  	[hbm4b:s13+s3] =	stream.linear.scatter [tilespmem:s7], [sflag:$0x2], $0x60, $0x38;
	[tilespmem:$0x200] =	vst v63  }
0x1c: {  	s17 =	sshrl.u32 s16, $0x1;
	_ =	swait.ge [sflag:s4], $0x60  }
0x1d: {  	s16 =	ssub.s32 s16, s17;
	[sflag:s4] =	ssyncset.done $0x0  }
0x1e: {  	s16 =	smax.u32 s16, $0x1;
	s14 =	sadd.s32 $0x18CD80, s15;
	[sflag:s4] =	ssyncadd.s32 $0xFFFFFFA0  }
0x1f: {  	[hbm4b:s14+s3] =	stream.linear.scatter [tilespmem:s9], [sflag:$0x2], $0x60, $0x38;
	[tilespmem:$0x200] =	vst v63  }
0x20: {  	p0 =	sne.s32 s16, $0x1;
	_ =	swait.ge [sflag:s4], $0x60  }
.Ltmp0:
0x21: {  	[sflag:s4] =	ssyncset.done $0x0;
	(pc) =	sbr.rel @!p0 .LBB2_2-.Ltmp0, $4  }
0x22: {  	s15 =	sadd.s32 $0x18CF00, s15;
	[sflag:s4] =	ssyncadd.s32 $0xFFFFFFA0  }
0x23: {  	[hbm4b:s15+s3] =	stream.linear.scatter [tilespmem:s11], [sflag:$0x2], $0x60, $0x38;
	[tilespmem:$0x200] =	vst v63  }
0x24: {  	_ =	swait.ge [sflag:s4], $0x60  }
0x25: {  	s16 =	sadd.s32 $0xFFFFFFFF, s16;
	[sflag:s4] =	ssyncset.done $0x0  }
.LBB2_1:
0x26: {  	p0 =	sne.s32 s16, $0x1;
	s16 =	sadd.s32 $0xFFFFFFFF, s16;
	[sflag:s4] =	ssyncadd.s32 $0xFFFFFFA0  }
0x27: {  	[tilespmem:s3], [sflag:$0x2] =	stream.linear.gather [hbm4b:s5+s3], $0x60, $0x38;
	[tilespmem:$0x200] =	vst v63  }
0x28: {  	_ =	swait.ge [sflag:s4], $0x60  }
0x29: {  	[sflag:s4] =	ssyncset.done $0x0  }
0x2a: {  	[sflag:s4] =	ssyncadd.s32 $0xFFFFFFA0  }
0x2b: {  	[tilespmem:s7], [sflag:$0x1] =	stream.indirect.gather [hbm4b:s2+s6], $0x1, s3, s6, $0xb8;
	[tilespmem:$0x200] =	vst v63  }
0x2c: {  	_ = 	snop  }
0x2d: {  	[tilespmem:s9], [sflag:$0x1] =	stream.indirect.gather [hbm4b:s8+s6], $0x1, s3, s6, $0xb8;
	[tilespmem:$0x200] =	vst v63  }
0x2e: {  	_ = 	snop  }
0x2f: {  	[tilespmem:s11], [sflag:$0x1] =	stream.indirect.gather [hbm4b:s10+s6], $0x1, s3, s6, $0xb8;
	[tilespmem:$0x200] =	vst v63  }
0x30: {  	_ =	swait.ge [sflag:s12], $0x60  }
0x31: {  	[sflag:s12] =	ssyncset.done $0x0  }
0x32: {  	[sflag:s12] =	ssyncadd.s32 $0xFFFFFFA0  }
0x33: {  	_ =	swait.ge [sflag:s12], $0x60  }
0x34: {  	[sflag:s12] =	ssyncset.done $0x0  }
0x35: {  	[sflag:s12] =	ssyncadd.s32 $0xFFFFFFA0  }
0x36: {  	_ =	swait.ge [sflag:s12], $0x60  }
0x37: {  	[sflag:s12] =	ssyncset.done $0x0  }
0x38: {  	[sflag:s12] =	ssyncadd.s32 $0xFFFFFFA0  }
0x39: {  	[hbm4b:s13+s3] =	stream.linear.scatter [tilespmem:s7], [sflag:$0x2], $0x60, $0x38;
	[tilespmem:$0x200] =	vst v63  }
0x3a: {  	_ =	swait.ge [sflag:s4], $0x60  }
0x3b: {  	[sflag:s4] =	ssyncset.done $0x0  }
0x3c: {  	[sflag:s4] =	ssyncadd.s32 $0xFFFFFFA0  }
0x3d: {  	[hbm4b:s14+s3] =	stream.linear.scatter [tilespmem:s9], [sflag:$0x2], $0x60, $0x38;
	[tilespmem:$0x200] =	vst v63  }
0x3e: {  	_ =	swait.ge [sflag:s4], $0x60  }
.Ltmp1:
0x3f: {  	[sflag:s4] =	ssyncset.done $0x0;
	(pc) =	sbr.rel @p0 .LBB2_1-.Ltmp1, $4  }
0x40: {  	[sflag:s4] =	ssyncadd.s32 $0xFFFFFFA0  }
0x41: {  	[hbm4b:s15+s3] =	stream.linear.scatter [tilespmem:s11], [sflag:$0x2], $0x60, $0x38;
	[tilespmem:$0x200] =	vst v63  }
0x42: {  	_ =	swait.ge [sflag:s4], $0x60  }
0x43: {  	[sflag:s4] =	ssyncset.done $0x0  }
.LBB2_2:
0x44: {  	[sflag:s4] =	ssyncadd.s32 $0xFFFFFFA0  }
0x45: {  	_ =	sfence.sel $0x180000  }
0x46: {  	[bflag:$0x0] =	sbarrier.arrive $0xFFFF  }
0x47: {  	p0 =	sne.s32 s0, $0x0;
	_ =	strace $0x9000005F  }
0x48: {  	s0 =	sadd.s32 @!p0 $0x100000, s1;
	[bflag:$0x2] =	sbarrier.arrive $0xFFFF  }
0x49: {  	[sflag:s0] =	ssyncadd.tile.s32 @!p0 $0x1;
	_ =	shalt  }
.Lfunc_end2:
_tile_overlayer_lowered:
.L_overlay_start_2:
0x4a: {  	(tag) =	ssettag $0x2  }
0x4b: {  	s0 =	rddreg [dreg:$0x0];
	s2 =	stileid.u32  }
0x4c: {  	s1 =	rddreg [dreg:$0x1];
	p0 =	sne.s32 s2, $0x0  }
0x4d: {  	s3 =	rddreg [dreg:$0x2];
	[bflag:$0x3] =	sbarrier.arrive $0xFFFF;
	s2 =	simm.s32 @!p0 $0x1C02  }
0x4e: {  	[timem:s3], [sflag:s2] =	dma.local @!p0 [hbm:s0], s1  }
0x4f: {  	s0 =	simm.s32 @!p0 $0x2  }
0x50: {  	_ =	swait.ge @!p0 [sflag:s0], s1  }
0x51: {  	s1 =	ssub.s32 @!p0 $0x0, s1;
	[sflag:s0] =	ssyncset.done @!p0 $0x0  }
0x52: {  	[sflag:s0] =	ssyncadd.s32 @!p0 s1  }
0x53: {  	[bflag:$0x3] =	sbarrier.arrive $0xFFFF  }
0x54: {  	_ =	shalt  }

// kernel: kernel.54.cloned.1.call-start
scs
__scs_entry_jumppad:
0x0: {  	(pc) =	sbr.rel $0x88, $3  }
0x1: {  	(tag) =	ssettag $0x0;
	lr =	simm.s32 $0x1  }
0x2: {  	[smem:$0x3F9F] =	sst lr;
	_ =	strace $0xD0000000  }
0x3: {  	_ = 	snop  }
0x4: {  	_ = 	snop  }
0x5: {  	_ = 	snop  }
0x6: {  	_ = 	snop  }
0x7: {  	_ = 	snop  }
__scs_overlays_trampoline_lowered:
0x8: {  	[smem:$0x3FAE] =	sst s0  }
0x9: {  	[smem:$0x3FAF] =	sst s1  }
0xa: {  	[smem:$0x3FB0] =	sst s2  }
0xb: {  	[smem:$0x3FB1] =	sst s3  }
0xc: {  	[smem:$0x3FB2] =	sst s4  }
0xd: {  	[smem:$0x3FB3] =	sst s5  }
0xe: {  	[smem:$0x3FB4] =	sst s6  }
0xf: {  	[smem:$0x3FB5] =	sst s7  }
0x10: {  	[smem:$0x3FB6] =	sst s8  }
0x11: {  	[smem:$0x3FB7] =	sst s9;
	s0 =	simm.s32 @!p0 $0x0  }
0x12: {  	s1 =	sld [smem:$0x3F9D];
	s0 =	simm.s32 @p0 $0x1  }
0x13: {  	[smem:$0x3FB8] =	sst s0;
	s0 =	simm.s32 @!p1 $0x0  }
0x14: {  	s2 =	sld [smem:$0x3F9C];
	s0 =	simm.s32 @p1 $0x1  }
0x15: {  	[smem:$0x3FB9] =	sst s0;
	s0 =	simm.s32 @!p2 $0x0  }
0x16: {  	s3 =	sld [smem:$0x3FDB];
	s0 =	simm.s32 @p2 $0x1  }
0x17: {  	s4 =	simm.s32 $0x1BF5;
	[smem:$0x3FBB] =	sst s0  }
0x18: {  	s0 =	sld [smem:$0x3F9E];
	_ =	swait.ge [sflag:s4], $0x0  }
0x19: {  	s7 =	sld [smem:$0x3F9F]  }
0x1a: {  	s8 =	sadd.s32 $0xFFFFE003, lr  }
0x1b: {  	s9 =	sadd.s32 $0xFFFFFEF7, lr;
	s5 =	simm.s32 $0xFFFFFFFF;
	p2 =	slt.u32 s8, $0xFFFFF086  }
0x1c: {  	p1 =	slt.u32 s9, $0xF7A;
	s5 =	simm.s32 @!p2 $0x0  }
0x1d: {  	s5 =	simm.s32 @p1 $0x1;
	p0 =	seq.s32 s7, s2  }
0x1e: {  	s7 =	smul.u32 @!p0 $0xF7A, s2;
	p2 =	seq.s32 @!p0 s5, $0x0  }
0x1f: {  	s9 =	smul.u32 $0xF7A, s1;
	s8 =	simm.s32 @!p0 $0x1BF5;
	p2 =	por !p2, p0  }
0x20: {  	[sflag:s8] =	ssyncset.s32 @!p0 $0xFFFFF086;
	s6 =	sadd.s32 @!p0 s3, s7;
	s7 =	simm.s32 @!p0 $0x108  }
0x21: {  	s3 =	sadd.s32 s3, s9;
	s6 =	sadd.s32 @!p0 $0x88, s6;
	s7 =	simm.s32 @p2 $0x1082  }
0x22: {  	[simem:s7], [sflag:s8] =	dma.local @!p0 [hbm:s6], $0xF7A  }
0x23: {  	s9 =	sor.u32 $0xD0000000, s2;
	s6 =	simm.s32 $0x108;
	_ =	swait.ge @!p0 [sflag:s8], $0x0  }
0x24: {  	s3 =	sadd.s32 $0x88, s3;
	s6 =	simm.s32 @!p1 $0x1082;
	[sflag:s4] =	ssyncset.s32 $0xFFFFF086  }
0x25: {  	[simem:s6], [sflag:s4] =	dma.local [hbm:s3], $0xF7A  }
0x26: {  	[smem:$0x3F9F] =	sst s1;
	(tag) =	ssettag s2;
	_ =	strace s9  }
0x27: {  	s1 =	sld [smem:$0x3FAF]  }
0x28: {  	s2 =	sld [smem:$0x3FB0]  }
0x29: {  	s4 =	sld [smem:$0x3FB2]  }
0x2a: {  	p0 =	seq.s32 s5, $0x0;
	s5 =	sld [smem:$0x3FB3]  }
0x2b: {  	s6 =	sld [smem:$0x3FB4]  }
0x2c: {  	s7 =	sld [smem:$0x3FB5]  }
0x2d: {  	s3 =	simm.s32 $0x108;
	s8 =	sld [smem:$0x3FB6]  }
0x2e: {  	s3 =	simm.s32 @!p0 $0x1082;
	s9 =	sld [smem:$0x3FB7]  }
0x2f: {  	lr =	sadd.s32 s0, s3;
	s0 =	sld [smem:$0x3FAE]  }
0x30: {  	s3 =	sld [smem:$0x3FB1]  }
0x31: {  	[smem:$0x3FBA] =	sst s10  }
0x32: {  	s10 =	sld [smem:$0x3FB8];
	_ =	sdelay $0x3  }
0x33: {  	p0 =	seq.s32 s10, $0x1;
	s10 =	sld [smem:$0x3FBA];
	_ =	sdelay $0x3  }
0x34: {  	[smem:$0x3FBA] =	sst s10  }
0x35: {  	s10 =	sld [smem:$0x3FB9];
	_ =	sdelay $0x3  }
0x36: {  	p1 =	seq.s32 s10, $0x1;
	s10 =	sld [smem:$0x3FBA];
	_ =	sdelay $0x3  }
0x37: {  	[smem:$0x3FBA] =	sst s10  }
0x38: {  	s10 =	sld [smem:$0x3FBB]  }
0x39: {  	_ = 	snop;
	(pc) =	sbr.ind lr, $3  }
0x3a: {  	_ = 	snop  }
0x3b: {  	_ = 	snop  }
0x3c: {  	p2 =	seq.s32 s10, $0x1;
	s10 =	sld [smem:$0x3FBA]  }
0x3d: {  	_ =	shalt  }
0x3e: {  	_ =	shalt  }
0x3f: {  	_ =	shalt  }
0x40: {  	_ =	shalt  }
0x41: {  	_ =	shalt  }
0x42: {  	_ =	shalt  }
0x43: {  	_ =	shalt  }
0x44: {  	_ =	shalt  }
0x45: {  	_ =	shalt  }
0x46: {  	_ =	shalt  }
0x47: {  	_ =	shalt  }
0x48: {  	_ =	shalt  }
0x49: {  	_ =	shalt  }
0x4a: {  	_ =	shalt  }
0x4b: {  	_ =	shalt  }
0x4c: {  	_ =	shalt  }
0x4d: {  	_ =	shalt  }
0x4e: {  	_ =	shalt  }
0x4f: {  	_ =	shalt  }
0x50: {  	_ =	shalt  }
0x51: {  	_ =	shalt  }
0x52: {  	_ =	shalt  }
0x53: {  	_ =	shalt  }
0x54: {  	_ =	shalt  }
0x55: {  	_ =	shalt  }
0x56: {  	_ =	shalt  }
0x57: {  	_ =	shalt  }
0x58: {  	_ =	shalt  }
0x59: {  	_ =	shalt  }
0x5a: {  	_ =	shalt  }
0x5b: {  	_ =	shalt  }
0x5c: {  	_ =	shalt  }
0x5d: {  	_ =	shalt  }
0x5e: {  	_ =	shalt  }
0x5f: {  	_ =	shalt  }
0x60: {  	_ =	shalt  }
0x61: {  	_ =	shalt  }
0x62: {  	_ =	shalt  }
0x63: {  	_ =	shalt  }
0x64: {  	_ =	shalt  }
0x65: {  	_ =	shalt  }
0x66: {  	_ =	shalt  }
0x67: {  	_ =	shalt  }
0x68: {  	_ =	shalt  }
0x69: {  	_ =	shalt  }
0x6a: {  	_ =	shalt  }
0x6b: {  	_ =	shalt  }
0x6c: {  	_ =	shalt  }
0x6d: {  	_ =	shalt  }
0x6e: {  	_ =	shalt  }
0x6f: {  	_ =	shalt  }
0x70: {  	_ =	shalt  }
0x71: {  	_ =	shalt  }
0x72: {  	_ =	shalt  }
0x73: {  	_ =	shalt  }
0x74: {  	_ =	shalt  }
0x75: {  	_ =	shalt  }
0x76: {  	_ =	shalt  }
0x77: {  	_ =	shalt  }
0x78: {  	_ =	shalt  }
0x79: {  	_ =	shalt  }
0x7a: {  	_ =	shalt  }
0x7b: {  	_ =	shalt  }
0x7c: {  	_ =	shalt  }
0x7d: {  	_ =	shalt  }
0x7e: {  	_ =	shalt  }
0x7f: {  	_ =	shalt  }
0x80: {  	_ =	shalt  }
0x81: {  	_ =	shalt  }
0x82: {  	_ =	shalt  }
0x83: {  	_ =	shalt  }
0x84: {  	_ =	shalt  }
0x85: {  	_ =	shalt  }
0x86: {  	_ =	shalt  }
0x87: {  	_ =	shalt  }
.Lfunc_end0:
.L_simem_size_0:
called_computation.9_lowered:
.L_overlay_start_0:
0x88: {  	s2 =	sld [smem:$0x3FD9]  }
0x89: {  	s3 =	sld [smem:$0x3FFE];
	_ =	sdelay $0x1  }
0x8a: {  	s1 =	srdreg.scid  }
0x8b: {  	s0 =	sand.u32 $0x1, s1  }
0x8c: {  	s14 =	sshll.u32 s0, $0xA;
	s2 =	sadd.s32 s3, s2  }
0x8d: {  	s2 =	sadd.s32 s2, s14  }
0x8e: {  	[smem:$0x3FC6] =	sst s2  }
0x8f: {  	_ = 	snop  }
0x90: {  	s2 =	sld [smem:$0x3FD0];
	_ =	sdelay $0x2  }
0x91: {  	s15 =	simm.s32 $0xA;
	s4 =	simm.s32 $0x10  }
0x92: {  	[smem:s4], [sflag:s15] =	dma.local [hbm:s2], $0x1  }
0x93: {  	_ =	swait.eq [sflag:s15], $0x1  }
0x94: {  	[sflag:s15] =	ssyncset.done $0x0  }
0x95: {  	s16 =	sld [smem:$0x10];
	[sflag:s15] =	ssyncadd.s32 $0xFFFFFFFF  }
0x96: {  	s17 =	sld [smem:$0x12];
	(tm) =	ssettm $0x1  }
0x97: {  	s18 =	sld [smem:$0x3FFB];
	_ =	sdelay $0x3  }
0x98: {  	_ =	strace s18  }
0x99: {  	s4 =	sld [smem:$0x3FFC];
	_ =	sdelay $0x3  }
0x9a: {  	_ =	strace s4  }
0x9b: {  	s4 =	sld [smem:$0x3FFD];
	_ =	sdelay $0x3  }
0x9c: {  	_ =	strace s4  }
0x9d: {  	_ =	strace $0x8FFFFFFF  }
0x9e: {  	s19 =	sld [smem:$0x3FDB];
	_ =	sdelay $0x1  }
0x9f: {  	s5 =	simm.s32 $_scs_section_size  }
0xa0: {  	s6 =	simm.s32 $_size__tile_overlayer_lowered;
	s7 =	simm.s32 $_tile_overlayer_lowered  }
0xa1: {  	s22 =	simm.s32 $0x1BFF;
	s21 =	sshll.u32 s7, $0x1;
	s4 =	sadd.s32 s5, s19  }
0xa2: {  	s8 =	simm.s32 $0x0;
	s20 =	sshll.u32 s6, $0x1;
	s6 =	sadd.s32 s21, s4  }
0xa3: {  	[timem:s8], [sflag:s22] =	dma.local [hbm:s6], s20  }
0xa4: {  	_ =	swait.ge [sflag:s22], s20  }
0xa5: {  	s5 =	ssub.s32 $0x0, s20;
	[sflag:s22] =	ssyncset.done $0x0  }
0xa6: {  	[sflag:s22] =	ssyncadd.s32 s5;
	_ =	sdelay $0x1  }
0xa7: {  	s23 =	simm.s32 $0x1B8B  }
0xa8: {  	_ =	swait.ge [sflag:s23], $0x1  }
0xa9: {  	[sflag:s23] =	ssyncset.done $0x0  }
0xaa: {  	s25 =	simm.s32 $0x1B8E;
	s24 =	sld [smem:$0x3FFE];
	[sflag:s23] =	ssyncadd.s32 $0xFFFFFFFF  }
0xab: {  	s26 =	simm.s32 $execute0_lowered;
	[smem:$0x3FD2] =	sst s25  }
0xac: {  	s6 =	sshll.u32 s26, $0x1;
	_ =	strace $0x80000061;
	[dreg:$0x1] =	wrdreg $0xFFFFFFFF  }
0xad: {  	s28 =	simm.s32 $_size_execute0_lowered;
	s4 =	sadd.s32 s4, s6;
	[dreg:$0x0] =	wrdreg $0x0  }
0xae: {  	s6 =	sshll.u32 s28, $0x1;
	[dreg:$0x2] =	wrdreg s4  }
0xaf: {  	[dreg:$0x3] =	wrdreg s6  }
0xb0: {  	[dreg:$0x4] =	wrdreg $0xC0  }
0xb1: {  	_ =	task [dreg:s8], $0x5FFFF  }
0xb2: {  	[dreg:$0x1] =	wrdreg $0xFFFFFFFF  }
0xb3: {  	[dreg:$0x0] =	wrdreg $0x60  }
0xb4: {  	[dreg:$0x2] =	wrdreg s16  }
0xb5: {  	[dreg:$0x3] =	wrdreg s24  }
0xb6: {  	[dreg:$0x4] =	wrdreg s17  }
0xb7: {  	[dreg:$0x5] =	wrdreg $0x9  }
0xb8: {  	_ =	task.clear_ibuf [dreg:s8], $0x6FFFF;
	_ =	strace $0x90000061  }
0xb9: {  	s29 =	simm.s32 $0x9;
	_ =	strace $0x80000063  }
0xba: {  	_ =	swait.ge [sflag:s29], $0x1  }
0xbb: {  	[sflag:s29] =	ssyncadd.s32 $0xFFFFFFFF  }
0xbc: {  	_ =	strace $0x90000063  }
0xbd: {  	_ =	sfence  }
0xbe: {  	s30 =	sld [smem:$0x0];
	_ =	sdelay $0x2  }
0xbf: {  	s31 =	sshll.u32 s1, $0xD;
	s1 =	sshrl.u32 s1, $0x2  }
0xc0: {  	s3 =	sand.u32 $0x4000, s31;
	s1 =	sadd.s32 s1, s30  }
0xc1: {  	s0 =	sor.u32 s3, s0;
	s1 =	sshll.u32 s1, $0x11  }
0xc2: {  	s0 =	sor.u32 s1, s0  }
0xc3: {  	s0 =	sadd.s32 $0x8F2B, s0  }
0xc4: {  	[sflag:s0] =	ssyncadd.remote.s32 $0x1  }
0xc5: {  	_ =	sfence.sel $0xFFFF  }
0xc6: {  	[dreg:$0x0] =	wrdreg $0xFFFFFFFF;
	(pc) =	sbr.abs _section_cstart, $3  }
0xc7: {  	[dreg:$0x1] =	wrdreg $0xFFFFFFFF  }
0xc8: {  	_ =	task.clear_ibuf [dreg:s8], $0x2FFFF;
	_ =	strace $0x9FFFFFFF  }
0xc9: {  	(tm) =	ssettm $0x7FFFFFFF  }
tec
execute0_lowered:
.L_overlay_start_1:
0x0: {  	(tag) =	ssettag $0x1  }
0x1: {  	s1 =	srdreg.scid;
	s0 =	stileid.u32  }
0x2: {  	s2 =	rddreg [dreg:$0x0];
	s14 =	sand.u32 $0x1, s1;
	s31 =	sshll.u32 s0, $0x1  }
0x3: {  	s13 =	rddreg [dreg:$0x1];
	s1 =	sor.u32 s14, s31  }
0x4: {  	s4 =	rddreg [dreg:$0x2];
	s3 =	simm.s32 $0x0;
	s5 =	smul.u32 $0x60, s1  }
0x5: {  	[smem:$0x7FF] =	sst s3  }
0x6: {  	s1 =	rddreg [dreg:$0x3];
	s15 =	sshrl.u32 s5, $0x3  }
0x7: {  	_ =	strace $0x80000062;
	s5 =	sadd.s32 s4, s15;
	s4 =	simm.s32 $0x2  }
0x8: {  	[tilespmem:s3], [sflag:$0x2] =	stream.linear.gather [hbm4b:s5+s3], $0x60, $0x38;
	[tilespmem:$0x200] =	vst v63  }
0x9: {  	_ =	swait.ge [sflag:s4], $0x60  }
0xa: {  	[sflag:s4] =	ssyncset.done $0x0  }
0xb: {  	s6 =	simm.s32 $0x60;
	s7 =	simm.s32 $0x80;
	[sflag:s4] =	ssyncadd.s32 $0xFFFFFFA0  }
0xc: {  	[tilespmem:s7], [sflag:$0x1] =	stream.indirect.gather [hbm4b:s2+s6], $0x1, s3, s6, $0xb8;
	[tilespmem:$0x200] =	vst v63  }
0xd: {  	s9 =	simm.s32 $0x100;
	s8 =	sadd.s32 $0xCCC00, s13  }
0xe: {  	[tilespmem:s9], [sflag:$0x1] =	stream.indirect.gather [hbm4b:s8+s6], $0x1, s3, s6, $0xb8;
	[tilespmem:$0x200] =	vst v63  }
0xf: {  	s11 =	simm.s32 $0x180;
	s12 =	simm.s32 $0x1;
	s10 =	sadd.s32 $0xCC00, s13  }
0x10: {  	[tilespmem:s11], [sflag:$0x1] =	stream.indirect.gather [hbm4b:s10+s6], $0x1, s3, s6, $0xb8;
	[tilespmem:$0x200] =	vst v63  }
0x11: {  	_ =	swait.ge [sflag:s12], $0x60  }
0x12: {  	[sflag:s12] =	ssyncset.done $0x0  }
0x13: {  	[sflag:s12] =	ssyncadd.s32 $0xFFFFFFA0  }
0x14: {  	_ =	swait.ge [sflag:s12], $0x60  }
0x15: {  	[sflag:s12] =	ssyncset.done $0x0  }
0x16: {  	[sflag:s12] =	ssyncadd.s32 $0xFFFFFFA0  }
0x17: {  	_ =	swait.ge [sflag:s12], $0x60  }
0x18: {  	s15 =	sadd.s32 s15, s13;
	[sflag:s12] =	ssyncset.done $0x0  }
0x19: {  	s16 =	ssub.s32 $0x2, s14;
	s13 =	sadd.s32 $0x18CC00, s15;
	[sflag:s12] =	ssyncadd.s32 $0xFFFFFFA0  }
0x1a: {  	[hbm4b:s13+s3] =	stream.linear.scatter [tilespmem:s7], [sflag:$0x2], $0x60, $0x38;
	[tilespmem:$0x200] =	vst v63  }
0x1b: {  	s17 =	sshrl.u32 s16, $0x1;
	_ =	swait.ge [sflag:s4], $0x60  }
0x1c: {  	s16 =	ssub.s32 s16, s17;
	[sflag:s4] =	ssyncset.done $0x0  }
0x1d: {  	s16 =	smax.u32 s16, $0x1;
	s14 =	sadd.s32 $0x18CD80, s15;
	[sflag:s4] =	ssyncadd.s32 $0xFFFFFFA0  }
0x1e: {  	[hbm4b:s14+s3] =	stream.linear.scatter [tilespmem:s9], [sflag:$0x2], $0x60, $0x38;
	[tilespmem:$0x200] =	vst v63  }
0x1f: {  	p0 =	sne.s32 s16, $0x1;
	_ =	swait.ge [sflag:s4], $0x60  }
.Ltmp0:
0x20: {  	[sflag:s4] =	ssyncset.done $0x0;
	(pc) =	sbr.rel @!p0 .LBB2_2-.Ltmp0, $4  }
0x21: {  	s15 =	sadd.s32 $0x18CF00, s15;
	[sflag:s4] =	ssyncadd.s32 $0xFFFFFFA0  }
0x22: {  	[hbm4b:s15+s3] =	stream.linear.scatter [tilespmem:s11], [sflag:$0x2], $0x60, $0x38;
	[tilespmem:$0x200] =	vst v63  }
0x23: {  	_ =	swait.ge [sflag:s4], $0x60  }
0x24: {  	s16 =	sadd.s32 $0xFFFFFFFF, s16;
	[sflag:s4] =	ssyncset.done $0x0  }
.LBB2_1:
0x25: {  	p0 =	sne.s32 s16, $0x1;
	s16 =	sadd.s32 $0xFFFFFFFF, s16;
	[sflag:s4] =	ssyncadd.s32 $0xFFFFFFA0  }
0x26: {  	[tilespmem:s3], [sflag:$0x2] =	stream.linear.gather [hbm4b:s5+s3], $0x60, $0x38;
	[tilespmem:$0x200] =	vst v63  }
0x27: {  	_ =	swait.ge [sflag:s4], $0x60  }
0x28: {  	[sflag:s4] =	ssyncset.done $0x0  }
0x29: {  	[sflag:s4] =	ssyncadd.s32 $0xFFFFFFA0  }
0x2a: {  	[tilespmem:s7], [sflag:$0x1] =	stream.indirect.gather [hbm4b:s2+s6], $0x1, s3, s6, $0xb8;
	[tilespmem:$0x200] =	vst v63  }
0x2b: {  	_ = 	snop  }
0x2c: {  	[tilespmem:s9], [sflag:$0x1] =	stream.indirect.gather [hbm4b:s8+s6], $0x1, s3, s6, $0xb8;
	[tilespmem:$0x200] =	vst v63  }
0x2d: {  	_ = 	snop  }
0x2e: {  	[tilespmem:s11], [sflag:$0x1] =	stream.indirect.gather [hbm4b:s10+s6], $0x1, s3, s6, $0xb8;
	[tilespmem:$0x200] =	vst v63  }
0x2f: {  	_ =	swait.ge [sflag:s12], $0x60  }
0x30: {  	[sflag:s12] =	ssyncset.done $0x0  }
0x31: {  	[sflag:s12] =	ssyncadd.s32 $0xFFFFFFA0  }
0x32: {  	_ =	swait.ge [sflag:s12], $0x60  }
0x33: {  	[sflag:s12] =	ssyncset.done $0x0  }
0x34: {  	[sflag:s12] =	ssyncadd.s32 $0xFFFFFFA0  }
0x35: {  	_ =	swait.ge [sflag:s12], $0x60  }
0x36: {  	[sflag:s12] =	ssyncset.done $0x0  }
0x37: {  	[sflag:s12] =	ssyncadd.s32 $0xFFFFFFA0  }
0x38: {  	[hbm4b:s13+s3] =	stream.linear.scatter [tilespmem:s7], [sflag:$0x2], $0x60, $0x38;
	[tilespmem:$0x200] =	vst v63  }
0x39: {  	_ =	swait.ge [sflag:s4], $0x60  }
0x3a: {  	[sflag:s4] =	ssyncset.done $0x0  }
0x3b: {  	[sflag:s4] =	ssyncadd.s32 $0xFFFFFFA0  }
0x3c: {  	[hbm4b:s14+s3] =	stream.linear.scatter [tilespmem:s9], [sflag:$0x2], $0x60, $0x38;
	[tilespmem:$0x200] =	vst v63  }
0x3d: {  	_ =	swait.ge [sflag:s4], $0x60  }
.Ltmp1:
0x3e: {  	[sflag:s4] =	ssyncset.done $0x0;
	(pc) =	sbr.rel @p0 .LBB2_1-.Ltmp1, $4  }
0x3f: {  	[sflag:s4] =	ssyncadd.s32 $0xFFFFFFA0  }
0x40: {  	[hbm4b:s15+s3] =	stream.linear.scatter [tilespmem:s11], [sflag:$0x2], $0x60, $0x38;
	[tilespmem:$0x200] =	vst v63  }
0x41: {  	_ =	swait.ge [sflag:s4], $0x60  }
0x42: {  	[sflag:s4] =	ssyncset.done $0x0  }
.LBB2_2:
0x43: {  	[sflag:s4] =	ssyncadd.s32 $0xFFFFFFA0  }
0x44: {  	_ =	sfence.sel $0x180000  }
0x45: {  	[bflag:$0x0] =	sbarrier.arrive $0xFFFF  }
0x46: {  	p0 =	sne.s32 s0, $0x0;
	_ =	strace $0x90000062  }
0x47: {  	s0 =	sadd.s32 @!p0 $0x100000, s1;
	[bflag:$0x2] =	sbarrier.arrive $0xFFFF  }
0x48: {  	[sflag:s0] =	ssyncadd.tile.s32 @!p0 $0x1;
	_ =	shalt  }
.Lfunc_end2:
_tile_overlayer_lowered:
.L_overlay_start_2:
0x49: {  	(tag) =	ssettag $0x2  }
0x4a: {  	s0 =	rddreg [dreg:$0x0];
	s2 =	stileid.u32  }
0x4b: {  	s1 =	rddreg [dreg:$0x1];
	p0 =	sne.s32 s2, $0x0  }
0x4c: {  	s3 =	rddreg [dreg:$0x2];
	[bflag:$0x3] =	sbarrier.arrive $0xFFFF;
	s2 =	simm.s32 @!p0 $0x1C02  }
0x4d: {  	[timem:s3], [sflag:s2] =	dma.local @!p0 [hbm:s0], s1  }
0x4e: {  	s0 =	simm.s32 @!p0 $0x2  }
0x4f: {  	_ =	swait.ge @!p0 [sflag:s0], s1  }
0x50: {  	s1 =	ssub.s32 @!p0 $0x0, s1;
	[sflag:s0] =	ssyncset.done @!p0 $0x0  }
0x51: {  	[sflag:s0] =	ssyncadd.s32 @!p0 s1  }
0x52: {  	[bflag:$0x3] =	sbarrier.arrive $0xFFFF  }
0x53: {  	_ =	shalt  }

// kernel: kernel.57.cloned.1.call-start
scs
__scs_entry_jumppad:
0x0: {  	(pc) =	sbr.rel $0x88, $3  }
0x1: {  	(tag) =	ssettag $0x0;
	lr =	simm.s32 $0x1  }
0x2: {  	[smem:$0x3F9F] =	sst lr;
	_ =	strace $0xD0000000  }
0x3: {  	_ = 	snop  }
0x4: {  	_ = 	snop  }
0x5: {  	_ = 	snop  }
0x6: {  	_ = 	snop  }
0x7: {  	_ = 	snop  }
__scs_overlays_trampoline_lowered:
0x8: {  	[smem:$0x3FAE] =	sst s0  }
0x9: {  	[smem:$0x3FAF] =	sst s1  }
0xa: {  	[smem:$0x3FB0] =	sst s2  }
0xb: {  	[smem:$0x3FB1] =	sst s3  }
0xc: {  	[smem:$0x3FB2] =	sst s4  }
0xd: {  	[smem:$0x3FB3] =	sst s5  }
0xe: {  	[smem:$0x3FB4] =	sst s6  }
0xf: {  	[smem:$0x3FB5] =	sst s7  }
0x10: {  	[smem:$0x3FB6] =	sst s8  }
0x11: {  	[smem:$0x3FB7] =	sst s9;
	s0 =	simm.s32 @!p0 $0x0  }
0x12: {  	s1 =	sld [smem:$0x3F9D];
	s0 =	simm.s32 @p0 $0x1  }
0x13: {  	[smem:$0x3FB8] =	sst s0;
	s0 =	simm.s32 @!p1 $0x0  }
0x14: {  	s2 =	sld [smem:$0x3F9C];
	s0 =	simm.s32 @p1 $0x1  }
0x15: {  	[smem:$0x3FB9] =	sst s0;
	s0 =	simm.s32 @!p2 $0x0  }
0x16: {  	s3 =	sld [smem:$0x3FDB];
	s0 =	simm.s32 @p2 $0x1  }
0x17: {  	s4 =	simm.s32 $0x1BF5;
	[smem:$0x3FBB] =	sst s0  }
0x18: {  	s0 =	sld [smem:$0x3F9E];
	_ =	swait.ge [sflag:s4], $0x0  }
0x19: {  	s7 =	sld [smem:$0x3F9F]  }
0x1a: {  	s8 =	sadd.s32 $0xFFFFE003, lr  }
0x1b: {  	s9 =	sadd.s32 $0xFFFFFEF7, lr;
	s5 =	simm.s32 $0xFFFFFFFF;
	p2 =	slt.u32 s8, $0xFFFFF086  }
0x1c: {  	p1 =	slt.u32 s9, $0xF7A;
	s5 =	simm.s32 @!p2 $0x0  }
0x1d: {  	s5 =	simm.s32 @p1 $0x1;
	p0 =	seq.s32 s7, s2  }
0x1e: {  	s7 =	smul.u32 @!p0 $0xF7A, s2;
	p2 =	seq.s32 @!p0 s5, $0x0  }
0x1f: {  	s9 =	smul.u32 $0xF7A, s1;
	s8 =	simm.s32 @!p0 $0x1BF5;
	p2 =	por !p2, p0  }
0x20: {  	[sflag:s8] =	ssyncset.s32 @!p0 $0xFFFFF086;
	s6 =	sadd.s32 @!p0 s3, s7;
	s7 =	simm.s32 @!p0 $0x108  }
0x21: {  	s3 =	sadd.s32 s3, s9;
	s6 =	sadd.s32 @!p0 $0x88, s6;
	s7 =	simm.s32 @p2 $0x1082  }
0x22: {  	[simem:s7], [sflag:s8] =	dma.local @!p0 [hbm:s6], $0xF7A  }
0x23: {  	s9 =	sor.u32 $0xD0000000, s2;
	s6 =	simm.s32 $0x108;
	_ =	swait.ge @!p0 [sflag:s8], $0x0  }
0x24: {  	s3 =	sadd.s32 $0x88, s3;
	s6 =	simm.s32 @!p1 $0x1082;
	[sflag:s4] =	ssyncset.s32 $0xFFFFF086  }
0x25: {  	[simem:s6], [sflag:s4] =	dma.local [hbm:s3], $0xF7A  }
0x26: {  	[smem:$0x3F9F] =	sst s1;
	(tag) =	ssettag s2;
	_ =	strace s9  }
0x27: {  	s1 =	sld [smem:$0x3FAF]  }
0x28: {  	s2 =	sld [smem:$0x3FB0]  }
0x29: {  	s4 =	sld [smem:$0x3FB2]  }
0x2a: {  	p0 =	seq.s32 s5, $0x0;
	s5 =	sld [smem:$0x3FB3]  }
0x2b: {  	s6 =	sld [smem:$0x3FB4]  }
0x2c: {  	s7 =	sld [smem:$0x3FB5]  }
0x2d: {  	s3 =	simm.s32 $0x108;
	s8 =	sld [smem:$0x3FB6]  }
0x2e: {  	s3 =	simm.s32 @!p0 $0x1082;
	s9 =	sld [smem:$0x3FB7]  }
0x2f: {  	lr =	sadd.s32 s0, s3;
	s0 =	sld [smem:$0x3FAE]  }
0x30: {  	s3 =	sld [smem:$0x3FB1]  }
0x31: {  	[smem:$0x3FBA] =	sst s10  }
0x32: {  	s10 =	sld [smem:$0x3FB8];
	_ =	sdelay $0x3  }
0x33: {  	p0 =	seq.s32 s10, $0x1;
	s10 =	sld [smem:$0x3FBA];
	_ =	sdelay $0x3  }
0x34: {  	[smem:$0x3FBA] =	sst s10  }
0x35: {  	s10 =	sld [smem:$0x3FB9];
	_ =	sdelay $0x3  }
0x36: {  	p1 =	seq.s32 s10, $0x1;
	s10 =	sld [smem:$0x3FBA];
	_ =	sdelay $0x3  }
0x37: {  	[smem:$0x3FBA] =	sst s10  }
0x38: {  	s10 =	sld [smem:$0x3FBB]  }
0x39: {  	_ = 	snop;
	(pc) =	sbr.ind lr, $3  }
0x3a: {  	_ = 	snop  }
0x3b: {  	_ = 	snop  }
0x3c: {  	p2 =	seq.s32 s10, $0x1;
	s10 =	sld [smem:$0x3FBA]  }
0x3d: {  	_ =	shalt  }
0x3e: {  	_ =	shalt  }
0x3f: {  	_ =	shalt  }
0x40: {  	_ =	shalt  }
0x41: {  	_ =	shalt  }
0x42: {  	_ =	shalt  }
0x43: {  	_ =	shalt  }
0x44: {  	_ =	shalt  }
0x45: {  	_ =	shalt  }
0x46: {  	_ =	shalt  }
0x47: {  	_ =	shalt  }
0x48: {  	_ =	shalt  }
0x49: {  	_ =	shalt  }
0x4a: {  	_ =	shalt  }
0x4b: {  	_ =	shalt  }
0x4c: {  	_ =	shalt  }
0x4d: {  	_ =	shalt  }
0x4e: {  	_ =	shalt  }
0x4f: {  	_ =	shalt  }
0x50: {  	_ =	shalt  }
0x51: {  	_ =	shalt  }
0x52: {  	_ =	shalt  }
0x53: {  	_ =	shalt  }
0x54: {  	_ =	shalt  }
0x55: {  	_ =	shalt  }
0x56: {  	_ =	shalt  }
0x57: {  	_ =	shalt  }
0x58: {  	_ =	shalt  }
0x59: {  	_ =	shalt  }
0x5a: {  	_ =	shalt  }
0x5b: {  	_ =	shalt  }
0x5c: {  	_ =	shalt  }
0x5d: {  	_ =	shalt  }
0x5e: {  	_ =	shalt  }
0x5f: {  	_ =	shalt  }
0x60: {  	_ =	shalt  }
0x61: {  	_ =	shalt  }
0x62: {  	_ =	shalt  }
0x63: {  	_ =	shalt  }
0x64: {  	_ =	shalt  }
0x65: {  	_ =	shalt  }
0x66: {  	_ =	shalt  }
0x67: {  	_ =	shalt  }
0x68: {  	_ =	shalt  }
0x69: {  	_ =	shalt  }
0x6a: {  	_ =	shalt  }
0x6b: {  	_ =	shalt  }
0x6c: {  	_ =	shalt  }
0x6d: {  	_ =	shalt  }
0x6e: {  	_ =	shalt  }
0x6f: {  	_ =	shalt  }
0x70: {  	_ =	shalt  }
0x71: {  	_ =	shalt  }
0x72: {  	_ =	shalt  }
0x73: {  	_ =	shalt  }
0x74: {  	_ =	shalt  }
0x75: {  	_ =	shalt  }
0x76: {  	_ =	shalt  }
0x77: {  	_ =	shalt  }
0x78: {  	_ =	shalt  }
0x79: {  	_ =	shalt  }
0x7a: {  	_ =	shalt  }
0x7b: {  	_ =	shalt  }
0x7c: {  	_ =	shalt  }
0x7d: {  	_ =	shalt  }
0x7e: {  	_ =	shalt  }
0x7f: {  	_ =	shalt  }
0x80: {  	_ =	shalt  }
0x81: {  	_ =	shalt  }
0x82: {  	_ =	shalt  }
0x83: {  	_ =	shalt  }
0x84: {  	_ =	shalt  }
0x85: {  	_ =	shalt  }
0x86: {  	_ =	shalt  }
0x87: {  	_ =	shalt  }
.Lfunc_end0:
.L_simem_size_0:
called_computation.10_lowered:
.L_overlay_start_0:
0x88: {  	s2 =	sld [smem:$0x3FD9]  }
0x89: {  	s3 =	sld [smem:$0x3FFE];
	_ =	sdelay $0x1  }
0x8a: {  	s1 =	srdreg.scid  }
0x8b: {  	s0 =	sand.u32 $0x1, s1  }
0x8c: {  	s14 =	sshll.u32 s0, $0xA;
	s2 =	sadd.s32 s3, s2  }
0x8d: {  	s2 =	sadd.s32 s2, s14  }
0x8e: {  	[smem:$0x3FC6] =	sst s2  }
0x8f: {  	_ = 	snop  }
0x90: {  	s2 =	sld [smem:$0x3FD0];
	_ =	sdelay $0x2  }
0x91: {  	s15 =	simm.s32 $0xA;
	s4 =	simm.s32 $0x10  }
0x92: {  	[smem:s4], [sflag:s15] =	dma.local [hbm:s2], $0x1  }
0x93: {  	_ =	swait.eq [sflag:s15], $0x1  }
0x94: {  	[sflag:s15] =	ssyncset.done $0x0  }
0x95: {  	s16 =	sld [smem:$0x10];
	[sflag:s15] =	ssyncadd.s32 $0xFFFFFFFF  }
0x96: {  	s17 =	sld [smem:$0x12];
	(tm) =	ssettm $0x1  }
0x97: {  	s18 =	sld [smem:$0x3FFB];
	_ =	sdelay $0x3  }
0x98: {  	_ =	strace s18  }
0x99: {  	s4 =	sld [smem:$0x3FFC];
	_ =	sdelay $0x3  }
0x9a: {  	_ =	strace s4  }
0x9b: {  	s4 =	sld [smem:$0x3FFD];
	_ =	sdelay $0x3  }
0x9c: {  	_ =	strace s4  }
0x9d: {  	_ =	strace $0x8FFFFFFF  }
0x9e: {  	s19 =	sld [smem:$0x3FDB];
	_ =	sdelay $0x1  }
0x9f: {  	s5 =	simm.s32 $_scs_section_size  }
0xa0: {  	s6 =	simm.s32 $_size__tile_overlayer_lowered;
	s7 =	simm.s32 $_tile_overlayer_lowered  }
0xa1: {  	s22 =	simm.s32 $0x1BFF;
	s21 =	sshll.u32 s7, $0x1;
	s4 =	sadd.s32 s5, s19  }
0xa2: {  	s8 =	simm.s32 $0x0;
	s20 =	sshll.u32 s6, $0x1;
	s6 =	sadd.s32 s21, s4  }
0xa3: {  	[timem:s8], [sflag:s22] =	dma.local [hbm:s6], s20  }
0xa4: {  	_ =	swait.ge [sflag:s22], s20  }
0xa5: {  	s5 =	ssub.s32 $0x0, s20;
	[sflag:s22] =	ssyncset.done $0x0  }
0xa6: {  	[sflag:s22] =	ssyncadd.s32 s5;
	_ =	sdelay $0x1  }
0xa7: {  	s23 =	simm.s32 $0x1B8B  }
0xa8: {  	_ =	swait.ge [sflag:s23], $0x1  }
0xa9: {  	[sflag:s23] =	ssyncset.done $0x0  }
0xaa: {  	s25 =	simm.s32 $0x1B8E;
	s24 =	sld [smem:$0x3FFE];
	[sflag:s23] =	ssyncadd.s32 $0xFFFFFFFF  }
0xab: {  	s26 =	simm.s32 $execute0_lowered;
	[smem:$0x3FD2] =	sst s25  }
0xac: {  	s6 =	sshll.u32 s26, $0x1;
	_ =	strace $0x80000064;
	[dreg:$0x1] =	wrdreg $0xFFFFFFFF  }
0xad: {  	s28 =	simm.s32 $_size_execute0_lowered;
	s4 =	sadd.s32 s4, s6;
	[dreg:$0x0] =	wrdreg $0x0  }
0xae: {  	s6 =	sshll.u32 s28, $0x1;
	[dreg:$0x2] =	wrdreg s4  }
0xaf: {  	[dreg:$0x3] =	wrdreg s6  }
0xb0: {  	[dreg:$0x4] =	wrdreg $0xC0  }
0xb1: {  	_ =	task [dreg:s8], $0x5FFFF  }
0xb2: {  	[dreg:$0x1] =	wrdreg $0xFFFFFFFF  }
0xb3: {  	[dreg:$0x0] =	wrdreg $0x60  }
0xb4: {  	[dreg:$0x2] =	wrdreg s16  }
0xb5: {  	[dreg:$0x3] =	wrdreg s24  }
0xb6: {  	[dreg:$0x4] =	wrdreg s17  }
0xb7: {  	[dreg:$0x5] =	wrdreg $0x9  }
0xb8: {  	_ =	task.clear_ibuf [dreg:s8], $0x6FFFF;
	_ =	strace $0x90000064  }
0xb9: {  	s29 =	simm.s32 $0x9;
	_ =	strace $0x80000066  }
0xba: {  	_ =	swait.ge [sflag:s29], $0x1  }
0xbb: {  	[sflag:s29] =	ssyncadd.s32 $0xFFFFFFFF  }
0xbc: {  	_ =	strace $0x90000066  }
0xbd: {  	_ =	sfence  }
0xbe: {  	s30 =	sld [smem:$0x0];
	_ =	sdelay $0x2  }
0xbf: {  	s31 =	sshll.u32 s1, $0xD;
	s1 =	sshrl.u32 s1, $0x2  }
0xc0: {  	s3 =	sand.u32 $0x4000, s31;
	s1 =	sadd.s32 s1, s30  }
0xc1: {  	s0 =	sor.u32 s3, s0;
	s1 =	sshll.u32 s1, $0x11  }
0xc2: {  	s0 =	sor.u32 s1, s0  }
0xc3: {  	s0 =	sadd.s32 $0x8F2B, s0  }
0xc4: {  	[sflag:s0] =	ssyncadd.remote.s32 $0x1  }
0xc5: {  	_ =	sfence.sel $0xFFFF  }
0xc6: {  	[dreg:$0x0] =	wrdreg $0xFFFFFFFF;
	(pc) =	sbr.abs _section_cstart, $3  }
0xc7: {  	[dreg:$0x1] =	wrdreg $0xFFFFFFFF  }
0xc8: {  	_ =	task.clear_ibuf [dreg:s8], $0x2FFFF;
	_ =	strace $0x9FFFFFFF  }
0xc9: {  	(tm) =	ssettm $0x7FFFFFFF  }
tec
execute0_lowered:
.L_overlay_start_1:
0x0: {  	(tag) =	ssettag $0x1  }
0x1: {  	s1 =	srdreg.scid;
	s0 =	stileid.u32  }
0x2: {  	s2 =	rddreg [dreg:$0x0];
	s14 =	sand.u32 $0x1, s1;
	s31 =	sshll.u32 s0, $0x1  }
0x3: {  	s13 =	rddreg [dreg:$0x1];
	s1 =	sor.u32 s14, s31  }
0x4: {  	s4 =	rddreg [dreg:$0x2];
	s3 =	simm.s32 $0x0;
	s5 =	smul.u32 $0x60, s1  }
0x5: {  	[smem:$0x7FF] =	sst s3  }
0x6: {  	s1 =	rddreg [dreg:$0x3];
	s15 =	sshrl.u32 s5, $0x3  }
0x7: {  	_ =	strace $0x80000065;
	s5 =	sadd.s32 s4, s15;
	s4 =	simm.s32 $0x2  }
0x8: {  	[tilespmem:s3], [sflag:$0x2] =	stream.linear.gather [hbm4b:s5+s3], $0x60, $0x38;
	[tilespmem:$0x200] =	vst v63  }
0x9: {  	_ =	swait.ge [sflag:s4], $0x60  }
0xa: {  	[sflag:s4] =	ssyncset.done $0x0  }
0xb: {  	s6 =	simm.s32 $0x60;
	s7 =	simm.s32 $0x80;
	[sflag:s4] =	ssyncadd.s32 $0xFFFFFFA0  }
0xc: {  	[tilespmem:s7], [sflag:$0x1] =	stream.indirect.gather [hbm4b:s2+s6], $0x1, s3, s6, $0xb8;
	[tilespmem:$0x200] =	vst v63  }
0xd: {  	s9 =	simm.s32 $0x100;
	s8 =	sadd.s32 $0xCCC00, s13  }
0xe: {  	[tilespmem:s9], [sflag:$0x1] =	stream.indirect.gather [hbm4b:s8+s6], $0x1, s3, s6, $0xb8;
	[tilespmem:$0x200] =	vst v63  }
0xf: {  	s11 =	simm.s32 $0x180;
	s12 =	simm.s32 $0x1;
	s10 =	sadd.s32 $0xCC00, s13  }
0x10: {  	[tilespmem:s11], [sflag:$0x1] =	stream.indirect.gather [hbm4b:s10+s6], $0x1, s3, s6, $0xb8;
	[tilespmem:$0x200] =	vst v63  }
0x11: {  	_ =	swait.ge [sflag:s12], $0x60  }
0x12: {  	[sflag:s12] =	ssyncset.done $0x0  }
0x13: {  	[sflag:s12] =	ssyncadd.s32 $0xFFFFFFA0  }
0x14: {  	_ =	swait.ge [sflag:s12], $0x60  }
0x15: {  	[sflag:s12] =	ssyncset.done $0x0  }
0x16: {  	[sflag:s12] =	ssyncadd.s32 $0xFFFFFFA0  }
0x17: {  	_ =	swait.ge [sflag:s12], $0x60  }
0x18: {  	s15 =	sadd.s32 s15, s13;
	[sflag:s12] =	ssyncset.done $0x0  }
0x19: {  	s16 =	ssub.s32 $0x2, s14;
	s13 =	sadd.s32 $0x18CC00, s15;
	[sflag:s12] =	ssyncadd.s32 $0xFFFFFFA0  }
0x1a: {  	[hbm4b:s13+s3] =	stream.linear.scatter [tilespmem:s7], [sflag:$0x2], $0x60, $0x38;
	[tilespmem:$0x200] =	vst v63  }
0x1b: {  	s17 =	sshrl.u32 s16, $0x1;
	_ =	swait.ge [sflag:s4], $0x60  }
0x1c: {  	s16 =	ssub.s32 s16, s17;
	[sflag:s4] =	ssyncset.done $0x0  }
0x1d: {  	s16 =	smax.u32 s16, $0x1;
	s14 =	sadd.s32 $0x18CD80, s15;
	[sflag:s4] =	ssyncadd.s32 $0xFFFFFFA0  }
0x1e: {  	[hbm4b:s14+s3] =	stream.linear.scatter [tilespmem:s9], [sflag:$0x2], $0x60, $0x38;
	[tilespmem:$0x200] =	vst v63  }
0x1f: {  	p0 =	sne.s32 s16, $0x1;
	_ =	swait.ge [sflag:s4], $0x60  }
.Ltmp0:
0x20: {  	[sflag:s4] =	ssyncset.done $0x0;
	(pc) =	sbr.rel @!p0 .LBB2_2-.Ltmp0, $4  }
0x21: {  	s15 =	sadd.s32 $0x18CF00, s15;
	[sflag:s4] =	ssyncadd.s32 $0xFFFFFFA0  }
0x22: {  	[hbm4b:s15+s3] =	stream.linear.scatter [tilespmem:s11], [sflag:$0x2], $0x60, $0x38;
	[tilespmem:$0x200] =	vst v63  }
0x23: {  	_ =	swait.ge [sflag:s4], $0x60  }
0x24: {  	s16 =	sadd.s32 $0xFFFFFFFF, s16;
	[sflag:s4] =	ssyncset.done $0x0  }
.LBB2_1:
0x25: {  	p0 =	sne.s32 s16, $0x1;
	s16 =	sadd.s32 $0xFFFFFFFF, s16;
	[sflag:s4] =	ssyncadd.s32 $0xFFFFFFA0  }
0x26: {  	[tilespmem:s3], [sflag:$0x2] =	stream.linear.gather [hbm4b:s5+s3], $0x60, $0x38;
	[tilespmem:$0x200] =	vst v63  }
0x27: {  	_ =	swait.ge [sflag:s4], $0x60  }
0x28: {  	[sflag:s4] =	ssyncset.done $0x0  }
0x29: {  	[sflag:s4] =	ssyncadd.s32 $0xFFFFFFA0  }
0x2a: {  	[tilespmem:s7], [sflag:$0x1] =	stream.indirect.gather [hbm4b:s2+s6], $0x1, s3, s6, $0xb8;
	[tilespmem:$0x200] =	vst v63  }
0x2b: {  	_ = 	snop  }
0x2c: {  	[tilespmem:s9], [sflag:$0x1] =	stream.indirect.gather [hbm4b:s8+s6], $0x1, s3, s6, $0xb8;
	[tilespmem:$0x200] =	vst v63  }
0x2d: {  	_ = 	snop  }
0x2e: {  	[tilespmem:s11], [sflag:$0x1] =	stream.indirect.gather [hbm4b:s10+s6], $0x1, s3, s6, $0xb8;
	[tilespmem:$0x200] =	vst v63  }
0x2f: {  	_ =	swait.ge [sflag:s12], $0x60  }
0x30: {  	[sflag:s12] =	ssyncset.done $0x0  }
0x31: {  	[sflag:s12] =	ssyncadd.s32 $0xFFFFFFA0  }
0x32: {  	_ =	swait.ge [sflag:s12], $0x60  }
0x33: {  	[sflag:s12] =	ssyncset.done $0x0  }
0x34: {  	[sflag:s12] =	ssyncadd.s32 $0xFFFFFFA0  }
0x35: {  	_ =	swait.ge [sflag:s12], $0x60  }
0x36: {  	[sflag:s12] =	ssyncset.done $0x0  }
0x37: {  	[sflag:s12] =	ssyncadd.s32 $0xFFFFFFA0  }
0x38: {  	[hbm4b:s13+s3] =	stream.linear.scatter [tilespmem:s7], [sflag:$0x2], $0x60, $0x38;
	[tilespmem:$0x200] =	vst v63  }
0x39: {  	_ =	swait.ge [sflag:s4], $0x60  }
0x3a: {  	[sflag:s4] =	ssyncset.done $0x0  }
0x3b: {  	[sflag:s4] =	ssyncadd.s32 $0xFFFFFFA0  }
0x3c: {  	[hbm4b:s14+s3] =	stream.linear.scatter [tilespmem:s9], [sflag:$0x2], $0x60, $0x38;
	[tilespmem:$0x200] =	vst v63  }
0x3d: {  	_ =	swait.ge [sflag:s4], $0x60  }
.Ltmp1:
0x3e: {  	[sflag:s4] =	ssyncset.done $0x0;
	(pc) =	sbr.rel @p0 .LBB2_1-.Ltmp1, $4  }
0x3f: {  	[sflag:s4] =	ssyncadd.s32 $0xFFFFFFA0  }
0x40: {  	[hbm4b:s15+s3] =	stream.linear.scatter [tilespmem:s11], [sflag:$0x2], $0x60, $0x38;
	[tilespmem:$0x200] =	vst v63  }
0x41: {  	_ =	swait.ge [sflag:s4], $0x60  }
0x42: {  	[sflag:s4] =	ssyncset.done $0x0  }
.LBB2_2:
0x43: {  	[sflag:s4] =	ssyncadd.s32 $0xFFFFFFA0  }
0x44: {  	_ =	sfence.sel $0x180000  }
0x45: {  	[bflag:$0x0] =	sbarrier.arrive $0xFFFF  }
0x46: {  	p0 =	sne.s32 s0, $0x0;
	_ =	strace $0x90000065  }
0x47: {  	s0 =	sadd.s32 @!p0 $0x100000, s1;
	[bflag:$0x2] =	sbarrier.arrive $0xFFFF  }
0x48: {  	[sflag:s0] =	ssyncadd.tile.s32 @!p0 $0x1;
	_ =	shalt  }
.Lfunc_end2:
_tile_overlayer_lowered:
.L_overlay_start_2:
0x49: {  	(tag) =	ssettag $0x2  }
0x4a: {  	s0 =	rddreg [dreg:$0x0];
	s2 =	stileid.u32  }
0x4b: {  	s1 =	rddreg [dreg:$0x1];
	p0 =	sne.s32 s2, $0x0  }
0x4c: {  	s3 =	rddreg [dreg:$0x2];
	[bflag:$0x3] =	sbarrier.arrive $0xFFFF;
	s2 =	simm.s32 @!p0 $0x1C02  }
0x4d: {  	[timem:s3], [sflag:s2] =	dma.local @!p0 [hbm:s0], s1  }
0x4e: {  	s0 =	simm.s32 @!p0 $0x2  }
0x4f: {  	_ =	swait.ge @!p0 [sflag:s0], s1  }
0x50: {  	s1 =	ssub.s32 @!p0 $0x0, s1;
	[sflag:s0] =	ssyncset.done @!p0 $0x0  }
0x51: {  	[sflag:s0] =	ssyncadd.s32 @!p0 s1  }
0x52: {  	[bflag:$0x3] =	sbarrier.arrive $0xFFFF  }
0x53: {  	_ =	shalt  }

// kernel: kernel.60.cloned.1.call-start
scs
__scs_entry_jumppad:
0x0: {  	(pc) =	sbr.rel $0x88, $3  }
0x1: {  	(tag) =	ssettag $0x0;
	lr =	simm.s32 $0x1  }
0x2: {  	[smem:$0x3F9F] =	sst lr;
	_ =	strace $0xD0000000  }
0x3: {  	_ = 	snop  }
0x4: {  	_ = 	snop  }
0x5: {  	_ = 	snop  }
0x6: {  	_ = 	snop  }
0x7: {  	_ = 	snop  }
__scs_overlays_trampoline_lowered:
0x8: {  	[smem:$0x3FAE] =	sst s0  }
0x9: {  	[smem:$0x3FAF] =	sst s1  }
0xa: {  	[smem:$0x3FB0] =	sst s2  }
0xb: {  	[smem:$0x3FB1] =	sst s3  }
0xc: {  	[smem:$0x3FB2] =	sst s4  }
0xd: {  	[smem:$0x3FB3] =	sst s5  }
0xe: {  	[smem:$0x3FB4] =	sst s6  }
0xf: {  	[smem:$0x3FB5] =	sst s7  }
0x10: {  	[smem:$0x3FB6] =	sst s8  }
0x11: {  	[smem:$0x3FB7] =	sst s9;
	s0 =	simm.s32 @!p0 $0x0  }
0x12: {  	s1 =	sld [smem:$0x3F9D];
	s0 =	simm.s32 @p0 $0x1  }
0x13: {  	[smem:$0x3FB8] =	sst s0;
	s0 =	simm.s32 @!p1 $0x0  }
0x14: {  	s2 =	sld [smem:$0x3F9C];
	s0 =	simm.s32 @p1 $0x1  }
0x15: {  	[smem:$0x3FB9] =	sst s0;
	s0 =	simm.s32 @!p2 $0x0  }
0x16: {  	s3 =	sld [smem:$0x3FDB];
	s0 =	simm.s32 @p2 $0x1  }
0x17: {  	s4 =	simm.s32 $0x1BF5;
	[smem:$0x3FBB] =	sst s0  }
0x18: {  	s0 =	sld [smem:$0x3F9E];
	_ =	swait.ge [sflag:s4], $0x0  }
0x19: {  	s7 =	sld [smem:$0x3F9F]  }
0x1a: {  	s8 =	sadd.s32 $0xFFFFE003, lr  }
0x1b: {  	s9 =	sadd.s32 $0xFFFFFEF7, lr;
	s5 =	simm.s32 $0xFFFFFFFF;
	p2 =	slt.u32 s8, $0xFFFFF086  }
0x1c: {  	p1 =	slt.u32 s9, $0xF7A;
	s5 =	simm.s32 @!p2 $0x0  }
0x1d: {  	s5 =	simm.s32 @p1 $0x1;
	p0 =	seq.s32 s7, s2  }
0x1e: {  	s7 =	smul.u32 @!p0 $0xF7A, s2;
	p2 =	seq.s32 @!p0 s5, $0x0  }
0x1f: {  	s9 =	smul.u32 $0xF7A, s1;
	s8 =	simm.s32 @!p0 $0x1BF5;
	p2 =	por !p2, p0  }
0x20: {  	[sflag:s8] =	ssyncset.s32 @!p0 $0xFFFFF086;
	s6 =	sadd.s32 @!p0 s3, s7;
	s7 =	simm.s32 @!p0 $0x108  }
0x21: {  	s3 =	sadd.s32 s3, s9;
	s6 =	sadd.s32 @!p0 $0x88, s6;
	s7 =	simm.s32 @p2 $0x1082  }
0x22: {  	[simem:s7], [sflag:s8] =	dma.local @!p0 [hbm:s6], $0xF7A  }
0x23: {  	s9 =	sor.u32 $0xD0000000, s2;
	s6 =	simm.s32 $0x108;
	_ =	swait.ge @!p0 [sflag:s8], $0x0  }
0x24: {  	s3 =	sadd.s32 $0x88, s3;
	s6 =	simm.s32 @!p1 $0x1082;
	[sflag:s4] =	ssyncset.s32 $0xFFFFF086  }
0x25: {  	[simem:s6], [sflag:s4] =	dma.local [hbm:s3], $0xF7A  }
0x26: {  	[smem:$0x3F9F] =	sst s1;
	(tag) =	ssettag s2;
	_ =	strace s9  }
0x27: {  	s1 =	sld [smem:$0x3FAF]  }
0x28: {  	s2 =	sld [smem:$0x3FB0]  }
0x29: {  	s4 =	sld [smem:$0x3FB2]  }
0x2a: {  	p0 =	seq.s32 s5, $0x0;
	s5 =	sld [smem:$0x3FB3]  }
0x2b: {  	s6 =	sld [smem:$0x3FB4]  }
0x2c: {  	s7 =	sld [smem:$0x3FB5]  }
0x2d: {  	s3 =	simm.s32 $0x108;
	s8 =	sld [smem:$0x3FB6]  }
0x2e: {  	s3 =	simm.s32 @!p0 $0x1082;
	s9 =	sld [smem:$0x3FB7]  }
0x2f: {  	lr =	sadd.s32 s0, s3;
	s0 =	sld [smem:$0x3FAE]  }
0x30: {  	s3 =	sld [smem:$0x3FB1]  }
0x31: {  	[smem:$0x3FBA] =	sst s10  }
0x32: {  	s10 =	sld [smem:$0x3FB8];
	_ =	sdelay $0x3  }
0x33: {  	p0 =	seq.s32 s10, $0x1;
	s10 =	sld [smem:$0x3FBA];
	_ =	sdelay $0x3  }
0x34: {  	[smem:$0x3FBA] =	sst s10  }
0x35: {  	s10 =	sld [smem:$0x3FB9];
	_ =	sdelay $0x3  }
0x36: {  	p1 =	seq.s32 s10, $0x1;
	s10 =	sld [smem:$0x3FBA];
	_ =	sdelay $0x3  }
0x37: {  	[smem:$0x3FBA] =	sst s10  }
0x38: {  	s10 =	sld [smem:$0x3FBB]  }
0x39: {  	_ = 	snop;
	(pc) =	sbr.ind lr, $3  }
0x3a: {  	_ = 	snop  }
0x3b: {  	_ = 	snop  }
0x3c: {  	p2 =	seq.s32 s10, $0x1;
	s10 =	sld [smem:$0x3FBA]  }
0x3d: {  	_ =	shalt  }
0x3e: {  	_ =	shalt  }
0x3f: {  	_ =	shalt  }
0x40: {  	_ =	shalt  }
0x41: {  	_ =	shalt  }
0x42: {  	_ =	shalt  }
0x43: {  	_ =	shalt  }
0x44: {  	_ =	shalt  }
0x45: {  	_ =	shalt  }
0x46: {  	_ =	shalt  }
0x47: {  	_ =	shalt  }
0x48: {  	_ =	shalt  }
0x49: {  	_ =	shalt  }
0x4a: {  	_ =	shalt  }
0x4b: {  	_ =	shalt  }
0x4c: {  	_ =	shalt  }
0x4d: {  	_ =	shalt  }
0x4e: {  	_ =	shalt  }
0x4f: {  	_ =	shalt  }
0x50: {  	_ =	shalt  }
0x51: {  	_ =	shalt  }
0x52: {  	_ =	shalt  }
0x53: {  	_ =	shalt  }
0x54: {  	_ =	shalt  }
0x55: {  	_ =	shalt  }
0x56: {  	_ =	shalt  }
0x57: {  	_ =	shalt  }
0x58: {  	_ =	shalt  }
0x59: {  	_ =	shalt  }
0x5a: {  	_ =	shalt  }
0x5b: {  	_ =	shalt  }
0x5c: {  	_ =	shalt  }
0x5d: {  	_ =	shalt  }
0x5e: {  	_ =	shalt  }
0x5f: {  	_ =	shalt  }
0x60: {  	_ =	shalt  }
0x61: {  	_ =	shalt  }
0x62: {  	_ =	shalt  }
0x63: {  	_ =	shalt  }
0x64: {  	_ =	shalt  }
0x65: {  	_ =	shalt  }
0x66: {  	_ =	shalt  }
0x67: {  	_ =	shalt  }
0x68: {  	_ =	shalt  }
0x69: {  	_ =	shalt  }
0x6a: {  	_ =	shalt  }
0x6b: {  	_ =	shalt  }
0x6c: {  	_ =	shalt  }
0x6d: {  	_ =	shalt  }
0x6e: {  	_ =	shalt  }
0x6f: {  	_ =	shalt  }
0x70: {  	_ =	shalt  }
0x71: {  	_ =	shalt  }
0x72: {  	_ =	shalt  }
0x73: {  	_ =	shalt  }
0x74: {  	_ =	shalt  }
0x75: {  	_ =	shalt  }
0x76: {  	_ =	shalt  }
0x77: {  	_ =	shalt  }
0x78: {  	_ =	shalt  }
0x79: {  	_ =	shalt  }
0x7a: {  	_ =	shalt  }
0x7b: {  	_ =	shalt  }
0x7c: {  	_ =	shalt  }
0x7d: {  	_ =	shalt  }
0x7e: {  	_ =	shalt  }
0x7f: {  	_ =	shalt  }
0x80: {  	_ =	shalt  }
0x81: {  	_ =	shalt  }
0x82: {  	_ =	shalt  }
0x83: {  	_ =	shalt  }
0x84: {  	_ =	shalt  }
0x85: {  	_ =	shalt  }
0x86: {  	_ =	shalt  }
0x87: {  	_ =	shalt  }
.Lfunc_end0:
.L_simem_size_0:
called_computation.11_lowered:
.L_overlay_start_0:
0x88: {  	s2 =	sld [smem:$0x3FD9]  }
0x89: {  	s3 =	sld [smem:$0x3FFE];
	_ =	sdelay $0x1  }
0x8a: {  	s1 =	srdreg.scid  }
0x8b: {  	s0 =	sand.u32 $0x1, s1  }
0x8c: {  	s16 =	sshll.u32 s0, $0xA;
	s2 =	sadd.s32 s3, s2  }
0x8d: {  	s2 =	sadd.s32 s2, s16  }
0x8e: {  	[smem:$0x3FC6] =	sst s2  }
0x8f: {  	_ = 	snop  }
0x90: {  	(tm) =	ssettm $0x1  }
0x91: {  	s17 =	sld [smem:$0x3FFB];
	_ =	sdelay $0x3  }
0x92: {  	_ =	strace s17  }
0x93: {  	s2 =	sld [smem:$0x3FFC];
	_ =	sdelay $0x3  }
0x94: {  	_ =	strace s2  }
0x95: {  	s2 =	sld [smem:$0x3FFD];
	_ =	sdelay $0x3  }
0x96: {  	_ =	strace s2  }
0x97: {  	_ =	strace $0x8FFFFFFF  }
0x98: {  	s18 =	sld [smem:$0x3FDB];
	_ =	sdelay $0x1  }
0x99: {  	s19 =	simm.s32 $_scs_section_size  }
0x9a: {  	s4 =	simm.s32 $_size__tile_overlayer_lowered;
	s5 =	simm.s32 $_tile_overlayer_lowered  }
0x9b: {  	s22 =	simm.s32 $0x1BFF;
	s21 =	sshll.u32 s5, $0x1;
	s2 =	sadd.s32 s19, s18  }
0x9c: {  	s6 =	simm.s32 $0x0;
	s20 =	sshll.u32 s4, $0x1;
	s4 =	sadd.s32 s21, s2  }
0x9d: {  	[timem:s6], [sflag:s22] =	dma.local [hbm:s4], s20  }
0x9e: {  	_ =	swait.ge [sflag:s22], s20  }
0x9f: {  	s3 =	ssub.s32 $0x0, s20;
	[sflag:s22] =	ssyncset.done $0x0  }
0xa0: {  	[sflag:s22] =	ssyncadd.s32 s3;
	_ =	sdelay $0x1  }
0xa1: {  	s23 =	simm.s32 $0x1B8B  }
0xa2: {  	_ =	swait.ge [sflag:s23], $0x1  }
0xa3: {  	[sflag:s23] =	ssyncset.done $0x0  }
0xa4: {  	s25 =	simm.s32 $0x1B8E;
	s24 =	sld [smem:$0x3FFE];
	[sflag:s23] =	ssyncadd.s32 $0xFFFFFFFF  }
0xa5: {  	s26 =	simm.s32 $execute0_lowered;
	[smem:$0x3FD2] =	sst s25  }
0xa6: {  	s4 =	sshll.u32 s26, $0x1;
	_ =	strace $0x80000067;
	[dreg:$0x1] =	wrdreg $0xFFFFFFFF  }
0xa7: {  	s28 =	simm.s32 $_size_execute0_lowered;
	s2 =	sadd.s32 s2, s4;
	[dreg:$0x0] =	wrdreg $0x0  }
0xa8: {  	s4 =	sshll.u32 s28, $0x1;
	[dreg:$0x2] =	wrdreg s2  }
0xa9: {  	[dreg:$0x3] =	wrdreg s4  }
0xaa: {  	[dreg:$0x4] =	wrdreg $0xC0  }
0xab: {  	_ =	task [dreg:s6], $0x5FFFF  }
0xac: {  	[dreg:$0x1] =	wrdreg $0xFFFFFFFF  }
0xad: {  	[dreg:$0x0] =	wrdreg $0x60  }
0xae: {  	[dreg:$0x2] =	wrdreg s24  }
0xaf: {  	[dreg:$0x3] =	wrdreg $0x9  }
0xb0: {  	_ =	task.clear_ibuf [dreg:s6], $0x4FFFF;
	_ =	strace $0x90000067  }
0xb1: {  	s29 =	simm.s32 $0x9;
	_ =	strace $0x80000069  }
0xb2: {  	_ =	swait.ge [sflag:s29], $0x1  }
0xb3: {  	[sflag:s29] =	ssyncadd.s32 $0xFFFFFFFF  }
0xb4: {  	_ =	strace $0x90000069  }
0xb5: {  	_ =	sfence  }
0xb6: {  	s30 =	sld [smem:$0x0];
	_ =	sdelay $0x2  }
0xb7: {  	s31 =	sshll.u32 s1, $0xD;
	s1 =	sshrl.u32 s1, $0x2  }
0xb8: {  	s3 =	sand.u32 $0x4000, s31;
	s1 =	sadd.s32 s1, s30  }
0xb9: {  	s0 =	sor.u32 s3, s0;
	s1 =	sshll.u32 s1, $0x11  }
0xba: {  	s0 =	sor.u32 s1, s0  }
0xbb: {  	s0 =	sadd.s32 $0x8F2B, s0  }
0xbc: {  	[sflag:s0] =	ssyncadd.remote.s32 $0x1  }
0xbd: {  	_ =	sfence.sel $0xFFFF  }
0xbe: {  	[dreg:$0x0] =	wrdreg $0xFFFFFFFF;
	(pc) =	sbr.abs _section_cstart, $3  }
0xbf: {  	[dreg:$0x1] =	wrdreg $0xFFFFFFFF  }
0xc0: {  	_ =	task.clear_ibuf [dreg:s6], $0x2FFFF;
	_ =	strace $0x9FFFFFFF  }
0xc1: {  	(tm) =	ssettm $0x7FFFFFFF  }
tec
execute0_lowered:
.L_overlay_start_1:
0x0: {  	(tag) =	ssettag $0x1  }
0x1: {  	s1 =	srdreg.scid;
	s0 =	stileid.u32  }
0x2: {  	s5 =	sand.u32 $0x1, s1;
	s31 =	sshll.u32 s0, $0x1  }
0x3: {  	s1 =	sor.u32 s5, s31  }
0x4: {  	s7 =	rddreg [dreg:$0x0];
	s2 =	simm.s32 $0x0;
	s3 =	smul.u32 $0xC, s1  }
0x5: {  	[smem:$0x7FF] =	sst s2;
	s8 =	ssub.s32 $0x2, s5  }
0x6: {  	s1 =	rddreg [dreg:$0x1];
	_ =	strace $0x80000068;
	s6 =	sadd.s32 s3, s7  }
0x7: {  	s9 =	sshrl.u32 s8, $0x1;
	s3 =	simm.s32 $0x1;
	s4 =	sadd.s32 $0xC400, s6  }
0x8: {  	[tilespmem:s2], [sflag:$0x1] =	stream.linear.gather [hbm4b:s4+s2], $0x60, $0x38;
	[tilespmem:$0x100] =	vst v63  }
0x9: {  	s8 =	ssub.s32 s8, s9;
	_ =	swait.ge [sflag:s3], $0x60  }
0xa: {  	s9 =	smax.u32 s8, $0x1;
	[sflag:s3] =	ssyncset.done $0x0  }
0xb: {  	s5 =	sadd.s32 $0xC800, s6;
	s6 =	simm.s32 $0x80;
	[sflag:s3] =	ssyncadd.s32 $0xFFFFFFA0  }
0xc: {  	[tilespmem:s6], [sflag:$0x1] =	stream.linear.gather [hbm4b:s5+s2], $0x60, $0x38;
	[tilespmem:$0x100] =	vst v63  }
0xd: {  	p0 =	sne.s32 s9, $0x1;
	_ =	swait.ge [sflag:s3], $0x60  }
.Ltmp0:
0xe: {  	[sflag:s3] =	ssyncset.done $0x0;
	(pc) =	sbr.rel @!p0 .LBB2_2-.Ltmp0, $4  }
0xf: {  	s7 =	sadd.s32 $0xCA00, s7;
	s8 =	simm.s32 $0x60;
	[sflag:s3] =	ssyncadd.s32 $0xFFFFFFA0  }
0x10: {  	[hbm4b:s7+s8] =	stream.indirect.scatter [tilespmem:s6], [sflag:$0x1], $0x1, s2, s8, $0xb8;
	[tilespmem:$0x100] =	vst v63  }
0x11: {  	_ =	swait.ge [sflag:s3], $0x60  }
0x12: {  	s9 =	sadd.s32 $0xFFFFFFFF, s9;
	[sflag:s3] =	ssyncset.done $0x0  }
.LBB2_1:
0x13: {  	p0 =	sne.s32 s9, $0x1;
	s9 =	sadd.s32 $0xFFFFFFFF, s9;
	[sflag:s3] =	ssyncadd.s32 $0xFFFFFFA0  }
0x14: {  	[tilespmem:s2], [sflag:$0x1] =	stream.linear.gather [hbm4b:s4+s2], $0x60, $0x38;
	[tilespmem:$0x100] =	vst v63  }
0x15: {  	_ =	swait.ge [sflag:s3], $0x60  }
0x16: {  	[sflag:s3] =	ssyncset.done $0x0  }
0x17: {  	[sflag:s3] =	ssyncadd.s32 $0xFFFFFFA0  }
0x18: {  	[tilespmem:s6], [sflag:$0x1] =	stream.linear.gather [hbm4b:s5+s2], $0x60, $0x38;
	[tilespmem:$0x100] =	vst v63  }
0x19: {  	_ =	swait.ge [sflag:s3], $0x60  }
.Ltmp1:
0x1a: {  	[sflag:s3] =	ssyncset.done $0x0;
	(pc) =	sbr.rel @p0 .LBB2_1-.Ltmp1, $4  }
0x1b: {  	[sflag:s3] =	ssyncadd.s32 $0xFFFFFFA0  }
0x1c: {  	[hbm4b:s7+s8] =	stream.indirect.scatter [tilespmem:s6], [sflag:$0x1], $0x1, s2, s8, $0xb8;
	[tilespmem:$0x100] =	vst v63  }
0x1d: {  	_ =	swait.ge [sflag:s3], $0x60  }
0x1e: {  	[sflag:s3] =	ssyncset.done $0x0  }
.LBB2_2:
0x1f: {  	[sflag:s3] =	ssyncadd.s32 $0xFFFFFFA0  }
0x20: {  	_ =	sfence.sel $0x180000  }
0x21: {  	[bflag:$0x0] =	sbarrier.arrive $0xFFFF  }
0x22: {  	p0 =	sne.s32 s0, $0x0;
	_ =	strace $0x90000068  }
0x23: {  	s0 =	sadd.s32 @!p0 $0x100000, s1;
	[bflag:$0x2] =	sbarrier.arrive $0xFFFF  }
0x24: {  	[sflag:s0] =	ssyncadd.tile.s32 @!p0 $0x1;
	_ =	shalt  }
.Lfunc_end2:
_tile_overlayer_lowered:
.L_overlay_start_2:
0x25: {  	(tag) =	ssettag $0x2  }
0x26: {  	s0 =	rddreg [dreg:$0x0];
	s2 =	stileid.u32  }
0x27: {  	s1 =	rddreg [dreg:$0x1];
	p0 =	sne.s32 s2, $0x0  }
0x28: {  	s3 =	rddreg [dreg:$0x2];
	[bflag:$0x3] =	sbarrier.arrive $0xFFFF;
	s2 =	simm.s32 @!p0 $0x1C01  }
0x29: {  	[timem:s3], [sflag:s2] =	dma.local @!p0 [hbm:s0], s1  }
0x2a: {  	s0 =	simm.s32 @!p0 $0x1  }
0x2b: {  	_ =	swait.ge @!p0 [sflag:s0], s1  }
0x2c: {  	s1 =	ssub.s32 @!p0 $0x0, s1;
	[sflag:s0] =	ssyncset.done @!p0 $0x0  }
0x2d: {  	[sflag:s0] =	ssyncadd.s32 @!p0 s1  }
0x2e: {  	[bflag:$0x3] =	sbarrier.arrive $0xFFFF  }
0x2f: {  	_ =	shalt  }

</sc_bundles>
